<compile_context>
chip_gen: v7x
topology: tpu7x:2x2x1
jax: 0.10.2.dev20260603
libtpu: 0.0.44.dev20260713+nightly
codegen_flags: <defaults>
</compile_context>

<pallas_src>
import functools

import jax
import jax.numpy as jnp
from jax import lax
from jax.experimental import pallas as pl
from jax.experimental.pallas import tpu as pltpu
from jax.experimental.pallas import tpu_sc as plsc

N = 10000
E = 320000
NG = 64

NC = 2
NS = 16
NW = NC * NS
IW = 128
KR = 8
CHUNK = KR * IW
E_PAD = 327680
ITERS = E_PAD // (NW * CHUNK)
ROWS_PW = E_PAD // IW // NW
PAD_ROWS = 128
N_ACC = N + PAD_ROWS
SB = 2

RPT = 624
TAIL = N - NS * RPT


def _sc_degree(dst2d, ones16):
    mesh = plsc.VectorSubcoreMesh(core_axis_name="c", subcore_axis_name="s")

    @functools.partial(
        pl.kernel,
        out_type=jax.ShapeDtypeStruct((2, N, 16), jnp.float32),
        mesh=mesh,
        scratch_types=[
            pltpu.VMEM((2 * KR, IW), jnp.int32),
            pltpu.VMEM((IW, 16), jnp.float32),
            pltpu.VMEM_SHARED((N_ACC, 16), jnp.float32),
            pltpu.SemaphoreType.DMA,
            pltpu.SemaphoreType.DMA,
        ],
        compiler_params=pltpu.CompilerParams(use_tc_tiling_on_sc=False),
    )
    def deg_kernel(dst_h, ones_h, out_h, dstv, onesv, acc, semA, semB):
        cid = lax.axis_index("c")
        sid = lax.axis_index("s")
        wid = sid * NC + cid
        ibase = pl.multiple_of(sid * RPT, 8)
        pltpu.sync_copy(ones_h.at[pl.ds(ibase, RPT)], acc.at[pl.ds(ibase, RPT)])

        @pl.when(sid == NS - 1)
        def _():
            tb = NS * RPT
            pltpu.sync_copy(ones_h.at[pl.ds(tb, TAIL)], acc.at[pl.ds(tb, TAIL)])

        pltpu.sync_copy(ones_h.at[pl.ds(0, IW)], onesv)
        plsc.subcore_barrier()

        def body(t2, carry):
            ha, hb = [], []
            rba = pl.multiple_of(wid * ROWS_PW + (2 * t2) * KR, 8)
            pltpu.sync_copy(dst_h.at[pl.ds(rba, KR)], dstv.at[pl.ds(0, KR)])
            for j in range(KR):
                ha.append(pltpu.async_copy(onesv, acc.at[dstv.at[j]],
                                           semA, add=True))
            rbb = pl.multiple_of(wid * ROWS_PW + (2 * t2 + 1) * KR, 8)
            pltpu.sync_copy(dst_h.at[pl.ds(rbb, KR)], dstv.at[pl.ds(KR, KR)])
            for j in range(KR):
                hb.append(pltpu.async_copy(onesv, acc.at[dstv.at[KR + j]],
                                           semB, add=True))
            for h in ha + hb:
                h.wait()
            return carry

        lax.fori_loop(0, ITERS // 2, body, 0)
        plsc.subcore_barrier()
        pltpu.sync_copy(acc.at[pl.ds(ibase, RPT)],
                        out_h.at[cid, pl.ds(ibase, RPT)])

        @pl.when(sid == NS - 1)
        def _():
            tb = NS * RPT
            pltpu.sync_copy(acc.at[pl.ds(tb, TAIL)],
                            out_h.at[cid, pl.ds(tb, TAIL)])

    return deg_kernel(dst2d, ones16)


def _edge_pipeline(src_h, dst_h, table, acc, srcv, dstv, rows, gsems, ssems,
                   isems, row_base, iters, sb):

    def fire_idx(t, slot):
        rb = pl.multiple_of(row_base(t), 8)
        pltpu.async_copy(src_h.at[pl.ds(rb, KR)],
                         srcv.at[pl.ds(slot * KR, KR)], isems[2 * slot])
        pltpu.async_copy(dst_h.at[pl.ds(rb, KR)],
                         dstv.at[pl.ds(slot * KR, KR)], isems[2 * slot + 1])

    def wait_idx(t, slot):
        rb = pl.multiple_of(row_base(t), 8)
        pltpu.make_async_copy(src_h.at[pl.ds(rb, KR)],
                              srcv.at[pl.ds(slot * KR, KR)],
                              isems[2 * slot]).wait()
        pltpu.make_async_copy(dst_h.at[pl.ds(rb, KR)],
                              dstv.at[pl.ds(slot * KR, KR)],
                              isems[2 * slot + 1]).wait()

    def process(slot):
        base = slot * KR
        gh, sh = {}, {}

        def fire_gather(j):
            s = j % sb
            gh[j] = pltpu.async_copy(table.at[srcv.at[base + j]],
                                     rows.at[pl.ds(s * IW, IW)], gsems[s])

        def fire_scatter(j):
            s = j % sb
            sh[j] = pltpu.async_copy(rows.at[pl.ds(s * IW, IW)],
                                     acc.at[dstv.at[base + j]], ssems[s],
                                     add=True)

        for k in range(min(sb, KR)):
            fire_gather(k)
        for j in range(KR):
            gh[j].wait()
            fire_scatter(j)
            k = j + sb
            if k < KR:
                sh[j].wait()
                fire_gather(k)
        for j in range(max(0, KR - sb), KR):
            sh[j].wait()

    def body(t, carry):
        rb = pl.multiple_of(row_base(t), 8)
        pltpu.sync_copy(src_h.at[pl.ds(rb, KR)], srcv.at[pl.ds(0, KR)])
        pltpu.sync_copy(dst_h.at[pl.ds(rb, KR)], dstv.at[pl.ds(0, KR)])
        process(0)
        return carry

    lax.fori_loop(0, iters, body, 0)


def _sc_scatter(hp, zeros, src2d, dst2d):
    F = hp.shape[1]
    table_in_spmem = F <= 64
    sb = 5 if table_in_spmem else SB
    mesh = plsc.VectorSubcoreMesh(core_axis_name="c", subcore_axis_name="s")

    scratch = [
        pltpu.VMEM((2 * KR, IW), jnp.int32),
        pltpu.VMEM((2 * KR, IW), jnp.int32),
        pltpu.VMEM((sb * IW, F), jnp.float32),
        pltpu.VMEM_SHARED((N_ACC, F), jnp.float32),
    ] + [pltpu.SemaphoreType.DMA] * (2 * sb + 4)
    if table_in_spmem:
        scratch.append(pltpu.VMEM_SHARED((N, F), jnp.float32))

    @functools.partial(
        pl.kernel,
        out_type=jax.ShapeDtypeStruct((2, N, F), jnp.float32),
        mesh=mesh,
        scratch_types=scratch,
        compiler_params=pltpu.CompilerParams(use_tc_tiling_on_sc=False),
    )
    def scatter_kernel(hp_h, zero_h, src_h, dst_h, out_h, srcv, dstv, rows,
                       acc, *rest):
        cid = lax.axis_index("c")
        sid = lax.axis_index("s")
        wid = sid * NC + cid
        gsems = rest[:sb]
        ssems = rest[sb:2 * sb]
        isems = rest[2 * sb:2 * sb + 4]
        table = rest[2 * sb + 4] if table_in_spmem else hp_h
        ibase = pl.multiple_of(sid * RPT, 8)

        def init_acc(src):
            pltpu.sync_copy(src.at[pl.ds(ibase, RPT)],
                            acc.at[pl.ds(ibase, RPT)])

            @pl.when(sid == NS - 1)
            def _():
                tb = NS * RPT
                pltpu.sync_copy(src.at[pl.ds(tb, TAIL)],
                                acc.at[pl.ds(tb, TAIL)])

        @pl.when(cid == 0)
        def _():
            init_acc(hp_h)

        @pl.when(cid == 1)
        def _():
            init_acc(zero_h)

        if table_in_spmem:
            pltpu.sync_copy(hp_h.at[pl.ds(ibase, RPT)],
                            table.at[pl.ds(ibase, RPT)])

            @pl.when(sid == NS - 1)
            def _():
                tb = NS * RPT
                pltpu.sync_copy(hp_h.at[pl.ds(tb, TAIL)],
                                table.at[pl.ds(tb, TAIL)])

        plsc.subcore_barrier()

        _edge_pipeline(src_h, dst_h, table, acc, srcv, dstv, rows,
                       gsems, ssems, isems,
                       lambda t: wid * ROWS_PW + t * KR, ITERS, sb)
        plsc.subcore_barrier()
        pltpu.sync_copy(acc.at[pl.ds(ibase, RPT)],
                        out_h.at[cid, pl.ds(ibase, RPT)])

        @pl.when(sid == NS - 1)
        def _():
            tb = NS * RPT
            pltpu.sync_copy(acc.at[pl.ds(tb, TAIL)],
                            out_h.at[cid, pl.ds(tb, TAIL)])

    return scatter_kernel(hp, zeros, src2d, dst2d)


def _sc_scatter_panels(hpa, hpb, src2d, dst2d):
    HH = hpa.shape[1]
    sb = 5
    rows_pt = (E_PAD // IW) // NS
    iters = rows_pt // KR
    mesh = plsc.VectorSubcoreMesh(core_axis_name="c", subcore_axis_name="s")

    scratch = [
        pltpu.VMEM((2 * KR, IW), jnp.int32),
        pltpu.VMEM((2 * KR, IW), jnp.int32),
        pltpu.VMEM((sb * IW, HH), jnp.float32),
        pltpu.VMEM_SHARED((N_ACC, HH), jnp.float32),
        pltpu.VMEM_SHARED((N, HH), jnp.float32),
    ] + [pltpu.SemaphoreType.DMA] * (2 * sb + 4)

    @functools.partial(
        pl.kernel,
        out_type=jax.ShapeDtypeStruct((2, N, HH), jnp.float32),
        mesh=mesh,
        scratch_types=scratch,
        compiler_params=pltpu.CompilerParams(use_tc_tiling_on_sc=False),
    )
    def panel_kernel(hpa_h, hpb_h, src_h, dst_h, out_h, srcv, dstv, rows,
                     acc, table, *sems):
        cid = lax.axis_index("c")
        sid = lax.axis_index("s")
        gsems = sems[:sb]
        ssems = sems[sb:2 * sb]
        isems = sems[2 * sb:]
        ibase = pl.multiple_of(sid * RPT, 8)

        def init_from(hp_h):
            pltpu.sync_copy(hp_h.at[pl.ds(ibase, RPT)],
                            acc.at[pl.ds(ibase, RPT)])
            pltpu.sync_copy(hp_h.at[pl.ds(ibase, RPT)],
                            table.at[pl.ds(ibase, RPT)])

            @pl.when(sid == NS - 1)
            def _():
                tb = NS * RPT
                pltpu.sync_copy(hp_h.at[pl.ds(tb, TAIL)],
                                acc.at[pl.ds(tb, TAIL)])
                pltpu.sync_copy(hp_h.at[pl.ds(tb, TAIL)],
                                table.at[pl.ds(tb, TAIL)])

        @pl.when(cid == 0)
        def _():
            init_from(hpa_h)

        @pl.when(cid == 1)
        def _():
            init_from(hpb_h)

        plsc.subcore_barrier()

        _edge_pipeline(src_h, dst_h, table, acc, srcv, dstv, rows,
                       gsems, ssems, isems,
                       lambda t: sid * rows_pt + t * KR, iters, sb)
        plsc.subcore_barrier()
        pltpu.sync_copy(acc.at[pl.ds(ibase, RPT)],
                        out_h.at[cid, pl.ds(ibase, RPT)])

        @pl.when(sid == NS - 1)
        def _():
            tb = NS * RPT
            pltpu.sync_copy(acc.at[pl.ds(tb, TAIL)],
                            out_h.at[cid, pl.ds(tb, TAIL)])

    return panel_kernel(hpa, hpb, src2d, dst2d)


_RB = 1000


def _dis_from(deg_blk):
    deg = deg_blk[0, :, 0:1] + deg_blk[1, :, 0:1] - 1.0
    return lax.rsqrt(deg)


def _prep1_body(x_ref, w_ref, deg_ref, out_ref):
    dis = _dis_from(deg_ref[...])
    out_ref[...] = dis * jnp.dot(x_ref[...], w_ref[...],
                                 preferred_element_type=jnp.float32)


def _tc_prep1(x, W1, degout):
    DIN, H = W1.shape
    return pl.pallas_call(
        _prep1_body,
        grid=(N // _RB,),
        in_specs=[
            pl.BlockSpec((_RB, DIN), lambda i: (i, 0)),
            pl.BlockSpec((DIN, H), lambda i: (0, 0)),
            pl.BlockSpec((2, _RB, 16), lambda i: (0, i, 0)),
        ],
        out_specs=pl.BlockSpec((_RB, H), lambda i: (i, 0)),
        out_shape=jax.ShapeDtypeStruct((N, H), jnp.float32),
    )(x, W1, degout)


def _mid_body(p_ref, deg_ref, b1_ref, w2_ref, outa_ref, outb_ref):
    dis = _dis_from(deg_ref[...])
    s = p_ref[0] + p_ref[1]
    h1 = jnp.maximum(dis * s + b1_ref[...], 0.0)
    hp2 = dis * jnp.dot(h1, w2_ref[...],
                        preferred_element_type=jnp.float32)
    hh = hp2.shape[1] // 2
    outa_ref[...] = hp2[:, :hh]
    outb_ref[...] = hp2[:, hh:]


def _tc_mid(p, degout, b1r, W2):
    H1, H2 = W2.shape
    HH = H2 // 2
    return pl.pallas_call(
        _mid_body,
        grid=(N // _RB,),
        in_specs=[
            pl.BlockSpec((2, _RB, H1), lambda i: (0, i, 0)),
            pl.BlockSpec((2, _RB, 16), lambda i: (0, i, 0)),
            pl.BlockSpec((1, H1), lambda i: (0, 0)),
            pl.BlockSpec((H1, H2), lambda i: (0, 0)),
        ],
        out_specs=[
            pl.BlockSpec((_RB, HH), lambda i: (i, 0)),
            pl.BlockSpec((_RB, HH), lambda i: (i, 0)),
        ],
        out_shape=[
            jax.ShapeDtypeStruct((N, HH), jnp.float32),
            jax.ShapeDtypeStruct((N, HH), jnp.float32),
        ],
    )(p, degout, b1r, W2)


def _final_body(q_ref, deg_ref, b2_ref,
                batch_ref, wf_ref, bf_ref,
                wm1_ref, bm1_ref, wm2_ref, bm2_ref, wm3_ref, bm3_ref,
                wm4_ref, bm4_ref, y_ref, out_ref, loss_ref, sums_acc, cnt_acc):
    i = pl.program_id(0)

    @pl.when(i == 0)
    def _():
        sums_acc[...] = jnp.zeros_like(sums_acc)
        cnt_acc[...] = jnp.zeros_like(cnt_acc)

    dis = _dis_from(deg_ref[...])
    hh = q_ref.shape[2]
    h2a = jnp.maximum(dis * q_ref[0] + b2_ref[:, :hh], 0.0)
    h2b = jnp.maximum(dis * q_ref[1] + b2_ref[:, hh:], 0.0)
    h2 = jnp.concatenate([h2a, h2b], axis=1)
    b = batch_ref[...]
    onehot = (b == lax.broadcasted_iota(jnp.int32, (_RB, NG), 1)
              ).astype(jnp.float32)
    dn = (((0,), (0,)), ((), ()))
    sums_acc[...] += lax.dot_general(onehot, h2, dn,
                                     preferred_element_type=jnp.float32)
    cnt_acc[...] += lax.dot_general(onehot, jnp.ones((_RB, 1), jnp.float32),
                                    dn, preferred_element_type=jnp.float32)

    @pl.when(i == pl.num_programs(0) - 1)
    def _():
        pool = sums_acc[...] / jnp.maximum(cnt_acc[...], 1.0)
        g = jnp.dot(pool, wf_ref[...],
                    preferred_element_type=jnp.float32) + bf_ref[...]
        m = jnp.maximum(jnp.dot(g, wm1_ref[...],
                                preferred_element_type=jnp.float32)
                        + bm1_ref[...], 0.0)
        m = jnp.maximum(jnp.dot(m, wm2_ref[...],
                                preferred_element_type=jnp.float32)
                        + bm2_ref[...], 0.0)
        m = jnp.maximum(jnp.dot(m, wm3_ref[...],
                                preferred_element_type=jnp.float32)
                        + bm3_ref[...], 0.0)
        o = jnp.dot(m, wm4_ref[...],
                    preferred_element_type=jnp.float32) + bm4_ref[...]
        out_ref[...] = o
        loss_ref[...] = jnp.mean((o - y_ref[...]) ** 2).reshape(1, 1)


def _tc_final(q, degout, b2r, batch2d, Wf, bfr,
              Wm1, bm1r, Wm2, bm2r, Wm3, bm3r, Wm4, bm4r, y):
    HH = q.shape[2]
    H2 = 2 * HH
    D = Wf.shape[1]

    def full(shp):
        nd = len(shp)
        return pl.BlockSpec(shp, lambda i, _n=nd: (0,) * _n)

    return pl.pallas_call(
        _final_body,
        grid=(N // _RB,),
        in_specs=[
            pl.BlockSpec((2, _RB, HH), lambda i: (0, i, 0)),
            pl.BlockSpec((2, _RB, 16), lambda i: (0, i, 0)),
            full((1, H2)),
            pl.BlockSpec((_RB, 1), lambda i: (i, 0)),
            full((H2, D)),
            full((1, D)),
            full((D, 32)), full((1, 32)),
            full((32, 16)), full((1, 16)),
            full((16, 8)), full((1, 8)),
            full((8, 1)), full((1, 1)),
            full((NG, 1)),
        ],
        out_specs=[
            pl.BlockSpec((NG, 1), lambda i: (0, 0)),
            pl.BlockSpec((1, 1), lambda i: (0, 0)),
        ],
        out_shape=[
            jax.ShapeDtypeStruct((NG, 1), jnp.float32),
            jax.ShapeDtypeStruct((1, 1), jnp.float32),
        ],
        scratch_shapes=[
            pltpu.VMEM((NG, H2), jnp.float32),
            pltpu.VMEM((NG, 1), jnp.float32),
        ],
    )(q, degout, b2r, batch2d, Wf, bfr, Wm1, bm1r, Wm2, bm2r,
      Wm3, bm3r, Wm4, bm4r, y)


def kernel(x, edge_index, batch, y, W1, b1, W2, b2, Wf, bf,
           Wm1, bm1, Wm2, bm2, Wm3, bm3, Wm4, bm4):
    npad = E_PAD - E
    src_pad = jnp.concatenate(
        [edge_index[0], jnp.zeros((npad,), jnp.int32)])
    dst_pad = jnp.concatenate(
        [edge_index[1], N + (jnp.arange(npad, dtype=jnp.int32) % PAD_ROWS)])
    src2d = src_pad.reshape(E_PAD // IW, IW)
    dst2d = dst_pad.reshape(E_PAD // IW, IW)
    ones16 = jnp.ones((N, 16), jnp.float32)

    degout = _sc_degree(dst2d, ones16)
    hp1 = _tc_prep1(x, W1, degout)
    zeros64 = jnp.zeros((N, W1.shape[1]), jnp.float32)
    p = _sc_scatter(hp1, zeros64, src2d, dst2d)
    hp2a, hp2b = _tc_mid(p, degout, b1.reshape(1, -1), W2)
    q = _sc_scatter_panels(hp2a, hp2b, src2d, dst2d)
    out, loss = _tc_final(
        q, degout, b2.reshape(1, -1), batch.reshape(-1, 1),
        Wf, bf.reshape(1, -1), Wm1, bm1.reshape(1, -1), Wm2,
        bm2.reshape(1, -1), Wm3, bm3.reshape(1, -1), Wm4,
        bm4.reshape(1, -1), y)
    return out, loss.reshape(())

# --- scband reference (transcript-rebuilt; emitter-appended) ---
"""Pipeline reference for scband-gcnnet-59227599011891 (READ-ONLY COPY).

The authoritative reference and input builder live on the scoring server;
editing this copy changes nothing except your own understanding.
"""

import jax, jax.numpy as jnp
import numpy as np

N = 10000
E = 320000
D_IN = 128
H1 = 64
H2 = 128
D = 64
NG = 64
OUT_DIM = 1


def _w(k, fan_in, fan_out):
    return jax.random.normal(k, (fan_in, fan_out), dtype=jnp.float32) * (1.0 / np.sqrt(fan_in))


def setup_inputs(seed: int = 0) -> dict:
    key = jax.random.key(seed)
    ks = jax.random.split(key, 20)
    x = jax.random.normal(ks[0], (N, D_IN), dtype=jnp.float32)
    edge_index = jax.random.randint(ks[1], (2, E), 0, N, dtype=jnp.int32)
    batch = jnp.sort(jax.random.randint(ks[2], (N,), 0, NG, dtype=jnp.int32))
    y = jax.random.normal(ks[3], (NG, OUT_DIM), dtype=jnp.float32)
    return {
        'x': x, 'edge_index': edge_index, 'batch': batch, 'y': y,
        'W1': _w(ks[4], D_IN, H1), 'b1': jnp.zeros((H1,), jnp.float32),
        'W2': _w(ks[5], H1, H2), 'b2': jnp.zeros((H2,), jnp.float32),
        'Wf': _w(ks[6], H2, D), 'bf': jnp.zeros((D,), jnp.float32),
        'Wm1': _w(ks[7], D, 32), 'bm1': jnp.zeros((32,), jnp.float32),
        'Wm2': _w(ks[8], 32, 16), 'bm2': jnp.zeros((16,), jnp.float32),
        'Wm3': _w(ks[9], 16, 8), 'bm3': jnp.zeros((8,), jnp.float32),
        'Wm4': _w(ks[10], 8, OUT_DIM), 'bm4': jnp.zeros((OUT_DIM,), jnp.float32),
    }


def gcn_conv(x, edge_index, W, b):
    # GCNConv with self-loops and symmetric normalization (PyG semantics)
    loop = jnp.arange(N, dtype=edge_index.dtype)
    src = jnp.concatenate([edge_index[0], loop])
    dst = jnp.concatenate([edge_index[1], loop])
    deg = jnp.zeros((N,), jnp.float32).at[dst].add(1.0)
    dis = jnp.where(deg > 0, jax.lax.rsqrt(deg), 0.0)
    norm = dis[src] * dis[dst]
    h = x @ W
    msg = h[src] * norm[:, None]
    out = jnp.zeros((N, W.shape[1]), jnp.float32).at[dst].add(msg)
    return out + b


def global_mean_pool(x, batch):
    sums = jax.ops.segment_sum(x, batch, num_segments=NG)
    cnt = jax.ops.segment_sum(jnp.ones((N,), jnp.float32), batch, num_segments=NG)
    return sums / jnp.maximum(cnt, 1.0)[:, None]


def reference(x, edge_index, batch, y, W1, b1, W2, b2, Wf, bf, Wm1, bm1, Wm2, bm2, Wm3, bm3, Wm4, bm4):
    h = jax.nn.relu(gcn_conv(x, edge_index, W1, b1))
    h = jax.nn.relu(gcn_conv(h, edge_index, W2, b2))
    g = global_mean_pool(h, batch)
    g = g @ Wf + bf  # first_MLP Linear(128, D)
    # MLP head for target 'perf': hidden [D//2, D//4, D//8] with relu, final linear
    m = jax.nn.relu(g @ Wm1 + bm1)
    m = jax.nn.relu(m @ Wm2 + bm2)
    m = jax.nn.relu(m @ Wm3 + bm3)
    out = m @ Wm4 + bm4
    target = y.reshape((y.shape[0], OUT_DIM))
    loss = jnp.mean((out - target) ** 2)  # FLAGS.loss == 'MSE'
    total_loss = loss
    return (out, total_loss)

if __name__ == "__main__":
    import jax
    _d = setup_inputs()
    print(jax.jit(kernel)(*tuple(_d.values())))

</pallas_src>

<mosaic_0001>
#map = affine_map<(d0, d1) -> (0, 0)>
#map1 = affine_map<(d0, d1) -> (0, 0, 0)>
module attributes {stable_mosaic.version = 14 : i64} {
  func.func @deg_kernel(%arg0: i32, %arg1: i32, %arg2: memref<2560x128xi32, #tpu.memory_space<hbm>>, %arg3: memref<10000x16xf32, #tpu.memory_space<hbm>>, %arg4: memref<2x10000x16xf32, #tpu.memory_space<hbm>>, %arg5: memref<16x128xi32, #tpu.memory_space<vmem>>, %arg6: memref<128x16xf32, #tpu.memory_space<vmem>>, %arg7: memref<10128x16xf32, #tpu.memory_space<vmem_shared>>, %arg8: memref<!tpu.dma_semaphore, #tpu.memory_space<semaphore_mem>>, %arg9: memref<!tpu.dma_semaphore, #tpu.memory_space<semaphore_mem>>) attributes {dimension_semantics = [#tpu.dimension_semantics<core_parallel>, #tpu.dimension_semantics<subcore_parallel>], iteration_bounds = array<i64: 2, 16>, scalar_prefetch = 0 : i64, scratch_operands = 5 : i64, tpu.core_type = #tpu.core_type<sc_vector_subcore>, window_params = [{transform_indices = #map}, {transform_indices = #map}, {transform_indices = #map1}]} {
    %mul3A = arith.constant 2 : i32
    %mul3A_0 = arith.muli %arg1, %mul3A : i32
    %add3A = arith.addi %mul3A_0, %arg0 : i32
    %mul3A_1 = arith.constant 624 : i32
    %mul3A_2 = arith.muli %arg1, %mul3A_1 : i32
    %multiple_of3A = tpu.assume_multiple %mul3A_2, 8 : i32
    "tpu.region"() ({
      %run_scoped3A = tpu.sem_alloc : memref<!tpu.dma_semaphore, #tpu.memory_space<semaphore_mem>>
      %dma_start3A = arith.constant 0 : i32
      %dma_start3A_16 = tpu.memref_slice %arg7[%multiple_of3A, %dma_start3A] : memref<10128x16xf32, #tpu.memory_space<vmem_shared>> -> memref<624x16xf32, #tpu.memory_space<vmem_shared>>
      %dma_start3A_17 = arith.constant 0 : i32
      %dma_start3A_18 = tpu.memref_slice %arg3[%multiple_of3A, %dma_start3A_17] : memref<10000x16xf32, #tpu.memory_space<hbm>> -> memref<624x16xf32, #tpu.memory_space<hbm>>
      tpu.enqueue_dma source(%dma_start3A_18 : memref<624x16xf32, #tpu.memory_space<hbm>>) target(%dma_start3A_16 : memref<624x16xf32, #tpu.memory_space<vmem_shared>>) target_semaphore(%run_scoped3A : memref<!tpu.dma_semaphore, #tpu.memory_space<semaphore_mem>>)
      %dma_wait3A = arith.constant 0 : i32
      %dma_wait3A_19 = tpu.memref_slice %arg7[%multiple_of3A, %dma_wait3A] : memref<10128x16xf32, #tpu.memory_space<vmem_shared>> -> memref<624x16xf32, #tpu.memory_space<vmem_shared>>
      %dma_wait3A_20 = arith.constant 0 : i32
      %dma_wait3A_21 = tpu.memref_slice %arg3[%multiple_of3A, %dma_wait3A_20] : memref<10000x16xf32, #tpu.memory_space<hbm>> -> memref<624x16xf32, #tpu.memory_space<hbm>>
      tpu.wait_dma2 semaphore(%run_scoped3A : memref<!tpu.dma_semaphore, #tpu.memory_space<semaphore_mem>>) src(%dma_wait3A_21 : memref<624x16xf32, #tpu.memory_space<hbm>>) dst(%dma_wait3A_19 : memref<624x16xf32, #tpu.memory_space<vmem_shared>>)
      tpu.yield
    }) : () -> ()
    %eq3A = arith.constant 15 : i32
    %eq3A_3 = arith.cmpi eq, %arg1, %eq3A : i32
    %convert_element_type3A = arith.extui %eq3A_3 : i1 to i32
    %cond3A = arith.constant 0 : i32
    %cond3A_4 = arith.cmpi ne, %convert_element_type3A, %cond3A : i32
    scf.if %cond3A_4 {
      "tpu.region"() ({
        %run_scoped3A = tpu.sem_alloc : memref<!tpu.dma_semaphore, #tpu.memory_space<semaphore_mem>>
        %dma_start3A = arith.constant 9984 : i32
        %dma_start3A_16 = arith.constant 0 : i32
        %dma_start3A_17 = tpu.memref_slice %arg7[%dma_start3A, %dma_start3A_16] : memref<10128x16xf32, #tpu.memory_space<vmem_shared>> -> memref<16x16xf32, #tpu.memory_space<vmem_shared>>
        %dma_start3A_18 = arith.constant 9984 : i32
        %dma_start3A_19 = arith.constant 0 : i32
        %dma_start3A_20 = tpu.memref_slice %arg3[%dma_start3A_18, %dma_start3A_19] : memref<10000x16xf32, #tpu.memory_space<hbm>> -> memref<16x16xf32, #tpu.memory_space<hbm>>
        tpu.enqueue_dma source(%dma_start3A_20 : memref<16x16xf32, #tpu.memory_space<hbm>>) target(%dma_start3A_17 : memref<16x16xf32, #tpu.memory_space<vmem_shared>>) target_semaphore(%run_scoped3A : memref<!tpu.dma_semaphore, #tpu.memory_space<semaphore_mem>>)
        %dma_wait3A = arith.constant 9984 : i32
        %dma_wait3A_21 = arith.constant 0 : i32
        %dma_wait3A_22 = tpu.memref_slice %arg7[%dma_wait3A, %dma_wait3A_21] : memref<10128x16xf32, #tpu.memory_space<vmem_shared>> -> memref<16x16xf32, #tpu.memory_space<vmem_shared>>
        %dma_wait3A_23 = arith.constant 9984 : i32
        %dma_wait3A_24 = arith.constant 0 : i32
        %dma_wait3A_25 = tpu.memref_slice %arg3[%dma_wait3A_23, %dma_wait3A_24] : memref<10000x16xf32, #tpu.memory_space<hbm>> -> memref<16x16xf32, #tpu.memory_space<hbm>>
        tpu.wait_dma2 semaphore(%run_scoped3A : memref<!tpu.dma_semaphore, #tpu.memory_space<semaphore_mem>>) src(%dma_wait3A_25 : memref<16x16xf32, #tpu.memory_space<hbm>>) dst(%dma_wait3A_22 : memref<16x16xf32, #tpu.memory_space<vmem_shared>>)
        tpu.yield
      }) : () -> ()
    } else {
    }
    "tpu.region"() ({
      %run_scoped3A = tpu.sem_alloc : memref<!tpu.dma_semaphore, #tpu.memory_space<semaphore_mem>>
      %dma_start3A = arith.constant 0 : i32
      %dma_start3A_16 = arith.constant 0 : i32
      %dma_start3A_17 = tpu.memref_slice %arg3[%dma_start3A, %dma_start3A_16] : memref<10000x16xf32, #tpu.memory_space<hbm>> -> memref<128x16xf32, #tpu.memory_space<hbm>>
      %dma_start3A_18 = arith.constant 0 : i32
      %dma_start3A_19 = arith.constant 0 : i32
      %dma_start3A_20 = tpu.memref_slice %arg3[%dma_start3A_18, %dma_start3A_19] : memref<10000x16xf32, #tpu.memory_space<hbm>> -> memref<128x16xf32, #tpu.memory_space<hbm>>
      tpu.enqueue_dma source(%dma_start3A_20 : memref<128x16xf32, #tpu.memory_space<hbm>>) target(%arg6 : memref<128x16xf32, #tpu.memory_space<vmem>>) target_semaphore(%run_scoped3A : memref<!tpu.dma_semaphore, #tpu.memory_space<semaphore_mem>>)
      %dma_wait3A = arith.constant 0 : i32
      %dma_wait3A_21 = arith.constant 0 : i32
      %dma_wait3A_22 = tpu.memref_slice %arg3[%dma_wait3A, %dma_wait3A_21] : memref<10000x16xf32, #tpu.memory_space<hbm>> -> memref<128x16xf32, #tpu.memory_space<hbm>>
      %dma_wait3A_23 = arith.constant 0 : i32
      %dma_wait3A_24 = arith.constant 0 : i32
      %dma_wait3A_25 = tpu.memref_slice %arg3[%dma_wait3A_23, %dma_wait3A_24] : memref<10000x16xf32, #tpu.memory_space<hbm>> -> memref<128x16xf32, #tpu.memory_space<hbm>>
      tpu.wait_dma2 semaphore(%run_scoped3A : memref<!tpu.dma_semaphore, #tpu.memory_space<semaphore_mem>>) src(%dma_wait3A_25 : memref<128x16xf32, #tpu.memory_space<hbm>>) dst(%arg6 : memref<128x16xf32, #tpu.memory_space<vmem>>)
      tpu.yield
    }) : () -> ()
    %barrier3A = arith.constant 0 : index
    tpu.barrier barrier_id(%barrier3A)
    %scan3A = arith.constant 0 : i32
    %scan3A_5 = arith.constant 0 : i32
    %scan3A_6 = arith.constant 5 : i32
    %scan3A_7 = arith.addi %scan3A_5, %scan3A_6 : i32
    %scan3A_8 = arith.constant 1 : i32
    scf.for %scan3A_16 = %scan3A_5 to %scan3A_7 step %scan3A_8  : i32 {
      %mul3A_17 = arith.constant 80 : i32
      %mul3A_18 = arith.muli %add3A, %mul3A_17 : i32
      %mul3A_19 = arith.constant 2 : i32
      %mul3A_20 = arith.muli %mul3A_19, %scan3A_16 : i32
      %mul3A_21 = arith.constant 8 : i32
      %mul3A_22 = arith.muli %mul3A_20, %mul3A_21 : i32
      %add3A_23 = arith.addi %mul3A_18, %mul3A_22 : i32
      %multiple_of3A_24 = tpu.assume_multiple %add3A_23, 8 : i32
      "tpu.region"() ({
        %run_scoped3A = tpu.sem_alloc : memref<!tpu.dma_semaphore, #tpu.memory_space<semaphore_mem>>
        %dma_start3A_257 = arith.constant 0 : i32
        %dma_start3A_258 = arith.constant 0 : i32
        %dma_start3A_259 = tpu.memref_slice %arg5[%dma_start3A_257, %dma_start3A_258] : memref<16x128xi32, #tpu.memory_space<vmem>> -> memref<8x128xi32, #tpu.memory_space<vmem>>
        %dma_start3A_260 = arith.constant 0 : i32
        %dma_start3A_261 = tpu.memref_slice %arg2[%multiple_of3A_24, %dma_start3A_260] : memref<2560x128xi32, #tpu.memory_space<hbm>> -> memref<8x128xi32, #tpu.memory_space<hbm>>
        %dma_start3A_262 = arith.constant 0 : i32
        %dma_start3A_263 = arith.constant 0 : i32
        %dma_start3A_264 = tpu.memref_slice %arg5[%dma_start3A_262, %dma_start3A_263] : memref<16x128xi32, #tpu.memory_space<vmem>> -> memref<8x128xi32, #tpu.memory_space<vmem>>
        %dma_start3A_265 = arith.constant 0 : i32
        %dma_start3A_266 = tpu.memref_slice %arg2[%multiple_of3A_24, %dma_start3A_265] : memref<2560x128xi32, #tpu.memory_space<hbm>> -> memref<8x128xi32, #tpu.memory_space<hbm>>
        tpu.enqueue_dma source(%dma_start3A_266 : memref<8x128xi32, #tpu.memory_space<hbm>>) target(%dma_start3A_264 : memref<8x128xi32, #tpu.memory_space<vmem>>) target_semaphore(%run_scoped3A : memref<!tpu.dma_semaphore, #tpu.memory_space<semaphore_mem>>)
        %dma_wait3A_267 = arith.constant 0 : i32
        %dma_wait3A_268 = arith.constant 0 : i32
        %dma_wait3A_269 = tpu.memref_slice %arg5[%dma_wait3A_267, %dma_wait3A_268] : memref<16x128xi32, #tpu.memory_space<vmem>> -> memref<8x128xi32, #tpu.memory_space<vmem>>
        %dma_wait3A_270 = arith.constant 0 : i32
        %dma_wait3A_271 = tpu.memref_slice %arg2[%multiple_of3A_24, %dma_wait3A_270] : memref<2560x128xi32, #tpu.memory_space<hbm>> -> memref<8x128xi32, #tpu.memory_space<hbm>>
        %dma_wait3A_272 = arith.constant 0 : i32
        %dma_wait3A_273 = arith.constant 0 : i32
        %dma_wait3A_274 = tpu.memref_slice %arg5[%dma_wait3A_272, %dma_wait3A_273] : memref<16x128xi32, #tpu.memory_space<vmem>> -> memref<8x128xi32, #tpu.memory_space<vmem>>
        %dma_wait3A_275 = arith.constant 0 : i32
        %dma_wait3A_276 = tpu.memref_slice %arg2[%multiple_of3A_24, %dma_wait3A_275] : memref<2560x128xi32, #tpu.memory_space<hbm>> -> memref<8x128xi32, #tpu.memory_space<hbm>>
        tpu.wait_dma2 semaphore(%run_scoped3A : memref<!tpu.dma_semaphore, #tpu.memory_space<semaphore_mem>>) src(%dma_wait3A_276 : memref<8x128xi32, #tpu.memory_space<hbm>>) dst(%dma_wait3A_274 : memref<8x128xi32, #tpu.memory_space<vmem>>)
        tpu.yield
      }) : () -> ()
      %dma_start3A = arith.constant 0 : i32
      %dma_start3A_25 = arith.constant 0 : i32
      %dma_start3A_26 = tpu.memref_slice %arg5[%dma_start3A, %dma_start3A_25] : memref<16x128xi32, #tpu.memory_space<vmem>> -> memref<1x128xi32, #tpu.memory_space<vmem>>
      %dma_start3A_27 = tpu.memref_squeeze %dma_start3A_26 : memref<1x128xi32, #tpu.memory_space<vmem>> -> memref<128xi32, #tpu.memory_space<vmem>>
      %dma_start3A_28 = arith.constant 0 : i32
      %dma_start3A_29 = arith.constant 0 : i32
      %dma_start3A_30 = tpu.memref_slice %arg7[%dma_start3A_28, %dma_start3A_29] : memref<10128x16xf32, #tpu.memory_space<vmem_shared>> -> memref<10128x16xf32, #tpu.memory_space<vmem_shared>>
      tpu.enqueue_indirect_dma source(%arg6 : memref<128x16xf32, #tpu.memory_space<vmem>>) target(%dma_start3A_30 : memref<10128x16xf32, #tpu.memory_space<vmem_shared>>) offsets(%dma_start3A_27 : memref<128xi32, #tpu.memory_space<vmem>>) semaphore(%arg8 : memref<!tpu.dma_semaphore, #tpu.memory_space<semaphore_mem>>) {add = true}
      %dma_start3A_31 = arith.constant 1 : i32
      %dma_start3A_32 = arith.constant 0 : i32
      %dma_start3A_33 = tpu.memref_slice %arg5[%dma_start3A_31, %dma_start3A_32] : memref<16x128xi32, #tpu.memory_space<vmem>> -> memref<1x128xi32, #tpu.memory_space<vmem>>
      %dma_start3A_34 = tpu.memref_squeeze %dma_start3A_33 : memref<1x128xi32, #tpu.memory_space<vmem>> -> memref<128xi32, #tpu.memory_space<vmem>>
      %dma_start3A_35 = arith.constant 0 : i32
      %dma_start3A_36 = arith.constant 0 : i32
      %dma_start3A_37 = tpu.memref_slice %arg7[%dma_start3A_35, %dma_start3A_36] : memref<10128x16xf32, #tpu.memory_space<vmem_shared>> -> memref<10128x16xf32, #tpu.memory_space<vmem_shared>>
      tpu.enqueue_indirect_dma source(%arg6 : memref<128x16xf32, #tpu.memory_space<vmem>>) target(%dma_start3A_37 : memref<10128x16xf32, #tpu.memory_space<vmem_shared>>) offsets(%dma_start3A_34 : memref<128xi32, #tpu.memory_space<vmem>>) semaphore(%arg8 : memref<!tpu.dma_semaphore, #tpu.memory_space<semaphore_mem>>) {add = true}
      %dma_start3A_38 = arith.constant 2 : i32
      %dma_start3A_39 = arith.constant 0 : i32
      %dma_start3A_40 = tpu.memref_slice %arg5[%dma_start3A_38, %dma_start3A_39] : memref<16x128xi32, #tpu.memory_space<vmem>> -> memref<1x128xi32, #tpu.memory_space<vmem>>
      %dma_start3A_41 = tpu.memref_squeeze %dma_start3A_40 : memref<1x128xi32, #tpu.memory_space<vmem>> -> memref<128xi32, #tpu.memory_space<vmem>>
      %dma_start3A_42 = arith.constant 0 : i32
      %dma_start3A_43 = arith.constant 0 : i32
      %dma_start3A_44 = tpu.memref_slice %arg7[%dma_start3A_42, %dma_start3A_43] : memref<10128x16xf32, #tpu.memory_space<vmem_shared>> -> memref<10128x16xf32, #tpu.memory_space<vmem_shared>>
      tpu.enqueue_indirect_dma source(%arg6 : memref<128x16xf32, #tpu.memory_space<vmem>>) target(%dma_start3A_44 : memref<10128x16xf32, #tpu.memory_space<vmem_shared>>) offsets(%dma_start3A_41 : memref<128xi32, #tpu.memory_space<vmem>>) semaphore(%arg8 : memref<!tpu.dma_semaphore, #tpu.memory_space<semaphore_mem>>) {add = true}
      %dma_start3A_45 = arith.constant 3 : i32
      %dma_start3A_46 = arith.constant 0 : i32
      %dma_start3A_47 = tpu.memref_slice %arg5[%dma_start3A_45, %dma_start3A_46] : memref<16x128xi32, #tpu.memory_space<vmem>> -> memref<1x128xi32, #tpu.memory_space<vmem>>
      %dma_start3A_48 = tpu.memref_squeeze %dma_start3A_47 : memref<1x128xi32, #tpu.memory_space<vmem>> -> memref<128xi32, #tpu.memory_space<vmem>>
      %dma_start3A_49 = arith.constant 0 : i32
      %dma_start3A_50 = arith.constant 0 : i32
      %dma_start3A_51 = tpu.memref_slice %arg7[%dma_start3A_49, %dma_start3A_50] : memref<10128x16xf32, #tpu.memory_space<vmem_shared>> -> memref<10128x16xf32, #tpu.memory_space<vmem_shared>>
      tpu.enqueue_indirect_dma source(%arg6 : memref<128x16xf32, #tpu.memory_space<vmem>>) target(%dma_start3A_51 : memref<10128x16xf32, #tpu.memory_space<vmem_shared>>) offsets(%dma_start3A_48 : memref<128xi32, #tpu.memory_space<vmem>>) semaphore(%arg8 : memref<!tpu.dma_semaphore, #tpu.memory_space<semaphore_mem>>) {add = true}
      %dma_start3A_52 = arith.constant 4 : i32
      %dma_start3A_53 = arith.constant 0 : i32
      %dma_start3A_54 = tpu.memref_slice %arg5[%dma_start3A_52, %dma_start3A_53] : memref<16x128xi32, #tpu.memory_space<vmem>> -> memref<1x128xi32, #tpu.memory_space<vmem>>
      %dma_start3A_55 = tpu.memref_squeeze %dma_start3A_54 : memref<1x128xi32, #tpu.memory_space<vmem>> -> memref<128xi32, #tpu.memory_space<vmem>>
      %dma_start3A_56 = arith.constant 0 : i32
      %dma_start3A_57 = arith.constant 0 : i32
      %dma_start3A_58 = tpu.memref_slice %arg7[%dma_start3A_56, %dma_start3A_57] : memref<10128x16xf32, #tpu.memory_space<vmem_shared>> -> memref<10128x16xf32, #tpu.memory_space<vmem_shared>>
      tpu.enqueue_indirect_dma source(%arg6 : memref<128x16xf32, #tpu.memory_space<vmem>>) target(%dma_start3A_58 : memref<10128x16xf32, #tpu.memory_space<vmem_shared>>) offsets(%dma_start3A_55 : memref<128xi32, #tpu.memory_space<vmem>>) semaphore(%arg8 : memref<!tpu.dma_semaphore, #tpu.memory_space<semaphore_mem>>) {add = true}
      %dma_start3A_59 = arith.constant 5 : i32
      %dma_start3A_60 = arith.constant 0 : i32
      %dma_start3A_61 = tpu.memref_slice %arg5[%dma_start3A_59, %dma_start3A_60] : memref<16x128xi32, #tpu.memory_space<vmem>> -> memref<1x128xi32, #tpu.memory_space<vmem>>
      %dma_start3A_62 = tpu.memref_squeeze %dma_start3A_61 : memref<1x128xi32, #tpu.memory_space<vmem>> -> memref<128xi32, #tpu.memory_space<vmem>>
      %dma_start3A_63 = arith.constant 0 : i32
      %dma_start3A_64 = arith.constant 0 : i32
      %dma_start3A_65 = tpu.memref_slice %arg7[%dma_start3A_63, %dma_start3A_64] : memref<10128x16xf32, #tpu.memory_space<vmem_shared>> -> memref<10128x16xf32, #tpu.memory_space<vmem_shared>>
      tpu.enqueue_indirect_dma source(%arg6 : memref<128x16xf32, #tpu.memory_space<vmem>>) target(%dma_start3A_65 : memref<10128x16xf32, #tpu.memory_space<vmem_shared>>) offsets(%dma_start3A_62 : memref<128xi32, #tpu.memory_space<vmem>>) semaphore(%arg8 : memref<!tpu.dma_semaphore, #tpu.memory_space<semaphore_mem>>) {add = true}
      %dma_start3A_66 = arith.constant 6 : i32
      %dma_start3A_67 = arith.constant 0 : i32
      %dma_start3A_68 = tpu.memref_slice %arg5[%dma_start3A_66, %dma_start3A_67] : memref<16x128xi32, #tpu.memory_space<vmem>> -> memref<1x128xi32, #tpu.memory_space<vmem>>
      %dma_start3A_69 = tpu.memref_squeeze %dma_start3A_68 : memref<1x128xi32, #tpu.memory_space<vmem>> -> memref<128xi32, #tpu.memory_space<vmem>>
      %dma_start3A_70 = arith.constant 0 : i32
      %dma_start3A_71 = arith.constant 0 : i32
      %dma_start3A_72 = tpu.memref_slice %arg7[%dma_start3A_70, %dma_start3A_71] : memref<10128x16xf32, #tpu.memory_space<vmem_shared>> -> memref<10128x16xf32, #tpu.memory_space<vmem_shared>>
      tpu.enqueue_indirect_dma source(%arg6 : memref<128x16xf32, #tpu.memory_space<vmem>>) target(%dma_start3A_72 : memref<10128x16xf32, #tpu.memory_space<vmem_shared>>) offsets(%dma_start3A_69 : memref<128xi32, #tpu.memory_space<vmem>>) semaphore(%arg8 : memref<!tpu.dma_semaphore, #tpu.memory_space<semaphore_mem>>) {add = true}
      %dma_start3A_73 = arith.constant 7 : i32
      %dma_start3A_74 = arith.constant 0 : i32
      %dma_start3A_75 = tpu.memref_slice %arg5[%dma_start3A_73, %dma_start3A_74] : memref<16x128xi32, #tpu.memory_space<vmem>> -> memref<1x128xi32, #tpu.memory_space<vmem>>
      %dma_start3A_76 = tpu.memref_squeeze %dma_start3A_75 : memref<1x128xi32, #tpu.memory_space<vmem>> -> memref<128xi32, #tpu.memory_space<vmem>>
      %dma_start3A_77 = arith.constant 0 : i32
      %dma_start3A_78 = arith.constant 0 : i32
      %dma_start3A_79 = tpu.memref_slice %arg7[%dma_start3A_77, %dma_start3A_78] : memref<10128x16xf32, #tpu.memory_space<vmem_shared>> -> memref<10128x16xf32, #tpu.memory_space<vmem_shared>>
      tpu.enqueue_indirect_dma source(%arg6 : memref<128x16xf32, #tpu.memory_space<vmem>>) target(%dma_start3A_79 : memref<10128x16xf32, #tpu.memory_space<vmem_shared>>) offsets(%dma_start3A_76 : memref<128xi32, #tpu.memory_space<vmem>>) semaphore(%arg8 : memref<!tpu.dma_semaphore, #tpu.memory_space<semaphore_mem>>) {add = true}
      %mul3A_80 = arith.constant 80 : i32
      %mul3A_81 = arith.muli %add3A, %mul3A_80 : i32
      %mul3A_82 = arith.constant 2 : i32
      %mul3A_83 = arith.muli %mul3A_82, %scan3A_16 : i32
      %add3A_84 = arith.constant 1 : i32
      %add3A_85 = arith.addi %mul3A_83, %add3A_84 : i32
      %mul3A_86 = arith.constant 8 : i32
      %mul3A_87 = arith.muli %add3A_85, %mul3A_86 : i32
      %add3A_88 = arith.addi %mul3A_81, %mul3A_87 : i32
      %multiple_of3A_89 = tpu.assume_multiple %add3A_88, 8 : i32
      "tpu.region"() ({
        %run_scoped3A = tpu.sem_alloc : memref<!tpu.dma_semaphore, #tpu.memory_space<semaphore_mem>>
        %dma_start3A_257 = arith.constant 8 : i32
        %dma_start3A_258 = arith.constant 0 : i32
        %dma_start3A_259 = tpu.memref_slice %arg5[%dma_start3A_257, %dma_start3A_258] : memref<16x128xi32, #tpu.memory_space<vmem>> -> memref<8x128xi32, #tpu.memory_space<vmem>>
        %dma_start3A_260 = arith.constant 0 : i32
        %dma_start3A_261 = tpu.memref_slice %arg2[%multiple_of3A_89, %dma_start3A_260] : memref<2560x128xi32, #tpu.memory_space<hbm>> -> memref<8x128xi32, #tpu.memory_space<hbm>>
        %dma_start3A_262 = arith.constant 8 : i32
        %dma_start3A_263 = arith.constant 0 : i32
        %dma_start3A_264 = tpu.memref_slice %arg5[%dma_start3A_262, %dma_start3A_263] : memref<16x128xi32, #tpu.memory_space<vmem>> -> memref<8x128xi32, #tpu.memory_space<vmem>>
        %dma_start3A_265 = arith.constant 0 : i32
        %dma_start3A_266 = tpu.memref_slice %arg2[%multiple_of3A_89, %dma_start3A_265] : memref<2560x128xi32, #tpu.memory_space<hbm>> -> memref<8x128xi32, #tpu.memory_space<hbm>>
        tpu.enqueue_dma source(%dma_start3A_266 : memref<8x128xi32, #tpu.memory_space<hbm>>) target(%dma_start3A_264 : memref<8x128xi32, #tpu.memory_space<vmem>>) target_semaphore(%run_scoped3A : memref<!tpu.dma_semaphore, #tpu.memory_space<semaphore_mem>>)
        %dma_wait3A_267 = arith.constant 8 : i32
        %dma_wait3A_268 = arith.constant 0 : i32
        %dma_wait3A_269 = tpu.memref_slice %arg5[%dma_wait3A_267, %dma_wait3A_268] : memref<16x128xi32, #tpu.memory_space<vmem>> -> memref<8x128xi32, #tpu.memory_space<vmem>>
        %dma_wait3A_270 = arith.constant 0 : i32
        %dma_wait3A_271 = tpu.memref_slice %arg2[%multiple_of3A_89, %dma_wait3A_270] : memref<2560x128xi32, #tpu.memory_space<hbm>> -> memref<8x128xi32, #tpu.memory_space<hbm>>
        %dma_wait3A_272 = arith.constant 8 : i32
        %dma_wait3A_273 = arith.constant 0 : i32
        %dma_wait3A_274 = tpu.memref_slice %arg5[%dma_wait3A_272, %dma_wait3A_273] : memref<16x128xi32, #tpu.memory_space<vmem>> -> memref<8x128xi32, #tpu.memory_space<vmem>>
        %dma_wait3A_275 = arith.constant 0 : i32
        %dma_wait3A_276 = tpu.memref_slice %arg2[%multiple_of3A_89, %dma_wait3A_275] : memref<2560x128xi32, #tpu.memory_space<hbm>> -> memref<8x128xi32, #tpu.memory_space<hbm>>
        tpu.wait_dma2 semaphore(%run_scoped3A : memref<!tpu.dma_semaphore, #tpu.memory_space<semaphore_mem>>) src(%dma_wait3A_276 : memref<8x128xi32, #tpu.memory_space<hbm>>) dst(%dma_wait3A_274 : memref<8x128xi32, #tpu.memory_space<vmem>>)
        tpu.yield
      }) : () -> ()
      %dma_start3A_90 = arith.constant 8 : i32
      %dma_start3A_91 = arith.constant 0 : i32
      %dma_start3A_92 = tpu.memref_slice %arg5[%dma_start3A_90, %dma_start3A_91] : memref<16x128xi32, #tpu.memory_space<vmem>> -> memref<1x128xi32, #tpu.memory_space<vmem>>
      %dma_start3A_93 = tpu.memref_squeeze %dma_start3A_92 : memref<1x128xi32, #tpu.memory_space<vmem>> -> memref<128xi32, #tpu.memory_space<vmem>>
      %dma_start3A_94 = arith.constant 0 : i32
      %dma_start3A_95 = arith.constant 0 : i32
      %dma_start3A_96 = tpu.memref_slice %arg7[%dma_start3A_94, %dma_start3A_95] : memref<10128x16xf32, #tpu.memory_space<vmem_shared>> -> memref<10128x16xf32, #tpu.memory_space<vmem_shared>>
      tpu.enqueue_indirect_dma source(%arg6 : memref<128x16xf32, #tpu.memory_space<vmem>>) target(%dma_start3A_96 : memref<10128x16xf32, #tpu.memory_space<vmem_shared>>) offsets(%dma_start3A_93 : memref<128xi32, #tpu.memory_space<vmem>>) semaphore(%arg9 : memref<!tpu.dma_semaphore, #tpu.memory_space<semaphore_mem>>) {add = true}
      %dma_start3A_97 = arith.constant 9 : i32
      %dma_start3A_98 = arith.constant 0 : i32
      %dma_start3A_99 = tpu.memref_slice %arg5[%dma_start3A_97, %dma_start3A_98] : memref<16x128xi32, #tpu.memory_space<vmem>> -> memref<1x128xi32, #tpu.memory_space<vmem>>
      %dma_start3A_100 = tpu.memref_squeeze %dma_start3A_99 : memref<1x128xi32, #tpu.memory_space<vmem>> -> memref<128xi32, #tpu.memory_space<vmem>>
      %dma_start3A_101 = arith.constant 0 : i32
      %dma_start3A_102 = arith.constant 0 : i32
      %dma_start3A_103 = tpu.memref_slice %arg7[%dma_start3A_101, %dma_start3A_102] : memref<10128x16xf32, #tpu.memory_space<vmem_shared>> -> memref<10128x16xf32, #tpu.memory_space<vmem_shared>>
      tpu.enqueue_indirect_dma source(%arg6 : memref<128x16xf32, #tpu.memory_space<vmem>>) target(%dma_start3A_103 : memref<10128x16xf32, #tpu.memory_space<vmem_shared>>) offsets(%dma_start3A_100 : memref<128xi32, #tpu.memory_space<vmem>>) semaphore(%arg9 : memref<!tpu.dma_semaphore, #tpu.memory_space<semaphore_mem>>) {add = true}
      %dma_start3A_104 = arith.constant 10 : i32
      %dma_start3A_105 = arith.constant 0 : i32
      %dma_start3A_106 = tpu.memref_slice %arg5[%dma_start3A_104, %dma_start3A_105] : memref<16x128xi32, #tpu.memory_space<vmem>> -> memref<1x128xi32, #tpu.memory_space<vmem>>
      %dma_start3A_107 = tpu.memref_squeeze %dma_start3A_106 : memref<1x128xi32, #tpu.memory_space<vmem>> -> memref<128xi32, #tpu.memory_space<vmem>>
      %dma_start3A_108 = arith.constant 0 : i32
      %dma_start3A_109 = arith.constant 0 : i32
      %dma_start3A_110 = tpu.memref_slice %arg7[%dma_start3A_108, %dma_start3A_109] : memref<10128x16xf32, #tpu.memory_space<vmem_shared>> -> memref<10128x16xf32, #tpu.memory_space<vmem_shared>>
      tpu.enqueue_indirect_dma source(%arg6 : memref<128x16xf32, #tpu.memory_space<vmem>>) target(%dma_start3A_110 : memref<10128x16xf32, #tpu.memory_space<vmem_shared>>) offsets(%dma_start3A_107 : memref<128xi32, #tpu.memory_space<vmem>>) semaphore(%arg9 : memref<!tpu.dma_semaphore, #tpu.memory_space<semaphore_mem>>) {add = true}
      %dma_start3A_111 = arith.constant 11 : i32
      %dma_start3A_112 = arith.constant 0 : i32
      %dma_start3A_113 = tpu.memref_slice %arg5[%dma_start3A_111, %dma_start3A_112] : memref<16x128xi32, #tpu.memory_space<vmem>> -> memref<1x128xi32, #tpu.memory_space<vmem>>
      %dma_start3A_114 = tpu.memref_squeeze %dma_start3A_113 : memref<1x128xi32, #tpu.memory_space<vmem>> -> memref<128xi32, #tpu.memory_space<vmem>>
      %dma_start3A_115 = arith.constant 0 : i32
      %dma_start3A_116 = arith.constant 0 : i32
      %dma_start3A_117 = tpu.memref_slice %arg7[%dma_start3A_115, %dma_start3A_116] : memref<10128x16xf32, #tpu.memory_space<vmem_shared>> -> memref<10128x16xf32, #tpu.memory_space<vmem_shared>>
      tpu.enqueue_indirect_dma source(%arg6 : memref<128x16xf32, #tpu.memory_space<vmem>>) target(%dma_start3A_117 : memref<10128x16xf32, #tpu.memory_space<vmem_shared>>) offsets(%dma_start3A_114 : memref<128xi32, #tpu.memory_space<vmem>>) semaphore(%arg9 : memref<!tpu.dma_semaphore, #tpu.memory_space<semaphore_mem>>) {add = true}
      %dma_start3A_118 = arith.constant 12 : i32
      %dma_start3A_119 = arith.constant 0 : i32
      %dma_start3A_120 = tpu.memref_slice %arg5[%dma_start3A_118, %dma_start3A_119] : memref<16x128xi32, #tpu.memory_space<vmem>> -> memref<1x128xi32, #tpu.memory_space<vmem>>
      %dma_start3A_121 = tpu.memref_squeeze %dma_start3A_120 : memref<1x128xi32, #tpu.memory_space<vmem>> -> memref<128xi32, #tpu.memory_space<vmem>>
      %dma_start3A_122 = arith.constant 0 : i32
      %dma_start3A_123 = arith.constant 0 : i32
      %dma_start3A_124 = tpu.memref_slice %arg7[%dma_start3A_122, %dma_start3A_123] : memref<10128x16xf32, #tpu.memory_space<vmem_shared>> -> memref<10128x16xf32, #tpu.memory_space<vmem_shared>>
      tpu.enqueue_indirect_dma source(%arg6 : memref<128x16xf32, #tpu.memory_space<vmem>>) target(%dma_start3A_124 : memref<10128x16xf32, #tpu.memory_space<vmem_shared>>) offsets(%dma_start3A_121 : memref<128xi32, #tpu.memory_space<vmem>>) semaphore(%arg9 : memref<!tpu.dma_semaphore, #tpu.memory_space<semaphore_mem>>) {add = true}
      %dma_start3A_125 = arith.constant 13 : i32
      %dma_start3A_126 = arith.constant 0 : i32
      %dma_start3A_127 = tpu.memref_slice %arg5[%dma_start3A_125, %dma_start3A_126] : memref<16x128xi32, #tpu.memory_space<vmem>> -> memref<1x128xi32, #tpu.memory_space<vmem>>
      %dma_start3A_128 = tpu.memref_squeeze %dma_start3A_127 : memref<1x128xi32, #tpu.memory_space<vmem>> -> memref<128xi32, #tpu.memory_space<vmem>>
      %dma_start3A_129 = arith.constant 0 : i32
      %dma_start3A_130 = arith.constant 0 : i32
      %dma_start3A_131 = tpu.memref_slice %arg7[%dma_start3A_129, %dma_start3A_130] : memref<10128x16xf32, #tpu.memory_space<vmem_shared>> -> memref<10128x16xf32, #tpu.memory_space<vmem_shared>>
      tpu.enqueue_indirect_dma source(%arg6 : memref<128x16xf32, #tpu.memory_space<vmem>>) target(%dma_start3A_131 : memref<10128x16xf32, #tpu.memory_space<vmem_shared>>) offsets(%dma_start3A_128 : memref<128xi32, #tpu.memory_space<vmem>>) semaphore(%arg9 : memref<!tpu.dma_semaphore, #tpu.memory_space<semaphore_mem>>) {add = true}
      %dma_start3A_132 = arith.constant 14 : i32
      %dma_start3A_133 = arith.constant 0 : i32
      %dma_start3A_134 = tpu.memref_slice %arg5[%dma_start3A_132, %dma_start3A_133] : memref<16x128xi32, #tpu.memory_space<vmem>> -> memref<1x128xi32, #tpu.memory_space<vmem>>
      %dma_start3A_135 = tpu.memref_squeeze %dma_start3A_134 : memref<1x128xi32, #tpu.memory_space<vmem>> -> memref<128xi32, #tpu.memory_space<vmem>>
      %dma_start3A_136 = arith.constant 0 : i32
      %dma_start3A_137 = arith.constant 0 : i32
      %dma_start3A_138 = tpu.memref_slice %arg7[%dma_start3A_136, %dma_start3A_137] : memref<10128x16xf32, #tpu.memory_space<vmem_shared>> -> memref<10128x16xf32, #tpu.memory_space<vmem_shared>>
      tpu.enqueue_indirect_dma source(%arg6 : memref<128x16xf32, #tpu.memory_space<vmem>>) target(%dma_start3A_138 : memref<10128x16xf32, #tpu.memory_space<vmem_shared>>) offsets(%dma_start3A_135 : memref<128xi32, #tpu.memory_space<vmem>>) semaphore(%arg9 : memref<!tpu.dma_semaphore, #tpu.memory_space<semaphore_mem>>) {add = true}
      %dma_start3A_139 = arith.constant 15 : i32
      %dma_start3A_140 = arith.constant 0 : i32
      %dma_start3A_141 = tpu.memref_slice %arg5[%dma_start3A_139, %dma_start3A_140] : memref<16x128xi32, #tpu.memory_space<vmem>> -> memref<1x128xi32, #tpu.memory_space<vmem>>
      %dma_start3A_142 = tpu.memref_squeeze %dma_start3A_141 : memref<1x128xi32, #tpu.memory_space<vmem>> -> memref<128xi32, #tpu.memory_space<vmem>>
      %dma_start3A_143 = arith.constant 0 : i32
      %dma_start3A_144 = arith.constant 0 : i32
      %dma_start3A_145 = tpu.memref_slice %arg7[%dma_start3A_143, %dma_start3A_144] : memref<10128x16xf32, #tpu.memory_space<vmem_shared>> -> memref<10128x16xf32, #tpu.memory_space<vmem_shared>>
      tpu.enqueue_indirect_dma source(%arg6 : memref<128x16xf32, #tpu.memory_space<vmem>>) target(%dma_start3A_145 : memref<10128x16xf32, #tpu.memory_space<vmem_shared>>) offsets(%dma_start3A_142 : memref<128xi32, #tpu.memory_space<vmem>>) semaphore(%arg9 : memref<!tpu.dma_semaphore, #tpu.memory_space<semaphore_mem>>) {add = true}
      %dma_wait3A = arith.constant 0 : i32
      %dma_wait3A_146 = arith.constant 0 : i32
      %dma_wait3A_147 = tpu.memref_slice %arg5[%dma_wait3A, %dma_wait3A_146] : memref<16x128xi32, #tpu.memory_space<vmem>> -> memref<1x128xi32, #tpu.memory_space<vmem>>
      %dma_wait3A_148 = tpu.memref_squeeze %dma_wait3A_147 : memref<1x128xi32, #tpu.memory_space<vmem>> -> memref<128xi32, #tpu.memory_space<vmem>>
      %dma_wait3A_149 = arith.constant 0 : i32
      %dma_wait3A_150 = arith.constant 0 : i32
      %dma_wait3A_151 = tpu.memref_slice %arg7[%dma_wait3A_149, %dma_wait3A_150] : memref<10128x16xf32, #tpu.memory_space<vmem_shared>> -> memref<10128x16xf32, #tpu.memory_space<vmem_shared>>
      tpu.wait_indirect_dma semaphore(%arg8 : memref<!tpu.dma_semaphore, #tpu.memory_space<semaphore_mem>>) src(%arg6 : memref<128x16xf32, #tpu.memory_space<vmem>>) dst(%dma_wait3A_151 : memref<10128x16xf32, #tpu.memory_space<vmem_shared>>)
      %dma_wait3A_152 = arith.constant 1 : i32
      %dma_wait3A_153 = arith.constant 0 : i32
      %dma_wait3A_154 = tpu.memref_slice %arg5[%dma_wait3A_152, %dma_wait3A_153] : memref<16x128xi32, #tpu.memory_space<vmem>> -> memref<1x128xi32, #tpu.memory_space<vmem>>
      %dma_wait3A_155 = tpu.memref_squeeze %dma_wait3A_154 : memref<1x128xi32, #tpu.memory_space<vmem>> -> memref<128xi32, #tpu.memory_space<vmem>>
      %dma_wait3A_156 = arith.constant 0 : i32
      %dma_wait3A_157 = arith.constant 0 : i32
      %dma_wait3A_158 = tpu.memref_slice %arg7[%dma_wait3A_156, %dma_wait3A_157] : memref<10128x16xf32, #tpu.memory_space<vmem_shared>> -> memref<10128x16xf32, #tpu.memory_space<vmem_shared>>
      tpu.wait_indirect_dma semaphore(%arg8 : memref<!tpu.dma_semaphore, #tpu.memory_space<semaphore_mem>>) src(%arg6 : memref<128x16xf32, #tpu.memory_space<vmem>>) dst(%dma_wait3A_158 : memref<10128x16xf32, #tpu.memory_space<vmem_shared>>)
      %dma_wait3A_159 = arith.constant 2 : i32
      %dma_wait3A_160 = arith.constant 0 : i32
      %dma_wait3A_161 = tpu.memref_slice %arg5[%dma_wait3A_159, %dma_wait3A_160] : memref<16x128xi32, #tpu.memory_space<vmem>> -> memref<1x128xi32, #tpu.memory_space<vmem>>
      %dma_wait3A_162 = tpu.memref_squeeze %dma_wait3A_161 : memref<1x128xi32, #tpu.memory_space<vmem>> -> memref<128xi32, #tpu.memory_space<vmem>>
      %dma_wait3A_163 = arith.constant 0 : i32
      %dma_wait3A_164 = arith.constant 0 : i32
      %dma_wait3A_165 = tpu.memref_slice %arg7[%dma_wait3A_163, %dma_wait3A_164] : memref<10128x16xf32, #tpu.memory_space<vmem_shared>> -> memref<10128x16xf32, #tpu.memory_space<vmem_shared>>
      tpu.wait_indirect_dma semaphore(%arg8 : memref<!tpu.dma_semaphore, #tpu.memory_space<semaphore_mem>>) src(%arg6 : memref<128x16xf32, #tpu.memory_space<vmem>>) dst(%dma_wait3A_165 : memref<10128x16xf32, #tpu.memory_space<vmem_shared>>)
      %dma_wait3A_166 = arith.constant 3 : i32
      %dma_wait3A_167 = arith.constant 0 : i32
      %dma_wait3A_168 = tpu.memref_slice %arg5[%dma_wait3A_166, %dma_wait3A_167] : memref<16x128xi32, #tpu.memory_space<vmem>> -> memref<1x128xi32, #tpu.memory_space<vmem>>
      %dma_wait3A_169 = tpu.memref_squeeze %dma_wait3A_168 : memref<1x128xi32, #tpu.memory_space<vmem>> -> memref<128xi32, #tpu.memory_space<vmem>>
      %dma_wait3A_170 = arith.constant 0 : i32
      %dma_wait3A_171 = arith.constant 0 : i32
      %dma_wait3A_172 = tpu.memref_slice %arg7[%dma_wait3A_170, %dma_wait3A_171] : memref<10128x16xf32, #tpu.memory_space<vmem_shared>> -> memref<10128x16xf32, #tpu.memory_space<vmem_shared>>
      tpu.wait_indirect_dma semaphore(%arg8 : memref<!tpu.dma_semaphore, #tpu.memory_space<semaphore_mem>>) src(%arg6 : memref<128x16xf32, #tpu.memory_space<vmem>>) dst(%dma_wait3A_172 : memref<10128x16xf32, #tpu.memory_space<vmem_shared>>)
      %dma_wait3A_173 = arith.constant 4 : i32
      %dma_wait3A_174 = arith.constant 0 : i32
      %dma_wait3A_175 = tpu.memref_slice %arg5[%dma_wait3A_173, %dma_wait3A_174] : memref<16x128xi32, #tpu.memory_space<vmem>> -> memref<1x128xi32, #tpu.memory_space<vmem>>
      %dma_wait3A_176 = tpu.memref_squeeze %dma_wait3A_175 : memref<1x128xi32, #tpu.memory_space<vmem>> -> memref<128xi32, #tpu.memory_space<vmem>>
      %dma_wait3A_177 = arith.constant 0 : i32
      %dma_wait3A_178 = arith.constant 0 : i32
      %dma_wait3A_179 = tpu.memref_slice %arg7[%dma_wait3A_177, %dma_wait3A_178] : memref<10128x16xf32, #tpu.memory_space<vmem_shared>> -> memref<10128x16xf32, #tpu.memory_space<vmem_shared>>
      tpu.wait_indirect_dma semaphore(%arg8 : memref<!tpu.dma_semaphore, #tpu.memory_space<semaphore_mem>>) src(%arg6 : memref<128x16xf32, #tpu.memory_space<vmem>>) dst(%dma_wait3A_179 : memref<10128x16xf32, #tpu.memory_space<vmem_shared>>)
      %dma_wait3A_180 = arith.constant 5 : i32
      %dma_wait3A_181 = arith.constant 0 : i32
      %dma_wait3A_182 = tpu.memref_slice %arg5[%dma_wait3A_180, %dma_wait3A_181] : memref<16x128xi32, #tpu.memory_space<vmem>> -> memref<1x128xi32, #tpu.memory_space<vmem>>
      %dma_wait3A_183 = tpu.memref_squeeze %dma_wait3A_182 : memref<1x128xi32, #tpu.memory_space<vmem>> -> memref<128xi32, #tpu.memory_space<vmem>>
      %dma_wait3A_184 = arith.constant 0 : i32
      %dma_wait3A_185 = arith.constant 0 : i32
      %dma_wait3A_186 = tpu.memref_slice %arg7[%dma_wait3A_184, %dma_wait3A_185] : memref<10128x16xf32, #tpu.memory_space<vmem_shared>> -> memref<10128x16xf32, #tpu.memory_space<vmem_shared>>
      tpu.wait_indirect_dma semaphore(%arg8 : memref<!tpu.dma_semaphore, #tpu.memory_space<semaphore_mem>>) src(%arg6 : memref<128x16xf32, #tpu.memory_space<vmem>>) dst(%dma_wait3A_186 : memref<10128x16xf32, #tpu.memory_space<vmem_shared>>)
      %dma_wait3A_187 = arith.constant 6 : i32
      %dma_wait3A_188 = arith.constant 0 : i32
      %dma_wait3A_189 = tpu.memref_slice %arg5[%dma_wait3A_187, %dma_wait3A_188] : memref<16x128xi32, #tpu.memory_space<vmem>> -> memref<1x128xi32, #tpu.memory_space<vmem>>
      %dma_wait3A_190 = tpu.memref_squeeze %dma_wait3A_189 : memref<1x128xi32, #tpu.memory_space<vmem>> -> memref<128xi32, #tpu.memory_space<vmem>>
      %dma_wait3A_191 = arith.constant 0 : i32
      %dma_wait3A_192 = arith.constant 0 : i32
      %dma_wait3A_193 = tpu.memref_slice %arg7[%dma_wait3A_191, %dma_wait3A_192] : memref<10128x16xf32, #tpu.memory_space<vmem_shared>> -> memref<10128x16xf32, #tpu.memory_space<vmem_shared>>
      tpu.wait_indirect_dma semaphore(%arg8 : memref<!tpu.dma_semaphore, #tpu.memory_space<semaphore_mem>>) src(%arg6 : memref<128x16xf32, #tpu.memory_space<vmem>>) dst(%dma_wait3A_193 : memref<10128x16xf32, #tpu.memory_space<vmem_shared>>)
      %dma_wait3A_194 = arith.constant 7 : i32
      %dma_wait3A_195 = arith.constant 0 : i32
      %dma_wait3A_196 = tpu.memref_slice %arg5[%dma_wait3A_194, %dma_wait3A_195] : memref<16x128xi32, #tpu.memory_space<vmem>> -> memref<1x128xi32, #tpu.memory_space<vmem>>
      %dma_wait3A_197 = tpu.memref_squeeze %dma_wait3A_196 : memref<1x128xi32, #tpu.memory_space<vmem>> -> memref<128xi32, #tpu.memory_space<vmem>>
      %dma_wait3A_198 = arith.constant 0 : i32
      %dma_wait3A_199 = arith.constant 0 : i32
      %dma_wait3A_200 = tpu.memref_slice %arg7[%dma_wait3A_198, %dma_wait3A_199] : memref<10128x16xf32, #tpu.memory_space<vmem_shared>> -> memref<10128x16xf32, #tpu.memory_space<vmem_shared>>
      tpu.wait_indirect_dma semaphore(%arg8 : memref<!tpu.dma_semaphore, #tpu.memory_space<semaphore_mem>>) src(%arg6 : memref<128x16xf32, #tpu.memory_space<vmem>>) dst(%dma_wait3A_200 : memref<10128x16xf32, #tpu.memory_space<vmem_shared>>)
      %dma_wait3A_201 = arith.constant 8 : i32
      %dma_wait3A_202 = arith.constant 0 : i32
      %dma_wait3A_203 = tpu.memref_slice %arg5[%dma_wait3A_201, %dma_wait3A_202] : memref<16x128xi32, #tpu.memory_space<vmem>> -> memref<1x128xi32, #tpu.memory_space<vmem>>
      %dma_wait3A_204 = tpu.memref_squeeze %dma_wait3A_203 : memref<1x128xi32, #tpu.memory_space<vmem>> -> memref<128xi32, #tpu.memory_space<vmem>>
      %dma_wait3A_205 = arith.constant 0 : i32
      %dma_wait3A_206 = arith.constant 0 : i32
      %dma_wait3A_207 = tpu.memref_slice %arg7[%dma_wait3A_205, %dma_wait3A_206] : memref<10128x16xf32, #tpu.memory_space<vmem_shared>> -> memref<10128x16xf32, #tpu.memory_space<vmem_shared>>
      tpu.wait_indirect_dma semaphore(%arg9 : memref<!tpu.dma_semaphore, #tpu.memory_space<semaphore_mem>>) src(%arg6 : memref<128x16xf32, #tpu.memory_space<vmem>>) dst(%dma_wait3A_207 : memref<10128x16xf32, #tpu.memory_space<vmem_shared>>)
      %dma_wait3A_208 = arith.constant 9 : i32
      %dma_wait3A_209 = arith.constant 0 : i32
      %dma_wait3A_210 = tpu.memref_slice %arg5[%dma_wait3A_208, %dma_wait3A_209] : memref<16x128xi32, #tpu.memory_space<vmem>> -> memref<1x128xi32, #tpu.memory_space<vmem>>
      %dma_wait3A_211 = tpu.memref_squeeze %dma_wait3A_210 : memref<1x128xi32, #tpu.memory_space<vmem>> -> memref<128xi32, #tpu.memory_space<vmem>>
      %dma_wait3A_212 = arith.constant 0 : i32
      %dma_wait3A_213 = arith.constant 0 : i32
      %dma_wait3A_214 = tpu.memref_slice %arg7[%dma_wait3A_212, %dma_wait3A_213] : memref<10128x16xf32, #tpu.memory_space<vmem_shared>> -> memref<10128x16xf32, #tpu.memory_space<vmem_shared>>
      tpu.wait_indirect_dma semaphore(%arg9 : memref<!tpu.dma_semaphore, #tpu.memory_space<semaphore_mem>>) src(%arg6 : memref<128x16xf32, #tpu.memory_space<vmem>>) dst(%dma_wait3A_214 : memref<10128x16xf32, #tpu.memory_space<vmem_shared>>)
      %dma_wait3A_215 = arith.constant 10 : i32
      %dma_wait3A_216 = arith.constant 0 : i32
      %dma_wait3A_217 = tpu.memref_slice %arg5[%dma_wait3A_215, %dma_wait3A_216] : memref<16x128xi32, #tpu.memory_space<vmem>> -> memref<1x128xi32, #tpu.memory_space<vmem>>
      %dma_wait3A_218 = tpu.memref_squeeze %dma_wait3A_217 : memref<1x128xi32, #tpu.memory_space<vmem>> -> memref<128xi32, #tpu.memory_space<vmem>>
      %dma_wait3A_219 = arith.constant 0 : i32
      %dma_wait3A_220 = arith.constant 0 : i32
      %dma_wait3A_221 = tpu.memref_slice %arg7[%dma_wait3A_219, %dma_wait3A_220] : memref<10128x16xf32, #tpu.memory_space<vmem_shared>> -> memref<10128x16xf32, #tpu.memory_space<vmem_shared>>
      tpu.wait_indirect_dma semaphore(%arg9 : memref<!tpu.dma_semaphore, #tpu.memory_space<semaphore_mem>>) src(%arg6 : memref<128x16xf32, #tpu.memory_space<vmem>>) dst(%dma_wait3A_221 : memref<10128x16xf32, #tpu.memory_space<vmem_shared>>)
      %dma_wait3A_222 = arith.constant 11 : i32
      %dma_wait3A_223 = arith.constant 0 : i32
      %dma_wait3A_224 = tpu.memref_slice %arg5[%dma_wait3A_222, %dma_wait3A_223] : memref<16x128xi32, #tpu.memory_space<vmem>> -> memref<1x128xi32, #tpu.memory_space<vmem>>
      %dma_wait3A_225 = tpu.memref_squeeze %dma_wait3A_224 : memref<1x128xi32, #tpu.memory_space<vmem>> -> memref<128xi32, #tpu.memory_space<vmem>>
      %dma_wait3A_226 = arith.constant 0 : i32
      %dma_wait3A_227 = arith.constant 0 : i32
      %dma_wait3A_228 = tpu.memref_slice %arg7[%dma_wait3A_226, %dma_wait3A_227] : memref<10128x16xf32, #tpu.memory_space<vmem_shared>> -> memref<10128x16xf32, #tpu.memory_space<vmem_shared>>
      tpu.wait_indirect_dma semaphore(%arg9 : memref<!tpu.dma_semaphore, #tpu.memory_space<semaphore_mem>>) src(%arg6 : memref<128x16xf32, #tpu.memory_space<vmem>>) dst(%dma_wait3A_228 : memref<10128x16xf32, #tpu.memory_space<vmem_shared>>)
      %dma_wait3A_229 = arith.constant 12 : i32
      %dma_wait3A_230 = arith.constant 0 : i32
      %dma_wait3A_231 = tpu.memref_slice %arg5[%dma_wait3A_229, %dma_wait3A_230] : memref<16x128xi32, #tpu.memory_space<vmem>> -> memref<1x128xi32, #tpu.memory_space<vmem>>
      %dma_wait3A_232 = tpu.memref_squeeze %dma_wait3A_231 : memref<1x128xi32, #tpu.memory_space<vmem>> -> memref<128xi32, #tpu.memory_space<vmem>>
      %dma_wait3A_233 = arith.constant 0 : i32
      %dma_wait3A_234 = arith.constant 0 : i32
      %dma_wait3A_235 = tpu.memref_slice %arg7[%dma_wait3A_233, %dma_wait3A_234] : memref<10128x16xf32, #tpu.memory_space<vmem_shared>> -> memref<10128x16xf32, #tpu.memory_space<vmem_shared>>
      tpu.wait_indirect_dma semaphore(%arg9 : memref<!tpu.dma_semaphore, #tpu.memory_space<semaphore_mem>>) src(%arg6 : memref<128x16xf32, #tpu.memory_space<vmem>>) dst(%dma_wait3A_235 : memref<10128x16xf32, #tpu.memory_space<vmem_shared>>)
      %dma_wait3A_236 = arith.constant 13 : i32
      %dma_wait3A_237 = arith.constant 0 : i32
      %dma_wait3A_238 = tpu.memref_slice %arg5[%dma_wait3A_236, %dma_wait3A_237] : memref<16x128xi32, #tpu.memory_space<vmem>> -> memref<1x128xi32, #tpu.memory_space<vmem>>
      %dma_wait3A_239 = tpu.memref_squeeze %dma_wait3A_238 : memref<1x128xi32, #tpu.memory_space<vmem>> -> memref<128xi32, #tpu.memory_space<vmem>>
      %dma_wait3A_240 = arith.constant 0 : i32
      %dma_wait3A_241 = arith.constant 0 : i32
      %dma_wait3A_242 = tpu.memref_slice %arg7[%dma_wait3A_240, %dma_wait3A_241] : memref<10128x16xf32, #tpu.memory_space<vmem_shared>> -> memref<10128x16xf32, #tpu.memory_space<vmem_shared>>
      tpu.wait_indirect_dma semaphore(%arg9 : memref<!tpu.dma_semaphore, #tpu.memory_space<semaphore_mem>>) src(%arg6 : memref<128x16xf32, #tpu.memory_space<vmem>>) dst(%dma_wait3A_242 : memref<10128x16xf32, #tpu.memory_space<vmem_shared>>)
      %dma_wait3A_243 = arith.constant 14 : i32
      %dma_wait3A_244 = arith.constant 0 : i32
      %dma_wait3A_245 = tpu.memref_slice %arg5[%dma_wait3A_243, %dma_wait3A_244] : memref<16x128xi32, #tpu.memory_space<vmem>> -> memref<1x128xi32, #tpu.memory_space<vmem>>
      %dma_wait3A_246 = tpu.memref_squeeze %dma_wait3A_245 : memref<1x128xi32, #tpu.memory_space<vmem>> -> memref<128xi32, #tpu.memory_space<vmem>>
      %dma_wait3A_247 = arith.constant 0 : i32
      %dma_wait3A_248 = arith.constant 0 : i32
      %dma_wait3A_249 = tpu.memref_slice %arg7[%dma_wait3A_247, %dma_wait3A_248] : memref<10128x16xf32, #tpu.memory_space<vmem_shared>> -> memref<10128x16xf32, #tpu.memory_space<vmem_shared>>
      tpu.wait_indirect_dma semaphore(%arg9 : memref<!tpu.dma_semaphore, #tpu.memory_space<semaphore_mem>>) src(%arg6 : memref<128x16xf32, #tpu.memory_space<vmem>>) dst(%dma_wait3A_249 : memref<10128x16xf32, #tpu.memory_space<vmem_shared>>)
      %dma_wait3A_250 = arith.constant 15 : i32
      %dma_wait3A_251 = arith.constant 0 : i32
      %dma_wait3A_252 = tpu.memref_slice %arg5[%dma_wait3A_250, %dma_wait3A_251] : memref<16x128xi32, #tpu.memory_space<vmem>> -> memref<1x128xi32, #tpu.memory_space<vmem>>
      %dma_wait3A_253 = tpu.memref_squeeze %dma_wait3A_252 : memref<1x128xi32, #tpu.memory_space<vmem>> -> memref<128xi32, #tpu.memory_space<vmem>>
      %dma_wait3A_254 = arith.constant 0 : i32
      %dma_wait3A_255 = arith.constant 0 : i32
      %dma_wait3A_256 = tpu.memref_slice %arg7[%dma_wait3A_254, %dma_wait3A_255] : memref<10128x16xf32, #tpu.memory_space<vmem_shared>> -> memref<10128x16xf32, #tpu.memory_space<vmem_shared>>
      tpu.wait_indirect_dma semaphore(%arg9 : memref<!tpu.dma_semaphore, #tpu.memory_space<semaphore_mem>>) src(%arg6 : memref<128x16xf32, #tpu.memory_space<vmem>>) dst(%dma_wait3A_256 : memref<10128x16xf32, #tpu.memory_space<vmem_shared>>)
    }
    %scan3A_9 = arith.constant 5 : i32
    %barrier3A_10 = arith.constant 0 : index
    tpu.barrier barrier_id(%barrier3A_10)
    "tpu.region"() ({
      %run_scoped3A = tpu.sem_alloc : memref<!tpu.dma_semaphore, #tpu.memory_space<semaphore_mem>>
      %dma_start3A = arith.constant 0 : i32
      %dma_start3A_16 = tpu.memref_slice %arg4[%arg0, %multiple_of3A, %dma_start3A] : memref<2x10000x16xf32, #tpu.memory_space<hbm>> -> memref<1x624x16xf32, #tpu.memory_space<hbm>>
      %dma_start3A_17 = tpu.memref_squeeze %dma_start3A_16 : memref<1x624x16xf32, #tpu.memory_space<hbm>> -> memref<624x16xf32, #tpu.memory_space<hbm>>
      %dma_start3A_18 = arith.constant 0 : i32
      %dma_start3A_19 = tpu.memref_slice %arg7[%multiple_of3A, %dma_start3A_18] : memref<10128x16xf32, #tpu.memory_space<vmem_shared>> -> memref<624x16xf32, #tpu.memory_space<vmem_shared>>
      tpu.enqueue_dma source(%dma_start3A_19 : memref<624x16xf32, #tpu.memory_space<vmem_shared>>) target(%dma_start3A_17 : memref<624x16xf32, #tpu.memory_space<hbm>>) target_semaphore(%run_scoped3A : memref<!tpu.dma_semaphore, #tpu.memory_space<semaphore_mem>>)
      %dma_wait3A = arith.constant 0 : i32
      %dma_wait3A_20 = tpu.memref_slice %arg4[%arg0, %multiple_of3A, %dma_wait3A] : memref<2x10000x16xf32, #tpu.memory_space<hbm>> -> memref<1x624x16xf32, #tpu.memory_space<hbm>>
      %dma_wait3A_21 = tpu.memref_squeeze %dma_wait3A_20 : memref<1x624x16xf32, #tpu.memory_space<hbm>> -> memref<624x16xf32, #tpu.memory_space<hbm>>
      %dma_wait3A_22 = arith.constant 0 : i32
      %dma_wait3A_23 = tpu.memref_slice %arg7[%multiple_of3A, %dma_wait3A_22] : memref<10128x16xf32, #tpu.memory_space<vmem_shared>> -> memref<624x16xf32, #tpu.memory_space<vmem_shared>>
      tpu.wait_dma2 semaphore(%run_scoped3A : memref<!tpu.dma_semaphore, #tpu.memory_space<semaphore_mem>>) src(%dma_wait3A_23 : memref<624x16xf32, #tpu.memory_space<vmem_shared>>) dst(%dma_wait3A_21 : memref<624x16xf32, #tpu.memory_space<hbm>>)
      tpu.yield
    }) : () -> ()
    %eq3A_11 = arith.constant 15 : i32
    %eq3A_12 = arith.cmpi eq, %arg1, %eq3A_11 : i32
    %convert_element_type3A_13 = arith.extui %eq3A_12 : i1 to i32
    %cond3A_14 = arith.constant 0 : i32
    %cond3A_15 = arith.cmpi ne, %convert_element_type3A_13, %cond3A_14 : i32
    scf.if %cond3A_15 {
      "tpu.region"() ({
        %run_scoped3A = tpu.sem_alloc : memref<!tpu.dma_semaphore, #tpu.memory_space<semaphore_mem>>
        %dma_start3A = arith.constant 9984 : i32
        %dma_start3A_16 = arith.constant 0 : i32
        %dma_start3A_17 = tpu.memref_slice %arg4[%arg0, %dma_start3A, %dma_start3A_16] : memref<2x10000x16xf32, #tpu.memory_space<hbm>> -> memref<1x16x16xf32, #tpu.memory_space<hbm>>
        %dma_start3A_18 = tpu.memref_squeeze %dma_start3A_17 : memref<1x16x16xf32, #tpu.memory_space<hbm>> -> memref<16x16xf32, #tpu.memory_space<hbm>>
        %dma_start3A_19 = arith.constant 9984 : i32
        %dma_start3A_20 = arith.constant 0 : i32
        %dma_start3A_21 = tpu.memref_slice %arg7[%dma_start3A_19, %dma_start3A_20] : memref<10128x16xf32, #tpu.memory_space<vmem_shared>> -> memref<16x16xf32, #tpu.memory_space<vmem_shared>>
        tpu.enqueue_dma source(%dma_start3A_21 : memref<16x16xf32, #tpu.memory_space<vmem_shared>>) target(%dma_start3A_18 : memref<16x16xf32, #tpu.memory_space<hbm>>) target_semaphore(%run_scoped3A : memref<!tpu.dma_semaphore, #tpu.memory_space<semaphore_mem>>)
        %dma_wait3A = arith.constant 9984 : i32
        %dma_wait3A_22 = arith.constant 0 : i32
        %dma_wait3A_23 = tpu.memref_slice %arg4[%arg0, %dma_wait3A, %dma_wait3A_22] : memref<2x10000x16xf32, #tpu.memory_space<hbm>> -> memref<1x16x16xf32, #tpu.memory_space<hbm>>
        %dma_wait3A_24 = tpu.memref_squeeze %dma_wait3A_23 : memref<1x16x16xf32, #tpu.memory_space<hbm>> -> memref<16x16xf32, #tpu.memory_space<hbm>>
        %dma_wait3A_25 = arith.constant 9984 : i32
        %dma_wait3A_26 = arith.constant 0 : i32
        %dma_wait3A_27 = tpu.memref_slice %arg7[%dma_wait3A_25, %dma_wait3A_26] : memref<10128x16xf32, #tpu.memory_space<vmem_shared>> -> memref<16x16xf32, #tpu.memory_space<vmem_shared>>
        tpu.wait_dma2 semaphore(%run_scoped3A : memref<!tpu.dma_semaphore, #tpu.memory_space<semaphore_mem>>) src(%dma_wait3A_27 : memref<16x16xf32, #tpu.memory_space<vmem_shared>>) dst(%dma_wait3A_24 : memref<16x16xf32, #tpu.memory_space<hbm>>)
        tpu.yield
      }) : () -> ()
    } else {
    }
    return
  }
}

#map = affine_map<(d0, d1) -> (0, 0)>
#map1 = affine_map<(d0, d1) -> (0, 0, 0)>
module attributes {stable_mosaic.version = 14 : i64} {
  func.func @scatter_kernel(%arg0: i32, %arg1: i32, %arg2: memref<10000x64xf32, #tpu.memory_space<hbm>>, %arg3: memref<10000x64xf32, #tpu.memory_space<hbm>>, %arg4: memref<2560x128xi32, #tpu.memory_space<hbm>>, %arg5: memref<2560x128xi32, #tpu.memory_space<hbm>>, %arg6: memref<2x10000x64xf32, #tpu.memory_space<hbm>>, %arg7: memref<16x128xi32, #tpu.memory_space<vmem>>, %arg8: memref<16x128xi32, #tpu.memory_space<vmem>>, %arg9: memref<640x64xf32, #tpu.memory_space<vmem>>, %arg10: memref<10128x64xf32, #tpu.memory_space<vmem_shared>>, %arg11: memref<!tpu.dma_semaphore, #tpu.memory_space<semaphore_mem>>, %arg12: memref<!tpu.dma_semaphore, #tpu.memory_space<semaphore_mem>>, %arg13: memref<!tpu.dma_semaphore, #tpu.memory_space<semaphore_mem>>, %arg14: memref<!tpu.dma_semaphore, #tpu.memory_space<semaphore_mem>>, %arg15: memref<!tpu.dma_semaphore, #tpu.memory_space<semaphore_mem>>, %arg16: memref<!tpu.dma_semaphore, #tpu.memory_space<semaphore_mem>>, %arg17: memref<!tpu.dma_semaphore, #tpu.memory_space<semaphore_mem>>, %arg18: memref<!tpu.dma_semaphore, #tpu.memory_space<semaphore_mem>>, %arg19: memref<!tpu.dma_semaphore, #tpu.memory_space<semaphore_mem>>, %arg20: memref<!tpu.dma_semaphore, #tpu.memory_space<semaphore_mem>>, %arg21: memref<!tpu.dma_semaphore, #tpu.memory_space<semaphore_mem>>, %arg22: memref<!tpu.dma_semaphore, #tpu.memory_space<semaphore_mem>>, %arg23: memref<!tpu.dma_semaphore, #tpu.memory_space<semaphore_mem>>, %arg24: memref<!tpu.dma_semaphore, #tpu.memory_space<semaphore_mem>>, %arg25: memref<10000x64xf32, #tpu.memory_space<vmem_shared>>) attributes {dimension_semantics = [#tpu.dimension_semantics<core_parallel>, #tpu.dimension_semantics<subcore_parallel>], iteration_bounds = array<i64: 2, 16>, scalar_prefetch = 0 : i64, scratch_operands = 19 : i64, tpu.core_type = #tpu.core_type<sc_vector_subcore>, window_params = [{transform_indices = #map}, {transform_indices = #map}, {transform_indices = #map}, {transform_indices = #map}, {transform_indices = #map1}]} {
    %mul3A = arith.constant 2 : i32
    %mul3A_0 = arith.muli %arg1, %mul3A : i32
    %add3A = arith.addi %mul3A_0, %arg0 : i32
    %mul3A_1 = arith.constant 624 : i32
    %mul3A_2 = arith.muli %arg1, %mul3A_1 : i32
    %multiple_of3A = tpu.assume_multiple %mul3A_2, 8 : i32
    %eq3A = arith.constant 0 : i32
    %eq3A_3 = arith.cmpi eq, %arg0, %eq3A : i32
    %convert_element_type3A = arith.extui %eq3A_3 : i1 to i32
    %cond3A = arith.constant 0 : i32
    %cond3A_4 = arith.cmpi ne, %convert_element_type3A, %cond3A : i32
    scf.if %cond3A_4 {
      "tpu.region"() ({
        %run_scoped3A = tpu.sem_alloc : memref<!tpu.dma_semaphore, #tpu.memory_space<semaphore_mem>>
        %dma_start3A = arith.constant 0 : i32
        %dma_start3A_31 = tpu.memref_slice %arg10[%multiple_of3A, %dma_start3A] : memref<10128x64xf32, #tpu.memory_space<vmem_shared>> -> memref<624x64xf32, #tpu.memory_space<vmem_shared>>
        %dma_start3A_32 = arith.constant 0 : i32
        %dma_start3A_33 = tpu.memref_slice %arg2[%multiple_of3A, %dma_start3A_32] : memref<10000x64xf32, #tpu.memory_space<hbm>> -> memref<624x64xf32, #tpu.memory_space<hbm>>
        tpu.enqueue_dma source(%dma_start3A_33 : memref<624x64xf32, #tpu.memory_space<hbm>>) target(%dma_start3A_31 : memref<624x64xf32, #tpu.memory_space<vmem_shared>>) target_semaphore(%run_scoped3A : memref<!tpu.dma_semaphore, #tpu.memory_space<semaphore_mem>>)
        %dma_wait3A = arith.constant 0 : i32
        %dma_wait3A_34 = tpu.memref_slice %arg10[%multiple_of3A, %dma_wait3A] : memref<10128x64xf32, #tpu.memory_space<vmem_shared>> -> memref<624x64xf32, #tpu.memory_space<vmem_shared>>
        %dma_wait3A_35 = arith.constant 0 : i32
        %dma_wait3A_36 = tpu.memref_slice %arg2[%multiple_of3A, %dma_wait3A_35] : memref<10000x64xf32, #tpu.memory_space<hbm>> -> memref<624x64xf32, #tpu.memory_space<hbm>>
        tpu.wait_dma2 semaphore(%run_scoped3A : memref<!tpu.dma_semaphore, #tpu.memory_space<semaphore_mem>>) src(%dma_wait3A_36 : memref<624x64xf32, #tpu.memory_space<hbm>>) dst(%dma_wait3A_34 : memref<624x64xf32, #tpu.memory_space<vmem_shared>>)
        tpu.yield
      }) : () -> ()
      %eq3A_26 = arith.constant 15 : i32
      %eq3A_27 = arith.cmpi eq, %arg1, %eq3A_26 : i32
      %convert_element_type3A_28 = arith.extui %eq3A_27 : i1 to i32
      %cond3A_29 = arith.constant 0 : i32
      %cond3A_30 = arith.cmpi ne, %convert_element_type3A_28, %cond3A_29 : i32
      scf.if %cond3A_30 {
        "tpu.region"() ({
          %run_scoped3A = tpu.sem_alloc : memref<!tpu.dma_semaphore, #tpu.memory_space<semaphore_mem>>
          %dma_start3A = arith.constant 9984 : i32
          %dma_start3A_31 = arith.constant 0 : i32
          %dma_start3A_32 = tpu.memref_slice %arg10[%dma_start3A, %dma_start3A_31] : memref<10128x64xf32, #tpu.memory_space<vmem_shared>> -> memref<16x64xf32, #tpu.memory_space<vmem_shared>>
          %dma_start3A_33 = arith.constant 9984 : i32
          %dma_start3A_34 = arith.constant 0 : i32
          %dma_start3A_35 = tpu.memref_slice %arg2[%dma_start3A_33, %dma_start3A_34] : memref<10000x64xf32, #tpu.memory_space<hbm>> -> memref<16x64xf32, #tpu.memory_space<hbm>>
          tpu.enqueue_dma source(%dma_start3A_35 : memref<16x64xf32, #tpu.memory_space<hbm>>) target(%dma_start3A_32 : memref<16x64xf32, #tpu.memory_space<vmem_shared>>) target_semaphore(%run_scoped3A : memref<!tpu.dma_semaphore, #tpu.memory_space<semaphore_mem>>)
          %dma_wait3A = arith.constant 9984 : i32
          %dma_wait3A_36 = arith.constant 0 : i32
          %dma_wait3A_37 = tpu.memref_slice %arg10[%dma_wait3A, %dma_wait3A_36] : memref<10128x64xf32, #tpu.memory_space<vmem_shared>> -> memref<16x64xf32, #tpu.memory_space<vmem_shared>>
          %dma_wait3A_38 = arith.constant 9984 : i32
          %dma_wait3A_39 = arith.constant 0 : i32
          %dma_wait3A_40 = tpu.memref_slice %arg2[%dma_wait3A_38, %dma_wait3A_39] : memref<10000x64xf32, #tpu.memory_space<hbm>> -> memref<16x64xf32, #tpu.memory_space<hbm>>
          tpu.wait_dma2 semaphore(%run_scoped3A : memref<!tpu.dma_semaphore, #tpu.memory_space<semaphore_mem>>) src(%dma_wait3A_40 : memref<16x64xf32, #tpu.memory_space<hbm>>) dst(%dma_wait3A_37 : memref<16x64xf32, #tpu.memory_space<vmem_shared>>)
          tpu.yield
        }) : () -> ()
      } else {
      }
    } else {
    }
    %eq3A_5 = arith.constant 1 : i32
    %eq3A_6 = arith.cmpi eq, %arg0, %eq3A_5 : i32
    %convert_element_type3A_7 = arith.extui %eq3A_6 : i1 to i32
    %cond3A_8 = arith.constant 0 : i32
    %cond3A_9 = arith.cmpi ne, %convert_element_type3A_7, %cond3A_8 : i32
    scf.if %cond3A_9 {
      "tpu.region"() ({
        %run_scoped3A = tpu.sem_alloc : memref<!tpu.dma_semaphore, #tpu.memory_space<semaphore_mem>>
        %dma_start3A = arith.constant 0 : i32
        %dma_start3A_31 = tpu.memref_slice %arg10[%multiple_of3A, %dma_start3A] : memref<10128x64xf32, #tpu.memory_space<vmem_shared>> -> memref<624x64xf32, #tpu.memory_space<vmem_shared>>
        %dma_start3A_32 = arith.constant 0 : i32
        %dma_start3A_33 = tpu.memref_slice %arg3[%multiple_of3A, %dma_start3A_32] : memref<10000x64xf32, #tpu.memory_space<hbm>> -> memref<624x64xf32, #tpu.memory_space<hbm>>
        tpu.enqueue_dma source(%dma_start3A_33 : memref<624x64xf32, #tpu.memory_space<hbm>>) target(%dma_start3A_31 : memref<624x64xf32, #tpu.memory_space<vmem_shared>>) target_semaphore(%run_scoped3A : memref<!tpu.dma_semaphore, #tpu.memory_space<semaphore_mem>>)
        %dma_wait3A = arith.constant 0 : i32
        %dma_wait3A_34 = tpu.memref_slice %arg10[%multiple_of3A, %dma_wait3A] : memref<10128x64xf32, #tpu.memory_space<vmem_shared>> -> memref<624x64xf32, #tpu.memory_space<vmem_shared>>
        %dma_wait3A_35 = arith.constant 0 : i32
        %dma_wait3A_36 = tpu.memref_slice %arg3[%multiple_of3A, %dma_wait3A_35] : memref<10000x64xf32, #tpu.memory_space<hbm>> -> memref<624x64xf32, #tpu.memory_space<hbm>>
        tpu.wait_dma2 semaphore(%run_scoped3A : memref<!tpu.dma_semaphore, #tpu.memory_space<semaphore_mem>>) src(%dma_wait3A_36 : memref<624x64xf32, #tpu.memory_space<hbm>>) dst(%dma_wait3A_34 : memref<624x64xf32, #tpu.memory_space<vmem_shared>>)
        tpu.yield
      }) : () -> ()
      %eq3A_26 = arith.constant 15 : i32
      %eq3A_27 = arith.cmpi eq, %arg1, %eq3A_26 : i32
      %convert_element_type3A_28 = arith.extui %eq3A_27 : i1 to i32
      %cond3A_29 = arith.constant 0 : i32
      %cond3A_30 = arith.cmpi ne, %convert_element_type3A_28, %cond3A_29 : i32
      scf.if %cond3A_30 {
        "tpu.region"() ({
          %run_scoped3A = tpu.sem_alloc : memref<!tpu.dma_semaphore, #tpu.memory_space<semaphore_mem>>
          %dma_start3A = arith.constant 9984 : i32
          %dma_start3A_31 = arith.constant 0 : i32
          %dma_start3A_32 = tpu.memref_slice %arg10[%dma_start3A, %dma_start3A_31] : memref<10128x64xf32, #tpu.memory_space<vmem_shared>> -> memref<16x64xf32, #tpu.memory_space<vmem_shared>>
          %dma_start3A_33 = arith.constant 9984 : i32
          %dma_start3A_34 = arith.constant 0 : i32
          %dma_start3A_35 = tpu.memref_slice %arg3[%dma_start3A_33, %dma_start3A_34] : memref<10000x64xf32, #tpu.memory_space<hbm>> -> memref<16x64xf32, #tpu.memory_space<hbm>>
          tpu.enqueue_dma source(%dma_start3A_35 : memref<16x64xf32, #tpu.memory_space<hbm>>) target(%dma_start3A_32 : memref<16x64xf32, #tpu.memory_space<vmem_shared>>) target_semaphore(%run_scoped3A : memref<!tpu.dma_semaphore, #tpu.memory_space<semaphore_mem>>)
          %dma_wait3A = arith.constant 9984 : i32
          %dma_wait3A_36 = arith.constant 0 : i32
          %dma_wait3A_37 = tpu.memref_slice %arg10[%dma_wait3A, %dma_wait3A_36] : memref<10128x64xf32, #tpu.memory_space<vmem_shared>> -> memref<16x64xf32, #tpu.memory_space<vmem_shared>>
          %dma_wait3A_38 = arith.constant 9984 : i32
          %dma_wait3A_39 = arith.constant 0 : i32
          %dma_wait3A_40 = tpu.memref_slice %arg3[%dma_wait3A_38, %dma_wait3A_39] : memref<10000x64xf32, #tpu.memory_space<hbm>> -> memref<16x64xf32, #tpu.memory_space<hbm>>
          tpu.wait_dma2 semaphore(%run_scoped3A : memref<!tpu.dma_semaphore, #tpu.memory_space<semaphore_mem>>) src(%dma_wait3A_40 : memref<16x64xf32, #tpu.memory_space<hbm>>) dst(%dma_wait3A_37 : memref<16x64xf32, #tpu.memory_space<vmem_shared>>)
          tpu.yield
        }) : () -> ()
      } else {
      }
    } else {
    }
    "tpu.region"() ({
      %run_scoped3A = tpu.sem_alloc : memref<!tpu.dma_semaphore, #tpu.memory_space<semaphore_mem>>
      %dma_start3A = arith.constant 0 : i32
      %dma_start3A_26 = tpu.memref_slice %arg25[%multiple_of3A, %dma_start3A] : memref<10000x64xf32, #tpu.memory_space<vmem_shared>> -> memref<624x64xf32, #tpu.memory_space<vmem_shared>>
      %dma_start3A_27 = arith.constant 0 : i32
      %dma_start3A_28 = tpu.memref_slice %arg2[%multiple_of3A, %dma_start3A_27] : memref<10000x64xf32, #tpu.memory_space<hbm>> -> memref<624x64xf32, #tpu.memory_space<hbm>>
      tpu.enqueue_dma source(%dma_start3A_28 : memref<624x64xf32, #tpu.memory_space<hbm>>) target(%dma_start3A_26 : memref<624x64xf32, #tpu.memory_space<vmem_shared>>) target_semaphore(%run_scoped3A : memref<!tpu.dma_semaphore, #tpu.memory_space<semaphore_mem>>)
      %dma_wait3A = arith.constant 0 : i32
      %dma_wait3A_29 = tpu.memref_slice %arg25[%multiple_of3A, %dma_wait3A] : memref<10000x64xf32, #tpu.memory_space<vmem_shared>> -> memref<624x64xf32, #tpu.memory_space<vmem_shared>>
      %dma_wait3A_30 = arith.constant 0 : i32
      %dma_wait3A_31 = tpu.memref_slice %arg2[%multiple_of3A, %dma_wait3A_30] : memref<10000x64xf32, #tpu.memory_space<hbm>> -> memref<624x64xf32, #tpu.memory_space<hbm>>
      tpu.wait_dma2 semaphore(%run_scoped3A : memref<!tpu.dma_semaphore, #tpu.memory_space<semaphore_mem>>) src(%dma_wait3A_31 : memref<624x64xf32, #tpu.memory_space<hbm>>) dst(%dma_wait3A_29 : memref<624x64xf32, #tpu.memory_space<vmem_shared>>)
      tpu.yield
    }) : () -> ()
    %eq3A_10 = arith.constant 15 : i32
    %eq3A_11 = arith.cmpi eq, %arg1, %eq3A_10 : i32
    %convert_element_type3A_12 = arith.extui %eq3A_11 : i1 to i32
    %cond3A_13 = arith.constant 0 : i32
    %cond3A_14 = arith.cmpi ne, %convert_element_type3A_12, %cond3A_13 : i32
    scf.if %cond3A_14 {
      "tpu.region"() ({
        %run_scoped3A = tpu.sem_alloc : memref<!tpu.dma_semaphore, #tpu.memory_space<semaphore_mem>>
        %dma_start3A = arith.constant 9984 : i32
        %dma_start3A_26 = arith.constant 0 : i32
        %dma_start3A_27 = tpu.memref_slice %arg25[%dma_start3A, %dma_start3A_26] : memref<10000x64xf32, #tpu.memory_space<vmem_shared>> -> memref<16x64xf32, #tpu.memory_space<vmem_shared>>
        %dma_start3A_28 = arith.constant 9984 : i32
        %dma_start3A_29 = arith.constant 0 : i32
        %dma_start3A_30 = tpu.memref_slice %arg2[%dma_start3A_28, %dma_start3A_29] : memref<10000x64xf32, #tpu.memory_space<hbm>> -> memref<16x64xf32, #tpu.memory_space<hbm>>
        tpu.enqueue_dma source(%dma_start3A_30 : memref<16x64xf32, #tpu.memory_space<hbm>>) target(%dma_start3A_27 : memref<16x64xf32, #tpu.memory_space<vmem_shared>>) target_semaphore(%run_scoped3A : memref<!tpu.dma_semaphore, #tpu.memory_space<semaphore_mem>>)
        %dma_wait3A = arith.constant 9984 : i32
        %dma_wait3A_31 = arith.constant 0 : i32
        %dma_wait3A_32 = tpu.memref_slice %arg25[%dma_wait3A, %dma_wait3A_31] : memref<10000x64xf32, #tpu.memory_space<vmem_shared>> -> memref<16x64xf32, #tpu.memory_space<vmem_shared>>
        %dma_wait3A_33 = arith.constant 9984 : i32
        %dma_wait3A_34 = arith.constant 0 : i32
        %dma_wait3A_35 = tpu.memref_slice %arg2[%dma_wait3A_33, %dma_wait3A_34] : memref<10000x64xf32, #tpu.memory_space<hbm>> -> memref<16x64xf32, #tpu.memory_space<hbm>>
        tpu.wait_dma2 semaphore(%run_scoped3A : memref<!tpu.dma_semaphore, #tpu.memory_space<semaphore_mem>>) src(%dma_wait3A_35 : memref<16x64xf32, #tpu.memory_space<hbm>>) dst(%dma_wait3A_32 : memref<16x64xf32, #tpu.memory_space<vmem_shared>>)
        tpu.yield
      }) : () -> ()
    } else {
    }
    %barrier3A = arith.constant 0 : index
    tpu.barrier barrier_id(%barrier3A)
    %scan3A = arith.constant 0 : i32
    %scan3A_15 = arith.constant 0 : i32
    %scan3A_16 = arith.constant 10 : i32
    %scan3A_17 = arith.addi %scan3A_15, %scan3A_16 : i32
    %scan3A_18 = arith.constant 1 : i32
    scf.for %scan3A_26 = %scan3A_15 to %scan3A_17 step %scan3A_18  : i32 {
      %mul3A_27 = arith.constant 80 : i32
      %mul3A_28 = arith.muli %add3A, %mul3A_27 : i32
      %mul3A_29 = arith.constant 8 : i32
      %mul3A_30 = arith.muli %scan3A_26, %mul3A_29 : i32
      %add3A_31 = arith.addi %mul3A_28, %mul3A_30 : i32
      %multiple_of3A_32 = tpu.assume_multiple %add3A_31, 8 : i32
      "tpu.region"() ({
        %run_scoped3A = tpu.sem_alloc : memref<!tpu.dma_semaphore, #tpu.memory_space<semaphore_mem>>
        %dma_start3A_351 = arith.constant 0 : i32
        %dma_start3A_352 = arith.constant 0 : i32
        %dma_start3A_353 = tpu.memref_slice %arg7[%dma_start3A_351, %dma_start3A_352] : memref<16x128xi32, #tpu.memory_space<vmem>> -> memref<8x128xi32, #tpu.memory_space<vmem>>
        %dma_start3A_354 = arith.constant 0 : i32
        %dma_start3A_355 = tpu.memref_slice %arg4[%multiple_of3A_32, %dma_start3A_354] : memref<2560x128xi32, #tpu.memory_space<hbm>> -> memref<8x128xi32, #tpu.memory_space<hbm>>
        %dma_start3A_356 = arith.constant 0 : i32
        %dma_start3A_357 = arith.constant 0 : i32
        %dma_start3A_358 = tpu.memref_slice %arg7[%dma_start3A_356, %dma_start3A_357] : memref<16x128xi32, #tpu.memory_space<vmem>> -> memref<8x128xi32, #tpu.memory_space<vmem>>
        %dma_start3A_359 = arith.constant 0 : i32
        %dma_start3A_360 = tpu.memref_slice %arg4[%multiple_of3A_32, %dma_start3A_359] : memref<2560x128xi32, #tpu.memory_space<hbm>> -> memref<8x128xi32, #tpu.memory_space<hbm>>
        tpu.enqueue_dma source(%dma_start3A_360 : memref<8x128xi32, #tpu.memory_space<hbm>>) target(%dma_start3A_358 : memref<8x128xi32, #tpu.memory_space<vmem>>) target_semaphore(%run_scoped3A : memref<!tpu.dma_semaphore, #tpu.memory_space<semaphore_mem>>)
        %dma_wait3A_361 = arith.constant 0 : i32
        %dma_wait3A_362 = arith.constant 0 : i32
        %dma_wait3A_363 = tpu.memref_slice %arg7[%dma_wait3A_361, %dma_wait3A_362] : memref<16x128xi32, #tpu.memory_space<vmem>> -> memref<8x128xi32, #tpu.memory_space<vmem>>
        %dma_wait3A_364 = arith.constant 0 : i32
        %dma_wait3A_365 = tpu.memref_slice %arg4[%multiple_of3A_32, %dma_wait3A_364] : memref<2560x128xi32, #tpu.memory_space<hbm>> -> memref<8x128xi32, #tpu.memory_space<hbm>>
        %dma_wait3A_366 = arith.constant 0 : i32
        %dma_wait3A_367 = arith.constant 0 : i32
        %dma_wait3A_368 = tpu.memref_slice %arg7[%dma_wait3A_366, %dma_wait3A_367] : memref<16x128xi32, #tpu.memory_space<vmem>> -> memref<8x128xi32, #tpu.memory_space<vmem>>
        %dma_wait3A_369 = arith.constant 0 : i32
        %dma_wait3A_370 = tpu.memref_slice %arg4[%multiple_of3A_32, %dma_wait3A_369] : memref<2560x128xi32, #tpu.memory_space<hbm>> -> memref<8x128xi32, #tpu.memory_space<hbm>>
        tpu.wait_dma2 semaphore(%run_scoped3A : memref<!tpu.dma_semaphore, #tpu.memory_space<semaphore_mem>>) src(%dma_wait3A_370 : memref<8x128xi32, #tpu.memory_space<hbm>>) dst(%dma_wait3A_368 : memref<8x128xi32, #tpu.memory_space<vmem>>)
        tpu.yield
      }) : () -> ()
      "tpu.region"() ({
        %run_scoped3A = tpu.sem_alloc : memref<!tpu.dma_semaphore, #tpu.memory_space<semaphore_mem>>
        %dma_start3A_351 = arith.constant 0 : i32
        %dma_start3A_352 = arith.constant 0 : i32
        %dma_start3A_353 = tpu.memref_slice %arg8[%dma_start3A_351, %dma_start3A_352] : memref<16x128xi32, #tpu.memory_space<vmem>> -> memref<8x128xi32, #tpu.memory_space<vmem>>
        %dma_start3A_354 = arith.constant 0 : i32
        %dma_start3A_355 = tpu.memref_slice %arg5[%multiple_of3A_32, %dma_start3A_354] : memref<2560x128xi32, #tpu.memory_space<hbm>> -> memref<8x128xi32, #tpu.memory_space<hbm>>
        %dma_start3A_356 = arith.constant 0 : i32
        %dma_start3A_357 = arith.constant 0 : i32
        %dma_start3A_358 = tpu.memref_slice %arg8[%dma_start3A_356, %dma_start3A_357] : memref<16x128xi32, #tpu.memory_space<vmem>> -> memref<8x128xi32, #tpu.memory_space<vmem>>
        %dma_start3A_359 = arith.constant 0 : i32
        %dma_start3A_360 = tpu.memref_slice %arg5[%multiple_of3A_32, %dma_start3A_359] : memref<2560x128xi32, #tpu.memory_space<hbm>> -> memref<8x128xi32, #tpu.memory_space<hbm>>
        tpu.enqueue_dma source(%dma_start3A_360 : memref<8x128xi32, #tpu.memory_space<hbm>>) target(%dma_start3A_358 : memref<8x128xi32, #tpu.memory_space<vmem>>) target_semaphore(%run_scoped3A : memref<!tpu.dma_semaphore, #tpu.memory_space<semaphore_mem>>)
        %dma_wait3A_361 = arith.constant 0 : i32
        %dma_wait3A_362 = arith.constant 0 : i32
        %dma_wait3A_363 = tpu.memref_slice %arg8[%dma_wait3A_361, %dma_wait3A_362] : memref<16x128xi32, #tpu.memory_space<vmem>> -> memref<8x128xi32, #tpu.memory_space<vmem>>
        %dma_wait3A_364 = arith.constant 0 : i32
        %dma_wait3A_365 = tpu.memref_slice %arg5[%multiple_of3A_32, %dma_wait3A_364] : memref<2560x128xi32, #tpu.memory_space<hbm>> -> memref<8x128xi32, #tpu.memory_space<hbm>>
        %dma_wait3A_366 = arith.constant 0 : i32
        %dma_wait3A_367 = arith.constant 0 : i32
        %dma_wait3A_368 = tpu.memref_slice %arg8[%dma_wait3A_366, %dma_wait3A_367] : memref<16x128xi32, #tpu.memory_space<vmem>> -> memref<8x128xi32, #tpu.memory_space<vmem>>
        %dma_wait3A_369 = arith.constant 0 : i32
        %dma_wait3A_370 = tpu.memref_slice %arg5[%multiple_of3A_32, %dma_wait3A_369] : memref<2560x128xi32, #tpu.memory_space<hbm>> -> memref<8x128xi32, #tpu.memory_space<hbm>>
        tpu.wait_dma2 semaphore(%run_scoped3A : memref<!tpu.dma_semaphore, #tpu.memory_space<semaphore_mem>>) src(%dma_wait3A_370 : memref<8x128xi32, #tpu.memory_space<hbm>>) dst(%dma_wait3A_368 : memref<8x128xi32, #tpu.memory_space<vmem>>)
        tpu.yield
      }) : () -> ()
      %dma_start3A = arith.constant 0 : i32
      %dma_start3A_33 = arith.constant 0 : i32
      %dma_start3A_34 = arith.constant 0 : i32
      %dma_start3A_35 = tpu.memref_slice %arg9[%dma_start3A_33, %dma_start3A_34] : memref<640x64xf32, #tpu.memory_space<vmem>> -> memref<128x64xf32, #tpu.memory_space<vmem>>
      %dma_start3A_36 = arith.constant 0 : i32
      %dma_start3A_37 = tpu.memref_slice %arg7[%dma_start3A, %dma_start3A_36] : memref<16x128xi32, #tpu.memory_space<vmem>> -> memref<1x128xi32, #tpu.memory_space<vmem>>
      %dma_start3A_38 = tpu.memref_squeeze %dma_start3A_37 : memref<1x128xi32, #tpu.memory_space<vmem>> -> memref<128xi32, #tpu.memory_space<vmem>>
      %dma_start3A_39 = arith.constant 0 : i32
      %dma_start3A_40 = arith.constant 0 : i32
      %dma_start3A_41 = tpu.memref_slice %arg25[%dma_start3A_39, %dma_start3A_40] : memref<10000x64xf32, #tpu.memory_space<vmem_shared>> -> memref<10000x64xf32, #tpu.memory_space<vmem_shared>>
      tpu.enqueue_indirect_dma source(%dma_start3A_41 : memref<10000x64xf32, #tpu.memory_space<vmem_shared>>) target(%dma_start3A_35 : memref<128x64xf32, #tpu.memory_space<vmem>>) offsets(%dma_start3A_38 : memref<128xi32, #tpu.memory_space<vmem>>) semaphore(%arg11 : memref<!tpu.dma_semaphore, #tpu.memory_space<semaphore_mem>>)
      %dma_start3A_42 = arith.constant 1 : i32
      %dma_start3A_43 = arith.constant 128 : i32
      %dma_start3A_44 = arith.constant 0 : i32
      %dma_start3A_45 = tpu.memref_slice %arg9[%dma_start3A_43, %dma_start3A_44] : memref<640x64xf32, #tpu.memory_space<vmem>> -> memref<128x64xf32, #tpu.memory_space<vmem>>
      %dma_start3A_46 = arith.constant 0 : i32
      %dma_start3A_47 = tpu.memref_slice %arg7[%dma_start3A_42, %dma_start3A_46] : memref<16x128xi32, #tpu.memory_space<vmem>> -> memref<1x128xi32, #tpu.memory_space<vmem>>
      %dma_start3A_48 = tpu.memref_squeeze %dma_start3A_47 : memref<1x128xi32, #tpu.memory_space<vmem>> -> memref<128xi32, #tpu.memory_space<vmem>>
      %dma_start3A_49 = arith.constant 0 : i32
      %dma_start3A_50 = arith.constant 0 : i32
      %dma_start3A_51 = tpu.memref_slice %arg25[%dma_start3A_49, %dma_start3A_50] : memref<10000x64xf32, #tpu.memory_space<vmem_shared>> -> memref<10000x64xf32, #tpu.memory_space<vmem_shared>>
      tpu.enqueue_indirect_dma source(%dma_start3A_51 : memref<10000x64xf32, #tpu.memory_space<vmem_shared>>) target(%dma_start3A_45 : memref<128x64xf32, #tpu.memory_space<vmem>>) offsets(%dma_start3A_48 : memref<128xi32, #tpu.memory_space<vmem>>) semaphore(%arg12 : memref<!tpu.dma_semaphore, #tpu.memory_space<semaphore_mem>>)
      %dma_start3A_52 = arith.constant 2 : i32
      %dma_start3A_53 = arith.constant 256 : i32
      %dma_start3A_54 = arith.constant 0 : i32
      %dma_start3A_55 = tpu.memref_slice %arg9[%dma_start3A_53, %dma_start3A_54] : memref<640x64xf32, #tpu.memory_space<vmem>> -> memref<128x64xf32, #tpu.memory_space<vmem>>
      %dma_start3A_56 = arith.constant 0 : i32
      %dma_start3A_57 = tpu.memref_slice %arg7[%dma_start3A_52, %dma_start3A_56] : memref<16x128xi32, #tpu.memory_space<vmem>> -> memref<1x128xi32, #tpu.memory_space<vmem>>
      %dma_start3A_58 = tpu.memref_squeeze %dma_start3A_57 : memref<1x128xi32, #tpu.memory_space<vmem>> -> memref<128xi32, #tpu.memory_space<vmem>>
      %dma_start3A_59 = arith.constant 0 : i32
      %dma_start3A_60 = arith.constant 0 : i32
      %dma_start3A_61 = tpu.memref_slice %arg25[%dma_start3A_59, %dma_start3A_60] : memref<10000x64xf32, #tpu.memory_space<vmem_shared>> -> memref<10000x64xf32, #tpu.memory_space<vmem_shared>>
      tpu.enqueue_indirect_dma source(%dma_start3A_61 : memref<10000x64xf32, #tpu.memory_space<vmem_shared>>) target(%dma_start3A_55 : memref<128x64xf32, #tpu.memory_space<vmem>>) offsets(%dma_start3A_58 : memref<128xi32, #tpu.memory_space<vmem>>) semaphore(%arg13 : memref<!tpu.dma_semaphore, #tpu.memory_space<semaphore_mem>>)
      %dma_start3A_62 = arith.constant 3 : i32
      %dma_start3A_63 = arith.constant 384 : i32
      %dma_start3A_64 = arith.constant 0 : i32
      %dma_start3A_65 = tpu.memref_slice %arg9[%dma_start3A_63, %dma_start3A_64] : memref<640x64xf32, #tpu.memory_space<vmem>> -> memref<128x64xf32, #tpu.memory_space<vmem>>
      %dma_start3A_66 = arith.constant 0 : i32
      %dma_start3A_67 = tpu.memref_slice %arg7[%dma_start3A_62, %dma_start3A_66] : memref<16x128xi32, #tpu.memory_space<vmem>> -> memref<1x128xi32, #tpu.memory_space<vmem>>
      %dma_start3A_68 = tpu.memref_squeeze %dma_start3A_67 : memref<1x128xi32, #tpu.memory_space<vmem>> -> memref<128xi32, #tpu.memory_space<vmem>>
      %dma_start3A_69 = arith.constant 0 : i32
      %dma_start3A_70 = arith.constant 0 : i32
      %dma_start3A_71 = tpu.memref_slice %arg25[%dma_start3A_69, %dma_start3A_70] : memref<10000x64xf32, #tpu.memory_space<vmem_shared>> -> memref<10000x64xf32, #tpu.memory_space<vmem_shared>>
      tpu.enqueue_indirect_dma source(%dma_start3A_71 : memref<10000x64xf32, #tpu.memory_space<vmem_shared>>) target(%dma_start3A_65 : memref<128x64xf32, #tpu.memory_space<vmem>>) offsets(%dma_start3A_68 : memref<128xi32, #tpu.memory_space<vmem>>) semaphore(%arg14 : memref<!tpu.dma_semaphore, #tpu.memory_space<semaphore_mem>>)
      %dma_start3A_72 = arith.constant 4 : i32
      %dma_start3A_73 = arith.constant 512 : i32
      %dma_start3A_74 = arith.constant 0 : i32
      %dma_start3A_75 = tpu.memref_slice %arg9[%dma_start3A_73, %dma_start3A_74] : memref<640x64xf32, #tpu.memory_space<vmem>> -> memref<128x64xf32, #tpu.memory_space<vmem>>
      %dma_start3A_76 = arith.constant 0 : i32
      %dma_start3A_77 = tpu.memref_slice %arg7[%dma_start3A_72, %dma_start3A_76] : memref<16x128xi32, #tpu.memory_space<vmem>> -> memref<1x128xi32, #tpu.memory_space<vmem>>
      %dma_start3A_78 = tpu.memref_squeeze %dma_start3A_77 : memref<1x128xi32, #tpu.memory_space<vmem>> -> memref<128xi32, #tpu.memory_space<vmem>>
      %dma_start3A_79 = arith.constant 0 : i32
      %dma_start3A_80 = arith.constant 0 : i32
      %dma_start3A_81 = tpu.memref_slice %arg25[%dma_start3A_79, %dma_start3A_80] : memref<10000x64xf32, #tpu.memory_space<vmem_shared>> -> memref<10000x64xf32, #tpu.memory_space<vmem_shared>>
      tpu.enqueue_indirect_dma source(%dma_start3A_81 : memref<10000x64xf32, #tpu.memory_space<vmem_shared>>) target(%dma_start3A_75 : memref<128x64xf32, #tpu.memory_space<vmem>>) offsets(%dma_start3A_78 : memref<128xi32, #tpu.memory_space<vmem>>) semaphore(%arg15 : memref<!tpu.dma_semaphore, #tpu.memory_space<semaphore_mem>>)
      %dma_wait3A = arith.constant 0 : i32
      %dma_wait3A_82 = arith.constant 0 : i32
      %dma_wait3A_83 = arith.constant 0 : i32
      %dma_wait3A_84 = tpu.memref_slice %arg9[%dma_wait3A_82, %dma_wait3A_83] : memref<640x64xf32, #tpu.memory_space<vmem>> -> memref<128x64xf32, #tpu.memory_space<vmem>>
      %dma_wait3A_85 = arith.constant 0 : i32
      %dma_wait3A_86 = tpu.memref_slice %arg7[%dma_wait3A, %dma_wait3A_85] : memref<16x128xi32, #tpu.memory_space<vmem>> -> memref<1x128xi32, #tpu.memory_space<vmem>>
      %dma_wait3A_87 = tpu.memref_squeeze %dma_wait3A_86 : memref<1x128xi32, #tpu.memory_space<vmem>> -> memref<128xi32, #tpu.memory_space<vmem>>
      %dma_wait3A_88 = arith.constant 0 : i32
      %dma_wait3A_89 = arith.constant 0 : i32
      %dma_wait3A_90 = tpu.memref_slice %arg25[%dma_wait3A_88, %dma_wait3A_89] : memref<10000x64xf32, #tpu.memory_space<vmem_shared>> -> memref<10000x64xf32, #tpu.memory_space<vmem_shared>>
      tpu.wait_indirect_dma semaphore(%arg11 : memref<!tpu.dma_semaphore, #tpu.memory_space<semaphore_mem>>) src(%dma_wait3A_90 : memref<10000x64xf32, #tpu.memory_space<vmem_shared>>) dst(%dma_wait3A_84 : memref<128x64xf32, #tpu.memory_space<vmem>>)
      %dma_start3A_91 = arith.constant 0 : i32
      %dma_start3A_92 = arith.constant 0 : i32
      %dma_start3A_93 = arith.constant 0 : i32
      %dma_start3A_94 = tpu.memref_slice %arg9[%dma_start3A_92, %dma_start3A_93] : memref<640x64xf32, #tpu.memory_space<vmem>> -> memref<128x64xf32, #tpu.memory_space<vmem>>
      %dma_start3A_95 = arith.constant 0 : i32
      %dma_start3A_96 = tpu.memref_slice %arg8[%dma_start3A_91, %dma_start3A_95] : memref<16x128xi32, #tpu.memory_space<vmem>> -> memref<1x128xi32, #tpu.memory_space<vmem>>
      %dma_start3A_97 = tpu.memref_squeeze %dma_start3A_96 : memref<1x128xi32, #tpu.memory_space<vmem>> -> memref<128xi32, #tpu.memory_space<vmem>>
      %dma_start3A_98 = arith.constant 0 : i32
      %dma_start3A_99 = arith.constant 0 : i32
      %dma_start3A_100 = tpu.memref_slice %arg10[%dma_start3A_98, %dma_start3A_99] : memref<10128x64xf32, #tpu.memory_space<vmem_shared>> -> memref<10128x64xf32, #tpu.memory_space<vmem_shared>>
      tpu.enqueue_indirect_dma source(%dma_start3A_94 : memref<128x64xf32, #tpu.memory_space<vmem>>) target(%dma_start3A_100 : memref<10128x64xf32, #tpu.memory_space<vmem_shared>>) offsets(%dma_start3A_97 : memref<128xi32, #tpu.memory_space<vmem>>) semaphore(%arg16 : memref<!tpu.dma_semaphore, #tpu.memory_space<semaphore_mem>>) {add = true}
      %dma_wait3A_101 = arith.constant 0 : i32
      %dma_wait3A_102 = arith.constant 0 : i32
      %dma_wait3A_103 = arith.constant 0 : i32
      %dma_wait3A_104 = tpu.memref_slice %arg9[%dma_wait3A_102, %dma_wait3A_103] : memref<640x64xf32, #tpu.memory_space<vmem>> -> memref<128x64xf32, #tpu.memory_space<vmem>>
      %dma_wait3A_105 = arith.constant 0 : i32
      %dma_wait3A_106 = tpu.memref_slice %arg8[%dma_wait3A_101, %dma_wait3A_105] : memref<16x128xi32, #tpu.memory_space<vmem>> -> memref<1x128xi32, #tpu.memory_space<vmem>>
      %dma_wait3A_107 = tpu.memref_squeeze %dma_wait3A_106 : memref<1x128xi32, #tpu.memory_space<vmem>> -> memref<128xi32, #tpu.memory_space<vmem>>
      %dma_wait3A_108 = arith.constant 0 : i32
      %dma_wait3A_109 = arith.constant 0 : i32
      %dma_wait3A_110 = tpu.memref_slice %arg10[%dma_wait3A_108, %dma_wait3A_109] : memref<10128x64xf32, #tpu.memory_space<vmem_shared>> -> memref<10128x64xf32, #tpu.memory_space<vmem_shared>>
      tpu.wait_indirect_dma semaphore(%arg16 : memref<!tpu.dma_semaphore, #tpu.memory_space<semaphore_mem>>) src(%dma_wait3A_104 : memref<128x64xf32, #tpu.memory_space<vmem>>) dst(%dma_wait3A_110 : memref<10128x64xf32, #tpu.memory_space<vmem_shared>>)
      %dma_start3A_111 = arith.constant 5 : i32
      %dma_start3A_112 = arith.constant 0 : i32
      %dma_start3A_113 = arith.constant 0 : i32
      %dma_start3A_114 = tpu.memref_slice %arg9[%dma_start3A_112, %dma_start3A_113] : memref<640x64xf32, #tpu.memory_space<vmem>> -> memref<128x64xf32, #tpu.memory_space<vmem>>
      %dma_start3A_115 = arith.constant 0 : i32
      %dma_start3A_116 = tpu.memref_slice %arg7[%dma_start3A_111, %dma_start3A_115] : memref<16x128xi32, #tpu.memory_space<vmem>> -> memref<1x128xi32, #tpu.memory_space<vmem>>
      %dma_start3A_117 = tpu.memref_squeeze %dma_start3A_116 : memref<1x128xi32, #tpu.memory_space<vmem>> -> memref<128xi32, #tpu.memory_space<vmem>>
      %dma_start3A_118 = arith.constant 0 : i32
      %dma_start3A_119 = arith.constant 0 : i32
      %dma_start3A_120 = tpu.memref_slice %arg25[%dma_start3A_118, %dma_start3A_119] : memref<10000x64xf32, #tpu.memory_space<vmem_shared>> -> memref<10000x64xf32, #tpu.memory_space<vmem_shared>>
      tpu.enqueue_indirect_dma source(%dma_start3A_120 : memref<10000x64xf32, #tpu.memory_space<vmem_shared>>) target(%dma_start3A_114 : memref<128x64xf32, #tpu.memory_space<vmem>>) offsets(%dma_start3A_117 : memref<128xi32, #tpu.memory_space<vmem>>) semaphore(%arg11 : memref<!tpu.dma_semaphore, #tpu.memory_space<semaphore_mem>>)
      %dma_wait3A_121 = arith.constant 1 : i32
      %dma_wait3A_122 = arith.constant 128 : i32
      %dma_wait3A_123 = arith.constant 0 : i32
      %dma_wait3A_124 = tpu.memref_slice %arg9[%dma_wait3A_122, %dma_wait3A_123] : memref<640x64xf32, #tpu.memory_space<vmem>> -> memref<128x64xf32, #tpu.memory_space<vmem>>
      %dma_wait3A_125 = arith.constant 0 : i32
      %dma_wait3A_126 = tpu.memref_slice %arg7[%dma_wait3A_121, %dma_wait3A_125] : memref<16x128xi32, #tpu.memory_space<vmem>> -> memref<1x128xi32, #tpu.memory_space<vmem>>
      %dma_wait3A_127 = tpu.memref_squeeze %dma_wait3A_126 : memref<1x128xi32, #tpu.memory_space<vmem>> -> memref<128xi32, #tpu.memory_space<vmem>>
      %dma_wait3A_128 = arith.constant 0 : i32
      %dma_wait3A_129 = arith.constant 0 : i32
      %dma_wait3A_130 = tpu.memref_slice %arg25[%dma_wait3A_128, %dma_wait3A_129] : memref<10000x64xf32, #tpu.memory_space<vmem_shared>> -> memref<10000x64xf32, #tpu.memory_space<vmem_shared>>
      tpu.wait_indirect_dma semaphore(%arg12 : memref<!tpu.dma_semaphore, #tpu.memory_space<semaphore_mem>>) src(%dma_wait3A_130 : memref<10000x64xf32, #tpu.memory_space<vmem_shared>>) dst(%dma_wait3A_124 : memref<128x64xf32, #tpu.memory_space<vmem>>)
      %dma_start3A_131 = arith.constant 1 : i32
      %dma_start3A_132 = arith.constant 128 : i32
      %dma_start3A_133 = arith.constant 0 : i32
      %dma_start3A_134 = tpu.memref_slice %arg9[%dma_start3A_132, %dma_start3A_133] : memref<640x64xf32, #tpu.memory_space<vmem>> -> memref<128x64xf32, #tpu.memory_space<vmem>>
      %dma_start3A_135 = arith.constant 0 : i32
      %dma_start3A_136 = tpu.memref_slice %arg8[%dma_start3A_131, %dma_start3A_135] : memref<16x128xi32, #tpu.memory_space<vmem>> -> memref<1x128xi32, #tpu.memory_space<vmem>>
      %dma_start3A_137 = tpu.memref_squeeze %dma_start3A_136 : memref<1x128xi32, #tpu.memory_space<vmem>> -> memref<128xi32, #tpu.memory_space<vmem>>
      %dma_start3A_138 = arith.constant 0 : i32
      %dma_start3A_139 = arith.constant 0 : i32
      %dma_start3A_140 = tpu.memref_slice %arg10[%dma_start3A_138, %dma_start3A_139] : memref<10128x64xf32, #tpu.memory_space<vmem_shared>> -> memref<10128x64xf32, #tpu.memory_space<vmem_shared>>
      tpu.enqueue_indirect_dma source(%dma_start3A_134 : memref<128x64xf32, #tpu.memory_space<vmem>>) target(%dma_start3A_140 : memref<10128x64xf32, #tpu.memory_space<vmem_shared>>) offsets(%dma_start3A_137 : memref<128xi32, #tpu.memory_space<vmem>>) semaphore(%arg17 : memref<!tpu.dma_semaphore, #tpu.memory_space<semaphore_mem>>) {add = true}
      %dma_wait3A_141 = arith.constant 1 : i32
      %dma_wait3A_142 = arith.constant 128 : i32
      %dma_wait3A_143 = arith.constant 0 : i32
      %dma_wait3A_144 = tpu.memref_slice %arg9[%dma_wait3A_142, %dma_wait3A_143] : memref<640x64xf32, #tpu.memory_space<vmem>> -> memref<128x64xf32, #tpu.memory_space<vmem>>
      %dma_wait3A_145 = arith.constant 0 : i32
      %dma_wait3A_146 = tpu.memref_slice %arg8[%dma_wait3A_141, %dma_wait3A_145] : memref<16x128xi32, #tpu.memory_space<vmem>> -> memref<1x128xi32, #tpu.memory_space<vmem>>
      %dma_wait3A_147 = tpu.memref_squeeze %dma_wait3A_146 : memref<1x128xi32, #tpu.memory_space<vmem>> -> memref<128xi32, #tpu.memory_space<vmem>>
      %dma_wait3A_148 = arith.constant 0 : i32
      %dma_wait3A_149 = arith.constant 0 : i32
      %dma_wait3A_150 = tpu.memref_slice %arg10[%dma_wait3A_148, %dma_wait3A_149] : memref<10128x64xf32, #tpu.memory_space<vmem_shared>> -> memref<10128x64xf32, #tpu.memory_space<vmem_shared>>
      tpu.wait_indirect_dma semaphore(%arg17 : memref<!tpu.dma_semaphore, #tpu.memory_space<semaphore_mem>>) src(%dma_wait3A_144 : memref<128x64xf32, #tpu.memory_space<vmem>>) dst(%dma_wait3A_150 : memref<10128x64xf32, #tpu.memory_space<vmem_shared>>)
      %dma_start3A_151 = arith.constant 6 : i32
      %dma_start3A_152 = arith.constant 128 : i32
      %dma_start3A_153 = arith.constant 0 : i32
      %dma_start3A_154 = tpu.memref_slice %arg9[%dma_start3A_152, %dma_start3A_153] : memref<640x64xf32, #tpu.memory_space<vmem>> -> memref<128x64xf32, #tpu.memory_space<vmem>>
      %dma_start3A_155 = arith.constant 0 : i32
      %dma_start3A_156 = tpu.memref_slice %arg7[%dma_start3A_151, %dma_start3A_155] : memref<16x128xi32, #tpu.memory_space<vmem>> -> memref<1x128xi32, #tpu.memory_space<vmem>>
      %dma_start3A_157 = tpu.memref_squeeze %dma_start3A_156 : memref<1x128xi32, #tpu.memory_space<vmem>> -> memref<128xi32, #tpu.memory_space<vmem>>
      %dma_start3A_158 = arith.constant 0 : i32
      %dma_start3A_159 = arith.constant 0 : i32
      %dma_start3A_160 = tpu.memref_slice %arg25[%dma_start3A_158, %dma_start3A_159] : memref<10000x64xf32, #tpu.memory_space<vmem_shared>> -> memref<10000x64xf32, #tpu.memory_space<vmem_shared>>
      tpu.enqueue_indirect_dma source(%dma_start3A_160 : memref<10000x64xf32, #tpu.memory_space<vmem_shared>>) target(%dma_start3A_154 : memref<128x64xf32, #tpu.memory_space<vmem>>) offsets(%dma_start3A_157 : memref<128xi32, #tpu.memory_space<vmem>>) semaphore(%arg12 : memref<!tpu.dma_semaphore, #tpu.memory_space<semaphore_mem>>)
      %dma_wait3A_161 = arith.constant 2 : i32
      %dma_wait3A_162 = arith.constant 256 : i32
      %dma_wait3A_163 = arith.constant 0 : i32
      %dma_wait3A_164 = tpu.memref_slice %arg9[%dma_wait3A_162, %dma_wait3A_163] : memref<640x64xf32, #tpu.memory_space<vmem>> -> memref<128x64xf32, #tpu.memory_space<vmem>>
      %dma_wait3A_165 = arith.constant 0 : i32
      %dma_wait3A_166 = tpu.memref_slice %arg7[%dma_wait3A_161, %dma_wait3A_165] : memref<16x128xi32, #tpu.memory_space<vmem>> -> memref<1x128xi32, #tpu.memory_space<vmem>>
      %dma_wait3A_167 = tpu.memref_squeeze %dma_wait3A_166 : memref<1x128xi32, #tpu.memory_space<vmem>> -> memref<128xi32, #tpu.memory_space<vmem>>
      %dma_wait3A_168 = arith.constant 0 : i32
      %dma_wait3A_169 = arith.constant 0 : i32
      %dma_wait3A_170 = tpu.memref_slice %arg25[%dma_wait3A_168, %dma_wait3A_169] : memref<10000x64xf32, #tpu.memory_space<vmem_shared>> -> memref<10000x64xf32, #tpu.memory_space<vmem_shared>>
      tpu.wait_indirect_dma semaphore(%arg13 : memref<!tpu.dma_semaphore, #tpu.memory_space<semaphore_mem>>) src(%dma_wait3A_170 : memref<10000x64xf32, #tpu.memory_space<vmem_shared>>) dst(%dma_wait3A_164 : memref<128x64xf32, #tpu.memory_space<vmem>>)
      %dma_start3A_171 = arith.constant 2 : i32
      %dma_start3A_172 = arith.constant 256 : i32
      %dma_start3A_173 = arith.constant 0 : i32
      %dma_start3A_174 = tpu.memref_slice %arg9[%dma_start3A_172, %dma_start3A_173] : memref<640x64xf32, #tpu.memory_space<vmem>> -> memref<128x64xf32, #tpu.memory_space<vmem>>
      %dma_start3A_175 = arith.constant 0 : i32
      %dma_start3A_176 = tpu.memref_slice %arg8[%dma_start3A_171, %dma_start3A_175] : memref<16x128xi32, #tpu.memory_space<vmem>> -> memref<1x128xi32, #tpu.memory_space<vmem>>
      %dma_start3A_177 = tpu.memref_squeeze %dma_start3A_176 : memref<1x128xi32, #tpu.memory_space<vmem>> -> memref<128xi32, #tpu.memory_space<vmem>>
      %dma_start3A_178 = arith.constant 0 : i32
      %dma_start3A_179 = arith.constant 0 : i32
      %dma_start3A_180 = tpu.memref_slice %arg10[%dma_start3A_178, %dma_start3A_179] : memref<10128x64xf32, #tpu.memory_space<vmem_shared>> -> memref<10128x64xf32, #tpu.memory_space<vmem_shared>>
      tpu.enqueue_indirect_dma source(%dma_start3A_174 : memref<128x64xf32, #tpu.memory_space<vmem>>) target(%dma_start3A_180 : memref<10128x64xf32, #tpu.memory_space<vmem_shared>>) offsets(%dma_start3A_177 : memref<128xi32, #tpu.memory_space<vmem>>) semaphore(%arg18 : memref<!tpu.dma_semaphore, #tpu.memory_space<semaphore_mem>>) {add = true}
      %dma_wait3A_181 = arith.constant 2 : i32
      %dma_wait3A_182 = arith.constant 256 : i32
      %dma_wait3A_183 = arith.constant 0 : i32
      %dma_wait3A_184 = tpu.memref_slice %arg9[%dma_wait3A_182, %dma_wait3A_183] : memref<640x64xf32, #tpu.memory_space<vmem>> -> memref<128x64xf32, #tpu.memory_space<vmem>>
      %dma_wait3A_185 = arith.constant 0 : i32
      %dma_wait3A_186 = tpu.memref_slice %arg8[%dma_wait3A_181, %dma_wait3A_185] : memref<16x128xi32, #tpu.memory_space<vmem>> -> memref<1x128xi32, #tpu.memory_space<vmem>>
      %dma_wait3A_187 = tpu.memref_squeeze %dma_wait3A_186 : memref<1x128xi32, #tpu.memory_space<vmem>> -> memref<128xi32, #tpu.memory_space<vmem>>
      %dma_wait3A_188 = arith.constant 0 : i32
      %dma_wait3A_189 = arith.constant 0 : i32
      %dma_wait3A_190 = tpu.memref_slice %arg10[%dma_wait3A_188, %dma_wait3A_189] : memref<10128x64xf32, #tpu.memory_space<vmem_shared>> -> memref<10128x64xf32, #tpu.memory_space<vmem_shared>>
      tpu.wait_indirect_dma semaphore(%arg18 : memref<!tpu.dma_semaphore, #tpu.memory_space<semaphore_mem>>) src(%dma_wait3A_184 : memref<128x64xf32, #tpu.memory_space<vmem>>) dst(%dma_wait3A_190 : memref<10128x64xf32, #tpu.memory_space<vmem_shared>>)
      %dma_start3A_191 = arith.constant 7 : i32
      %dma_start3A_192 = arith.constant 256 : i32
      %dma_start3A_193 = arith.constant 0 : i32
      %dma_start3A_194 = tpu.memref_slice %arg9[%dma_start3A_192, %dma_start3A_193] : memref<640x64xf32, #tpu.memory_space<vmem>> -> memref<128x64xf32, #tpu.memory_space<vmem>>
      %dma_start3A_195 = arith.constant 0 : i32
      %dma_start3A_196 = tpu.memref_slice %arg7[%dma_start3A_191, %dma_start3A_195] : memref<16x128xi32, #tpu.memory_space<vmem>> -> memref<1x128xi32, #tpu.memory_space<vmem>>
      %dma_start3A_197 = tpu.memref_squeeze %dma_start3A_196 : memref<1x128xi32, #tpu.memory_space<vmem>> -> memref<128xi32, #tpu.memory_space<vmem>>
      %dma_start3A_198 = arith.constant 0 : i32
      %dma_start3A_199 = arith.constant 0 : i32
      %dma_start3A_200 = tpu.memref_slice %arg25[%dma_start3A_198, %dma_start3A_199] : memref<10000x64xf32, #tpu.memory_space<vmem_shared>> -> memref<10000x64xf32, #tpu.memory_space<vmem_shared>>
      tpu.enqueue_indirect_dma source(%dma_start3A_200 : memref<10000x64xf32, #tpu.memory_space<vmem_shared>>) target(%dma_start3A_194 : memref<128x64xf32, #tpu.memory_space<vmem>>) offsets(%dma_start3A_197 : memref<128xi32, #tpu.memory_space<vmem>>) semaphore(%arg13 : memref<!tpu.dma_semaphore, #tpu.memory_space<semaphore_mem>>)
      %dma_wait3A_201 = arith.constant 3 : i32
      %dma_wait3A_202 = arith.constant 384 : i32
      %dma_wait3A_203 = arith.constant 0 : i32
      %dma_wait3A_204 = tpu.memref_slice %arg9[%dma_wait3A_202, %dma_wait3A_203] : memref<640x64xf32, #tpu.memory_space<vmem>> -> memref<128x64xf32, #tpu.memory_space<vmem>>
      %dma_wait3A_205 = arith.constant 0 : i32
      %dma_wait3A_206 = tpu.memref_slice %arg7[%dma_wait3A_201, %dma_wait3A_205] : memref<16x128xi32, #tpu.memory_space<vmem>> -> memref<1x128xi32, #tpu.memory_space<vmem>>
      %dma_wait3A_207 = tpu.memref_squeeze %dma_wait3A_206 : memref<1x128xi32, #tpu.memory_space<vmem>> -> memref<128xi32, #tpu.memory_space<vmem>>
      %dma_wait3A_208 = arith.constant 0 : i32
      %dma_wait3A_209 = arith.constant 0 : i32
      %dma_wait3A_210 = tpu.memref_slice %arg25[%dma_wait3A_208, %dma_wait3A_209] : memref<10000x64xf32, #tpu.memory_space<vmem_shared>> -> memref<10000x64xf32, #tpu.memory_space<vmem_shared>>
      tpu.wait_indirect_dma semaphore(%arg14 : memref<!tpu.dma_semaphore, #tpu.memory_space<semaphore_mem>>) src(%dma_wait3A_210 : memref<10000x64xf32, #tpu.memory_space<vmem_shared>>) dst(%dma_wait3A_204 : memref<128x64xf32, #tpu.memory_space<vmem>>)
      %dma_start3A_211 = arith.constant 3 : i32
      %dma_start3A_212 = arith.constant 384 : i32
      %dma_start3A_213 = arith.constant 0 : i32
      %dma_start3A_214 = tpu.memref_slice %arg9[%dma_start3A_212, %dma_start3A_213] : memref<640x64xf32, #tpu.memory_space<vmem>> -> memref<128x64xf32, #tpu.memory_space<vmem>>
      %dma_start3A_215 = arith.constant 0 : i32
      %dma_start3A_216 = tpu.memref_slice %arg8[%dma_start3A_211, %dma_start3A_215] : memref<16x128xi32, #tpu.memory_space<vmem>> -> memref<1x128xi32, #tpu.memory_space<vmem>>
      %dma_start3A_217 = tpu.memref_squeeze %dma_start3A_216 : memref<1x128xi32, #tpu.memory_space<vmem>> -> memref<128xi32, #tpu.memory_space<vmem>>
      %dma_start3A_218 = arith.constant 0 : i32
      %dma_start3A_219 = arith.constant 0 : i32
      %dma_start3A_220 = tpu.memref_slice %arg10[%dma_start3A_218, %dma_start3A_219] : memref<10128x64xf32, #tpu.memory_space<vmem_shared>> -> memref<10128x64xf32, #tpu.memory_space<vmem_shared>>
      tpu.enqueue_indirect_dma source(%dma_start3A_214 : memref<128x64xf32, #tpu.memory_space<vmem>>) target(%dma_start3A_220 : memref<10128x64xf32, #tpu.memory_space<vmem_shared>>) offsets(%dma_start3A_217 : memref<128xi32, #tpu.memory_space<vmem>>) semaphore(%arg19 : memref<!tpu.dma_semaphore, #tpu.memory_space<semaphore_mem>>) {add = true}
      %dma_wait3A_221 = arith.constant 4 : i32
      %dma_wait3A_222 = arith.constant 512 : i32
      %dma_wait3A_223 = arith.constant 0 : i32
      %dma_wait3A_224 = tpu.memref_slice %arg9[%dma_wait3A_222, %dma_wait3A_223] : memref<640x64xf32, #tpu.memory_space<vmem>> -> memref<128x64xf32, #tpu.memory_space<vmem>>
      %dma_wait3A_225 = arith.constant 0 : i32
      %dma_wait3A_226 = tpu.memref_slice %arg7[%dma_wait3A_221, %dma_wait3A_225] : memref<16x128xi32, #tpu.memory_space<vmem>> -> memref<1x128xi32, #tpu.memory_space<vmem>>
      %dma_wait3A_227 = tpu.memref_squeeze %dma_wait3A_226 : memref<1x128xi32, #tpu.memory_space<vmem>> -> memref<128xi32, #tpu.memory_space<vmem>>
      %dma_wait3A_228 = arith.constant 0 : i32
      %dma_wait3A_229 = arith.constant 0 : i32
      %dma_wait3A_230 = tpu.memref_slice %arg25[%dma_wait3A_228, %dma_wait3A_229] : memref<10000x64xf32, #tpu.memory_space<vmem_shared>> -> memref<10000x64xf32, #tpu.memory_space<vmem_shared>>
      tpu.wait_indirect_dma semaphore(%arg15 : memref<!tpu.dma_semaphore, #tpu.memory_space<semaphore_mem>>) src(%dma_wait3A_230 : memref<10000x64xf32, #tpu.memory_space<vmem_shared>>) dst(%dma_wait3A_224 : memref<128x64xf32, #tpu.memory_space<vmem>>)
      %dma_start3A_231 = arith.constant 4 : i32
      %dma_start3A_232 = arith.constant 512 : i32
      %dma_start3A_233 = arith.constant 0 : i32
      %dma_start3A_234 = tpu.memref_slice %arg9[%dma_start3A_232, %dma_start3A_233] : memref<640x64xf32, #tpu.memory_space<vmem>> -> memref<128x64xf32, #tpu.memory_space<vmem>>
      %dma_start3A_235 = arith.constant 0 : i32
      %dma_start3A_236 = tpu.memref_slice %arg8[%dma_start3A_231, %dma_start3A_235] : memref<16x128xi32, #tpu.memory_space<vmem>> -> memref<1x128xi32, #tpu.memory_space<vmem>>
      %dma_start3A_237 = tpu.memref_squeeze %dma_start3A_236 : memref<1x128xi32, #tpu.memory_space<vmem>> -> memref<128xi32, #tpu.memory_space<vmem>>
      %dma_start3A_238 = arith.constant 0 : i32
      %dma_start3A_239 = arith.constant 0 : i32
      %dma_start3A_240 = tpu.memref_slice %arg10[%dma_start3A_238, %dma_start3A_239] : memref<10128x64xf32, #tpu.memory_space<vmem_shared>> -> memref<10128x64xf32, #tpu.memory_space<vmem_shared>>
      tpu.enqueue_indirect_dma source(%dma_start3A_234 : memref<128x64xf32, #tpu.memory_space<vmem>>) target(%dma_start3A_240 : memref<10128x64xf32, #tpu.memory_space<vmem_shared>>) offsets(%dma_start3A_237 : memref<128xi32, #tpu.memory_space<vmem>>) semaphore(%arg20 : memref<!tpu.dma_semaphore, #tpu.memory_space<semaphore_mem>>) {add = true}
      %dma_wait3A_241 = arith.constant 5 : i32
      %dma_wait3A_242 = arith.constant 0 : i32
      %dma_wait3A_243 = arith.constant 0 : i32
      %dma_wait3A_244 = tpu.memref_slice %arg9[%dma_wait3A_242, %dma_wait3A_243] : memref<640x64xf32, #tpu.memory_space<vmem>> -> memref<128x64xf32, #tpu.memory_space<vmem>>
      %dma_wait3A_245 = arith.constant 0 : i32
      %dma_wait3A_246 = tpu.memref_slice %arg7[%dma_wait3A_241, %dma_wait3A_245] : memref<16x128xi32, #tpu.memory_space<vmem>> -> memref<1x128xi32, #tpu.memory_space<vmem>>
      %dma_wait3A_247 = tpu.memref_squeeze %dma_wait3A_246 : memref<1x128xi32, #tpu.memory_space<vmem>> -> memref<128xi32, #tpu.memory_space<vmem>>
      %dma_wait3A_248 = arith.constant 0 : i32
      %dma_wait3A_249 = arith.constant 0 : i32
      %dma_wait3A_250 = tpu.memref_slice %arg25[%dma_wait3A_248, %dma_wait3A_249] : memref<10000x64xf32, #tpu.memory_space<vmem_shared>> -> memref<10000x64xf32, #tpu.memory_space<vmem_shared>>
      tpu.wait_indirect_dma semaphore(%arg11 : memref<!tpu.dma_semaphore, #tpu.memory_space<semaphore_mem>>) src(%dma_wait3A_250 : memref<10000x64xf32, #tpu.memory_space<vmem_shared>>) dst(%dma_wait3A_244 : memref<128x64xf32, #tpu.memory_space<vmem>>)
      %dma_start3A_251 = arith.constant 5 : i32
      %dma_start3A_252 = arith.constant 0 : i32
      %dma_start3A_253 = arith.constant 0 : i32
      %dma_start3A_254 = tpu.memref_slice %arg9[%dma_start3A_252, %dma_start3A_253] : memref<640x64xf32, #tpu.memory_space<vmem>> -> memref<128x64xf32, #tpu.memory_space<vmem>>
      %dma_start3A_255 = arith.constant 0 : i32
      %dma_start3A_256 = tpu.memref_slice %arg8[%dma_start3A_251, %dma_start3A_255] : memref<16x128xi32, #tpu.memory_space<vmem>> -> memref<1x128xi32, #tpu.memory_space<vmem>>
      %dma_start3A_257 = tpu.memref_squeeze %dma_start3A_256 : memref<1x128xi32, #tpu.memory_space<vmem>> -> memref<128xi32, #tpu.memory_space<vmem>>
      %dma_start3A_258 = arith.constant 0 : i32
      %dma_start3A_259 = arith.constant 0 : i32
      %dma_start3A_260 = tpu.memref_slice %arg10[%dma_start3A_258, %dma_start3A_259] : memref<10128x64xf32, #tpu.memory_space<vmem_shared>> -> memref<10128x64xf32, #tpu.memory_space<vmem_shared>>
      tpu.enqueue_indirect_dma source(%dma_start3A_254 : memref<128x64xf32, #tpu.memory_space<vmem>>) target(%dma_start3A_260 : memref<10128x64xf32, #tpu.memory_space<vmem_shared>>) offsets(%dma_start3A_257 : memref<128xi32, #tpu.memory_space<vmem>>) semaphore(%arg16 : memref<!tpu.dma_semaphore, #tpu.memory_space<semaphore_mem>>) {add = true}
      %dma_wait3A_261 = arith.constant 6 : i32
      %dma_wait3A_262 = arith.constant 128 : i32
      %dma_wait3A_263 = arith.constant 0 : i32
      %dma_wait3A_264 = tpu.memref_slice %arg9[%dma_wait3A_262, %dma_wait3A_263] : memref<640x64xf32, #tpu.memory_space<vmem>> -> memref<128x64xf32, #tpu.memory_space<vmem>>
      %dma_wait3A_265 = arith.constant 0 : i32
      %dma_wait3A_266 = tpu.memref_slice %arg7[%dma_wait3A_261, %dma_wait3A_265] : memref<16x128xi32, #tpu.memory_space<vmem>> -> memref<1x128xi32, #tpu.memory_space<vmem>>
      %dma_wait3A_267 = tpu.memref_squeeze %dma_wait3A_266 : memref<1x128xi32, #tpu.memory_space<vmem>> -> memref<128xi32, #tpu.memory_space<vmem>>
      %dma_wait3A_268 = arith.constant 0 : i32
      %dma_wait3A_269 = arith.constant 0 : i32
      %dma_wait3A_270 = tpu.memref_slice %arg25[%dma_wait3A_268, %dma_wait3A_269] : memref<10000x64xf32, #tpu.memory_space<vmem_shared>> -> memref<10000x64xf32, #tpu.memory_space<vmem_shared>>
      tpu.wait_indirect_dma semaphore(%arg12 : memref<!tpu.dma_semaphore, #tpu.memory_space<semaphore_mem>>) src(%dma_wait3A_270 : memref<10000x64xf32, #tpu.memory_space<vmem_shared>>) dst(%dma_wait3A_264 : memref<128x64xf32, #tpu.memory_space<vmem>>)
      %dma_start3A_271 = arith.constant 6 : i32
      %dma_start3A_272 = arith.constant 128 : i32
      %dma_start3A_273 = arith.constant 0 : i32
      %dma_start3A_274 = tpu.memref_slice %arg9[%dma_start3A_272, %dma_start3A_273] : memref<640x64xf32, #tpu.memory_space<vmem>> -> memref<128x64xf32, #tpu.memory_space<vmem>>
      %dma_start3A_275 = arith.constant 0 : i32
      %dma_start3A_276 = tpu.memref_slice %arg8[%dma_start3A_271, %dma_start3A_275] : memref<16x128xi32, #tpu.memory_space<vmem>> -> memref<1x128xi32, #tpu.memory_space<vmem>>
      %dma_start3A_277 = tpu.memref_squeeze %dma_start3A_276 : memref<1x128xi32, #tpu.memory_space<vmem>> -> memref<128xi32, #tpu.memory_space<vmem>>
      %dma_start3A_278 = arith.constant 0 : i32
      %dma_start3A_279 = arith.constant 0 : i32
      %dma_start3A_280 = tpu.memref_slice %arg10[%dma_start3A_278, %dma_start3A_279] : memref<10128x64xf32, #tpu.memory_space<vmem_shared>> -> memref<10128x64xf32, #tpu.memory_space<vmem_shared>>
      tpu.enqueue_indirect_dma source(%dma_start3A_274 : memref<128x64xf32, #tpu.memory_space<vmem>>) target(%dma_start3A_280 : memref<10128x64xf32, #tpu.memory_space<vmem_shared>>) offsets(%dma_start3A_277 : memref<128xi32, #tpu.memory_space<vmem>>) semaphore(%arg17 : memref<!tpu.dma_semaphore, #tpu.memory_space<semaphore_mem>>) {add = true}
      %dma_wait3A_281 = arith.constant 7 : i32
      %dma_wait3A_282 = arith.constant 256 : i32
      %dma_wait3A_283 = arith.constant 0 : i32
      %dma_wait3A_284 = tpu.memref_slice %arg9[%dma_wait3A_282, %dma_wait3A_283] : memref<640x64xf32, #tpu.memory_space<vmem>> -> memref<128x64xf32, #tpu.memory_space<vmem>>
      %dma_wait3A_285 = arith.constant 0 : i32
      %dma_wait3A_286 = tpu.memref_slice %arg7[%dma_wait3A_281, %dma_wait3A_285] : memref<16x128xi32, #tpu.memory_space<vmem>> -> memref<1x128xi32, #tpu.memory_space<vmem>>
      %dma_wait3A_287 = tpu.memref_squeeze %dma_wait3A_286 : memref<1x128xi32, #tpu.memory_space<vmem>> -> memref<128xi32, #tpu.memory_space<vmem>>
      %dma_wait3A_288 = arith.constant 0 : i32
      %dma_wait3A_289 = arith.constant 0 : i32
      %dma_wait3A_290 = tpu.memref_slice %arg25[%dma_wait3A_288, %dma_wait3A_289] : memref<10000x64xf32, #tpu.memory_space<vmem_shared>> -> memref<10000x64xf32, #tpu.memory_space<vmem_shared>>
      tpu.wait_indirect_dma semaphore(%arg13 : memref<!tpu.dma_semaphore, #tpu.memory_space<semaphore_mem>>) src(%dma_wait3A_290 : memref<10000x64xf32, #tpu.memory_space<vmem_shared>>) dst(%dma_wait3A_284 : memref<128x64xf32, #tpu.memory_space<vmem>>)
      %dma_start3A_291 = arith.constant 7 : i32
      %dma_start3A_292 = arith.constant 256 : i32
      %dma_start3A_293 = arith.constant 0 : i32
      %dma_start3A_294 = tpu.memref_slice %arg9[%dma_start3A_292, %dma_start3A_293] : memref<640x64xf32, #tpu.memory_space<vmem>> -> memref<128x64xf32, #tpu.memory_space<vmem>>
      %dma_start3A_295 = arith.constant 0 : i32
      %dma_start3A_296 = tpu.memref_slice %arg8[%dma_start3A_291, %dma_start3A_295] : memref<16x128xi32, #tpu.memory_space<vmem>> -> memref<1x128xi32, #tpu.memory_space<vmem>>
      %dma_start3A_297 = tpu.memref_squeeze %dma_start3A_296 : memref<1x128xi32, #tpu.memory_space<vmem>> -> memref<128xi32, #tpu.memory_space<vmem>>
      %dma_start3A_298 = arith.constant 0 : i32
      %dma_start3A_299 = arith.constant 0 : i32
      %dma_start3A_300 = tpu.memref_slice %arg10[%dma_start3A_298, %dma_start3A_299] : memref<10128x64xf32, #tpu.memory_space<vmem_shared>> -> memref<10128x64xf32, #tpu.memory_space<vmem_shared>>
      tpu.enqueue_indirect_dma source(%dma_start3A_294 : memref<128x64xf32, #tpu.memory_space<vmem>>) target(%dma_start3A_300 : memref<10128x64xf32, #tpu.memory_space<vmem_shared>>) offsets(%dma_start3A_297 : memref<128xi32, #tpu.memory_space<vmem>>) semaphore(%arg18 : memref<!tpu.dma_semaphore, #tpu.memory_space<semaphore_mem>>) {add = true}
      %dma_wait3A_301 = arith.constant 3 : i32
      %dma_wait3A_302 = arith.constant 384 : i32
      %dma_wait3A_303 = arith.constant 0 : i32
      %dma_wait3A_304 = tpu.memref_slice %arg9[%dma_wait3A_302, %dma_wait3A_303] : memref<640x64xf32, #tpu.memory_space<vmem>> -> memref<128x64xf32, #tpu.memory_space<vmem>>
      %dma_wait3A_305 = arith.constant 0 : i32
      %dma_wait3A_306 = tpu.memref_slice %arg8[%dma_wait3A_301, %dma_wait3A_305] : memref<16x128xi32, #tpu.memory_space<vmem>> -> memref<1x128xi32, #tpu.memory_space<vmem>>
      %dma_wait3A_307 = tpu.memref_squeeze %dma_wait3A_306 : memref<1x128xi32, #tpu.memory_space<vmem>> -> memref<128xi32, #tpu.memory_space<vmem>>
      %dma_wait3A_308 = arith.constant 0 : i32
      %dma_wait3A_309 = arith.constant 0 : i32
      %dma_wait3A_310 = tpu.memref_slice %arg10[%dma_wait3A_308, %dma_wait3A_309] : memref<10128x64xf32, #tpu.memory_space<vmem_shared>> -> memref<10128x64xf32, #tpu.memory_space<vmem_shared>>
      tpu.wait_indirect_dma semaphore(%arg19 : memref<!tpu.dma_semaphore, #tpu.memory_space<semaphore_mem>>) src(%dma_wait3A_304 : memref<128x64xf32, #tpu.memory_space<vmem>>) dst(%dma_wait3A_310 : memref<10128x64xf32, #tpu.memory_space<vmem_shared>>)
      %dma_wait3A_311 = arith.constant 4 : i32
      %dma_wait3A_312 = arith.constant 512 : i32
      %dma_wait3A_313 = arith.constant 0 : i32
      %dma_wait3A_314 = tpu.memref_slice %arg9[%dma_wait3A_312, %dma_wait3A_313] : memref<640x64xf32, #tpu.memory_space<vmem>> -> memref<128x64xf32, #tpu.memory_space<vmem>>
      %dma_wait3A_315 = arith.constant 0 : i32
      %dma_wait3A_316 = tpu.memref_slice %arg8[%dma_wait3A_311, %dma_wait3A_315] : memref<16x128xi32, #tpu.memory_space<vmem>> -> memref<1x128xi32, #tpu.memory_space<vmem>>
      %dma_wait3A_317 = tpu.memref_squeeze %dma_wait3A_316 : memref<1x128xi32, #tpu.memory_space<vmem>> -> memref<128xi32, #tpu.memory_space<vmem>>
      %dma_wait3A_318 = arith.constant 0 : i32
      %dma_wait3A_319 = arith.constant 0 : i32
      %dma_wait3A_320 = tpu.memref_slice %arg10[%dma_wait3A_318, %dma_wait3A_319] : memref<10128x64xf32, #tpu.memory_space<vmem_shared>> -> memref<10128x64xf32, #tpu.memory_space<vmem_shared>>
      tpu.wait_indirect_dma semaphore(%arg20 : memref<!tpu.dma_semaphore, #tpu.memory_space<semaphore_mem>>) src(%dma_wait3A_314 : memref<128x64xf32, #tpu.memory_space<vmem>>) dst(%dma_wait3A_320 : memref<10128x64xf32, #tpu.memory_space<vmem_shared>>)
      %dma_wait3A_321 = arith.constant 5 : i32
      %dma_wait3A_322 = arith.constant 0 : i32
      %dma_wait3A_323 = arith.constant 0 : i32
      %dma_wait3A_324 = tpu.memref_slice %arg9[%dma_wait3A_322, %dma_wait3A_323] : memref<640x64xf32, #tpu.memory_space<vmem>> -> memref<128x64xf32, #tpu.memory_space<vmem>>
      %dma_wait3A_325 = arith.constant 0 : i32
      %dma_wait3A_326 = tpu.memref_slice %arg8[%dma_wait3A_321, %dma_wait3A_325] : memref<16x128xi32, #tpu.memory_space<vmem>> -> memref<1x128xi32, #tpu.memory_space<vmem>>
      %dma_wait3A_327 = tpu.memref_squeeze %dma_wait3A_326 : memref<1x128xi32, #tpu.memory_space<vmem>> -> memref<128xi32, #tpu.memory_space<vmem>>
      %dma_wait3A_328 = arith.constant 0 : i32
      %dma_wait3A_329 = arith.constant 0 : i32
      %dma_wait3A_330 = tpu.memref_slice %arg10[%dma_wait3A_328, %dma_wait3A_329] : memref<10128x64xf32, #tpu.memory_space<vmem_shared>> -> memref<10128x64xf32, #tpu.memory_space<vmem_shared>>
      tpu.wait_indirect_dma semaphore(%arg16 : memref<!tpu.dma_semaphore, #tpu.memory_space<semaphore_mem>>) src(%dma_wait3A_324 : memref<128x64xf32, #tpu.memory_space<vmem>>) dst(%dma_wait3A_330 : memref<10128x64xf32, #tpu.memory_space<vmem_shared>>)
      %dma_wait3A_331 = arith.constant 6 : i32
      %dma_wait3A_332 = arith.constant 128 : i32
      %dma_wait3A_333 = arith.constant 0 : i32
      %dma_wait3A_334 = tpu.memref_slice %arg9[%dma_wait3A_332, %dma_wait3A_333] : memref<640x64xf32, #tpu.memory_space<vmem>> -> memref<128x64xf32, #tpu.memory_space<vmem>>
      %dma_wait3A_335 = arith.constant 0 : i32
      %dma_wait3A_336 = tpu.memref_slice %arg8[%dma_wait3A_331, %dma_wait3A_335] : memref<16x128xi32, #tpu.memory_space<vmem>> -> memref<1x128xi32, #tpu.memory_space<vmem>>
      %dma_wait3A_337 = tpu.memref_squeeze %dma_wait3A_336 : memref<1x128xi32, #tpu.memory_space<vmem>> -> memref<128xi32, #tpu.memory_space<vmem>>
      %dma_wait3A_338 = arith.constant 0 : i32
      %dma_wait3A_339 = arith.constant 0 : i32
      %dma_wait3A_340 = tpu.memref_slice %arg10[%dma_wait3A_338, %dma_wait3A_339] : memref<10128x64xf32, #tpu.memory_space<vmem_shared>> -> memref<10128x64xf32, #tpu.memory_space<vmem_shared>>
      tpu.wait_indirect_dma semaphore(%arg17 : memref<!tpu.dma_semaphore, #tpu.memory_space<semaphore_mem>>) src(%dma_wait3A_334 : memref<128x64xf32, #tpu.memory_space<vmem>>) dst(%dma_wait3A_340 : memref<10128x64xf32, #tpu.memory_space<vmem_shared>>)
      %dma_wait3A_341 = arith.constant 7 : i32
      %dma_wait3A_342 = arith.constant 256 : i32
      %dma_wait3A_343 = arith.constant 0 : i32
      %dma_wait3A_344 = tpu.memref_slice %arg9[%dma_wait3A_342, %dma_wait3A_343] : memref<640x64xf32, #tpu.memory_space<vmem>> -> memref<128x64xf32, #tpu.memory_space<vmem>>
      %dma_wait3A_345 = arith.constant 0 : i32
      %dma_wait3A_346 = tpu.memref_slice %arg8[%dma_wait3A_341, %dma_wait3A_345] : memref<16x128xi32, #tpu.memory_space<vmem>> -> memref<1x128xi32, #tpu.memory_space<vmem>>
      %dma_wait3A_347 = tpu.memref_squeeze %dma_wait3A_346 : memref<1x128xi32, #tpu.memory_space<vmem>> -> memref<128xi32, #tpu.memory_space<vmem>>
      %dma_wait3A_348 = arith.constant 0 : i32
      %dma_wait3A_349 = arith.constant 0 : i32
      %dma_wait3A_350 = tpu.memref_slice %arg10[%dma_wait3A_348, %dma_wait3A_349] : memref<10128x64xf32, #tpu.memory_space<vmem_shared>> -> memref<10128x64xf32, #tpu.memory_space<vmem_shared>>
      tpu.wait_indirect_dma semaphore(%arg18 : memref<!tpu.dma_semaphore, #tpu.memory_space<semaphore_mem>>) src(%dma_wait3A_344 : memref<128x64xf32, #tpu.memory_space<vmem>>) dst(%dma_wait3A_350 : memref<10128x64xf32, #tpu.memory_space<vmem_shared>>)
    }
    %scan3A_19 = arith.constant 10 : i32
    %barrier3A_20 = arith.constant 0 : index
    tpu.barrier barrier_id(%barrier3A_20)
    "tpu.region"() ({
      %run_scoped3A = tpu.sem_alloc : memref<!tpu.dma_semaphore, #tpu.memory_space<semaphore_mem>>
      %dma_start3A = arith.constant 0 : i32
      %dma_start3A_26 = tpu.memref_slice %arg6[%arg0, %multiple_of3A, %dma_start3A] : memref<2x10000x64xf32, #tpu.memory_space<hbm>> -> memref<1x624x64xf32, #tpu.memory_space<hbm>>
      %dma_start3A_27 = tpu.memref_squeeze %dma_start3A_26 : memref<1x624x64xf32, #tpu.memory_space<hbm>> -> memref<624x64xf32, #tpu.memory_space<hbm>>
      %dma_start3A_28 = arith.constant 0 : i32
      %dma_start3A_29 = tpu.memref_slice %arg10[%multiple_of3A, %dma_start3A_28] : memref<10128x64xf32, #tpu.memory_space<vmem_shared>> -> memref<624x64xf32, #tpu.memory_space<vmem_shared>>
      tpu.enqueue_dma source(%dma_start3A_29 : memref<624x64xf32, #tpu.memory_space<vmem_shared>>) target(%dma_start3A_27 : memref<624x64xf32, #tpu.memory_space<hbm>>) target_semaphore(%run_scoped3A : memref<!tpu.dma_semaphore, #tpu.memory_space<semaphore_mem>>)
      %dma_wait3A = arith.constant 0 : i32
      %dma_wait3A_30 = tpu.memref_slice %arg6[%arg0, %multiple_of3A, %dma_wait3A] : memref<2x10000x64xf32, #tpu.memory_space<hbm>> -> memref<1x624x64xf32, #tpu.memory_space<hbm>>
      %dma_wait3A_31 = tpu.memref_squeeze %dma_wait3A_30 : memref<1x624x64xf32, #tpu.memory_space<hbm>> -> memref<624x64xf32, #tpu.memory_space<hbm>>
      %dma_wait3A_32 = arith.constant 0 : i32
      %dma_wait3A_33 = tpu.memref_slice %arg10[%multiple_of3A, %dma_wait3A_32] : memref<10128x64xf32, #tpu.memory_space<vmem_shared>> -> memref<624x64xf32, #tpu.memory_space<vmem_shared>>
      tpu.wait_dma2 semaphore(%run_scoped3A : memref<!tpu.dma_semaphore, #tpu.memory_space<semaphore_mem>>) src(%dma_wait3A_33 : memref<624x64xf32, #tpu.memory_space<vmem_shared>>) dst(%dma_wait3A_31 : memref<624x64xf32, #tpu.memory_space<hbm>>)
      tpu.yield
    }) : () -> ()
    %eq3A_21 = arith.constant 15 : i32
    %eq3A_22 = arith.cmpi eq, %arg1, %eq3A_21 : i32
    %convert_element_type3A_23 = arith.extui %eq3A_22 : i1 to i32
    %cond3A_24 = arith.constant 0 : i32
    %cond3A_25 = arith.cmpi ne, %convert_element_type3A_23, %cond3A_24 : i32
    scf.if %cond3A_25 {
      "tpu.region"() ({
        %run_scoped3A = tpu.sem_alloc : memref<!tpu.dma_semaphore, #tpu.memory_space<semaphore_mem>>
        %dma_start3A = arith.constant 9984 : i32
        %dma_start3A_26 = arith.constant 0 : i32
        %dma_start3A_27 = tpu.memref_slice %arg6[%arg0, %dma_start3A, %dma_start3A_26] : memref<2x10000x64xf32, #tpu.memory_space<hbm>> -> memref<1x16x64xf32, #tpu.memory_space<hbm>>
        %dma_start3A_28 = tpu.memref_squeeze %dma_start3A_27 : memref<1x16x64xf32, #tpu.memory_space<hbm>> -> memref<16x64xf32, #tpu.memory_space<hbm>>
        %dma_start3A_29 = arith.constant 9984 : i32
        %dma_start3A_30 = arith.constant 0 : i32
        %dma_start3A_31 = tpu.memref_slice %arg10[%dma_start3A_29, %dma_start3A_30] : memref<10128x64xf32, #tpu.memory_space<vmem_shared>> -> memref<16x64xf32, #tpu.memory_space<vmem_shared>>
        tpu.enqueue_dma source(%dma_start3A_31 : memref<16x64xf32, #tpu.memory_space<vmem_shared>>) target(%dma_start3A_28 : memref<16x64xf32, #tpu.memory_space<hbm>>) target_semaphore(%run_scoped3A : memref<!tpu.dma_semaphore, #tpu.memory_space<semaphore_mem>>)
        %dma_wait3A = arith.constant 9984 : i32
        %dma_wait3A_32 = arith.constant 0 : i32
        %dma_wait3A_33 = tpu.memref_slice %arg6[%arg0, %dma_wait3A, %dma_wait3A_32] : memref<2x10000x64xf32, #tpu.memory_space<hbm>> -> memref<1x16x64xf32, #tpu.memory_space<hbm>>
        %dma_wait3A_34 = tpu.memref_squeeze %dma_wait3A_33 : memref<1x16x64xf32, #tpu.memory_space<hbm>> -> memref<16x64xf32, #tpu.memory_space<hbm>>
        %dma_wait3A_35 = arith.constant 9984 : i32
        %dma_wait3A_36 = arith.constant 0 : i32
        %dma_wait3A_37 = tpu.memref_slice %arg10[%dma_wait3A_35, %dma_wait3A_36] : memref<10128x64xf32, #tpu.memory_space<vmem_shared>> -> memref<16x64xf32, #tpu.memory_space<vmem_shared>>
        tpu.wait_dma2 semaphore(%run_scoped3A : memref<!tpu.dma_semaphore, #tpu.memory_space<semaphore_mem>>) src(%dma_wait3A_37 : memref<16x64xf32, #tpu.memory_space<vmem_shared>>) dst(%dma_wait3A_34 : memref<16x64xf32, #tpu.memory_space<hbm>>)
        tpu.yield
      }) : () -> ()
    } else {
    }
    return
  }
}

#map = affine_map<(d0, d1) -> (0, 0)>
#map1 = affine_map<(d0, d1) -> (0, 0, 0)>
module attributes {stable_mosaic.version = 14 : i64} {
  func.func @panel_kernel(%arg0: i32, %arg1: i32, %arg2: memref<10000x64xf32, #tpu.memory_space<hbm>>, %arg3: memref<10000x64xf32, #tpu.memory_space<hbm>>, %arg4: memref<2560x128xi32, #tpu.memory_space<hbm>>, %arg5: memref<2560x128xi32, #tpu.memory_space<hbm>>, %arg6: memref<2x10000x64xf32, #tpu.memory_space<hbm>>, %arg7: memref<16x128xi32, #tpu.memory_space<vmem>>, %arg8: memref<16x128xi32, #tpu.memory_space<vmem>>, %arg9: memref<640x64xf32, #tpu.memory_space<vmem>>, %arg10: memref<10128x64xf32, #tpu.memory_space<vmem_shared>>, %arg11: memref<10000x64xf32, #tpu.memory_space<vmem_shared>>, %arg12: memref<!tpu.dma_semaphore, #tpu.memory_space<semaphore_mem>>, %arg13: memref<!tpu.dma_semaphore, #tpu.memory_space<semaphore_mem>>, %arg14: memref<!tpu.dma_semaphore, #tpu.memory_space<semaphore_mem>>, %arg15: memref<!tpu.dma_semaphore, #tpu.memory_space<semaphore_mem>>, %arg16: memref<!tpu.dma_semaphore, #tpu.memory_space<semaphore_mem>>, %arg17: memref<!tpu.dma_semaphore, #tpu.memory_space<semaphore_mem>>, %arg18: memref<!tpu.dma_semaphore, #tpu.memory_space<semaphore_mem>>, %arg19: memref<!tpu.dma_semaphore, #tpu.memory_space<semaphore_mem>>, %arg20: memref<!tpu.dma_semaphore, #tpu.memory_space<semaphore_mem>>, %arg21: memref<!tpu.dma_semaphore, #tpu.memory_space<semaphore_mem>>, %arg22: memref<!tpu.dma_semaphore, #tpu.memory_space<semaphore_mem>>, %arg23: memref<!tpu.dma_semaphore, #tpu.memory_space<semaphore_mem>>, %arg24: memref<!tpu.dma_semaphore, #tpu.memory_space<semaphore_mem>>, %arg25: memref<!tpu.dma_semaphore, #tpu.memory_space<semaphore_mem>>) attributes {dimension_semantics = [#tpu.dimension_semantics<core_parallel>, #tpu.dimension_semantics<subcore_parallel>], iteration_bounds = array<i64: 2, 16>, scalar_prefetch = 0 : i64, scratch_operands = 19 : i64, tpu.core_type = #tpu.core_type<sc_vector_subcore>, window_params = [{transform_indices = #map}, {transform_indices = #map}, {transform_indices = #map}, {transform_indices = #map}, {transform_indices = #map1}]} {
    %mul3A = arith.constant 624 : i32
    %mul3A_0 = arith.muli %arg1, %mul3A : i32
    %multiple_of3A = tpu.assume_multiple %mul3A_0, 8 : i32
    %eq3A = arith.constant 0 : i32
    %eq3A_1 = arith.cmpi eq, %arg0, %eq3A : i32
    %convert_element_type3A = arith.extui %eq3A_1 : i1 to i32
    %cond3A = arith.constant 0 : i32
    %cond3A_2 = arith.cmpi ne, %convert_element_type3A, %cond3A : i32
    scf.if %cond3A_2 {
      "tpu.region"() ({
        %run_scoped3A = tpu.sem_alloc : memref<!tpu.dma_semaphore, #tpu.memory_space<semaphore_mem>>
        %dma_start3A = arith.constant 0 : i32
        %dma_start3A_24 = tpu.memref_slice %arg10[%multiple_of3A, %dma_start3A] : memref<10128x64xf32, #tpu.memory_space<vmem_shared>> -> memref<624x64xf32, #tpu.memory_space<vmem_shared>>
        %dma_start3A_25 = arith.constant 0 : i32
        %dma_start3A_26 = tpu.memref_slice %arg2[%multiple_of3A, %dma_start3A_25] : memref<10000x64xf32, #tpu.memory_space<hbm>> -> memref<624x64xf32, #tpu.memory_space<hbm>>
        tpu.enqueue_dma source(%dma_start3A_26 : memref<624x64xf32, #tpu.memory_space<hbm>>) target(%dma_start3A_24 : memref<624x64xf32, #tpu.memory_space<vmem_shared>>) target_semaphore(%run_scoped3A : memref<!tpu.dma_semaphore, #tpu.memory_space<semaphore_mem>>)
        %dma_wait3A = arith.constant 0 : i32
        %dma_wait3A_27 = tpu.memref_slice %arg10[%multiple_of3A, %dma_wait3A] : memref<10128x64xf32, #tpu.memory_space<vmem_shared>> -> memref<624x64xf32, #tpu.memory_space<vmem_shared>>
        %dma_wait3A_28 = arith.constant 0 : i32
        %dma_wait3A_29 = tpu.memref_slice %arg2[%multiple_of3A, %dma_wait3A_28] : memref<10000x64xf32, #tpu.memory_space<hbm>> -> memref<624x64xf32, #tpu.memory_space<hbm>>
        tpu.wait_dma2 semaphore(%run_scoped3A : memref<!tpu.dma_semaphore, #tpu.memory_space<semaphore_mem>>) src(%dma_wait3A_29 : memref<624x64xf32, #tpu.memory_space<hbm>>) dst(%dma_wait3A_27 : memref<624x64xf32, #tpu.memory_space<vmem_shared>>)
        tpu.yield
      }) : () -> ()
      "tpu.region"() ({
        %run_scoped3A = tpu.sem_alloc : memref<!tpu.dma_semaphore, #tpu.memory_space<semaphore_mem>>
        %dma_start3A = arith.constant 0 : i32
        %dma_start3A_24 = tpu.memref_slice %arg11[%multiple_of3A, %dma_start3A] : memref<10000x64xf32, #tpu.memory_space<vmem_shared>> -> memref<624x64xf32, #tpu.memory_space<vmem_shared>>
        %dma_start3A_25 = arith.constant 0 : i32
        %dma_start3A_26 = tpu.memref_slice %arg2[%multiple_of3A, %dma_start3A_25] : memref<10000x64xf32, #tpu.memory_space<hbm>> -> memref<624x64xf32, #tpu.memory_space<hbm>>
        tpu.enqueue_dma source(%dma_start3A_26 : memref<624x64xf32, #tpu.memory_space<hbm>>) target(%dma_start3A_24 : memref<624x64xf32, #tpu.memory_space<vmem_shared>>) target_semaphore(%run_scoped3A : memref<!tpu.dma_semaphore, #tpu.memory_space<semaphore_mem>>)
        %dma_wait3A = arith.constant 0 : i32
        %dma_wait3A_27 = tpu.memref_slice %arg11[%multiple_of3A, %dma_wait3A] : memref<10000x64xf32, #tpu.memory_space<vmem_shared>> -> memref<624x64xf32, #tpu.memory_space<vmem_shared>>
        %dma_wait3A_28 = arith.constant 0 : i32
        %dma_wait3A_29 = tpu.memref_slice %arg2[%multiple_of3A, %dma_wait3A_28] : memref<10000x64xf32, #tpu.memory_space<hbm>> -> memref<624x64xf32, #tpu.memory_space<hbm>>
        tpu.wait_dma2 semaphore(%run_scoped3A : memref<!tpu.dma_semaphore, #tpu.memory_space<semaphore_mem>>) src(%dma_wait3A_29 : memref<624x64xf32, #tpu.memory_space<hbm>>) dst(%dma_wait3A_27 : memref<624x64xf32, #tpu.memory_space<vmem_shared>>)
        tpu.yield
      }) : () -> ()
      %eq3A_19 = arith.constant 15 : i32
      %eq3A_20 = arith.cmpi eq, %arg1, %eq3A_19 : i32
      %convert_element_type3A_21 = arith.extui %eq3A_20 : i1 to i32
      %cond3A_22 = arith.constant 0 : i32
      %cond3A_23 = arith.cmpi ne, %convert_element_type3A_21, %cond3A_22 : i32
      scf.if %cond3A_23 {
        "tpu.region"() ({
          %run_scoped3A = tpu.sem_alloc : memref<!tpu.dma_semaphore, #tpu.memory_space<semaphore_mem>>
          %dma_start3A = arith.constant 9984 : i32
          %dma_start3A_24 = arith.constant 0 : i32
          %dma_start3A_25 = tpu.memref_slice %arg10[%dma_start3A, %dma_start3A_24] : memref<10128x64xf32, #tpu.memory_space<vmem_shared>> -> memref<16x64xf32, #tpu.memory_space<vmem_shared>>
          %dma_start3A_26 = arith.constant 9984 : i32
          %dma_start3A_27 = arith.constant 0 : i32
          %dma_start3A_28 = tpu.memref_slice %arg2[%dma_start3A_26, %dma_start3A_27] : memref<10000x64xf32, #tpu.memory_space<hbm>> -> memref<16x64xf32, #tpu.memory_space<hbm>>
          tpu.enqueue_dma source(%dma_start3A_28 : memref<16x64xf32, #tpu.memory_space<hbm>>) target(%dma_start3A_25 : memref<16x64xf32, #tpu.memory_space<vmem_shared>>) target_semaphore(%run_scoped3A : memref<!tpu.dma_semaphore, #tpu.memory_space<semaphore_mem>>)
          %dma_wait3A = arith.constant 9984 : i32
          %dma_wait3A_29 = arith.constant 0 : i32
          %dma_wait3A_30 = tpu.memref_slice %arg10[%dma_wait3A, %dma_wait3A_29] : memref<10128x64xf32, #tpu.memory_space<vmem_shared>> -> memref<16x64xf32, #tpu.memory_space<vmem_shared>>
          %dma_wait3A_31 = arith.constant 9984 : i32
          %dma_wait3A_32 = arith.constant 0 : i32
          %dma_wait3A_33 = tpu.memref_slice %arg2[%dma_wait3A_31, %dma_wait3A_32] : memref<10000x64xf32, #tpu.memory_space<hbm>> -> memref<16x64xf32, #tpu.memory_space<hbm>>
          tpu.wait_dma2 semaphore(%run_scoped3A : memref<!tpu.dma_semaphore, #tpu.memory_space<semaphore_mem>>) src(%dma_wait3A_33 : memref<16x64xf32, #tpu.memory_space<hbm>>) dst(%dma_wait3A_30 : memref<16x64xf32, #tpu.memory_space<vmem_shared>>)
          tpu.yield
        }) : () -> ()
        "tpu.region"() ({
          %run_scoped3A = tpu.sem_alloc : memref<!tpu.dma_semaphore, #tpu.memory_space<semaphore_mem>>
          %dma_start3A = arith.constant 9984 : i32
          %dma_start3A_24 = arith.constant 0 : i32
          %dma_start3A_25 = tpu.memref_slice %arg11[%dma_start3A, %dma_start3A_24] : memref<10000x64xf32, #tpu.memory_space<vmem_shared>> -> memref<16x64xf32, #tpu.memory_space<vmem_shared>>
          %dma_start3A_26 = arith.constant 9984 : i32
          %dma_start3A_27 = arith.constant 0 : i32
          %dma_start3A_28 = tpu.memref_slice %arg2[%dma_start3A_26, %dma_start3A_27] : memref<10000x64xf32, #tpu.memory_space<hbm>> -> memref<16x64xf32, #tpu.memory_space<hbm>>
          tpu.enqueue_dma source(%dma_start3A_28 : memref<16x64xf32, #tpu.memory_space<hbm>>) target(%dma_start3A_25 : memref<16x64xf32, #tpu.memory_space<vmem_shared>>) target_semaphore(%run_scoped3A : memref<!tpu.dma_semaphore, #tpu.memory_space<semaphore_mem>>)
          %dma_wait3A = arith.constant 9984 : i32
          %dma_wait3A_29 = arith.constant 0 : i32
          %dma_wait3A_30 = tpu.memref_slice %arg11[%dma_wait3A, %dma_wait3A_29] : memref<10000x64xf32, #tpu.memory_space<vmem_shared>> -> memref<16x64xf32, #tpu.memory_space<vmem_shared>>
          %dma_wait3A_31 = arith.constant 9984 : i32
          %dma_wait3A_32 = arith.constant 0 : i32
          %dma_wait3A_33 = tpu.memref_slice %arg2[%dma_wait3A_31, %dma_wait3A_32] : memref<10000x64xf32, #tpu.memory_space<hbm>> -> memref<16x64xf32, #tpu.memory_space<hbm>>
          tpu.wait_dma2 semaphore(%run_scoped3A : memref<!tpu.dma_semaphore, #tpu.memory_space<semaphore_mem>>) src(%dma_wait3A_33 : memref<16x64xf32, #tpu.memory_space<hbm>>) dst(%dma_wait3A_30 : memref<16x64xf32, #tpu.memory_space<vmem_shared>>)
          tpu.yield
        }) : () -> ()
      } else {
      }
    } else {
    }
    %eq3A_3 = arith.constant 1 : i32
    %eq3A_4 = arith.cmpi eq, %arg0, %eq3A_3 : i32
    %convert_element_type3A_5 = arith.extui %eq3A_4 : i1 to i32
    %cond3A_6 = arith.constant 0 : i32
    %cond3A_7 = arith.cmpi ne, %convert_element_type3A_5, %cond3A_6 : i32
    scf.if %cond3A_7 {
      "tpu.region"() ({
        %run_scoped3A = tpu.sem_alloc : memref<!tpu.dma_semaphore, #tpu.memory_space<semaphore_mem>>
        %dma_start3A = arith.constant 0 : i32
        %dma_start3A_24 = tpu.memref_slice %arg10[%multiple_of3A, %dma_start3A] : memref<10128x64xf32, #tpu.memory_space<vmem_shared>> -> memref<624x64xf32, #tpu.memory_space<vmem_shared>>
        %dma_start3A_25 = arith.constant 0 : i32
        %dma_start3A_26 = tpu.memref_slice %arg3[%multiple_of3A, %dma_start3A_25] : memref<10000x64xf32, #tpu.memory_space<hbm>> -> memref<624x64xf32, #tpu.memory_space<hbm>>
        tpu.enqueue_dma source(%dma_start3A_26 : memref<624x64xf32, #tpu.memory_space<hbm>>) target(%dma_start3A_24 : memref<624x64xf32, #tpu.memory_space<vmem_shared>>) target_semaphore(%run_scoped3A : memref<!tpu.dma_semaphore, #tpu.memory_space<semaphore_mem>>)
        %dma_wait3A = arith.constant 0 : i32
        %dma_wait3A_27 = tpu.memref_slice %arg10[%multiple_of3A, %dma_wait3A] : memref<10128x64xf32, #tpu.memory_space<vmem_shared>> -> memref<624x64xf32, #tpu.memory_space<vmem_shared>>
        %dma_wait3A_28 = arith.constant 0 : i32
        %dma_wait3A_29 = tpu.memref_slice %arg3[%multiple_of3A, %dma_wait3A_28] : memref<10000x64xf32, #tpu.memory_space<hbm>> -> memref<624x64xf32, #tpu.memory_space<hbm>>
        tpu.wait_dma2 semaphore(%run_scoped3A : memref<!tpu.dma_semaphore, #tpu.memory_space<semaphore_mem>>) src(%dma_wait3A_29 : memref<624x64xf32, #tpu.memory_space<hbm>>) dst(%dma_wait3A_27 : memref<624x64xf32, #tpu.memory_space<vmem_shared>>)
        tpu.yield
      }) : () -> ()
      "tpu.region"() ({
        %run_scoped3A = tpu.sem_alloc : memref<!tpu.dma_semaphore, #tpu.memory_space<semaphore_mem>>
        %dma_start3A = arith.constant 0 : i32
        %dma_start3A_24 = tpu.memref_slice %arg11[%multiple_of3A, %dma_start3A] : memref<10000x64xf32, #tpu.memory_space<vmem_shared>> -> memref<624x64xf32, #tpu.memory_space<vmem_shared>>
        %dma_start3A_25 = arith.constant 0 : i32
        %dma_start3A_26 = tpu.memref_slice %arg3[%multiple_of3A, %dma_start3A_25] : memref<10000x64xf32, #tpu.memory_space<hbm>> -> memref<624x64xf32, #tpu.memory_space<hbm>>
        tpu.enqueue_dma source(%dma_start3A_26 : memref<624x64xf32, #tpu.memory_space<hbm>>) target(%dma_start3A_24 : memref<624x64xf32, #tpu.memory_space<vmem_shared>>) target_semaphore(%run_scoped3A : memref<!tpu.dma_semaphore, #tpu.memory_space<semaphore_mem>>)
        %dma_wait3A = arith.constant 0 : i32
        %dma_wait3A_27 = tpu.memref_slice %arg11[%multiple_of3A, %dma_wait3A] : memref<10000x64xf32, #tpu.memory_space<vmem_shared>> -> memref<624x64xf32, #tpu.memory_space<vmem_shared>>
        %dma_wait3A_28 = arith.constant 0 : i32
        %dma_wait3A_29 = tpu.memref_slice %arg3[%multiple_of3A, %dma_wait3A_28] : memref<10000x64xf32, #tpu.memory_space<hbm>> -> memref<624x64xf32, #tpu.memory_space<hbm>>
        tpu.wait_dma2 semaphore(%run_scoped3A : memref<!tpu.dma_semaphore, #tpu.memory_space<semaphore_mem>>) src(%dma_wait3A_29 : memref<624x64xf32, #tpu.memory_space<hbm>>) dst(%dma_wait3A_27 : memref<624x64xf32, #tpu.memory_space<vmem_shared>>)
        tpu.yield
      }) : () -> ()
      %eq3A_19 = arith.constant 15 : i32
      %eq3A_20 = arith.cmpi eq, %arg1, %eq3A_19 : i32
      %convert_element_type3A_21 = arith.extui %eq3A_20 : i1 to i32
      %cond3A_22 = arith.constant 0 : i32
      %cond3A_23 = arith.cmpi ne, %convert_element_type3A_21, %cond3A_22 : i32
      scf.if %cond3A_23 {
        "tpu.region"() ({
          %run_scoped3A = tpu.sem_alloc : memref<!tpu.dma_semaphore, #tpu.memory_space<semaphore_mem>>
          %dma_start3A = arith.constant 9984 : i32
          %dma_start3A_24 = arith.constant 0 : i32
          %dma_start3A_25 = tpu.memref_slice %arg10[%dma_start3A, %dma_start3A_24] : memref<10128x64xf32, #tpu.memory_space<vmem_shared>> -> memref<16x64xf32, #tpu.memory_space<vmem_shared>>
          %dma_start3A_26 = arith.constant 9984 : i32
          %dma_start3A_27 = arith.constant 0 : i32
          %dma_start3A_28 = tpu.memref_slice %arg3[%dma_start3A_26, %dma_start3A_27] : memref<10000x64xf32, #tpu.memory_space<hbm>> -> memref<16x64xf32, #tpu.memory_space<hbm>>
          tpu.enqueue_dma source(%dma_start3A_28 : memref<16x64xf32, #tpu.memory_space<hbm>>) target(%dma_start3A_25 : memref<16x64xf32, #tpu.memory_space<vmem_shared>>) target_semaphore(%run_scoped3A : memref<!tpu.dma_semaphore, #tpu.memory_space<semaphore_mem>>)
          %dma_wait3A = arith.constant 9984 : i32
          %dma_wait3A_29 = arith.constant 0 : i32
          %dma_wait3A_30 = tpu.memref_slice %arg10[%dma_wait3A, %dma_wait3A_29] : memref<10128x64xf32, #tpu.memory_space<vmem_shared>> -> memref<16x64xf32, #tpu.memory_space<vmem_shared>>
          %dma_wait3A_31 = arith.constant 9984 : i32
          %dma_wait3A_32 = arith.constant 0 : i32
          %dma_wait3A_33 = tpu.memref_slice %arg3[%dma_wait3A_31, %dma_wait3A_32] : memref<10000x64xf32, #tpu.memory_space<hbm>> -> memref<16x64xf32, #tpu.memory_space<hbm>>
          tpu.wait_dma2 semaphore(%run_scoped3A : memref<!tpu.dma_semaphore, #tpu.memory_space<semaphore_mem>>) src(%dma_wait3A_33 : memref<16x64xf32, #tpu.memory_space<hbm>>) dst(%dma_wait3A_30 : memref<16x64xf32, #tpu.memory_space<vmem_shared>>)
          tpu.yield
        }) : () -> ()
        "tpu.region"() ({
          %run_scoped3A = tpu.sem_alloc : memref<!tpu.dma_semaphore, #tpu.memory_space<semaphore_mem>>
          %dma_start3A = arith.constant 9984 : i32
          %dma_start3A_24 = arith.constant 0 : i32
          %dma_start3A_25 = tpu.memref_slice %arg11[%dma_start3A, %dma_start3A_24] : memref<10000x64xf32, #tpu.memory_space<vmem_shared>> -> memref<16x64xf32, #tpu.memory_space<vmem_shared>>
          %dma_start3A_26 = arith.constant 9984 : i32
          %dma_start3A_27 = arith.constant 0 : i32
          %dma_start3A_28 = tpu.memref_slice %arg3[%dma_start3A_26, %dma_start3A_27] : memref<10000x64xf32, #tpu.memory_space<hbm>> -> memref<16x64xf32, #tpu.memory_space<hbm>>
          tpu.enqueue_dma source(%dma_start3A_28 : memref<16x64xf32, #tpu.memory_space<hbm>>) target(%dma_start3A_25 : memref<16x64xf32, #tpu.memory_space<vmem_shared>>) target_semaphore(%run_scoped3A : memref<!tpu.dma_semaphore, #tpu.memory_space<semaphore_mem>>)
          %dma_wait3A = arith.constant 9984 : i32
          %dma_wait3A_29 = arith.constant 0 : i32
          %dma_wait3A_30 = tpu.memref_slice %arg11[%dma_wait3A, %dma_wait3A_29] : memref<10000x64xf32, #tpu.memory_space<vmem_shared>> -> memref<16x64xf32, #tpu.memory_space<vmem_shared>>
          %dma_wait3A_31 = arith.constant 9984 : i32
          %dma_wait3A_32 = arith.constant 0 : i32
          %dma_wait3A_33 = tpu.memref_slice %arg3[%dma_wait3A_31, %dma_wait3A_32] : memref<10000x64xf32, #tpu.memory_space<hbm>> -> memref<16x64xf32, #tpu.memory_space<hbm>>
          tpu.wait_dma2 semaphore(%run_scoped3A : memref<!tpu.dma_semaphore, #tpu.memory_space<semaphore_mem>>) src(%dma_wait3A_33 : memref<16x64xf32, #tpu.memory_space<hbm>>) dst(%dma_wait3A_30 : memref<16x64xf32, #tpu.memory_space<vmem_shared>>)
          tpu.yield
        }) : () -> ()
      } else {
      }
    } else {
    }
    %barrier3A = arith.constant 0 : index
    tpu.barrier barrier_id(%barrier3A)
    %scan3A = arith.constant 0 : i32
    %scan3A_8 = arith.constant 0 : i32
    %scan3A_9 = arith.constant 20 : i32
    %scan3A_10 = arith.addi %scan3A_8, %scan3A_9 : i32
    %scan3A_11 = arith.constant 1 : i32
    scf.for %scan3A_19 = %scan3A_8 to %scan3A_10 step %scan3A_11  : i32 {
      %mul3A_20 = arith.constant 160 : i32
      %mul3A_21 = arith.muli %arg1, %mul3A_20 : i32
      %mul3A_22 = arith.constant 8 : i32
      %mul3A_23 = arith.muli %scan3A_19, %mul3A_22 : i32
      %add3A = arith.addi %mul3A_21, %mul3A_23 : i32
      %multiple_of3A_24 = tpu.assume_multiple %add3A, 8 : i32
      "tpu.region"() ({
        %run_scoped3A = tpu.sem_alloc : memref<!tpu.dma_semaphore, #tpu.memory_space<semaphore_mem>>
        %dma_start3A_343 = arith.constant 0 : i32
        %dma_start3A_344 = arith.constant 0 : i32
        %dma_start3A_345 = tpu.memref_slice %arg7[%dma_start3A_343, %dma_start3A_344] : memref<16x128xi32, #tpu.memory_space<vmem>> -> memref<8x128xi32, #tpu.memory_space<vmem>>
        %dma_start3A_346 = arith.constant 0 : i32
        %dma_start3A_347 = tpu.memref_slice %arg4[%multiple_of3A_24, %dma_start3A_346] : memref<2560x128xi32, #tpu.memory_space<hbm>> -> memref<8x128xi32, #tpu.memory_space<hbm>>
        %dma_start3A_348 = arith.constant 0 : i32
        %dma_start3A_349 = arith.constant 0 : i32
        %dma_start3A_350 = tpu.memref_slice %arg7[%dma_start3A_348, %dma_start3A_349] : memref<16x128xi32, #tpu.memory_space<vmem>> -> memref<8x128xi32, #tpu.memory_space<vmem>>
        %dma_start3A_351 = arith.constant 0 : i32
        %dma_start3A_352 = tpu.memref_slice %arg4[%multiple_of3A_24, %dma_start3A_351] : memref<2560x128xi32, #tpu.memory_space<hbm>> -> memref<8x128xi32, #tpu.memory_space<hbm>>
        tpu.enqueue_dma source(%dma_start3A_352 : memref<8x128xi32, #tpu.memory_space<hbm>>) target(%dma_start3A_350 : memref<8x128xi32, #tpu.memory_space<vmem>>) target_semaphore(%run_scoped3A : memref<!tpu.dma_semaphore, #tpu.memory_space<semaphore_mem>>)
        %dma_wait3A_353 = arith.constant 0 : i32
        %dma_wait3A_354 = arith.constant 0 : i32
        %dma_wait3A_355 = tpu.memref_slice %arg7[%dma_wait3A_353, %dma_wait3A_354] : memref<16x128xi32, #tpu.memory_space<vmem>> -> memref<8x128xi32, #tpu.memory_space<vmem>>
        %dma_wait3A_356 = arith.constant 0 : i32
        %dma_wait3A_357 = tpu.memref_slice %arg4[%multiple_of3A_24, %dma_wait3A_356] : memref<2560x128xi32, #tpu.memory_space<hbm>> -> memref<8x128xi32, #tpu.memory_space<hbm>>
        %dma_wait3A_358 = arith.constant 0 : i32
        %dma_wait3A_359 = arith.constant 0 : i32
        %dma_wait3A_360 = tpu.memref_slice %arg7[%dma_wait3A_358, %dma_wait3A_359] : memref<16x128xi32, #tpu.memory_space<vmem>> -> memref<8x128xi32, #tpu.memory_space<vmem>>
        %dma_wait3A_361 = arith.constant 0 : i32
        %dma_wait3A_362 = tpu.memref_slice %arg4[%multiple_of3A_24, %dma_wait3A_361] : memref<2560x128xi32, #tpu.memory_space<hbm>> -> memref<8x128xi32, #tpu.memory_space<hbm>>
        tpu.wait_dma2 semaphore(%run_scoped3A : memref<!tpu.dma_semaphore, #tpu.memory_space<semaphore_mem>>) src(%dma_wait3A_362 : memref<8x128xi32, #tpu.memory_space<hbm>>) dst(%dma_wait3A_360 : memref<8x128xi32, #tpu.memory_space<vmem>>)
        tpu.yield
      }) : () -> ()
      "tpu.region"() ({
        %run_scoped3A = tpu.sem_alloc : memref<!tpu.dma_semaphore, #tpu.memory_space<semaphore_mem>>
        %dma_start3A_343 = arith.constant 0 : i32
        %dma_start3A_344 = arith.constant 0 : i32
        %dma_start3A_345 = tpu.memref_slice %arg8[%dma_start3A_343, %dma_start3A_344] : memref<16x128xi32, #tpu.memory_space<vmem>> -> memref<8x128xi32, #tpu.memory_space<vmem>>
        %dma_start3A_346 = arith.constant 0 : i32
        %dma_start3A_347 = tpu.memref_slice %arg5[%multiple_of3A_24, %dma_start3A_346] : memref<2560x128xi32, #tpu.memory_space<hbm>> -> memref<8x128xi32, #tpu.memory_space<hbm>>
        %dma_start3A_348 = arith.constant 0 : i32
        %dma_start3A_349 = arith.constant 0 : i32
        %dma_start3A_350 = tpu.memref_slice %arg8[%dma_start3A_348, %dma_start3A_349] : memref<16x128xi32, #tpu.memory_space<vmem>> -> memref<8x128xi32, #tpu.memory_space<vmem>>
        %dma_start3A_351 = arith.constant 0 : i32
        %dma_start3A_352 = tpu.memref_slice %arg5[%multiple_of3A_24, %dma_start3A_351] : memref<2560x128xi32, #tpu.memory_space<hbm>> -> memref<8x128xi32, #tpu.memory_space<hbm>>
        tpu.enqueue_dma source(%dma_start3A_352 : memref<8x128xi32, #tpu.memory_space<hbm>>) target(%dma_start3A_350 : memref<8x128xi32, #tpu.memory_space<vmem>>) target_semaphore(%run_scoped3A : memref<!tpu.dma_semaphore, #tpu.memory_space<semaphore_mem>>)
        %dma_wait3A_353 = arith.constant 0 : i32
        %dma_wait3A_354 = arith.constant 0 : i32
        %dma_wait3A_355 = tpu.memref_slice %arg8[%dma_wait3A_353, %dma_wait3A_354] : memref<16x128xi32, #tpu.memory_space<vmem>> -> memref<8x128xi32, #tpu.memory_space<vmem>>
        %dma_wait3A_356 = arith.constant 0 : i32
        %dma_wait3A_357 = tpu.memref_slice %arg5[%multiple_of3A_24, %dma_wait3A_356] : memref<2560x128xi32, #tpu.memory_space<hbm>> -> memref<8x128xi32, #tpu.memory_space<hbm>>
        %dma_wait3A_358 = arith.constant 0 : i32
        %dma_wait3A_359 = arith.constant 0 : i32
        %dma_wait3A_360 = tpu.memref_slice %arg8[%dma_wait3A_358, %dma_wait3A_359] : memref<16x128xi32, #tpu.memory_space<vmem>> -> memref<8x128xi32, #tpu.memory_space<vmem>>
        %dma_wait3A_361 = arith.constant 0 : i32
        %dma_wait3A_362 = tpu.memref_slice %arg5[%multiple_of3A_24, %dma_wait3A_361] : memref<2560x128xi32, #tpu.memory_space<hbm>> -> memref<8x128xi32, #tpu.memory_space<hbm>>
        tpu.wait_dma2 semaphore(%run_scoped3A : memref<!tpu.dma_semaphore, #tpu.memory_space<semaphore_mem>>) src(%dma_wait3A_362 : memref<8x128xi32, #tpu.memory_space<hbm>>) dst(%dma_wait3A_360 : memref<8x128xi32, #tpu.memory_space<vmem>>)
        tpu.yield
      }) : () -> ()
      %dma_start3A = arith.constant 0 : i32
      %dma_start3A_25 = arith.constant 0 : i32
      %dma_start3A_26 = arith.constant 0 : i32
      %dma_start3A_27 = tpu.memref_slice %arg9[%dma_start3A_25, %dma_start3A_26] : memref<640x64xf32, #tpu.memory_space<vmem>> -> memref<128x64xf32, #tpu.memory_space<vmem>>
      %dma_start3A_28 = arith.constant 0 : i32
      %dma_start3A_29 = tpu.memref_slice %arg7[%dma_start3A, %dma_start3A_28] : memref<16x128xi32, #tpu.memory_space<vmem>> -> memref<1x128xi32, #tpu.memory_space<vmem>>
      %dma_start3A_30 = tpu.memref_squeeze %dma_start3A_29 : memref<1x128xi32, #tpu.memory_space<vmem>> -> memref<128xi32, #tpu.memory_space<vmem>>
      %dma_start3A_31 = arith.constant 0 : i32
      %dma_start3A_32 = arith.constant 0 : i32
      %dma_start3A_33 = tpu.memref_slice %arg11[%dma_start3A_31, %dma_start3A_32] : memref<10000x64xf32, #tpu.memory_space<vmem_shared>> -> memref<10000x64xf32, #tpu.memory_space<vmem_shared>>
      tpu.enqueue_indirect_dma source(%dma_start3A_33 : memref<10000x64xf32, #tpu.memory_space<vmem_shared>>) target(%dma_start3A_27 : memref<128x64xf32, #tpu.memory_space<vmem>>) offsets(%dma_start3A_30 : memref<128xi32, #tpu.memory_space<vmem>>) semaphore(%arg12 : memref<!tpu.dma_semaphore, #tpu.memory_space<semaphore_mem>>)
      %dma_start3A_34 = arith.constant 1 : i32
      %dma_start3A_35 = arith.constant 128 : i32
      %dma_start3A_36 = arith.constant 0 : i32
      %dma_start3A_37 = tpu.memref_slice %arg9[%dma_start3A_35, %dma_start3A_36] : memref<640x64xf32, #tpu.memory_space<vmem>> -> memref<128x64xf32, #tpu.memory_space<vmem>>
      %dma_start3A_38 = arith.constant 0 : i32
      %dma_start3A_39 = tpu.memref_slice %arg7[%dma_start3A_34, %dma_start3A_38] : memref<16x128xi32, #tpu.memory_space<vmem>> -> memref<1x128xi32, #tpu.memory_space<vmem>>
      %dma_start3A_40 = tpu.memref_squeeze %dma_start3A_39 : memref<1x128xi32, #tpu.memory_space<vmem>> -> memref<128xi32, #tpu.memory_space<vmem>>
      %dma_start3A_41 = arith.constant 0 : i32
      %dma_start3A_42 = arith.constant 0 : i32
      %dma_start3A_43 = tpu.memref_slice %arg11[%dma_start3A_41, %dma_start3A_42] : memref<10000x64xf32, #tpu.memory_space<vmem_shared>> -> memref<10000x64xf32, #tpu.memory_space<vmem_shared>>
      tpu.enqueue_indirect_dma source(%dma_start3A_43 : memref<10000x64xf32, #tpu.memory_space<vmem_shared>>) target(%dma_start3A_37 : memref<128x64xf32, #tpu.memory_space<vmem>>) offsets(%dma_start3A_40 : memref<128xi32, #tpu.memory_space<vmem>>) semaphore(%arg13 : memref<!tpu.dma_semaphore, #tpu.memory_space<semaphore_mem>>)
      %dma_start3A_44 = arith.constant 2 : i32
      %dma_start3A_45 = arith.constant 256 : i32
      %dma_start3A_46 = arith.constant 0 : i32
      %dma_start3A_47 = tpu.memref_slice %arg9[%dma_start3A_45, %dma_start3A_46] : memref<640x64xf32, #tpu.memory_space<vmem>> -> memref<128x64xf32, #tpu.memory_space<vmem>>
      %dma_start3A_48 = arith.constant 0 : i32
      %dma_start3A_49 = tpu.memref_slice %arg7[%dma_start3A_44, %dma_start3A_48] : memref<16x128xi32, #tpu.memory_space<vmem>> -> memref<1x128xi32, #tpu.memory_space<vmem>>
      %dma_start3A_50 = tpu.memref_squeeze %dma_start3A_49 : memref<1x128xi32, #tpu.memory_space<vmem>> -> memref<128xi32, #tpu.memory_space<vmem>>
      %dma_start3A_51 = arith.constant 0 : i32
      %dma_start3A_52 = arith.constant 0 : i32
      %dma_start3A_53 = tpu.memref_slice %arg11[%dma_start3A_51, %dma_start3A_52] : memref<10000x64xf32, #tpu.memory_space<vmem_shared>> -> memref<10000x64xf32, #tpu.memory_space<vmem_shared>>
      tpu.enqueue_indirect_dma source(%dma_start3A_53 : memref<10000x64xf32, #tpu.memory_space<vmem_shared>>) target(%dma_start3A_47 : memref<128x64xf32, #tpu.memory_space<vmem>>) offsets(%dma_start3A_50 : memref<128xi32, #tpu.memory_space<vmem>>) semaphore(%arg14 : memref<!tpu.dma_semaphore, #tpu.memory_space<semaphore_mem>>)
      %dma_start3A_54 = arith.constant 3 : i32
      %dma_start3A_55 = arith.constant 384 : i32
      %dma_start3A_56 = arith.constant 0 : i32
      %dma_start3A_57 = tpu.memref_slice %arg9[%dma_start3A_55, %dma_start3A_56] : memref<640x64xf32, #tpu.memory_space<vmem>> -> memref<128x64xf32, #tpu.memory_space<vmem>>
      %dma_start3A_58 = arith.constant 0 : i32
      %dma_start3A_59 = tpu.memref_slice %arg7[%dma_start3A_54, %dma_start3A_58] : memref<16x128xi32, #tpu.memory_space<vmem>> -> memref<1x128xi32, #tpu.memory_space<vmem>>
      %dma_start3A_60 = tpu.memref_squeeze %dma_start3A_59 : memref<1x128xi32, #tpu.memory_space<vmem>> -> memref<128xi32, #tpu.memory_space<vmem>>
      %dma_start3A_61 = arith.constant 0 : i32
      %dma_start3A_62 = arith.constant 0 : i32
      %dma_start3A_63 = tpu.memref_slice %arg11[%dma_start3A_61, %dma_start3A_62] : memref<10000x64xf32, #tpu.memory_space<vmem_shared>> -> memref<10000x64xf32, #tpu.memory_space<vmem_shared>>
      tpu.enqueue_indirect_dma source(%dma_start3A_63 : memref<10000x64xf32, #tpu.memory_space<vmem_shared>>) target(%dma_start3A_57 : memref<128x64xf32, #tpu.memory_space<vmem>>) offsets(%dma_start3A_60 : memref<128xi32, #tpu.memory_space<vmem>>) semaphore(%arg15 : memref<!tpu.dma_semaphore, #tpu.memory_space<semaphore_mem>>)
      %dma_start3A_64 = arith.constant 4 : i32
      %dma_start3A_65 = arith.constant 512 : i32
      %dma_start3A_66 = arith.constant 0 : i32
      %dma_start3A_67 = tpu.memref_slice %arg9[%dma_start3A_65, %dma_start3A_66] : memref<640x64xf32, #tpu.memory_space<vmem>> -> memref<128x64xf32, #tpu.memory_space<vmem>>
      %dma_start3A_68 = arith.constant 0 : i32
      %dma_start3A_69 = tpu.memref_slice %arg7[%dma_start3A_64, %dma_start3A_68] : memref<16x128xi32, #tpu.memory_space<vmem>> -> memref<1x128xi32, #tpu.memory_space<vmem>>
      %dma_start3A_70 = tpu.memref_squeeze %dma_start3A_69 : memref<1x128xi32, #tpu.memory_space<vmem>> -> memref<128xi32, #tpu.memory_space<vmem>>
      %dma_start3A_71 = arith.constant 0 : i32
      %dma_start3A_72 = arith.constant 0 : i32
      %dma_start3A_73 = tpu.memref_slice %arg11[%dma_start3A_71, %dma_start3A_72] : memref<10000x64xf32, #tpu.memory_space<vmem_shared>> -> memref<10000x64xf32, #tpu.memory_space<vmem_shared>>
      tpu.enqueue_indirect_dma source(%dma_start3A_73 : memref<10000x64xf32, #tpu.memory_space<vmem_shared>>) target(%dma_start3A_67 : memref<128x64xf32, #tpu.memory_space<vmem>>) offsets(%dma_start3A_70 : memref<128xi32, #tpu.memory_space<vmem>>) semaphore(%arg16 : memref<!tpu.dma_semaphore, #tpu.memory_space<semaphore_mem>>)
      %dma_wait3A = arith.constant 0 : i32
      %dma_wait3A_74 = arith.constant 0 : i32
      %dma_wait3A_75 = arith.constant 0 : i32
      %dma_wait3A_76 = tpu.memref_slice %arg9[%dma_wait3A_74, %dma_wait3A_75] : memref<640x64xf32, #tpu.memory_space<vmem>> -> memref<128x64xf32, #tpu.memory_space<vmem>>
      %dma_wait3A_77 = arith.constant 0 : i32
      %dma_wait3A_78 = tpu.memref_slice %arg7[%dma_wait3A, %dma_wait3A_77] : memref<16x128xi32, #tpu.memory_space<vmem>> -> memref<1x128xi32, #tpu.memory_space<vmem>>
      %dma_wait3A_79 = tpu.memref_squeeze %dma_wait3A_78 : memref<1x128xi32, #tpu.memory_space<vmem>> -> memref<128xi32, #tpu.memory_space<vmem>>
      %dma_wait3A_80 = arith.constant 0 : i32
      %dma_wait3A_81 = arith.constant 0 : i32
      %dma_wait3A_82 = tpu.memref_slice %arg11[%dma_wait3A_80, %dma_wait3A_81] : memref<10000x64xf32, #tpu.memory_space<vmem_shared>> -> memref<10000x64xf32, #tpu.memory_space<vmem_shared>>
      tpu.wait_indirect_dma semaphore(%arg12 : memref<!tpu.dma_semaphore, #tpu.memory_space<semaphore_mem>>) src(%dma_wait3A_82 : memref<10000x64xf32, #tpu.memory_space<vmem_shared>>) dst(%dma_wait3A_76 : memref<128x64xf32, #tpu.memory_space<vmem>>)
      %dma_start3A_83 = arith.constant 0 : i32
      %dma_start3A_84 = arith.constant 0 : i32
      %dma_start3A_85 = arith.constant 0 : i32
      %dma_start3A_86 = tpu.memref_slice %arg9[%dma_start3A_84, %dma_start3A_85] : memref<640x64xf32, #tpu.memory_space<vmem>> -> memref<128x64xf32, #tpu.memory_space<vmem>>
      %dma_start3A_87 = arith.constant 0 : i32
      %dma_start3A_88 = tpu.memref_slice %arg8[%dma_start3A_83, %dma_start3A_87] : memref<16x128xi32, #tpu.memory_space<vmem>> -> memref<1x128xi32, #tpu.memory_space<vmem>>
      %dma_start3A_89 = tpu.memref_squeeze %dma_start3A_88 : memref<1x128xi32, #tpu.memory_space<vmem>> -> memref<128xi32, #tpu.memory_space<vmem>>
      %dma_start3A_90 = arith.constant 0 : i32
      %dma_start3A_91 = arith.constant 0 : i32
      %dma_start3A_92 = tpu.memref_slice %arg10[%dma_start3A_90, %dma_start3A_91] : memref<10128x64xf32, #tpu.memory_space<vmem_shared>> -> memref<10128x64xf32, #tpu.memory_space<vmem_shared>>
      tpu.enqueue_indirect_dma source(%dma_start3A_86 : memref<128x64xf32, #tpu.memory_space<vmem>>) target(%dma_start3A_92 : memref<10128x64xf32, #tpu.memory_space<vmem_shared>>) offsets(%dma_start3A_89 : memref<128xi32, #tpu.memory_space<vmem>>) semaphore(%arg17 : memref<!tpu.dma_semaphore, #tpu.memory_space<semaphore_mem>>) {add = true}
      %dma_wait3A_93 = arith.constant 0 : i32
      %dma_wait3A_94 = arith.constant 0 : i32
      %dma_wait3A_95 = arith.constant 0 : i32
      %dma_wait3A_96 = tpu.memref_slice %arg9[%dma_wait3A_94, %dma_wait3A_95] : memref<640x64xf32, #tpu.memory_space<vmem>> -> memref<128x64xf32, #tpu.memory_space<vmem>>
      %dma_wait3A_97 = arith.constant 0 : i32
      %dma_wait3A_98 = tpu.memref_slice %arg8[%dma_wait3A_93, %dma_wait3A_97] : memref<16x128xi32, #tpu.memory_space<vmem>> -> memref<1x128xi32, #tpu.memory_space<vmem>>
      %dma_wait3A_99 = tpu.memref_squeeze %dma_wait3A_98 : memref<1x128xi32, #tpu.memory_space<vmem>> -> memref<128xi32, #tpu.memory_space<vmem>>
      %dma_wait3A_100 = arith.constant 0 : i32
      %dma_wait3A_101 = arith.constant 0 : i32
      %dma_wait3A_102 = tpu.memref_slice %arg10[%dma_wait3A_100, %dma_wait3A_101] : memref<10128x64xf32, #tpu.memory_space<vmem_shared>> -> memref<10128x64xf32, #tpu.memory_space<vmem_shared>>
      tpu.wait_indirect_dma semaphore(%arg17 : memref<!tpu.dma_semaphore, #tpu.memory_space<semaphore_mem>>) src(%dma_wait3A_96 : memref<128x64xf32, #tpu.memory_space<vmem>>) dst(%dma_wait3A_102 : memref<10128x64xf32, #tpu.memory_space<vmem_shared>>)
      %dma_start3A_103 = arith.constant 5 : i32
      %dma_start3A_104 = arith.constant 0 : i32
      %dma_start3A_105 = arith.constant 0 : i32
      %dma_start3A_106 = tpu.memref_slice %arg9[%dma_start3A_104, %dma_start3A_105] : memref<640x64xf32, #tpu.memory_space<vmem>> -> memref<128x64xf32, #tpu.memory_space<vmem>>
      %dma_start3A_107 = arith.constant 0 : i32
      %dma_start3A_108 = tpu.memref_slice %arg7[%dma_start3A_103, %dma_start3A_107] : memref<16x128xi32, #tpu.memory_space<vmem>> -> memref<1x128xi32, #tpu.memory_space<vmem>>
      %dma_start3A_109 = tpu.memref_squeeze %dma_start3A_108 : memref<1x128xi32, #tpu.memory_space<vmem>> -> memref<128xi32, #tpu.memory_space<vmem>>
      %dma_start3A_110 = arith.constant 0 : i32
      %dma_start3A_111 = arith.constant 0 : i32
      %dma_start3A_112 = tpu.memref_slice %arg11[%dma_start3A_110, %dma_start3A_111] : memref<10000x64xf32, #tpu.memory_space<vmem_shared>> -> memref<10000x64xf32, #tpu.memory_space<vmem_shared>>
      tpu.enqueue_indirect_dma source(%dma_start3A_112 : memref<10000x64xf32, #tpu.memory_space<vmem_shared>>) target(%dma_start3A_106 : memref<128x64xf32, #tpu.memory_space<vmem>>) offsets(%dma_start3A_109 : memref<128xi32, #tpu.memory_space<vmem>>) semaphore(%arg12 : memref<!tpu.dma_semaphore, #tpu.memory_space<semaphore_mem>>)
      %dma_wait3A_113 = arith.constant 1 : i32
      %dma_wait3A_114 = arith.constant 128 : i32
      %dma_wait3A_115 = arith.constant 0 : i32
      %dma_wait3A_116 = tpu.memref_slice %arg9[%dma_wait3A_114, %dma_wait3A_115] : memref<640x64xf32, #tpu.memory_space<vmem>> -> memref<128x64xf32, #tpu.memory_space<vmem>>
      %dma_wait3A_117 = arith.constant 0 : i32
      %dma_wait3A_118 = tpu.memref_slice %arg7[%dma_wait3A_113, %dma_wait3A_117] : memref<16x128xi32, #tpu.memory_space<vmem>> -> memref<1x128xi32, #tpu.memory_space<vmem>>
      %dma_wait3A_119 = tpu.memref_squeeze %dma_wait3A_118 : memref<1x128xi32, #tpu.memory_space<vmem>> -> memref<128xi32, #tpu.memory_space<vmem>>
      %dma_wait3A_120 = arith.constant 0 : i32
      %dma_wait3A_121 = arith.constant 0 : i32
      %dma_wait3A_122 = tpu.memref_slice %arg11[%dma_wait3A_120, %dma_wait3A_121] : memref<10000x64xf32, #tpu.memory_space<vmem_shared>> -> memref<10000x64xf32, #tpu.memory_space<vmem_shared>>
      tpu.wait_indirect_dma semaphore(%arg13 : memref<!tpu.dma_semaphore, #tpu.memory_space<semaphore_mem>>) src(%dma_wait3A_122 : memref<10000x64xf32, #tpu.memory_space<vmem_shared>>) dst(%dma_wait3A_116 : memref<128x64xf32, #tpu.memory_space<vmem>>)
      %dma_start3A_123 = arith.constant 1 : i32
      %dma_start3A_124 = arith.constant 128 : i32
      %dma_start3A_125 = arith.constant 0 : i32
      %dma_start3A_126 = tpu.memref_slice %arg9[%dma_start3A_124, %dma_start3A_125] : memref<640x64xf32, #tpu.memory_space<vmem>> -> memref<128x64xf32, #tpu.memory_space<vmem>>
      %dma_start3A_127 = arith.constant 0 : i32
      %dma_start3A_128 = tpu.memref_slice %arg8[%dma_start3A_123, %dma_start3A_127] : memref<16x128xi32, #tpu.memory_space<vmem>> -> memref<1x128xi32, #tpu.memory_space<vmem>>
      %dma_start3A_129 = tpu.memref_squeeze %dma_start3A_128 : memref<1x128xi32, #tpu.memory_space<vmem>> -> memref<128xi32, #tpu.memory_space<vmem>>
      %dma_start3A_130 = arith.constant 0 : i32
      %dma_start3A_131 = arith.constant 0 : i32
      %dma_start3A_132 = tpu.memref_slice %arg10[%dma_start3A_130, %dma_start3A_131] : memref<10128x64xf32, #tpu.memory_space<vmem_shared>> -> memref<10128x64xf32, #tpu.memory_space<vmem_shared>>
      tpu.enqueue_indirect_dma source(%dma_start3A_126 : memref<128x64xf32, #tpu.memory_space<vmem>>) target(%dma_start3A_132 : memref<10128x64xf32, #tpu.memory_space<vmem_shared>>) offsets(%dma_start3A_129 : memref<128xi32, #tpu.memory_space<vmem>>) semaphore(%arg18 : memref<!tpu.dma_semaphore, #tpu.memory_space<semaphore_mem>>) {add = true}
      %dma_wait3A_133 = arith.constant 1 : i32
      %dma_wait3A_134 = arith.constant 128 : i32
      %dma_wait3A_135 = arith.constant 0 : i32
      %dma_wait3A_136 = tpu.memref_slice %arg9[%dma_wait3A_134, %dma_wait3A_135] : memref<640x64xf32, #tpu.memory_space<vmem>> -> memref<128x64xf32, #tpu.memory_space<vmem>>
      %dma_wait3A_137 = arith.constant 0 : i32
      %dma_wait3A_138 = tpu.memref_slice %arg8[%dma_wait3A_133, %dma_wait3A_137] : memref<16x128xi32, #tpu.memory_space<vmem>> -> memref<1x128xi32, #tpu.memory_space<vmem>>
      %dma_wait3A_139 = tpu.memref_squeeze %dma_wait3A_138 : memref<1x128xi32, #tpu.memory_space<vmem>> -> memref<128xi32, #tpu.memory_space<vmem>>
      %dma_wait3A_140 = arith.constant 0 : i32
      %dma_wait3A_141 = arith.constant 0 : i32
      %dma_wait3A_142 = tpu.memref_slice %arg10[%dma_wait3A_140, %dma_wait3A_141] : memref<10128x64xf32, #tpu.memory_space<vmem_shared>> -> memref<10128x64xf32, #tpu.memory_space<vmem_shared>>
      tpu.wait_indirect_dma semaphore(%arg18 : memref<!tpu.dma_semaphore, #tpu.memory_space<semaphore_mem>>) src(%dma_wait3A_136 : memref<128x64xf32, #tpu.memory_space<vmem>>) dst(%dma_wait3A_142 : memref<10128x64xf32, #tpu.memory_space<vmem_shared>>)
      %dma_start3A_143 = arith.constant 6 : i32
      %dma_start3A_144 = arith.constant 128 : i32
      %dma_start3A_145 = arith.constant 0 : i32
      %dma_start3A_146 = tpu.memref_slice %arg9[%dma_start3A_144, %dma_start3A_145] : memref<640x64xf32, #tpu.memory_space<vmem>> -> memref<128x64xf32, #tpu.memory_space<vmem>>
      %dma_start3A_147 = arith.constant 0 : i32
      %dma_start3A_148 = tpu.memref_slice %arg7[%dma_start3A_143, %dma_start3A_147] : memref<16x128xi32, #tpu.memory_space<vmem>> -> memref<1x128xi32, #tpu.memory_space<vmem>>
      %dma_start3A_149 = tpu.memref_squeeze %dma_start3A_148 : memref<1x128xi32, #tpu.memory_space<vmem>> -> memref<128xi32, #tpu.memory_space<vmem>>
      %dma_start3A_150 = arith.constant 0 : i32
      %dma_start3A_151 = arith.constant 0 : i32
      %dma_start3A_152 = tpu.memref_slice %arg11[%dma_start3A_150, %dma_start3A_151] : memref<10000x64xf32, #tpu.memory_space<vmem_shared>> -> memref<10000x64xf32, #tpu.memory_space<vmem_shared>>
      tpu.enqueue_indirect_dma source(%dma_start3A_152 : memref<10000x64xf32, #tpu.memory_space<vmem_shared>>) target(%dma_start3A_146 : memref<128x64xf32, #tpu.memory_space<vmem>>) offsets(%dma_start3A_149 : memref<128xi32, #tpu.memory_space<vmem>>) semaphore(%arg13 : memref<!tpu.dma_semaphore, #tpu.memory_space<semaphore_mem>>)
      %dma_wait3A_153 = arith.constant 2 : i32
      %dma_wait3A_154 = arith.constant 256 : i32
      %dma_wait3A_155 = arith.constant 0 : i32
      %dma_wait3A_156 = tpu.memref_slice %arg9[%dma_wait3A_154, %dma_wait3A_155] : memref<640x64xf32, #tpu.memory_space<vmem>> -> memref<128x64xf32, #tpu.memory_space<vmem>>
      %dma_wait3A_157 = arith.constant 0 : i32
      %dma_wait3A_158 = tpu.memref_slice %arg7[%dma_wait3A_153, %dma_wait3A_157] : memref<16x128xi32, #tpu.memory_space<vmem>> -> memref<1x128xi32, #tpu.memory_space<vmem>>
      %dma_wait3A_159 = tpu.memref_squeeze %dma_wait3A_158 : memref<1x128xi32, #tpu.memory_space<vmem>> -> memref<128xi32, #tpu.memory_space<vmem>>
      %dma_wait3A_160 = arith.constant 0 : i32
      %dma_wait3A_161 = arith.constant 0 : i32
      %dma_wait3A_162 = tpu.memref_slice %arg11[%dma_wait3A_160, %dma_wait3A_161] : memref<10000x64xf32, #tpu.memory_space<vmem_shared>> -> memref<10000x64xf32, #tpu.memory_space<vmem_shared>>
      tpu.wait_indirect_dma semaphore(%arg14 : memref<!tpu.dma_semaphore, #tpu.memory_space<semaphore_mem>>) src(%dma_wait3A_162 : memref<10000x64xf32, #tpu.memory_space<vmem_shared>>) dst(%dma_wait3A_156 : memref<128x64xf32, #tpu.memory_space<vmem>>)
      %dma_start3A_163 = arith.constant 2 : i32
      %dma_start3A_164 = arith.constant 256 : i32
      %dma_start3A_165 = arith.constant 0 : i32
      %dma_start3A_166 = tpu.memref_slice %arg9[%dma_start3A_164, %dma_start3A_165] : memref<640x64xf32, #tpu.memory_space<vmem>> -> memref<128x64xf32, #tpu.memory_space<vmem>>
      %dma_start3A_167 = arith.constant 0 : i32
      %dma_start3A_168 = tpu.memref_slice %arg8[%dma_start3A_163, %dma_start3A_167] : memref<16x128xi32, #tpu.memory_space<vmem>> -> memref<1x128xi32, #tpu.memory_space<vmem>>
      %dma_start3A_169 = tpu.memref_squeeze %dma_start3A_168 : memref<1x128xi32, #tpu.memory_space<vmem>> -> memref<128xi32, #tpu.memory_space<vmem>>
      %dma_start3A_170 = arith.constant 0 : i32
      %dma_start3A_171 = arith.constant 0 : i32
      %dma_start3A_172 = tpu.memref_slice %arg10[%dma_start3A_170, %dma_start3A_171] : memref<10128x64xf32, #tpu.memory_space<vmem_shared>> -> memref<10128x64xf32, #tpu.memory_space<vmem_shared>>
      tpu.enqueue_indirect_dma source(%dma_start3A_166 : memref<128x64xf32, #tpu.memory_space<vmem>>) target(%dma_start3A_172 : memref<10128x64xf32, #tpu.memory_space<vmem_shared>>) offsets(%dma_start3A_169 : memref<128xi32, #tpu.memory_space<vmem>>) semaphore(%arg19 : memref<!tpu.dma_semaphore, #tpu.memory_space<semaphore_mem>>) {add = true}
      %dma_wait3A_173 = arith.constant 2 : i32
      %dma_wait3A_174 = arith.constant 256 : i32
      %dma_wait3A_175 = arith.constant 0 : i32
      %dma_wait3A_176 = tpu.memref_slice %arg9[%dma_wait3A_174, %dma_wait3A_175] : memref<640x64xf32, #tpu.memory_space<vmem>> -> memref<128x64xf32, #tpu.memory_space<vmem>>
      %dma_wait3A_177 = arith.constant 0 : i32
      %dma_wait3A_178 = tpu.memref_slice %arg8[%dma_wait3A_173, %dma_wait3A_177] : memref<16x128xi32, #tpu.memory_space<vmem>> -> memref<1x128xi32, #tpu.memory_space<vmem>>
      %dma_wait3A_179 = tpu.memref_squeeze %dma_wait3A_178 : memref<1x128xi32, #tpu.memory_space<vmem>> -> memref<128xi32, #tpu.memory_space<vmem>>
      %dma_wait3A_180 = arith.constant 0 : i32
      %dma_wait3A_181 = arith.constant 0 : i32
      %dma_wait3A_182 = tpu.memref_slice %arg10[%dma_wait3A_180, %dma_wait3A_181] : memref<10128x64xf32, #tpu.memory_space<vmem_shared>> -> memref<10128x64xf32, #tpu.memory_space<vmem_shared>>
      tpu.wait_indirect_dma semaphore(%arg19 : memref<!tpu.dma_semaphore, #tpu.memory_space<semaphore_mem>>) src(%dma_wait3A_176 : memref<128x64xf32, #tpu.memory_space<vmem>>) dst(%dma_wait3A_182 : memref<10128x64xf32, #tpu.memory_space<vmem_shared>>)
      %dma_start3A_183 = arith.constant 7 : i32
      %dma_start3A_184 = arith.constant 256 : i32
      %dma_start3A_185 = arith.constant 0 : i32
      %dma_start3A_186 = tpu.memref_slice %arg9[%dma_start3A_184, %dma_start3A_185] : memref<640x64xf32, #tpu.memory_space<vmem>> -> memref<128x64xf32, #tpu.memory_space<vmem>>
      %dma_start3A_187 = arith.constant 0 : i32
      %dma_start3A_188 = tpu.memref_slice %arg7[%dma_start3A_183, %dma_start3A_187] : memref<16x128xi32, #tpu.memory_space<vmem>> -> memref<1x128xi32, #tpu.memory_space<vmem>>
      %dma_start3A_189 = tpu.memref_squeeze %dma_start3A_188 : memref<1x128xi32, #tpu.memory_space<vmem>> -> memref<128xi32, #tpu.memory_space<vmem>>
      %dma_start3A_190 = arith.constant 0 : i32
      %dma_start3A_191 = arith.constant 0 : i32
      %dma_start3A_192 = tpu.memref_slice %arg11[%dma_start3A_190, %dma_start3A_191] : memref<10000x64xf32, #tpu.memory_space<vmem_shared>> -> memref<10000x64xf32, #tpu.memory_space<vmem_shared>>
      tpu.enqueue_indirect_dma source(%dma_start3A_192 : memref<10000x64xf32, #tpu.memory_space<vmem_shared>>) target(%dma_start3A_186 : memref<128x64xf32, #tpu.memory_space<vmem>>) offsets(%dma_start3A_189 : memref<128xi32, #tpu.memory_space<vmem>>) semaphore(%arg14 : memref<!tpu.dma_semaphore, #tpu.memory_space<semaphore_mem>>)
      %dma_wait3A_193 = arith.constant 3 : i32
      %dma_wait3A_194 = arith.constant 384 : i32
      %dma_wait3A_195 = arith.constant 0 : i32
      %dma_wait3A_196 = tpu.memref_slice %arg9[%dma_wait3A_194, %dma_wait3A_195] : memref<640x64xf32, #tpu.memory_space<vmem>> -> memref<128x64xf32, #tpu.memory_space<vmem>>
      %dma_wait3A_197 = arith.constant 0 : i32
      %dma_wait3A_198 = tpu.memref_slice %arg7[%dma_wait3A_193, %dma_wait3A_197] : memref<16x128xi32, #tpu.memory_space<vmem>> -> memref<1x128xi32, #tpu.memory_space<vmem>>
      %dma_wait3A_199 = tpu.memref_squeeze %dma_wait3A_198 : memref<1x128xi32, #tpu.memory_space<vmem>> -> memref<128xi32, #tpu.memory_space<vmem>>
      %dma_wait3A_200 = arith.constant 0 : i32
      %dma_wait3A_201 = arith.constant 0 : i32
      %dma_wait3A_202 = tpu.memref_slice %arg11[%dma_wait3A_200, %dma_wait3A_201] : memref<10000x64xf32, #tpu.memory_space<vmem_shared>> -> memref<10000x64xf32, #tpu.memory_space<vmem_shared>>
      tpu.wait_indirect_dma semaphore(%arg15 : memref<!tpu.dma_semaphore, #tpu.memory_space<semaphore_mem>>) src(%dma_wait3A_202 : memref<10000x64xf32, #tpu.memory_space<vmem_shared>>) dst(%dma_wait3A_196 : memref<128x64xf32, #tpu.memory_space<vmem>>)
      %dma_start3A_203 = arith.constant 3 : i32
      %dma_start3A_204 = arith.constant 384 : i32
      %dma_start3A_205 = arith.constant 0 : i32
      %dma_start3A_206 = tpu.memref_slice %arg9[%dma_start3A_204, %dma_start3A_205] : memref<640x64xf32, #tpu.memory_space<vmem>> -> memref<128x64xf32, #tpu.memory_space<vmem>>
      %dma_start3A_207 = arith.constant 0 : i32
      %dma_start3A_208 = tpu.memref_slice %arg8[%dma_start3A_203, %dma_start3A_207] : memref<16x128xi32, #tpu.memory_space<vmem>> -> memref<1x128xi32, #tpu.memory_space<vmem>>
      %dma_start3A_209 = tpu.memref_squeeze %dma_start3A_208 : memref<1x128xi32, #tpu.memory_space<vmem>> -> memref<128xi32, #tpu.memory_space<vmem>>
      %dma_start3A_210 = arith.constant 0 : i32
      %dma_start3A_211 = arith.constant 0 : i32
      %dma_start3A_212 = tpu.memref_slice %arg10[%dma_start3A_210, %dma_start3A_211] : memref<10128x64xf32, #tpu.memory_space<vmem_shared>> -> memref<10128x64xf32, #tpu.memory_space<vmem_shared>>
      tpu.enqueue_indirect_dma source(%dma_start3A_206 : memref<128x64xf32, #tpu.memory_space<vmem>>) target(%dma_start3A_212 : memref<10128x64xf32, #tpu.memory_space<vmem_shared>>) offsets(%dma_start3A_209 : memref<128xi32, #tpu.memory_space<vmem>>) semaphore(%arg20 : memref<!tpu.dma_semaphore, #tpu.memory_space<semaphore_mem>>) {add = true}
      %dma_wait3A_213 = arith.constant 4 : i32
      %dma_wait3A_214 = arith.constant 512 : i32
      %dma_wait3A_215 = arith.constant 0 : i32
      %dma_wait3A_216 = tpu.memref_slice %arg9[%dma_wait3A_214, %dma_wait3A_215] : memref<640x64xf32, #tpu.memory_space<vmem>> -> memref<128x64xf32, #tpu.memory_space<vmem>>
      %dma_wait3A_217 = arith.constant 0 : i32
      %dma_wait3A_218 = tpu.memref_slice %arg7[%dma_wait3A_213, %dma_wait3A_217] : memref<16x128xi32, #tpu.memory_space<vmem>> -> memref<1x128xi32, #tpu.memory_space<vmem>>
      %dma_wait3A_219 = tpu.memref_squeeze %dma_wait3A_218 : memref<1x128xi32, #tpu.memory_space<vmem>> -> memref<128xi32, #tpu.memory_space<vmem>>
      %dma_wait3A_220 = arith.constant 0 : i32
      %dma_wait3A_221 = arith.constant 0 : i32
      %dma_wait3A_222 = tpu.memref_slice %arg11[%dma_wait3A_220, %dma_wait3A_221] : memref<10000x64xf32, #tpu.memory_space<vmem_shared>> -> memref<10000x64xf32, #tpu.memory_space<vmem_shared>>
      tpu.wait_indirect_dma semaphore(%arg16 : memref<!tpu.dma_semaphore, #tpu.memory_space<semaphore_mem>>) src(%dma_wait3A_222 : memref<10000x64xf32, #tpu.memory_space<vmem_shared>>) dst(%dma_wait3A_216 : memref<128x64xf32, #tpu.memory_space<vmem>>)
      %dma_start3A_223 = arith.constant 4 : i32
      %dma_start3A_224 = arith.constant 512 : i32
      %dma_start3A_225 = arith.constant 0 : i32
      %dma_start3A_226 = tpu.memref_slice %arg9[%dma_start3A_224, %dma_start3A_225] : memref<640x64xf32, #tpu.memory_space<vmem>> -> memref<128x64xf32, #tpu.memory_space<vmem>>
      %dma_start3A_227 = arith.constant 0 : i32
      %dma_start3A_228 = tpu.memref_slice %arg8[%dma_start3A_223, %dma_start3A_227] : memref<16x128xi32, #tpu.memory_space<vmem>> -> memref<1x128xi32, #tpu.memory_space<vmem>>
      %dma_start3A_229 = tpu.memref_squeeze %dma_start3A_228 : memref<1x128xi32, #tpu.memory_space<vmem>> -> memref<128xi32, #tpu.memory_space<vmem>>
      %dma_start3A_230 = arith.constant 0 : i32
      %dma_start3A_231 = arith.constant 0 : i32
      %dma_start3A_232 = tpu.memref_slice %arg10[%dma_start3A_230, %dma_start3A_231] : memref<10128x64xf32, #tpu.memory_space<vmem_shared>> -> memref<10128x64xf32, #tpu.memory_space<vmem_shared>>
      tpu.enqueue_indirect_dma source(%dma_start3A_226 : memref<128x64xf32, #tpu.memory_space<vmem>>) target(%dma_start3A_232 : memref<10128x64xf32, #tpu.memory_space<vmem_shared>>) offsets(%dma_start3A_229 : memref<128xi32, #tpu.memory_space<vmem>>) semaphore(%arg21 : memref<!tpu.dma_semaphore, #tpu.memory_space<semaphore_mem>>) {add = true}
      %dma_wait3A_233 = arith.constant 5 : i32
      %dma_wait3A_234 = arith.constant 0 : i32
      %dma_wait3A_235 = arith.constant 0 : i32
      %dma_wait3A_236 = tpu.memref_slice %arg9[%dma_wait3A_234, %dma_wait3A_235] : memref<640x64xf32, #tpu.memory_space<vmem>> -> memref<128x64xf32, #tpu.memory_space<vmem>>
      %dma_wait3A_237 = arith.constant 0 : i32
      %dma_wait3A_238 = tpu.memref_slice %arg7[%dma_wait3A_233, %dma_wait3A_237] : memref<16x128xi32, #tpu.memory_space<vmem>> -> memref<1x128xi32, #tpu.memory_space<vmem>>
      %dma_wait3A_239 = tpu.memref_squeeze %dma_wait3A_238 : memref<1x128xi32, #tpu.memory_space<vmem>> -> memref<128xi32, #tpu.memory_space<vmem>>
      %dma_wait3A_240 = arith.constant 0 : i32
      %dma_wait3A_241 = arith.constant 0 : i32
      %dma_wait3A_242 = tpu.memref_slice %arg11[%dma_wait3A_240, %dma_wait3A_241] : memref<10000x64xf32, #tpu.memory_space<vmem_shared>> -> memref<10000x64xf32, #tpu.memory_space<vmem_shared>>
      tpu.wait_indirect_dma semaphore(%arg12 : memref<!tpu.dma_semaphore, #tpu.memory_space<semaphore_mem>>) src(%dma_wait3A_242 : memref<10000x64xf32, #tpu.memory_space<vmem_shared>>) dst(%dma_wait3A_236 : memref<128x64xf32, #tpu.memory_space<vmem>>)
      %dma_start3A_243 = arith.constant 5 : i32
      %dma_start3A_244 = arith.constant 0 : i32
      %dma_start3A_245 = arith.constant 0 : i32
      %dma_start3A_246 = tpu.memref_slice %arg9[%dma_start3A_244, %dma_start3A_245] : memref<640x64xf32, #tpu.memory_space<vmem>> -> memref<128x64xf32, #tpu.memory_space<vmem>>
      %dma_start3A_247 = arith.constant 0 : i32
      %dma_start3A_248 = tpu.memref_slice %arg8[%dma_start3A_243, %dma_start3A_247] : memref<16x128xi32, #tpu.memory_space<vmem>> -> memref<1x128xi32, #tpu.memory_space<vmem>>
      %dma_start3A_249 = tpu.memref_squeeze %dma_start3A_248 : memref<1x128xi32, #tpu.memory_space<vmem>> -> memref<128xi32, #tpu.memory_space<vmem>>
      %dma_start3A_250 = arith.constant 0 : i32
      %dma_start3A_251 = arith.constant 0 : i32
      %dma_start3A_252 = tpu.memref_slice %arg10[%dma_start3A_250, %dma_start3A_251] : memref<10128x64xf32, #tpu.memory_space<vmem_shared>> -> memref<10128x64xf32, #tpu.memory_space<vmem_shared>>
      tpu.enqueue_indirect_dma source(%dma_start3A_246 : memref<128x64xf32, #tpu.memory_space<vmem>>) target(%dma_start3A_252 : memref<10128x64xf32, #tpu.memory_space<vmem_shared>>) offsets(%dma_start3A_249 : memref<128xi32, #tpu.memory_space<vmem>>) semaphore(%arg17 : memref<!tpu.dma_semaphore, #tpu.memory_space<semaphore_mem>>) {add = true}
      %dma_wait3A_253 = arith.constant 6 : i32
      %dma_wait3A_254 = arith.constant 128 : i32
      %dma_wait3A_255 = arith.constant 0 : i32
      %dma_wait3A_256 = tpu.memref_slice %arg9[%dma_wait3A_254, %dma_wait3A_255] : memref<640x64xf32, #tpu.memory_space<vmem>> -> memref<128x64xf32, #tpu.memory_space<vmem>>
      %dma_wait3A_257 = arith.constant 0 : i32
      %dma_wait3A_258 = tpu.memref_slice %arg7[%dma_wait3A_253, %dma_wait3A_257] : memref<16x128xi32, #tpu.memory_space<vmem>> -> memref<1x128xi32, #tpu.memory_space<vmem>>
      %dma_wait3A_259 = tpu.memref_squeeze %dma_wait3A_258 : memref<1x128xi32, #tpu.memory_space<vmem>> -> memref<128xi32, #tpu.memory_space<vmem>>
      %dma_wait3A_260 = arith.constant 0 : i32
      %dma_wait3A_261 = arith.constant 0 : i32
      %dma_wait3A_262 = tpu.memref_slice %arg11[%dma_wait3A_260, %dma_wait3A_261] : memref<10000x64xf32, #tpu.memory_space<vmem_shared>> -> memref<10000x64xf32, #tpu.memory_space<vmem_shared>>
      tpu.wait_indirect_dma semaphore(%arg13 : memref<!tpu.dma_semaphore, #tpu.memory_space<semaphore_mem>>) src(%dma_wait3A_262 : memref<10000x64xf32, #tpu.memory_space<vmem_shared>>) dst(%dma_wait3A_256 : memref<128x64xf32, #tpu.memory_space<vmem>>)
      %dma_start3A_263 = arith.constant 6 : i32
      %dma_start3A_264 = arith.constant 128 : i32
      %dma_start3A_265 = arith.constant 0 : i32
      %dma_start3A_266 = tpu.memref_slice %arg9[%dma_start3A_264, %dma_start3A_265] : memref<640x64xf32, #tpu.memory_space<vmem>> -> memref<128x64xf32, #tpu.memory_space<vmem>>
      %dma_start3A_267 = arith.constant 0 : i32
      %dma_start3A_268 = tpu.memref_slice %arg8[%dma_start3A_263, %dma_start3A_267] : memref<16x128xi32, #tpu.memory_space<vmem>> -> memref<1x128xi32, #tpu.memory_space<vmem>>
      %dma_start3A_269 = tpu.memref_squeeze %dma_start3A_268 : memref<1x128xi32, #tpu.memory_space<vmem>> -> memref<128xi32, #tpu.memory_space<vmem>>
      %dma_start3A_270 = arith.constant 0 : i32
      %dma_start3A_271 = arith.constant 0 : i32
      %dma_start3A_272 = tpu.memref_slice %arg10[%dma_start3A_270, %dma_start3A_271] : memref<10128x64xf32, #tpu.memory_space<vmem_shared>> -> memref<10128x64xf32, #tpu.memory_space<vmem_shared>>
      tpu.enqueue_indirect_dma source(%dma_start3A_266 : memref<128x64xf32, #tpu.memory_space<vmem>>) target(%dma_start3A_272 : memref<10128x64xf32, #tpu.memory_space<vmem_shared>>) offsets(%dma_start3A_269 : memref<128xi32, #tpu.memory_space<vmem>>) semaphore(%arg18 : memref<!tpu.dma_semaphore, #tpu.memory_space<semaphore_mem>>) {add = true}
      %dma_wait3A_273 = arith.constant 7 : i32
      %dma_wait3A_274 = arith.constant 256 : i32
      %dma_wait3A_275 = arith.constant 0 : i32
      %dma_wait3A_276 = tpu.memref_slice %arg9[%dma_wait3A_274, %dma_wait3A_275] : memref<640x64xf32, #tpu.memory_space<vmem>> -> memref<128x64xf32, #tpu.memory_space<vmem>>
      %dma_wait3A_277 = arith.constant 0 : i32
      %dma_wait3A_278 = tpu.memref_slice %arg7[%dma_wait3A_273, %dma_wait3A_277] : memref<16x128xi32, #tpu.memory_space<vmem>> -> memref<1x128xi32, #tpu.memory_space<vmem>>
      %dma_wait3A_279 = tpu.memref_squeeze %dma_wait3A_278 : memref<1x128xi32, #tpu.memory_space<vmem>> -> memref<128xi32, #tpu.memory_space<vmem>>
      %dma_wait3A_280 = arith.constant 0 : i32
      %dma_wait3A_281 = arith.constant 0 : i32
      %dma_wait3A_282 = tpu.memref_slice %arg11[%dma_wait3A_280, %dma_wait3A_281] : memref<10000x64xf32, #tpu.memory_space<vmem_shared>> -> memref<10000x64xf32, #tpu.memory_space<vmem_shared>>
      tpu.wait_indirect_dma semaphore(%arg14 : memref<!tpu.dma_semaphore, #tpu.memory_space<semaphore_mem>>) src(%dma_wait3A_282 : memref<10000x64xf32, #tpu.memory_space<vmem_shared>>) dst(%dma_wait3A_276 : memref<128x64xf32, #tpu.memory_space<vmem>>)
      %dma_start3A_283 = arith.constant 7 : i32
      %dma_start3A_284 = arith.constant 256 : i32
      %dma_start3A_285 = arith.constant 0 : i32
      %dma_start3A_286 = tpu.memref_slice %arg9[%dma_start3A_284, %dma_start3A_285] : memref<640x64xf32, #tpu.memory_space<vmem>> -> memref<128x64xf32, #tpu.memory_space<vmem>>
      %dma_start3A_287 = arith.constant 0 : i32
      %dma_start3A_288 = tpu.memref_slice %arg8[%dma_start3A_283, %dma_start3A_287] : memref<16x128xi32, #tpu.memory_space<vmem>> -> memref<1x128xi32, #tpu.memory_space<vmem>>
      %dma_start3A_289 = tpu.memref_squeeze %dma_start3A_288 : memref<1x128xi32, #tpu.memory_space<vmem>> -> memref<128xi32, #tpu.memory_space<vmem>>
      %dma_start3A_290 = arith.constant 0 : i32
      %dma_start3A_291 = arith.constant 0 : i32
      %dma_start3A_292 = tpu.memref_slice %arg10[%dma_start3A_290, %dma_start3A_291] : memref<10128x64xf32, #tpu.memory_space<vmem_shared>> -> memref<10128x64xf32, #tpu.memory_space<vmem_shared>>
      tpu.enqueue_indirect_dma source(%dma_start3A_286 : memref<128x64xf32, #tpu.memory_space<vmem>>) target(%dma_start3A_292 : memref<10128x64xf32, #tpu.memory_space<vmem_shared>>) offsets(%dma_start3A_289 : memref<128xi32, #tpu.memory_space<vmem>>) semaphore(%arg19 : memref<!tpu.dma_semaphore, #tpu.memory_space<semaphore_mem>>) {add = true}
      %dma_wait3A_293 = arith.constant 3 : i32
      %dma_wait3A_294 = arith.constant 384 : i32
      %dma_wait3A_295 = arith.constant 0 : i32
      %dma_wait3A_296 = tpu.memref_slice %arg9[%dma_wait3A_294, %dma_wait3A_295] : memref<640x64xf32, #tpu.memory_space<vmem>> -> memref<128x64xf32, #tpu.memory_space<vmem>>
      %dma_wait3A_297 = arith.constant 0 : i32
      %dma_wait3A_298 = tpu.memref_slice %arg8[%dma_wait3A_293, %dma_wait3A_297] : memref<16x128xi32, #tpu.memory_space<vmem>> -> memref<1x128xi32, #tpu.memory_space<vmem>>
      %dma_wait3A_299 = tpu.memref_squeeze %dma_wait3A_298 : memref<1x128xi32, #tpu.memory_space<vmem>> -> memref<128xi32, #tpu.memory_space<vmem>>
      %dma_wait3A_300 = arith.constant 0 : i32
      %dma_wait3A_301 = arith.constant 0 : i32
      %dma_wait3A_302 = tpu.memref_slice %arg10[%dma_wait3A_300, %dma_wait3A_301] : memref<10128x64xf32, #tpu.memory_space<vmem_shared>> -> memref<10128x64xf32, #tpu.memory_space<vmem_shared>>
      tpu.wait_indirect_dma semaphore(%arg20 : memref<!tpu.dma_semaphore, #tpu.memory_space<semaphore_mem>>) src(%dma_wait3A_296 : memref<128x64xf32, #tpu.memory_space<vmem>>) dst(%dma_wait3A_302 : memref<10128x64xf32, #tpu.memory_space<vmem_shared>>)
      %dma_wait3A_303 = arith.constant 4 : i32
      %dma_wait3A_304 = arith.constant 512 : i32
      %dma_wait3A_305 = arith.constant 0 : i32
      %dma_wait3A_306 = tpu.memref_slice %arg9[%dma_wait3A_304, %dma_wait3A_305] : memref<640x64xf32, #tpu.memory_space<vmem>> -> memref<128x64xf32, #tpu.memory_space<vmem>>
      %dma_wait3A_307 = arith.constant 0 : i32
      %dma_wait3A_308 = tpu.memref_slice %arg8[%dma_wait3A_303, %dma_wait3A_307] : memref<16x128xi32, #tpu.memory_space<vmem>> -> memref<1x128xi32, #tpu.memory_space<vmem>>
      %dma_wait3A_309 = tpu.memref_squeeze %dma_wait3A_308 : memref<1x128xi32, #tpu.memory_space<vmem>> -> memref<128xi32, #tpu.memory_space<vmem>>
      %dma_wait3A_310 = arith.constant 0 : i32
      %dma_wait3A_311 = arith.constant 0 : i32
      %dma_wait3A_312 = tpu.memref_slice %arg10[%dma_wait3A_310, %dma_wait3A_311] : memref<10128x64xf32, #tpu.memory_space<vmem_shared>> -> memref<10128x64xf32, #tpu.memory_space<vmem_shared>>
      tpu.wait_indirect_dma semaphore(%arg21 : memref<!tpu.dma_semaphore, #tpu.memory_space<semaphore_mem>>) src(%dma_wait3A_306 : memref<128x64xf32, #tpu.memory_space<vmem>>) dst(%dma_wait3A_312 : memref<10128x64xf32, #tpu.memory_space<vmem_shared>>)
      %dma_wait3A_313 = arith.constant 5 : i32
      %dma_wait3A_314 = arith.constant 0 : i32
      %dma_wait3A_315 = arith.constant 0 : i32
      %dma_wait3A_316 = tpu.memref_slice %arg9[%dma_wait3A_314, %dma_wait3A_315] : memref<640x64xf32, #tpu.memory_space<vmem>> -> memref<128x64xf32, #tpu.memory_space<vmem>>
      %dma_wait3A_317 = arith.constant 0 : i32
      %dma_wait3A_318 = tpu.memref_slice %arg8[%dma_wait3A_313, %dma_wait3A_317] : memref<16x128xi32, #tpu.memory_space<vmem>> -> memref<1x128xi32, #tpu.memory_space<vmem>>
      %dma_wait3A_319 = tpu.memref_squeeze %dma_wait3A_318 : memref<1x128xi32, #tpu.memory_space<vmem>> -> memref<128xi32, #tpu.memory_space<vmem>>
      %dma_wait3A_320 = arith.constant 0 : i32
      %dma_wait3A_321 = arith.constant 0 : i32
      %dma_wait3A_322 = tpu.memref_slice %arg10[%dma_wait3A_320, %dma_wait3A_321] : memref<10128x64xf32, #tpu.memory_space<vmem_shared>> -> memref<10128x64xf32, #tpu.memory_space<vmem_shared>>
      tpu.wait_indirect_dma semaphore(%arg17 : memref<!tpu.dma_semaphore, #tpu.memory_space<semaphore_mem>>) src(%dma_wait3A_316 : memref<128x64xf32, #tpu.memory_space<vmem>>) dst(%dma_wait3A_322 : memref<10128x64xf32, #tpu.memory_space<vmem_shared>>)
      %dma_wait3A_323 = arith.constant 6 : i32
      %dma_wait3A_324 = arith.constant 128 : i32
      %dma_wait3A_325 = arith.constant 0 : i32
      %dma_wait3A_326 = tpu.memref_slice %arg9[%dma_wait3A_324, %dma_wait3A_325] : memref<640x64xf32, #tpu.memory_space<vmem>> -> memref<128x64xf32, #tpu.memory_space<vmem>>
      %dma_wait3A_327 = arith.constant 0 : i32
      %dma_wait3A_328 = tpu.memref_slice %arg8[%dma_wait3A_323, %dma_wait3A_327] : memref<16x128xi32, #tpu.memory_space<vmem>> -> memref<1x128xi32, #tpu.memory_space<vmem>>
      %dma_wait3A_329 = tpu.memref_squeeze %dma_wait3A_328 : memref<1x128xi32, #tpu.memory_space<vmem>> -> memref<128xi32, #tpu.memory_space<vmem>>
      %dma_wait3A_330 = arith.constant 0 : i32
      %dma_wait3A_331 = arith.constant 0 : i32
      %dma_wait3A_332 = tpu.memref_slice %arg10[%dma_wait3A_330, %dma_wait3A_331] : memref<10128x64xf32, #tpu.memory_space<vmem_shared>> -> memref<10128x64xf32, #tpu.memory_space<vmem_shared>>
      tpu.wait_indirect_dma semaphore(%arg18 : memref<!tpu.dma_semaphore, #tpu.memory_space<semaphore_mem>>) src(%dma_wait3A_326 : memref<128x64xf32, #tpu.memory_space<vmem>>) dst(%dma_wait3A_332 : memref<10128x64xf32, #tpu.memory_space<vmem_shared>>)
      %dma_wait3A_333 = arith.constant 7 : i32
      %dma_wait3A_334 = arith.constant 256 : i32
      %dma_wait3A_335 = arith.constant 0 : i32
      %dma_wait3A_336 = tpu.memref_slice %arg9[%dma_wait3A_334, %dma_wait3A_335] : memref<640x64xf32, #tpu.memory_space<vmem>> -> memref<128x64xf32, #tpu.memory_space<vmem>>
      %dma_wait3A_337 = arith.constant 0 : i32
      %dma_wait3A_338 = tpu.memref_slice %arg8[%dma_wait3A_333, %dma_wait3A_337] : memref<16x128xi32, #tpu.memory_space<vmem>> -> memref<1x128xi32, #tpu.memory_space<vmem>>
      %dma_wait3A_339 = tpu.memref_squeeze %dma_wait3A_338 : memref<1x128xi32, #tpu.memory_space<vmem>> -> memref<128xi32, #tpu.memory_space<vmem>>
      %dma_wait3A_340 = arith.constant 0 : i32
      %dma_wait3A_341 = arith.constant 0 : i32
      %dma_wait3A_342 = tpu.memref_slice %arg10[%dma_wait3A_340, %dma_wait3A_341] : memref<10128x64xf32, #tpu.memory_space<vmem_shared>> -> memref<10128x64xf32, #tpu.memory_space<vmem_shared>>
      tpu.wait_indirect_dma semaphore(%arg19 : memref<!tpu.dma_semaphore, #tpu.memory_space<semaphore_mem>>) src(%dma_wait3A_336 : memref<128x64xf32, #tpu.memory_space<vmem>>) dst(%dma_wait3A_342 : memref<10128x64xf32, #tpu.memory_space<vmem_shared>>)
    }
    %scan3A_12 = arith.constant 20 : i32
    %barrier3A_13 = arith.constant 0 : index
    tpu.barrier barrier_id(%barrier3A_13)
    "tpu.region"() ({
      %run_scoped3A = tpu.sem_alloc : memref<!tpu.dma_semaphore, #tpu.memory_space<semaphore_mem>>
      %dma_start3A = arith.constant 0 : i32
      %dma_start3A_19 = tpu.memref_slice %arg6[%arg0, %multiple_of3A, %dma_start3A] : memref<2x10000x64xf32, #tpu.memory_space<hbm>> -> memref<1x624x64xf32, #tpu.memory_space<hbm>>
      %dma_start3A_20 = tpu.memref_squeeze %dma_start3A_19 : memref<1x624x64xf32, #tpu.memory_space<hbm>> -> memref<624x64xf32, #tpu.memory_space<hbm>>
      %dma_start3A_21 = arith.constant 0 : i32
      %dma_start3A_22 = tpu.memref_slice %arg10[%multiple_of3A, %dma_start3A_21] : memref<10128x64xf32, #tpu.memory_space<vmem_shared>> -> memref<624x64xf32, #tpu.memory_space<vmem_shared>>
      tpu.enqueue_dma source(%dma_start3A_22 : memref<624x64xf32, #tpu.memory_space<vmem_shared>>) target(%dma_start3A_20 : memref<624x64xf32, #tpu.memory_space<hbm>>) target_semaphore(%run_scoped3A : memref<!tpu.dma_semaphore, #tpu.memory_space<semaphore_mem>>)
      %dma_wait3A = arith.constant 0 : i32
      %dma_wait3A_23 = tpu.memref_slice %arg6[%arg0, %multiple_of3A, %dma_wait3A] : memref<2x10000x64xf32, #tpu.memory_space<hbm>> -> memref<1x624x64xf32, #tpu.memory_space<hbm>>
      %dma_wait3A_24 = tpu.memref_squeeze %dma_wait3A_23 : memref<1x624x64xf32, #tpu.memory_space<hbm>> -> memref<624x64xf32, #tpu.memory_space<hbm>>
      %dma_wait3A_25 = arith.constant 0 : i32
      %dma_wait3A_26 = tpu.memref_slice %arg10[%multiple_of3A, %dma_wait3A_25] : memref<10128x64xf32, #tpu.memory_space<vmem_shared>> -> memref<624x64xf32, #tpu.memory_space<vmem_shared>>
      tpu.wait_dma2 semaphore(%run_scoped3A : memref<!tpu.dma_semaphore, #tpu.memory_space<semaphore_mem>>) src(%dma_wait3A_26 : memref<624x64xf32, #tpu.memory_space<vmem_shared>>) dst(%dma_wait3A_24 : memref<624x64xf32, #tpu.memory_space<hbm>>)
      tpu.yield
    }) : () -> ()
    %eq3A_14 = arith.constant 15 : i32
    %eq3A_15 = arith.cmpi eq, %arg1, %eq3A_14 : i32
    %convert_element_type3A_16 = arith.extui %eq3A_15 : i1 to i32
    %cond3A_17 = arith.constant 0 : i32
    %cond3A_18 = arith.cmpi ne, %convert_element_type3A_16, %cond3A_17 : i32
    scf.if %cond3A_18 {
      "tpu.region"() ({
        %run_scoped3A = tpu.sem_alloc : memref<!tpu.dma_semaphore, #tpu.memory_space<semaphore_mem>>
        %dma_start3A = arith.constant 9984 : i32
        %dma_start3A_19 = arith.constant 0 : i32
        %dma_start3A_20 = tpu.memref_slice %arg6[%arg0, %dma_start3A, %dma_start3A_19] : memref<2x10000x64xf32, #tpu.memory_space<hbm>> -> memref<1x16x64xf32, #tpu.memory_space<hbm>>
        %dma_start3A_21 = tpu.memref_squeeze %dma_start3A_20 : memref<1x16x64xf32, #tpu.memory_space<hbm>> -> memref<16x64xf32, #tpu.memory_space<hbm>>
        %dma_start3A_22 = arith.constant 9984 : i32
        %dma_start3A_23 = arith.constant 0 : i32
        %dma_start3A_24 = tpu.memref_slice %arg10[%dma_start3A_22, %dma_start3A_23] : memref<10128x64xf32, #tpu.memory_space<vmem_shared>> -> memref<16x64xf32, #tpu.memory_space<vmem_shared>>
        tpu.enqueue_dma source(%dma_start3A_24 : memref<16x64xf32, #tpu.memory_space<vmem_shared>>) target(%dma_start3A_21 : memref<16x64xf32, #tpu.memory_space<hbm>>) target_semaphore(%run_scoped3A : memref<!tpu.dma_semaphore, #tpu.memory_space<semaphore_mem>>)
        %dma_wait3A = arith.constant 9984 : i32
        %dma_wait3A_25 = arith.constant 0 : i32
        %dma_wait3A_26 = tpu.memref_slice %arg6[%arg0, %dma_wait3A, %dma_wait3A_25] : memref<2x10000x64xf32, #tpu.memory_space<hbm>> -> memref<1x16x64xf32, #tpu.memory_space<hbm>>
        %dma_wait3A_27 = tpu.memref_squeeze %dma_wait3A_26 : memref<1x16x64xf32, #tpu.memory_space<hbm>> -> memref<16x64xf32, #tpu.memory_space<hbm>>
        %dma_wait3A_28 = arith.constant 9984 : i32
        %dma_wait3A_29 = arith.constant 0 : i32
        %dma_wait3A_30 = tpu.memref_slice %arg10[%dma_wait3A_28, %dma_wait3A_29] : memref<10128x64xf32, #tpu.memory_space<vmem_shared>> -> memref<16x64xf32, #tpu.memory_space<vmem_shared>>
        tpu.wait_dma2 semaphore(%run_scoped3A : memref<!tpu.dma_semaphore, #tpu.memory_space<semaphore_mem>>) src(%dma_wait3A_30 : memref<16x64xf32, #tpu.memory_space<vmem_shared>>) dst(%dma_wait3A_27 : memref<16x64xf32, #tpu.memory_space<hbm>>)
        tpu.yield
      }) : () -> ()
    } else {
    }
    return
  }
}

module attributes {stable_mosaic.version = 14 : i64} {
  func.func @_prep1_body(%arg0: i32, %arg1: memref<1000x128xf32, #tpu.memory_space<vmem>>, %arg2: memref<128x64xf32, #tpu.memory_space<vmem>>, %arg3: memref<2x1000x16xf32, #tpu.memory_space<vmem>>, %arg4: memref<1000x64xf32, #tpu.memory_space<vmem>>) attributes {dimension_semantics = [#tpu.dimension_semantics<arbitrary>], iteration_bounds = array<i64: 10>, scalar_prefetch = 0 : i64, scratch_operands = 0 : i64, tpu.core_type = #tpu.core_type<tc>, window_params = [{transform_indices = @transform_0, window_bounds = array<i64: 1000, 128>}, {pipeline_mode = #tpu.pipeline_mode<synchronous>, transform_indices = @transform_1, window_bounds = array<i64: 128, 64>}, {transform_indices = @transform_2, window_bounds = array<i64: 2, 1000, 16>}, {transform_indices = @transform_3, window_bounds = array<i64: 1000, 64>}]} {
    %get3A = arith.constant 0 : index
    %get3A_0 = arith.constant 0 : index
    %get3A_1 = arith.constant 0 : index
    %get3A_2 = vector.load %arg3[%get3A, %get3A_0, %get3A_1] : memref<2x1000x16xf32, #tpu.memory_space<vmem>>, vector<2x1000x16xf32>
    %slice3A = vector.extract_strided_slice %get3A_2 {offsets = [0, 0, 0], sizes = [1, 1000, 1], strides = [1, 1, 1]} : vector<2x1000x16xf32> to vector<1x1000x1xf32>
    %squeeze3A = vector.shape_cast %slice3A : vector<1x1000x1xf32> to vector<1000x1xf32>
    %slice3A_3 = vector.extract_strided_slice %get3A_2 {offsets = [1, 0, 0], sizes = [1, 1000, 1], strides = [1, 1, 1]} : vector<2x1000x16xf32> to vector<1x1000x1xf32>
    %squeeze3A_4 = vector.shape_cast %slice3A_3 : vector<1x1000x1xf32> to vector<1000x1xf32>
    %add3A = arith.addf %squeeze3A, %squeeze3A_4 : vector<1000x1xf32>
    %sub3A = arith.constant 1.000000e+00 : f32
    %sub3A_5 = vector.broadcast %sub3A : f32 to vector<1000x1xf32>
    %sub3A_6 = arith.subf %add3A, %sub3A_5 : vector<1000x1xf32>
    %rsqrt3A = math.rsqrt %sub3A_6 : vector<1000x1xf32>
    %get3A_7 = arith.constant 0 : index
    %get3A_8 = arith.constant 0 : index
    %get3A_9 = vector.load %arg1[%get3A_7, %get3A_8] : memref<1000x128xf32, #tpu.memory_space<vmem>>, vector<1000x128xf32>
    %get3A_10 = arith.constant 0 : index
    %get3A_11 = arith.constant 0 : index
    %get3A_12 = vector.load %arg2[%get3A_10, %get3A_11] : memref<128x64xf32, #tpu.memory_space<vmem>>, vector<128x64xf32>
    %dot_general3A = arith.constant dense<0.000000e+00> : vector<1000x64xf32>
    %dot_general3A_13 = tpu.matmul %get3A_9, %get3A_12, %dot_general3A {dimension_numbers = #tpu.dot_dimension_numbers<[1], [0], [0], [1], [0, 0, 1, 1], [], []>, transpose_lhs_hint = false} : vector<1000x128xf32>, vector<128x64xf32>, vector<1000x64xf32> -> vector<1000x64xf32>
    %mul3A = vector.broadcast %rsqrt3A : vector<1000x1xf32> to vector<1000x64xf32>
    %mul3A_14 = arith.mulf %mul3A, %dot_general3A_13 : vector<1000x64xf32>
    %swap3A = arith.constant 0 : index
    %swap3A_15 = arith.constant 0 : index
    %swap3A_16 = vector.load %arg4[%swap3A, %swap3A_15] : memref<1000x64xf32, #tpu.memory_space<vmem>>, vector<1000x64xf32>
    tpu.vector_store %arg4[%swap3A, %swap3A_15], %mul3A_14 {strides = array<i32>} : memref<1000x64xf32, #tpu.memory_space<vmem>>, vector<1000x64xf32>,
    return
  }
  func.func @transform_0(%arg0: i32) -> (i32, i32) {
    %c0_i32 = arith.constant 0 : i32
    %c0_i32_0 = arith.constant 0 : i32
    return %arg0, %c0_i32 : i32, i32
  }
  func.func @transform_1(%arg0: i32) -> (i32, i32) {
    %c0_i32 = arith.constant 0 : i32
    %c0_i32_0 = arith.constant 0 : i32
    %c0_i32_1 = arith.constant 0 : i32
    return %c0_i32, %c0_i32_0 : i32, i32
  }
  func.func @transform_2(%arg0: i32) -> (i32, i32, i32) {
    %c0_i32 = arith.constant 0 : i32
    %c0_i32_0 = arith.constant 0 : i32
    %c0_i32_1 = arith.constant 0 : i32
    return %c0_i32, %arg0, %c0_i32_0 : i32, i32, i32
  }
  func.func @transform_3(%arg0: i32) -> (i32, i32) {
    %c0_i32 = arith.constant 0 : i32
    %c0_i32_0 = arith.constant 0 : i32
    return %arg0, %c0_i32 : i32, i32
  }
}

module attributes {stable_mosaic.version = 14 : i64} {
  func.func @_mid_body(%arg0: i32, %arg1: memref<2x1000x64xf32, #tpu.memory_space<vmem>>, %arg2: memref<2x1000x16xf32, #tpu.memory_space<vmem>>, %arg3: memref<1x64xf32, #tpu.memory_space<vmem>>, %arg4: memref<64x128xf32, #tpu.memory_space<vmem>>, %arg5: memref<1000x64xf32, #tpu.memory_space<vmem>>, %arg6: memref<1000x64xf32, #tpu.memory_space<vmem>>) attributes {dimension_semantics = [#tpu.dimension_semantics<arbitrary>], iteration_bounds = array<i64: 10>, scalar_prefetch = 0 : i64, scratch_operands = 0 : i64, tpu.core_type = #tpu.core_type<tc>, window_params = [{transform_indices = @transform_0, window_bounds = array<i64: 2, 1000, 64>}, {transform_indices = @transform_1, window_bounds = array<i64: 2, 1000, 16>}, {pipeline_mode = #tpu.pipeline_mode<synchronous>, transform_indices = @transform_2, window_bounds = array<i64: 1, 64>}, {pipeline_mode = #tpu.pipeline_mode<synchronous>, transform_indices = @transform_3, window_bounds = array<i64: 64, 128>}, {transform_indices = @transform_4, window_bounds = array<i64: 1000, 64>}, {transform_indices = @transform_5, window_bounds = array<i64: 1000, 64>}]} {
    %get3A = arith.constant 0 : index
    %get3A_0 = arith.constant 0 : index
    %get3A_1 = arith.constant 0 : index
    %get3A_2 = vector.load %arg2[%get3A, %get3A_0, %get3A_1] : memref<2x1000x16xf32, #tpu.memory_space<vmem>>, vector<2x1000x16xf32>
    %slice3A = vector.extract_strided_slice %get3A_2 {offsets = [0, 0, 0], sizes = [1, 1000, 1], strides = [1, 1, 1]} : vector<2x1000x16xf32> to vector<1x1000x1xf32>
    %squeeze3A = vector.shape_cast %slice3A : vector<1x1000x1xf32> to vector<1000x1xf32>
    %slice3A_3 = vector.extract_strided_slice %get3A_2 {offsets = [1, 0, 0], sizes = [1, 1000, 1], strides = [1, 1, 1]} : vector<2x1000x16xf32> to vector<1x1000x1xf32>
    %squeeze3A_4 = vector.shape_cast %slice3A_3 : vector<1x1000x1xf32> to vector<1000x1xf32>
    %add3A = arith.addf %squeeze3A, %squeeze3A_4 : vector<1000x1xf32>
    %sub3A = arith.constant 1.000000e+00 : f32
    %sub3A_5 = vector.broadcast %sub3A : f32 to vector<1000x1xf32>
    %sub3A_6 = arith.subf %add3A, %sub3A_5 : vector<1000x1xf32>
    %rsqrt3A = math.rsqrt %sub3A_6 : vector<1000x1xf32>
    %get3A_7 = arith.constant 0 : index
    %get3A_8 = arith.constant 0 : index
    %get3A_9 = arith.constant 0 : index
    %get3A_10 = vector.load %arg1[%get3A_7, %get3A_8, %get3A_9] : memref<2x1000x64xf32, #tpu.memory_space<vmem>>, vector<1x1000x64xf32>
    %get3A_11 = vector.shape_cast %get3A_10 : vector<1x1000x64xf32> to vector<1000x64xf32>
    %get3A_12 = arith.constant 1 : index
    %get3A_13 = arith.constant 0 : index
    %get3A_14 = arith.constant 0 : index
    %get3A_15 = vector.load %arg1[%get3A_12, %get3A_13, %get3A_14] : memref<2x1000x64xf32, #tpu.memory_space<vmem>>, vector<1x1000x64xf32>
    %get3A_16 = vector.shape_cast %get3A_15 : vector<1x1000x64xf32> to vector<1000x64xf32>
    %add3A_17 = arith.addf %get3A_11, %get3A_16 : vector<1000x64xf32>
    %mul3A = vector.broadcast %rsqrt3A : vector<1000x1xf32> to vector<1000x64xf32>
    %mul3A_18 = arith.mulf %mul3A, %add3A_17 : vector<1000x64xf32>
    %get3A_19 = arith.constant 0 : index
    %get3A_20 = arith.constant 0 : index
    %get3A_21 = vector.load %arg3[%get3A_19, %get3A_20] : memref<1x64xf32, #tpu.memory_space<vmem>>, vector<1x64xf32>
    %add3A_22 = vector.broadcast %get3A_21 : vector<1x64xf32> to vector<1000x64xf32>
    %add3A_23 = arith.addf %mul3A_18, %add3A_22 : vector<1000x64xf32>
    %max3A = arith.constant 0.000000e+00 : f32
    %max3A_24 = vector.broadcast %max3A : f32 to vector<1000x64xf32>
    %max3A_25 = arith.maximumf %add3A_23, %max3A_24 : vector<1000x64xf32>
    %get3A_26 = arith.constant 0 : index
    %get3A_27 = arith.constant 0 : index
    %get3A_28 = vector.load %arg4[%get3A_26, %get3A_27] : memref<64x128xf32, #tpu.memory_space<vmem>>, vector<64x128xf32>
    %dot_general3A = arith.constant dense<0.000000e+00> : vector<1000x128xf32>
    %dot_general3A_29 = tpu.matmul %max3A_25, %get3A_28, %dot_general3A {dimension_numbers = #tpu.dot_dimension_numbers<[1], [0], [0], [1], [0, 0, 1, 1], [], []>, transpose_lhs_hint = false} : vector<1000x64xf32>, vector<64x128xf32>, vector<1000x128xf32> -> vector<1000x128xf32>
    %mul3A_30 = vector.broadcast %rsqrt3A : vector<1000x1xf32> to vector<1000x128xf32>
    %mul3A_31 = arith.mulf %mul3A_30, %dot_general3A_29 : vector<1000x128xf32>
    %slice3A_32 = vector.extract_strided_slice %mul3A_31 {offsets = [0, 0], sizes = [1000, 64], strides = [1, 1]} : vector<1000x128xf32> to vector<1000x64xf32>
    %swap3A = arith.constant 0 : index
    %swap3A_33 = arith.constant 0 : index
    %swap3A_34 = vector.load %arg5[%swap3A, %swap3A_33] : memref<1000x64xf32, #tpu.memory_space<vmem>>, vector<1000x64xf32>
    tpu.vector_store %arg5[%swap3A, %swap3A_33], %slice3A_32 {strides = array<i32>} : memref<1000x64xf32, #tpu.memory_space<vmem>>, vector<1000x64xf32>,
    %slice3A_35 = vector.extract_strided_slice %mul3A_31 {offsets = [0, 64], sizes = [1000, 64], strides = [1, 1]} : vector<1000x128xf32> to vector<1000x64xf32>
    %swap3A_36 = arith.constant 0 : index
    %swap3A_37 = arith.constant 0 : index
    %swap3A_38 = vector.load %arg6[%swap3A_36, %swap3A_37] : memref<1000x64xf32, #tpu.memory_space<vmem>>, vector<1000x64xf32>
    tpu.vector_store %arg6[%swap3A_36, %swap3A_37], %slice3A_35 {strides = array<i32>} : memref<1000x64xf32, #tpu.memory_space<vmem>>, vector<1000x64xf32>,
    return
  }
  func.func @transform_0(%arg0: i32) -> (i32, i32, i32) {
    %c0_i32 = arith.constant 0 : i32
    %c0_i32_0 = arith.constant 0 : i32
    %c0_i32_1 = arith.constant 0 : i32
    return %c0_i32, %arg0, %c0_i32_0 : i32, i32, i32
  }
  func.func @transform_1(%arg0: i32) -> (i32, i32, i32) {
    %c0_i32 = arith.constant 0 : i32
    %c0_i32_0 = arith.constant 0 : i32
    %c0_i32_1 = arith.constant 0 : i32
    return %c0_i32, %arg0, %c0_i32_0 : i32, i32, i32
  }
  func.func @transform_2(%arg0: i32) -> (i32, i32) {
    %c0_i32 = arith.constant 0 : i32
    %c0_i32_0 = arith.constant 0 : i32
    %c0_i32_1 = arith.constant 0 : i32
    return %c0_i32, %c0_i32_0 : i32, i32
  }
  func.func @transform_3(%arg0: i32) -> (i32, i32) {
    %c0_i32 = arith.constant 0 : i32
    %c0_i32_0 = arith.constant 0 : i32
    %c0_i32_1 = arith.constant 0 : i32
    return %c0_i32, %c0_i32_0 : i32, i32
  }
  func.func @transform_4(%arg0: i32) -> (i32, i32) {
    %c0_i32 = arith.constant 0 : i32
    %c0_i32_0 = arith.constant 0 : i32
    return %arg0, %c0_i32 : i32, i32
  }
  func.func @transform_5(%arg0: i32) -> (i32, i32) {
    %c0_i32 = arith.constant 0 : i32
    %c0_i32_0 = arith.constant 0 : i32
    return %arg0, %c0_i32 : i32, i32
  }
}

module attributes {stable_mosaic.version = 14 : i64} {
  func.func @_final_body(%arg0: i32, %arg1: memref<2x1000x64xf32, #tpu.memory_space<vmem>>, %arg2: memref<2x1000x16xf32, #tpu.memory_space<vmem>>, %arg3: memref<1x128xf32, #tpu.memory_space<vmem>>, %arg4: memref<1000x1xi32, #tpu.memory_space<vmem>>, %arg5: memref<128x64xf32, #tpu.memory_space<vmem>>, %arg6: memref<1x64xf32, #tpu.memory_space<vmem>>, %arg7: memref<64x32xf32, #tpu.memory_space<vmem>>, %arg8: memref<1x32xf32, #tpu.memory_space<vmem>>, %arg9: memref<32x16xf32, #tpu.memory_space<vmem>>, %arg10: memref<1x16xf32, #tpu.memory_space<vmem>>, %arg11: memref<16x8xf32, #tpu.memory_space<vmem>>, %arg12: memref<1x8xf32, #tpu.memory_space<vmem>>, %arg13: memref<8x1xf32, #tpu.memory_space<vmem>>, %arg14: memref<1x1xf32, #tpu.memory_space<vmem>>, %arg15: memref<64x1xf32, #tpu.memory_space<vmem>>, %arg16: memref<64x1xf32, #tpu.memory_space<vmem>>, %arg17: memref<1x1xf32, #tpu.memory_space<vmem>>, %arg18: memref<64x128xf32, #tpu.memory_space<vmem>>, %arg19: memref<64x1xf32, #tpu.memory_space<vmem>>) attributes {dimension_semantics = [#tpu.dimension_semantics<arbitrary>], iteration_bounds = array<i64: 10>, scalar_prefetch = 0 : i64, scratch_operands = 2 : i64, tpu.core_type = #tpu.core_type<tc>, window_params = [{transform_indices = @transform_0, window_bounds = array<i64: 2, 1000, 64>}, {transform_indices = @transform_1, window_bounds = array<i64: 2, 1000, 16>}, {pipeline_mode = #tpu.pipeline_mode<synchronous>, transform_indices = @transform_2, window_bounds = array<i64: 1, 128>}, {transform_indices = @transform_3, window_bounds = array<i64: 1000, 1>}, {pipeline_mode = #tpu.pipeline_mode<synchronous>, transform_indices = @transform_4, window_bounds = array<i64: 128, 64>}, {pipeline_mode = #tpu.pipeline_mode<synchronous>, transform_indices = @transform_5, window_bounds = array<i64: 1, 64>}, {pipeline_mode = #tpu.pipeline_mode<synchronous>, transform_indices = @transform_6, window_bounds = array<i64: 64, 32>}, {pipeline_mode = #tpu.pipeline_mode<synchronous>, transform_indices = @transform_7, window_bounds = array<i64: 1, 32>}, {pipeline_mode = #tpu.pipeline_mode<synchronous>, transform_indices = @transform_8, window_bounds = array<i64: 32, 16>}, {pipeline_mode = #tpu.pipeline_mode<synchronous>, transform_indices = @transform_9, window_bounds = array<i64: 1, 16>}, {pipeline_mode = #tpu.pipeline_mode<synchronous>, transform_indices = @transform_10, window_bounds = array<i64: 16, 8>}, {pipeline_mode = #tpu.pipeline_mode<synchronous>, transform_indices = @transform_11, window_bounds = array<i64: 1, 8>}, {pipeline_mode = #tpu.pipeline_mode<synchronous>, transform_indices = @transform_12, window_bounds = array<i64: 8, 1>}, {pipeline_mode = #tpu.pipeline_mode<synchronous>, transform_indices = @transform_13, window_bounds = array<i64: 1, 1>}, {pipeline_mode = #tpu.pipeline_mode<synchronous>, transform_indices = @transform_14, window_bounds = array<i64: 64, 1>}, {pipeline_mode = #tpu.pipeline_mode<synchronous>, transform_indices = @transform_15, window_bounds = array<i64: 64, 1>}, {pipeline_mode = #tpu.pipeline_mode<synchronous>, transform_indices = @transform_16, window_bounds = array<i64: 1, 1>}]} {
    %eq3A = arith.constant 0 : i32
    %eq3A_0 = arith.cmpi eq, %arg0, %eq3A : i32
    %convert_element_type3A = arith.extui %eq3A_0 : i1 to i32
    %cond3A = arith.constant 0 : i32
    %cond3A_1 = arith.cmpi ne, %convert_element_type3A, %cond3A : i32
    scf.if %cond3A_1 {
      %broadcast_in_dim3A_66 = arith.constant 0.000000e+00 : f32
      %broadcast_in_dim3A_67 = vector.broadcast %broadcast_in_dim3A_66 : f32 to vector<64x128xf32>
      %swap3A_68 = arith.constant 0 : index
      %swap3A_69 = arith.constant 0 : index
      %swap3A_70 = vector.load %arg18[%swap3A_68, %swap3A_69] : memref<64x128xf32, #tpu.memory_space<vmem>>, vector<64x128xf32>
      tpu.vector_store %arg18[%swap3A_68, %swap3A_69], %broadcast_in_dim3A_67 {strides = array<i32>} : memref<64x128xf32, #tpu.memory_space<vmem>>, vector<64x128xf32>,
      %broadcast_in_dim3A_71 = arith.constant 0.000000e+00 : f32
      %broadcast_in_dim3A_72 = vector.broadcast %broadcast_in_dim3A_71 : f32 to vector<64x1xf32>
      %swap3A_73 = arith.constant 0 : index
      %swap3A_74 = arith.constant 0 : index
      %swap3A_75 = vector.load %arg19[%swap3A_73, %swap3A_74] : memref<64x1xf32, #tpu.memory_space<vmem>>, vector<64x1xf32>
      tpu.vector_store %arg19[%swap3A_73, %swap3A_74], %broadcast_in_dim3A_72 {strides = array<i32>} : memref<64x1xf32, #tpu.memory_space<vmem>>, vector<64x1xf32>,
    } else {
    }
    %get3A = arith.constant 0 : index
    %get3A_2 = arith.constant 0 : index
    %get3A_3 = arith.constant 0 : index
    %get3A_4 = vector.load %arg2[%get3A, %get3A_2, %get3A_3] : memref<2x1000x16xf32, #tpu.memory_space<vmem>>, vector<2x1000x16xf32>
    %slice3A = vector.extract_strided_slice %get3A_4 {offsets = [0, 0, 0], sizes = [1, 1000, 1], strides = [1, 1, 1]} : vector<2x1000x16xf32> to vector<1x1000x1xf32>
    %squeeze3A = vector.shape_cast %slice3A : vector<1x1000x1xf32> to vector<1000x1xf32>
    %slice3A_5 = vector.extract_strided_slice %get3A_4 {offsets = [1, 0, 0], sizes = [1, 1000, 1], strides = [1, 1, 1]} : vector<2x1000x16xf32> to vector<1x1000x1xf32>
    %squeeze3A_6 = vector.shape_cast %slice3A_5 : vector<1x1000x1xf32> to vector<1000x1xf32>
    %add3A = arith.addf %squeeze3A, %squeeze3A_6 : vector<1000x1xf32>
    %sub3A = arith.constant 1.000000e+00 : f32
    %sub3A_7 = vector.broadcast %sub3A : f32 to vector<1000x1xf32>
    %sub3A_8 = arith.subf %add3A, %sub3A_7 : vector<1000x1xf32>
    %rsqrt3A = math.rsqrt %sub3A_8 : vector<1000x1xf32>
    %get3A_9 = arith.constant 0 : index
    %get3A_10 = arith.constant 0 : index
    %get3A_11 = arith.constant 0 : index
    %get3A_12 = vector.load %arg1[%get3A_9, %get3A_10, %get3A_11] : memref<2x1000x64xf32, #tpu.memory_space<vmem>>, vector<1x1000x64xf32>
    %get3A_13 = vector.shape_cast %get3A_12 : vector<1x1000x64xf32> to vector<1000x64xf32>
    %mul3A = vector.broadcast %rsqrt3A : vector<1000x1xf32> to vector<1000x64xf32>
    %mul3A_14 = arith.mulf %mul3A, %get3A_13 : vector<1000x64xf32>
    %get3A_15 = arith.constant 0 : index
    %get3A_16 = arith.constant 0 : index
    %get3A_17 = vector.load %arg3[%get3A_15, %get3A_16] : memref<1x128xf32, #tpu.memory_space<vmem>>, vector<1x64xf32>
    %add3A_18 = vector.broadcast %get3A_17 : vector<1x64xf32> to vector<1000x64xf32>
    %add3A_19 = arith.addf %mul3A_14, %add3A_18 : vector<1000x64xf32>
    %max3A = arith.constant 0.000000e+00 : f32
    %max3A_20 = vector.broadcast %max3A : f32 to vector<1000x64xf32>
    %max3A_21 = arith.maximumf %add3A_19, %max3A_20 : vector<1000x64xf32>
    %get3A_22 = arith.constant 1 : index
    %get3A_23 = arith.constant 0 : index
    %get3A_24 = arith.constant 0 : index
    %get3A_25 = vector.load %arg1[%get3A_22, %get3A_23, %get3A_24] : memref<2x1000x64xf32, #tpu.memory_space<vmem>>, vector<1x1000x64xf32>
    %get3A_26 = vector.shape_cast %get3A_25 : vector<1x1000x64xf32> to vector<1000x64xf32>
    %mul3A_27 = vector.broadcast %rsqrt3A : vector<1000x1xf32> to vector<1000x64xf32>
    %mul3A_28 = arith.mulf %mul3A_27, %get3A_26 : vector<1000x64xf32>
    %get3A_29 = arith.constant 0 : index
    %get3A_30 = arith.constant 64 : index
    %get3A_31 = vector.load %arg3[%get3A_29, %get3A_30] : memref<1x128xf32, #tpu.memory_space<vmem>>, vector<1x64xf32>
    %add3A_32 = vector.broadcast %get3A_31 : vector<1x64xf32> to vector<1000x64xf32>
    %add3A_33 = arith.addf %mul3A_28, %add3A_32 : vector<1000x64xf32>
    %max3A_34 = arith.constant 0.000000e+00 : f32
    %max3A_35 = vector.broadcast %max3A_34 : f32 to vector<1000x64xf32>
    %max3A_36 = arith.maximumf %add3A_33, %max3A_35 : vector<1000x64xf32>
    %concatenate3A = tpu.concatenate %max3A_21, %max3A_36 in 1 : vector<1000x64xf32>, vector<1000x64xf32> -> vector<1000x128xf32>
    %get3A_37 = arith.constant 0 : index
    %get3A_38 = arith.constant 0 : index
    %get3A_39 = vector.load %arg4[%get3A_37, %get3A_38] : memref<1000x1xi32, #tpu.memory_space<vmem>>, vector<1000x1xi32>
    %iota3A = tpu.iota {dimensions = array<i32: 1>} : vector<1000x64xi32>
    %eq3A_40 = vector.broadcast %get3A_39 : vector<1000x1xi32> to vector<1000x64xi32>
    %eq3A_41 = arith.cmpi eq, %eq3A_40, %iota3A : vector<1000x64xi32>
    %convert_element_type3A_42 = arith.extui %eq3A_41 : vector<1000x64xi1> to vector<1000x64xi32>
    %convert_element_type3A_43 = arith.sitofp %convert_element_type3A_42 : vector<1000x64xi32> to vector<1000x64xf32>
    %get3A_44 = arith.constant 0 : index
    %get3A_45 = arith.constant 0 : index
    %get3A_46 = vector.load %arg18[%get3A_44, %get3A_45] : memref<64x128xf32, #tpu.memory_space<vmem>>, vector<64x128xf32>
    %dot_general3A = arith.constant dense<0.000000e+00> : vector<64x128xf32>
    %dot_general3A_47 = tpu.matmul %convert_element_type3A_43, %concatenate3A, %dot_general3A {dimension_numbers = #tpu.dot_dimension_numbers<[0], [0], [1], [1], [0, 1, 1, 1], [], []>, transpose_lhs_hint = false} : vector<1000x64xf32>, vector<1000x128xf32>, vector<64x128xf32> -> vector<64x128xf32>
    %add3A_48 = arith.addf %get3A_46, %dot_general3A_47 : vector<64x128xf32>
    %swap3A = arith.constant 0 : index
    %swap3A_49 = arith.constant 0 : index
    %swap3A_50 = vector.load %arg18[%swap3A, %swap3A_49] : memref<64x128xf32, #tpu.memory_space<vmem>>, vector<64x128xf32>
    tpu.vector_store %arg18[%swap3A, %swap3A_49], %add3A_48 {strides = array<i32>} : memref<64x128xf32, #tpu.memory_space<vmem>>, vector<64x128xf32>,
    %get3A_51 = arith.constant 0 : index
    %get3A_52 = arith.constant 0 : index
    %get3A_53 = vector.load %arg19[%get3A_51, %get3A_52] : memref<64x1xf32, #tpu.memory_space<vmem>>, vector<64x1xf32>
    %broadcast_in_dim3A = arith.constant 1.000000e+00 : f32
    %broadcast_in_dim3A_54 = vector.broadcast %broadcast_in_dim3A : f32 to vector<1000x1xf32>
    %dot_general3A_55 = arith.constant dense<0.000000e+00> : vector<64x1xf32>
    %dot_general3A_56 = tpu.matmul %convert_element_type3A_43, %broadcast_in_dim3A_54, %dot_general3A_55 {dimension_numbers = #tpu.dot_dimension_numbers<[0], [0], [1], [1], [0, 1, 1, 1], [], []>, transpose_lhs_hint = false} : vector<1000x64xf32>, vector<1000x1xf32>, vector<64x1xf32> -> vector<64x1xf32>
    %add3A_57 = arith.addf %get3A_53, %dot_general3A_56 : vector<64x1xf32>
    %swap3A_58 = arith.constant 0 : index
    %swap3A_59 = arith.constant 0 : index
    %swap3A_60 = vector.load %arg19[%swap3A_58, %swap3A_59] : memref<64x1xf32, #tpu.memory_space<vmem>>, vector<64x1xf32>
    tpu.vector_store %arg19[%swap3A_58, %swap3A_59], %add3A_57 {strides = array<i32>} : memref<64x1xf32, #tpu.memory_space<vmem>>, vector<64x1xf32>,
    %eq3A_61 = arith.constant 9 : i32
    %eq3A_62 = arith.cmpi eq, %arg0, %eq3A_61 : i32
    %convert_element_type3A_63 = arith.extui %eq3A_62 : i1 to i32
    %cond3A_64 = arith.constant 0 : i32
    %cond3A_65 = arith.cmpi ne, %convert_element_type3A_63, %cond3A_64 : i32
    scf.if %cond3A_65 {
      %get3A_66 = arith.constant 0 : index
      %get3A_67 = arith.constant 0 : index
      %get3A_68 = vector.load %arg18[%get3A_66, %get3A_67] : memref<64x128xf32, #tpu.memory_space<vmem>>, vector<64x128xf32>
      %get3A_69 = arith.constant 0 : index
      %get3A_70 = arith.constant 0 : index
      %get3A_71 = vector.load %arg19[%get3A_69, %get3A_70] : memref<64x1xf32, #tpu.memory_space<vmem>>, vector<64x1xf32>
      %max3A_72 = arith.constant 1.000000e+00 : f32
      %max3A_73 = vector.broadcast %max3A_72 : f32 to vector<64x1xf32>
      %max3A_74 = arith.maximumf %get3A_71, %max3A_73 : vector<64x1xf32>
      %div3A = vector.broadcast %max3A_74 : vector<64x1xf32> to vector<64x128xf32>
      %div3A_75 = arith.divf %get3A_68, %div3A : vector<64x128xf32>
      %get3A_76 = arith.constant 0 : index
      %get3A_77 = arith.constant 0 : index
      %get3A_78 = vector.load %arg5[%get3A_76, %get3A_77] : memref<128x64xf32, #tpu.memory_space<vmem>>, vector<128x64xf32>
      %dot_general3A_79 = arith.constant dense<0.000000e+00> : vector<64x64xf32>
      %dot_general3A_80 = tpu.matmul %div3A_75, %get3A_78, %dot_general3A_79 {dimension_numbers = #tpu.dot_dimension_numbers<[1], [0], [0], [1], [0, 0, 1, 1], [], []>, transpose_lhs_hint = false} : vector<64x128xf32>, vector<128x64xf32>, vector<64x64xf32> -> vector<64x64xf32>
      %get3A_81 = arith.constant 0 : index
      %get3A_82 = arith.constant 0 : index
      %get3A_83 = vector.load %arg6[%get3A_81, %get3A_82] : memref<1x64xf32, #tpu.memory_space<vmem>>, vector<1x64xf32>
      %add3A_84 = vector.broadcast %get3A_83 : vector<1x64xf32> to vector<64x64xf32>
      %add3A_85 = arith.addf %dot_general3A_80, %add3A_84 : vector<64x64xf32>
      %get3A_86 = arith.constant 0 : index
      %get3A_87 = arith.constant 0 : index
      %get3A_88 = vector.load %arg7[%get3A_86, %get3A_87] : memref<64x32xf32, #tpu.memory_space<vmem>>, vector<64x32xf32>
      %dot_general3A_89 = arith.constant dense<0.000000e+00> : vector<64x32xf32>
      %dot_general3A_90 = tpu.matmul %add3A_85, %get3A_88, %dot_general3A_89 {dimension_numbers = #tpu.dot_dimension_numbers<[1], [0], [0], [1], [0, 0, 1, 1], [], []>, transpose_lhs_hint = false} : vector<64x64xf32>, vector<64x32xf32>, vector<64x32xf32> -> vector<64x32xf32>
      %get3A_91 = arith.constant 0 : index
      %get3A_92 = arith.constant 0 : index
      %get3A_93 = vector.load %arg8[%get3A_91, %get3A_92] : memref<1x32xf32, #tpu.memory_space<vmem>>, vector<1x32xf32>
      %add3A_94 = vector.broadcast %get3A_93 : vector<1x32xf32> to vector<64x32xf32>
      %add3A_95 = arith.addf %dot_general3A_90, %add3A_94 : vector<64x32xf32>
      %max3A_96 = arith.constant 0.000000e+00 : f32
      %max3A_97 = vector.broadcast %max3A_96 : f32 to vector<64x32xf32>
      %max3A_98 = arith.maximumf %add3A_95, %max3A_97 : vector<64x32xf32>
      %get3A_99 = arith.constant 0 : index
      %get3A_100 = arith.constant 0 : index
      %get3A_101 = vector.load %arg9[%get3A_99, %get3A_100] : memref<32x16xf32, #tpu.memory_space<vmem>>, vector<32x16xf32>
      %dot_general3A_102 = arith.constant dense<0.000000e+00> : vector<64x16xf32>
      %dot_general3A_103 = tpu.matmul %max3A_98, %get3A_101, %dot_general3A_102 {dimension_numbers = #tpu.dot_dimension_numbers<[1], [0], [0], [1], [0, 0, 1, 1], [], []>, transpose_lhs_hint = false} : vector<64x32xf32>, vector<32x16xf32>, vector<64x16xf32> -> vector<64x16xf32>
      %get3A_104 = arith.constant 0 : index
      %get3A_105 = arith.constant 0 : index
      %get3A_106 = vector.load %arg10[%get3A_104, %get3A_105] : memref<1x16xf32, #tpu.memory_space<vmem>>, vector<1x16xf32>
      %add3A_107 = vector.broadcast %get3A_106 : vector<1x16xf32> to vector<64x16xf32>
      %add3A_108 = arith.addf %dot_general3A_103, %add3A_107 : vector<64x16xf32>
      %max3A_109 = arith.constant 0.000000e+00 : f32
      %max3A_110 = vector.broadcast %max3A_109 : f32 to vector<64x16xf32>
      %max3A_111 = arith.maximumf %add3A_108, %max3A_110 : vector<64x16xf32>
      %get3A_112 = arith.constant 0 : index
      %get3A_113 = arith.constant 0 : index
      %get3A_114 = vector.load %arg11[%get3A_112, %get3A_113] : memref<16x8xf32, #tpu.memory_space<vmem>>, vector<16x8xf32>
      %dot_general3A_115 = arith.constant dense<0.000000e+00> : vector<64x8xf32>
      %dot_general3A_116 = tpu.matmul %max3A_111, %get3A_114, %dot_general3A_115 {dimension_numbers = #tpu.dot_dimension_numbers<[1], [0], [0], [1], [0, 0, 1, 1], [], []>, transpose_lhs_hint = false} : vector<64x16xf32>, vector<16x8xf32>, vector<64x8xf32> -> vector<64x8xf32>
      %get3A_117 = arith.constant 0 : index
      %get3A_118 = arith.constant 0 : index
      %get3A_119 = vector.load %arg12[%get3A_117, %get3A_118] : memref<1x8xf32, #tpu.memory_space<vmem>>, vector<1x8xf32>
      %add3A_120 = vector.broadcast %get3A_119 : vector<1x8xf32> to vector<64x8xf32>
      %add3A_121 = arith.addf %dot_general3A_116, %add3A_120 : vector<64x8xf32>
      %max3A_122 = arith.constant 0.000000e+00 : f32
      %max3A_123 = vector.broadcast %max3A_122 : f32 to vector<64x8xf32>
      %max3A_124 = arith.maximumf %add3A_121, %max3A_123 : vector<64x8xf32>
      %get3A_125 = arith.constant 0 : index
      %get3A_126 = arith.constant 0 : index
      %get3A_127 = vector.load %arg13[%get3A_125, %get3A_126] : memref<8x1xf32, #tpu.memory_space<vmem>>, vector<8x1xf32>
      %dot_general3A_128 = arith.constant dense<0.000000e+00> : vector<64x1xf32>
      %dot_general3A_129 = tpu.matmul %max3A_124, %get3A_127, %dot_general3A_128 {dimension_numbers = #tpu.dot_dimension_numbers<[1], [0], [0], [1], [0, 0, 1, 1], [], []>, transpose_lhs_hint = false} : vector<64x8xf32>, vector<8x1xf32>, vector<64x1xf32> -> vector<64x1xf32>
      %get3A_130 = arith.constant 0 : index
      %get3A_131 = arith.constant 0 : index
      %get3A_132 = vector.load %arg14[%get3A_130, %get3A_131] : memref<1x1xf32, #tpu.memory_space<vmem>>, vector<1x1xf32>
      %add3A_133 = vector.broadcast %get3A_132 : vector<1x1xf32> to vector<64x1xf32>
      %add3A_134 = arith.addf %dot_general3A_129, %add3A_133 : vector<64x1xf32>
      %swap3A_135 = arith.constant 0 : index
      %swap3A_136 = arith.constant 0 : index
      %swap3A_137 = vector.load %arg16[%swap3A_135, %swap3A_136] : memref<64x1xf32, #tpu.memory_space<vmem>>, vector<64x1xf32>
      tpu.vector_store %arg16[%swap3A_135, %swap3A_136], %add3A_134 {strides = array<i32>} : memref<64x1xf32, #tpu.memory_space<vmem>>, vector<64x1xf32>,
      %get3A_138 = arith.constant 0 : index
      %get3A_139 = arith.constant 0 : index
      %get3A_140 = vector.load %arg15[%get3A_138, %get3A_139] : memref<64x1xf32, #tpu.memory_space<vmem>>, vector<64x1xf32>
      %sub3A_141 = arith.subf %add3A_134, %get3A_140 : vector<64x1xf32>
      %integer_pow3A = arith.mulf %sub3A_141, %sub3A_141 : vector<64x1xf32>
      %reduce_sum3A = vector.shape_cast %integer_pow3A : vector<64x1xf32> to vector<1x64x1xf32>
      %reduce_sum3A_142 = arith.constant dense<0.000000e+00> : vector<1xf32>
      %reduce_sum3A_143 = vector.multi_reduction <add>, %reduce_sum3A, %reduce_sum3A_142 [1, 2] : vector<1x64x1xf32> to vector<1xf32>
      %reduce_sum3A_144 = vector.shape_cast %reduce_sum3A_143 : vector<1xf32> to vector<1x1x1xf32>
      %reduce_sum3A_145 = vector.extract %reduce_sum3A_144[0, 0, 0] : f32 from vector<1x1x1xf32>
      %div3A_146 = arith.constant 6.400000e+01 : f32
      %div3A_147 = arith.divf %reduce_sum3A_145, %div3A_146 : f32
      %reshape3A = vector.broadcast %div3A_147 : f32 to vector<1x1xf32>
      %swap3A_148 = arith.constant 0 : index
      %swap3A_149 = arith.constant 0 : index
      %swap3A_150 = vector.load %arg17[%swap3A_148, %swap3A_149] : memref<1x1xf32, #tpu.memory_space<vmem>>, vector<1x1xf32>
      tpu.vector_store %arg17[%swap3A_148, %swap3A_149], %reshape3A {strides = array<i32>} : memref<1x1xf32, #tpu.memory_space<vmem>>, vector<1x1xf32>,
    } else {
    }
    return
  }
  func.func @transform_0(%arg0: i32) -> (i32, i32, i32) {
    %c0_i32 = arith.constant 0 : i32
    %c0_i32_0 = arith.constant 0 : i32
    %c0_i32_1 = arith.constant 0 : i32
    return %c0_i32, %arg0, %c0_i32_0 : i32, i32, i32
  }
  func.func @transform_1(%arg0: i32) -> (i32, i32, i32) {
    %c0_i32 = arith.constant 0 : i32
    %c0_i32_0 = arith.constant 0 : i32
    %c0_i32_1 = arith.constant 0 : i32
    return %c0_i32, %arg0, %c0_i32_0 : i32, i32, i32
  }
  func.func @transform_2(%arg0: i32) -> (i32, i32) {
    %c0_i32 = arith.constant 0 : i32
    %c0_i32_0 = arith.constant 0 : i32
    %c0_i32_1 = arith.constant 0 : i32
    return %c0_i32, %c0_i32_0 : i32, i32
  }
  func.func @transform_3(%arg0: i32) -> (i32, i32) {
    %c0_i32 = arith.constant 0 : i32
    %c0_i32_0 = arith.constant 0 : i32
    return %arg0, %c0_i32 : i32, i32
  }
  func.func @transform_4(%arg0: i32) -> (i32, i32) {
    %c0_i32 = arith.constant 0 : i32
    %c0_i32_0 = arith.constant 0 : i32
    %c0_i32_1 = arith.constant 0 : i32
    return %c0_i32, %c0_i32_0 : i32, i32
  }
  func.func @transform_5(%arg0: i32) -> (i32, i32) {
    %c0_i32 = arith.constant 0 : i32
    %c0_i32_0 = arith.constant 0 : i32
    %c0_i32_1 = arith.constant 0 : i32
    return %c0_i32, %c0_i32_0 : i32, i32
  }
  func.func @transform_6(%arg0: i32) -> (i32, i32) {
    %c0_i32 = arith.constant 0 : i32
    %c0_i32_0 = arith.constant 0 : i32
    %c0_i32_1 = arith.constant 0 : i32
    return %c0_i32, %c0_i32_0 : i32, i32
  }
  func.func @transform_7(%arg0: i32) -> (i32, i32) {
    %c0_i32 = arith.constant 0 : i32
    %c0_i32_0 = arith.constant 0 : i32
    %c0_i32_1 = arith.constant 0 : i32
    return %c0_i32, %c0_i32_0 : i32, i32
  }
  func.func @transform_8(%arg0: i32) -> (i32, i32) {
    %c0_i32 = arith.constant 0 : i32
    %c0_i32_0 = arith.constant 0 : i32
    %c0_i32_1 = arith.constant 0 : i32
    return %c0_i32, %c0_i32_0 : i32, i32
  }
  func.func @transform_9(%arg0: i32) -> (i32, i32) {
    %c0_i32 = arith.constant 0 : i32
    %c0_i32_0 = arith.constant 0 : i32
    %c0_i32_1 = arith.constant 0 : i32
    return %c0_i32, %c0_i32_0 : i32, i32
  }
  func.func @transform_10(%arg0: i32) -> (i32, i32) {
    %c0_i32 = arith.constant 0 : i32
    %c0_i32_0 = arith.constant 0 : i32
    %c0_i32_1 = arith.constant 0 : i32
    return %c0_i32, %c0_i32_0 : i32, i32
  }
  func.func @transform_11(%arg0: i32) -> (i32, i32) {
    %c0_i32 = arith.constant 0 : i32
    %c0_i32_0 = arith.constant 0 : i32
    %c0_i32_1 = arith.constant 0 : i32
    return %c0_i32, %c0_i32_0 : i32, i32
  }
  func.func @transform_12(%arg0: i32) -> (i32, i32) {
    %c0_i32 = arith.constant 0 : i32
    %c0_i32_0 = arith.constant 0 : i32
    %c0_i32_1 = arith.constant 0 : i32
    return %c0_i32, %c0_i32_0 : i32, i32
  }
  func.func @transform_13(%arg0: i32) -> (i32, i32) {
    %c0_i32 = arith.constant 0 : i32
    %c0_i32_0 = arith.constant 0 : i32
    %c0_i32_1 = arith.constant 0 : i32
    return %c0_i32, %c0_i32_0 : i32, i32
  }
  func.func @transform_14(%arg0: i32) -> (i32, i32) {
    %c0_i32 = arith.constant 0 : i32
    %c0_i32_0 = arith.constant 0 : i32
    %c0_i32_1 = arith.constant 0 : i32
    return %c0_i32, %c0_i32_0 : i32, i32
  }
  func.func @transform_15(%arg0: i32) -> (i32, i32) {
    %c0_i32 = arith.constant 0 : i32
    %c0_i32_0 = arith.constant 0 : i32
    %c0_i32_1 = arith.constant 0 : i32
    return %c0_i32, %c0_i32_0 : i32, i32
  }
  func.func @transform_16(%arg0: i32) -> (i32, i32) {
    %c0_i32 = arith.constant 0 : i32
    %c0_i32_0 = arith.constant 0 : i32
    %c0_i32_1 = arith.constant 0 : i32
    return %c0_i32, %c0_i32_0 : i32, i32
  }
}

</mosaic_0001>

<sc_bundles>
// kernel: kernel.11.cloned.1.call-start
scs
__scs_entry_jumppad:
0x0: {  	(pc) =	sbr.rel $0x88, $3  }
0x1: {  	(tag) =	ssettag $0x0;
	lr =	simm.s32 $0x1  }
0x2: {  	[smem:$0x3F8F] =	sst lr;
	_ =	strace $0xD0000000  }
0x3: {  	_ = 	snop  }
0x4: {  	_ = 	snop  }
0x5: {  	_ = 	snop  }
0x6: {  	_ = 	snop  }
0x7: {  	_ = 	snop  }
__scs_overlays_trampoline_lowered:
0x8: {  	[smem:$0x3F9E] =	sst s0  }
0x9: {  	[smem:$0x3F9F] =	sst s1  }
0xa: {  	[smem:$0x3FA0] =	sst s2  }
0xb: {  	[smem:$0x3FA1] =	sst s3  }
0xc: {  	[smem:$0x3FA2] =	sst s4  }
0xd: {  	[smem:$0x3FA3] =	sst s5  }
0xe: {  	[smem:$0x3FA4] =	sst s6  }
0xf: {  	[smem:$0x3FA5] =	sst s7  }
0x10: {  	[smem:$0x3FA6] =	sst s8  }
0x11: {  	[smem:$0x3FA7] =	sst s9;
	s0 =	simm.s32 @!p0 $0x0  }
0x12: {  	s1 =	sld [smem:$0x3F8D];
	s0 =	simm.s32 @p0 $0x1  }
0x13: {  	[smem:$0x3FA8] =	sst s0;
	s0 =	simm.s32 @!p1 $0x0  }
0x14: {  	s2 =	sld [smem:$0x3F8C];
	s0 =	simm.s32 @p1 $0x1  }
0x15: {  	[smem:$0x3FA9] =	sst s0;
	s0 =	simm.s32 @!p2 $0x0  }
0x16: {  	s3 =	sld [smem:$0x3FDB];
	s0 =	simm.s32 @p2 $0x1  }
0x17: {  	s4 =	simm.s32 $0x1BF5;
	[smem:$0x3FAB] =	sst s0  }
0x18: {  	s0 =	sld [smem:$0x3F8E];
	_ =	swait.ge [sflag:s4], $0x0  }
0x19: {  	s7 =	sld [smem:$0x3F8F]  }
0x1a: {  	s8 =	sadd.s32 $0xFFFFE003, lr  }
0x1b: {  	s9 =	sadd.s32 $0xFFFFFEF7, lr;
	s5 =	simm.s32 $0xFFFFFFFF;
	p2 =	slt.u32 s8, $0xFFFFF086  }
0x1c: {  	p1 =	slt.u32 s9, $0xF7A;
	s5 =	simm.s32 @!p2 $0x0  }
0x1d: {  	s5 =	simm.s32 @p1 $0x1;
	p0 =	seq.s32 s7, s2  }
0x1e: {  	s7 =	smul.u32 @!p0 $0xF7A, s2;
	p2 =	seq.s32 @!p0 s5, $0x0  }
0x1f: {  	s9 =	smul.u32 $0xF7A, s1;
	s8 =	simm.s32 @!p0 $0x1BF5;
	p2 =	por !p2, p0  }
0x20: {  	[sflag:s8] =	ssyncset.s32 @!p0 $0xFFFFF086;
	s6 =	sadd.s32 @!p0 s3, s7;
	s7 =	simm.s32 @!p0 $0x108  }
0x21: {  	s3 =	sadd.s32 s3, s9;
	s6 =	sadd.s32 @!p0 $0x88, s6;
	s7 =	simm.s32 @p2 $0x1082  }
0x22: {  	[simem:s7], [sflag:s8] =	dma.local @!p0 [hbm:s6], $0xF7A  }
0x23: {  	s9 =	sor.u32 $0xD0000000, s2;
	s6 =	simm.s32 $0x108;
	_ =	swait.ge @!p0 [sflag:s8], $0x0  }
0x24: {  	s3 =	sadd.s32 $0x88, s3;
	s6 =	simm.s32 @!p1 $0x1082;
	[sflag:s4] =	ssyncset.s32 $0xFFFFF086  }
0x25: {  	[simem:s6], [sflag:s4] =	dma.local [hbm:s3], $0xF7A  }
0x26: {  	[smem:$0x3F8F] =	sst s1;
	(tag) =	ssettag s2;
	_ =	strace s9  }
0x27: {  	s1 =	sld [smem:$0x3F9F]  }
0x28: {  	s2 =	sld [smem:$0x3FA0]  }
0x29: {  	s4 =	sld [smem:$0x3FA2]  }
0x2a: {  	p0 =	seq.s32 s5, $0x0;
	s5 =	sld [smem:$0x3FA3]  }
0x2b: {  	s6 =	sld [smem:$0x3FA4]  }
0x2c: {  	s7 =	sld [smem:$0x3FA5]  }
0x2d: {  	s3 =	simm.s32 $0x108;
	s8 =	sld [smem:$0x3FA6]  }
0x2e: {  	s3 =	simm.s32 @!p0 $0x1082;
	s9 =	sld [smem:$0x3FA7]  }
0x2f: {  	lr =	sadd.s32 s0, s3;
	s0 =	sld [smem:$0x3F9E]  }
0x30: {  	s3 =	sld [smem:$0x3FA1]  }
0x31: {  	[smem:$0x3FAA] =	sst s10  }
0x32: {  	s10 =	sld [smem:$0x3FA8];
	_ =	sdelay $0x3  }
0x33: {  	p0 =	seq.s32 s10, $0x1;
	s10 =	sld [smem:$0x3FAA];
	_ =	sdelay $0x3  }
0x34: {  	[smem:$0x3FAA] =	sst s10  }
0x35: {  	s10 =	sld [smem:$0x3FA9];
	_ =	sdelay $0x3  }
0x36: {  	p1 =	seq.s32 s10, $0x1;
	s10 =	sld [smem:$0x3FAA];
	_ =	sdelay $0x3  }
0x37: {  	[smem:$0x3FAA] =	sst s10  }
0x38: {  	s10 =	sld [smem:$0x3FAB]  }
0x39: {  	_ = 	snop;
	(pc) =	sbr.ind lr, $3  }
0x3a: {  	_ = 	snop  }
0x3b: {  	_ = 	snop  }
0x3c: {  	p2 =	seq.s32 s10, $0x1;
	s10 =	sld [smem:$0x3FAA]  }
0x3d: {  	_ =	shalt  }
0x3e: {  	_ =	shalt  }
0x3f: {  	_ =	shalt  }
0x40: {  	_ =	shalt  }
0x41: {  	_ =	shalt  }
0x42: {  	_ =	shalt  }
0x43: {  	_ =	shalt  }
0x44: {  	_ =	shalt  }
0x45: {  	_ =	shalt  }
0x46: {  	_ =	shalt  }
0x47: {  	_ =	shalt  }
0x48: {  	_ =	shalt  }
0x49: {  	_ =	shalt  }
0x4a: {  	_ =	shalt  }
0x4b: {  	_ =	shalt  }
0x4c: {  	_ =	shalt  }
0x4d: {  	_ =	shalt  }
0x4e: {  	_ =	shalt  }
0x4f: {  	_ =	shalt  }
0x50: {  	_ =	shalt  }
0x51: {  	_ =	shalt  }
0x52: {  	_ =	shalt  }
0x53: {  	_ =	shalt  }
0x54: {  	_ =	shalt  }
0x55: {  	_ =	shalt  }
0x56: {  	_ =	shalt  }
0x57: {  	_ =	shalt  }
0x58: {  	_ =	shalt  }
0x59: {  	_ =	shalt  }
0x5a: {  	_ =	shalt  }
0x5b: {  	_ =	shalt  }
0x5c: {  	_ =	shalt  }
0x5d: {  	_ =	shalt  }
0x5e: {  	_ =	shalt  }
0x5f: {  	_ =	shalt  }
0x60: {  	_ =	shalt  }
0x61: {  	_ =	shalt  }
0x62: {  	_ =	shalt  }
0x63: {  	_ =	shalt  }
0x64: {  	_ =	shalt  }
0x65: {  	_ =	shalt  }
0x66: {  	_ =	shalt  }
0x67: {  	_ =	shalt  }
0x68: {  	_ =	shalt  }
0x69: {  	_ =	shalt  }
0x6a: {  	_ =	shalt  }
0x6b: {  	_ =	shalt  }
0x6c: {  	_ =	shalt  }
0x6d: {  	_ =	shalt  }
0x6e: {  	_ =	shalt  }
0x6f: {  	_ =	shalt  }
0x70: {  	_ =	shalt  }
0x71: {  	_ =	shalt  }
0x72: {  	_ =	shalt  }
0x73: {  	_ =	shalt  }
0x74: {  	_ =	shalt  }
0x75: {  	_ =	shalt  }
0x76: {  	_ =	shalt  }
0x77: {  	_ =	shalt  }
0x78: {  	_ =	shalt  }
0x79: {  	_ =	shalt  }
0x7a: {  	_ =	shalt  }
0x7b: {  	_ =	shalt  }
0x7c: {  	_ =	shalt  }
0x7d: {  	_ =	shalt  }
0x7e: {  	_ =	shalt  }
0x7f: {  	_ =	shalt  }
0x80: {  	_ =	shalt  }
0x81: {  	_ =	shalt  }
0x82: {  	_ =	shalt  }
0x83: {  	_ =	shalt  }
0x84: {  	_ =	shalt  }
0x85: {  	_ =	shalt  }
0x86: {  	_ =	shalt  }
0x87: {  	_ =	shalt  }
.Lfunc_end0:
.L_simem_size_0:
called_computation.1_lowered:
.L_overlay_start_0:
0x88: {  	s2 =	sld [smem:$0x3FD9]  }
0x89: {  	s3 =	sld [smem:$0x3FFE];
	_ =	sdelay $0x1  }
0x8a: {  	s1 =	srdreg.scid  }
0x8b: {  	s0 =	sand.u32 $0x1, s1  }
0x8c: {  	s16 =	sshll.u32 s0, $0xA;
	s2 =	sadd.s32 s3, s2  }
0x8d: {  	s2 =	sadd.s32 s2, s16  }
0x8e: {  	[smem:$0x3FB6] =	sst s2  }
0x8f: {  	_ = 	snop  }
0x90: {  	(tm) =	ssettm $0x1  }
0x91: {  	s17 =	sld [smem:$0x3FFB];
	_ =	sdelay $0x3  }
0x92: {  	_ =	strace s17  }
0x93: {  	s2 =	sld [smem:$0x3FFC];
	_ =	sdelay $0x3  }
0x94: {  	_ =	strace s2  }
0x95: {  	s2 =	sld [smem:$0x3FFD];
	_ =	sdelay $0x3  }
0x96: {  	_ =	strace s2  }
0x97: {  	_ =	strace $0x8FFFFFFF  }
0x98: {  	s18 =	sld [smem:$0x3FDB];
	_ =	sdelay $0x1  }
0x99: {  	s19 =	simm.s32 $_scs_section_size  }
0x9a: {  	s4 =	simm.s32 $_size__tile_overlayer_lowered;
	s5 =	simm.s32 $_tile_overlayer_lowered  }
0x9b: {  	s22 =	simm.s32 $0x1BFF;
	s21 =	sshll.u32 s5, $0x1;
	s2 =	sadd.s32 s19, s18  }
0x9c: {  	s6 =	simm.s32 $0x0;
	s20 =	sshll.u32 s4, $0x1;
	s4 =	sadd.s32 s21, s2  }
0x9d: {  	[timem:s6], [sflag:s22] =	dma.local [hbm:s4], s20  }
0x9e: {  	_ =	swait.ge [sflag:s22], s20  }
0x9f: {  	s3 =	ssub.s32 $0x0, s20;
	[sflag:s22] =	ssyncset.done $0x0  }
0xa0: {  	[sflag:s22] =	ssyncadd.s32 s3;
	_ =	sdelay $0x1  }
0xa1: {  	s23 =	simm.s32 $0x1B8B  }
0xa2: {  	_ =	swait.ge [sflag:s23], $0x1  }
0xa3: {  	[sflag:s23] =	ssyncset.done $0x0  }
0xa4: {  	s25 =	simm.s32 $0x1B8E;
	s24 =	sld [smem:$0x3FFE];
	[sflag:s23] =	ssyncadd.s32 $0xFFFFFFFF  }
0xa5: {  	s26 =	simm.s32 $execute0_lowered;
	[smem:$0x3FD2] =	sst s25  }
0xa6: {  	s4 =	sshll.u32 s26, $0x1;
	_ =	strace $0x80000049;
	[dreg:$0x1] =	wrdreg $0xFFFFFFFF  }
0xa7: {  	s28 =	simm.s32 $_size_execute0_lowered;
	s2 =	sadd.s32 s2, s4;
	[dreg:$0x0] =	wrdreg $0x0  }
0xa8: {  	s4 =	sshll.u32 s28, $0x1;
	[dreg:$0x2] =	wrdreg s2  }
0xa9: {  	[dreg:$0x3] =	wrdreg s4  }
0xaa: {  	[dreg:$0x4] =	wrdreg $0xC0  }
0xab: {  	_ =	task [dreg:s6], $0x5FFFF  }
0xac: {  	[dreg:$0x1] =	wrdreg $0xFFFFFFFF  }
0xad: {  	[dreg:$0x0] =	wrdreg $0x60  }
0xae: {  	[dreg:$0x2] =	wrdreg s24  }
0xaf: {  	[dreg:$0x3] =	wrdreg $0xB0000  }
0xb0: {  	[dreg:$0x4] =	wrdreg $0x14E400  }
0xb1: {  	[dreg:$0x5] =	wrdreg $0x9  }
0xb2: {  	_ =	task.clear_ibuf [dreg:s6], $0x6FFFF;
	_ =	strace $0x90000049  }
0xb3: {  	s29 =	simm.s32 $0x9;
	_ =	strace $0x8000004B  }
0xb4: {  	_ =	swait.ge [sflag:s29], $0x1  }
0xb5: {  	[sflag:s29] =	ssyncadd.s32 $0xFFFFFFFF  }
0xb6: {  	_ =	strace $0x9000004B  }
0xb7: {  	_ =	sfence  }
0xb8: {  	s30 =	sld [smem:$0x0];
	_ =	sdelay $0x2  }
0xb9: {  	s31 =	sshll.u32 s1, $0xD;
	s1 =	sshrl.u32 s1, $0x2  }
0xba: {  	s3 =	sand.u32 $0x4000, s31;
	s1 =	sadd.s32 s1, s30  }
0xbb: {  	s0 =	sor.u32 s3, s0;
	s1 =	sshll.u32 s1, $0x11  }
0xbc: {  	s0 =	sor.u32 s1, s0  }
0xbd: {  	s0 =	sadd.s32 $0x8F2B, s0  }
0xbe: {  	[sflag:s0] =	ssyncadd.remote.s32 $0x1  }
0xbf: {  	_ =	sfence.sel $0xFFFF  }
0xc0: {  	[dreg:$0x0] =	wrdreg $0xFFFFFFFF;
	(pc) =	sbr.abs _section_cstart, $3  }
0xc1: {  	[dreg:$0x1] =	wrdreg $0xFFFFFFFF  }
0xc2: {  	_ =	task.clear_ibuf [dreg:s6], $0x2FFFF;
	_ =	strace $0x9FFFFFFF  }
0xc3: {  	(tm) =	ssettm $0x7FFFFFFF  }
tec
execute0_lowered:
.L_overlay_start_1:
0x0: {  	(tag) =	ssettag $0x1  }
0x1: {  	s0 =	rddreg [dreg:$0x0]  }
0x2: {  	s1 =	rddreg [dreg:$0x1]  }
0x3: {  	s11 =	stileid.u32;
	s4 =	srdreg.scid  }
0x4: {  	s3 =	rddreg [dreg:$0x2];
	s20 =	simm.s32 $0x100;
	s21 =	simm.s32 $0x180  }
0x5: {  	s28 =	simm.s32 $0x1;
	s29 =	simm.s32 $0x6;
	s30 =	simm.s32 $0x2  }
0x6: {  	s31 =	simm.s32 $0x7;
	s2 =	smul.u32 $0x9C00, s11;
	s5 =	sand.u32 $0x1, s4  }
0x7: {  	s6 =	smul.u32 $0x5000, s11;
	s4 =	simm.s32 $0x0;
	s9 =	sadd.s32 $0x9B400, s0  }
0x8: {  	s25 =	sadd.s32 $0x9C000, s1;
	s13 =	sadd.s32 $0x87800, s0;
	p1 =	sne.s32 s11, $0xF  }
0x9: {  	s18 =	sshll.u32 s11, $0x6;
	p2 =	seq.s32 s11, $0xF;
	[smem:$0x7FF] =	sst s4  }
0xa: {  	s11 =	simm.s32 $0xA00;
	_ =	strace $0x8000004A;
	[dreg:$0xf] =	wrdreg s13  }
0xb: {  	s7 =	smul.u32 $0x2800, s5;
	s23 =	ssub.s32 $0x2, s5;
	[dreg:$0x15] =	wrdreg s18  }
0xc: {  	p0 =	seq.s32 s5, $0x1;
	s19 =	sshrl.u32 s25, $0x3;
	[dreg:$0xe] =	wrdreg s25  }
0xd: {  	s5 =	smul.u32 $0x9C400, s5;
	s8 =	sshrl.u32 s2, $0x3;
	[dreg:$0x18] =	wrdreg s19  }
0xe: {  	s10 =	sshrl.u32 s23, $0x1;
	s24 =	sadd.s32 s2, s1;
	[dreg:$0x6] =	wrdreg s20  }
0xf: {  	s26 =	sadd.s32 s2, s3;
	s20 =	simm.s32 $0x800;
	[dreg:$0x7] =	wrdreg s21  }
0x10: {  	s21 =	simm.s32 $0x80;
	s25 =	simm.s32 $0x300;
	s19 =	simm.s32 $0xA  }
0x11: {  	s6 =	sadd.s32 s7, s6;
	s22 =	sadd.s32 s8, s0;
	s8 =	ssub.s32 s23, s10  }
0x12: {  	s2 =	sadd.s32 s2, s5;
	s5 =	sshrl.u32 s5, $0x3;
	s13 =	sshrl.u32 s24, $0x3  }
0x13: {  	s23 =	simm.s32 $0x280;
	s24 =	simm.s32 $0x880;
	[dreg:$0xb] =	wrdreg s25  }
0x14: {  	s25 =	simm.s32 $0x7000;
	s10 =	simm.s32 $0x5;
	[dreg:$0x9] =	wrdreg s23  }
0x15: {  	s6 =	sshrl.u32 s6, $0x3;
	s12 =	sadd.s32 $0x74000, s22;
	[dreg:$0xa] =	wrdreg s24  }
0x16: {  	s7 =	sadd.s32 $0x87A00, s22;
	s2 =	sshrl.u32 s2, $0x3;
	[dreg:$0x17] =	wrdreg s13  }
0x17: {  	s5 =	sadd.s32 s9, s5;
	s16 =	smax.u32 s8, $0x1;
	[dreg:$0xd] =	wrdreg s12  }
0x18: {  	s22 =	simm.s32 $0x200;
	s23 =	simm.s32 $0x3000;
	[dreg:$0x10] =	wrdreg s7  }
0x19: {  	s24 =	simm.s32 $0x5000;
	s8 =	simm.s32 $0x380;
	[dreg:$0x14] =	wrdreg s16  }
0x1a: {  	s6 =	sadd.s32 s6, s0;
	s0 =	sadd.s32 $0x9B200, s0;
	[dreg:$0x8] =	wrdreg s22  }
0x1b: {  	s7 =	sadd.s32 $0x9C000, s3;
	s2 =	sadd.s32 s9, s2;
	[dreg:$0x11] =	wrdreg s0  }
0x1c: {  	s14 =	sadd.s32 $0x13800, s5;
	s16 =	simm.s32 $0xB;
	[dreg:$0x12] =	wrdreg s2  }
0x1d: {  	s22 =	simm.s32 $0x1000;
	[dreg:$0x13] =	wrdreg s14;
	s15 =	sadd.s32 $0x3000, s6  }
0x1e: {  	s9 =	simm.s32 $0x4;
	s17 =	sadd.s32 $0x1BE00, s6;
	[dreg:$0x4] =	wrdreg s15  }
0x1f: {  	s12 =	simm.s32 $0xA80;
	s2 =	sor.u32 $0x1C0B, s18;
	[dreg:$0x5] =	wrdreg s17  }
0x20: {  	s0 =	sshrl.u32 s26, $0x3;
	s26 =	simm.s32 $0x900;
	[dreg:$0x16] =	wrdreg s2  }
0x21: {  	s6 =	simm.s32 $0xB00;
	s18 =	simm.s32 $0xB80;
	[dreg:$0x19] =	wrdreg s0  }
0x22: {  	s14 =	simm.s32 $0x9;
	s2 =	sshrl.u32 @!p1 s7, $0x3;
	[dreg:$0xc] =	wrdreg s26  }
0x23: {  	s26 =	simm.s32 $0x9000;
	s0 =	simm.s32 $0x8;
	s17 =	simm.s32 $0x980  }
0x24: {  	s15 =	simm.s32 $0x0;
	[dreg:$0x1a] =	wrdreg s2;
	s2 =	simm.s32 $0x3  }
.LBB2_1:
.Ltmp0:
0x25: {  	(pc) =	sbr.rel @!p0 .LBB2_2-.Ltmp0, $2  }
0x26: {  	_ =	sdelay $0x2  }
0x27: {  	[dreg:$0x1b] =	wrdreg s15  }
0x28: {  	s5 =	rddreg [dreg:$0x10]  }
0x29: {  	s7 =	rddreg [dreg:$0x16]  }
0x2a: {  	[spmem:s13], [sflag:s7] =	dma.local [hbm:s5], $0x1380  }
.Ltmp1:
0x2b: {  	_ = 	snop;
	(pc) =	sbr.rel @p1 .LBB2_5-.Ltmp1, $4  }
.Ltmp2:
0x2c: {  	_ = 	snop;
	(pc) =	sbr.rel @!p1 .LBB2_4-.Ltmp2, $4  }
0x2d: {  	_ =	swait.ge [sflag:s16], $0x1380  }
0x2e: {  	[sflag:s16] =	ssyncset.done $0x0  }
0x2f: {  	s13 =	rddreg [dreg:$0x11];
	[sflag:s16] =	ssyncadd.s32 $0xFFFFEC80  }
0x30: {  	_ = 	snop  }
.LBB2_2:
0x31: {  	s5 =	rddreg [dreg:$0x15]  }
.Ltmp3:
0x32: {  	s15 =	rddreg [dreg:$0xd];
	s7 =	sor.u32 $0x1C0B, s5;
	(pc) =	sbr.rel @!p2 .LBB2_5-.Ltmp3, $4  }
0x33: {  	[spmem:s13], [sflag:s7] =	dma.local [hbm:s15], $0x1380  }
0x34: {  	_ =	swait.ge [sflag:s16], $0x1380  }
0x35: {  	[sflag:s16] =	ssyncset.done $0x0  }
0x36: {  	s13 =	rddreg [dreg:$0xf];
	[sflag:s16] =	ssyncadd.s32 $0xFFFFEC80  }
.LBB2_4:
0x37: {  	s5 =	rddreg [dreg:$0x18]  }
0x38: {  	[spmem:s5], [sflag:s7] =	dma.local [hbm:s13], $0x80  }
0x39: {  	_ =	swait.ge [sflag:s16], $0x80  }
0x3a: {  	[sflag:s16] =	ssyncset.done $0x0  }
0x3b: {  	[sflag:s16] =	ssyncadd.s32 $0xFFFFFF80  }
.LBB2_5:
0x3c: {  	s5 =	rddreg [dreg:$0x15]  }
0x3d: {  	s15 =	rddreg [dreg:$0xd]  }
0x3e: {  	s7 =	rddreg [dreg:$0x19];
	s13 =	sor.u32 $0x1C0B, s5  }
0x3f: {  	[spmem:s7], [sflag:s13] =	dma.local [hbm:s15], $0x1380  }
0x40: {  	_ =	swait.ge [sflag:s16], $0x1380;
	[dreg:$0x1c] =	wrdreg s13  }
0x41: {  	[sflag:s16] =	ssyncset.done $0x0;
	s5 =	rddreg [dreg:$0xf]  }
0x42: {  	s7 =	rddreg [dreg:$0x1a];
	[sflag:s16] =	ssyncadd.s32 $0xFFFFEC80  }
0x43: {  	[spmem:s7], [sflag:s13] =	dma.local @!p1 [hbm:s5], $0x80  }
0x44: {  	s7 =	simm.s32 @!p1 $0xB  }
0x45: {  	_ =	swait.ge @!p1 [sflag:s7], $0x80  }
0x46: {  	[sflag:s7] =	ssyncset.done @!p1 $0x0  }
0x47: {  	[sflag:s7] =	ssyncadd.s32 @!p1 $0xFFFFFF80  }
0x48: {  	[bflag:$0x0] =	sbarrier.arrive $0xFFFF  }
0x49: {  	s15 =	rddreg [dreg:$0x5]  }
0x4a: {  	s7 =	sadd.s32 $0x0, s15  }
0x4b: {  	[tilespmem:s4], [sflag:$0xB] =	stream.linear.gather [hbm4b:s7+s4], $0x400, $0x38;
	[tilespmem:$0x1EA80] =	vst v63  }
0x4c: {  	_ =	swait.ge [sflag:s16], $0x400  }
0x4d: {  	s5 =	rddreg [dreg:$0x4];
	[sflag:s16] =	ssyncset.done $0x0  }
0x4e: {  	[sflag:s16] =	ssyncadd.s32 $0xFFFFFC00;
	s7 =	sadd.s32 $0x0, s5  }
0x4f: {  	[tilespmem:s20], [sflag:$0xB] =	stream.linear.gather [hbm4b:s7+s4], $0x400, $0x38;
	[tilespmem:$0x1EA80] =	vst v63  }
0x50: {  	_ =	swait.ge [sflag:s16], $0x400  }
0x51: {  	[sflag:s16] =	ssyncset.done $0x0  }
0x52: {  	[sflag:s16] =	ssyncadd.s32 $0xFFFFFC00  }
0x53: {  	[tilespmem:s22], [sflag:$0x1] =	stream.indirect.gather [spmem:s3], $0x40, s4, s21, $0xb8;
	[tilespmem:$0x1EA80] =	vst v63  }
0x54: {  	_ = 	snop  }
0x55: {  	[tilespmem:s23], [sflag:$0x2] =	stream.indirect.gather [spmem:s3], $0x40, s21, s21, $0xb8;
	[tilespmem:$0x1EA80] =	vst v63  }
0x56: {  	s13 =	rddreg [dreg:$0x6]  }
0x57: {  	[tilespmem:s24], [sflag:$0x3] =	stream.indirect.gather [spmem:s3], $0x40, s13, s21, $0xb8;
	[tilespmem:$0x1EA80] =	vst v63  }
0x58: {  	s15 =	rddreg [dreg:$0x7]  }
0x59: {  	[tilespmem:s25], [sflag:$0x4] =	stream.indirect.gather [spmem:s3], $0x40, s15, s21, $0xb8;
	[tilespmem:$0x1EA80] =	vst v63  }
0x5a: {  	s5 =	rddreg [dreg:$0x8]  }
0x5b: {  	[tilespmem:s26], [sflag:$0x5] =	stream.indirect.gather [spmem:s3], $0x40, s5, s21, $0xb8;
	[tilespmem:$0x1EA80] =	vst v63  }
0x5c: {  	_ =	swait.ge [sflag:s28], $0x2000  }
0x5d: {  	[sflag:s28] =	ssyncset.done $0x0  }
0x5e: {  	[sflag:s28] =	ssyncadd.s32 $0xFFFFE000  }
0x5f: {  	[spmem:s1] =	stream.indirect.scatter.add.f32 [tilespmem:s22], [sflag:$0x6], $0x40, s20, s21, $0xb8;
	[tilespmem:$0x1EA80] =	vst v63  }
0x60: {  	_ =	swait.ge [sflag:s29], $0x2000  }
0x61: {  	[sflag:s29] =	ssyncset.done $0x0  }
0x62: {  	s15 =	rddreg [dreg:$0x9];
	[sflag:s29] =	ssyncadd.s32 $0xFFFFE000  }
0x63: {  	[tilespmem:s22], [sflag:$0x1] =	stream.indirect.gather [spmem:s3], $0x40, s15, s21, $0xb8;
	[tilespmem:$0x1EA80] =	vst v63  }
0x64: {  	_ =	swait.ge [sflag:s30], $0x2000  }
0x65: {  	[sflag:s30] =	ssyncset.done $0x0  }
0x66: {  	s5 =	rddreg [dreg:$0xa];
	[sflag:s30] =	ssyncadd.s32 $0xFFFFE000  }
0x67: {  	[spmem:s1] =	stream.indirect.scatter.add.f32 [tilespmem:s23], [sflag:$0x7], $0x40, s5, s21, $0xb8;
	[tilespmem:$0x1EA80] =	vst v63  }
0x68: {  	_ =	swait.ge [sflag:s31], $0x2000  }
0x69: {  	[sflag:s31] =	ssyncset.done $0x0  }
0x6a: {  	s13 =	rddreg [dreg:$0xb];
	[sflag:s31] =	ssyncadd.s32 $0xFFFFE000  }
0x6b: {  	[tilespmem:s23], [sflag:$0x2] =	stream.indirect.gather [spmem:s3], $0x40, s13, s21, $0xb8;
	[tilespmem:$0x1EA80] =	vst v63  }
0x6c: {  	_ =	swait.ge [sflag:s2], $0x2000  }
0x6d: {  	[sflag:s2] =	ssyncset.done $0x0  }
0x6e: {  	s15 =	rddreg [dreg:$0xc];
	[sflag:s2] =	ssyncadd.s32 $0xFFFFE000  }
0x6f: {  	[spmem:s1] =	stream.indirect.scatter.add.f32 [tilespmem:s24], [sflag:$0x8], $0x40, s15, s21, $0xb8;
	[tilespmem:$0x1EA80] =	vst v63  }
0x70: {  	_ =	swait.ge [sflag:s0], $0x2000  }
0x71: {  	[sflag:s0] =	ssyncset.done $0x0  }
0x72: {  	[sflag:s0] =	ssyncadd.s32 $0xFFFFE000  }
0x73: {  	[tilespmem:s24], [sflag:$0x3] =	stream.indirect.gather [spmem:s3], $0x40, s8, s21, $0xb8;
	[tilespmem:$0x1EA80] =	vst v63  }
0x74: {  	_ =	swait.ge [sflag:s9], $0x2000  }
0x75: {  	[sflag:s9] =	ssyncset.done $0x0  }
0x76: {  	[sflag:s9] =	ssyncadd.s32 $0xFFFFE000  }
0x77: {  	[spmem:s1] =	stream.indirect.scatter.add.f32 [tilespmem:s25], [sflag:$0x9], $0x40, s17, s21, $0xb8;
	[tilespmem:$0x1EA80] =	vst v63  }
0x78: {  	_ =	swait.ge [sflag:s10], $0x2000  }
0x79: {  	[sflag:s10] =	ssyncset.done $0x0  }
0x7a: {  	[sflag:s10] =	ssyncadd.s32 $0xFFFFE000  }
0x7b: {  	[spmem:s1] =	stream.indirect.scatter.add.f32 [tilespmem:s26], [sflag:$0xA], $0x40, s11, s21, $0xb8;
	[tilespmem:$0x1EA80] =	vst v63  }
0x7c: {  	_ =	swait.ge [sflag:s28], $0x2000  }
0x7d: {  	[sflag:s28] =	ssyncset.done $0x0  }
0x7e: {  	[sflag:s28] =	ssyncadd.s32 $0xFFFFE000  }
0x7f: {  	[spmem:s1] =	stream.indirect.scatter.add.f32 [tilespmem:s22], [sflag:$0x6], $0x40, s12, s21, $0xb8;
	[tilespmem:$0x1EA80] =	vst v63  }
0x80: {  	_ =	swait.ge [sflag:s30], $0x2000  }
0x81: {  	[sflag:s30] =	ssyncset.done $0x0  }
0x82: {  	[sflag:s30] =	ssyncadd.s32 $0xFFFFE000  }
0x83: {  	[spmem:s1] =	stream.indirect.scatter.add.f32 [tilespmem:s23], [sflag:$0x7], $0x40, s6, s21, $0xb8;
	[tilespmem:$0x1EA80] =	vst v63  }
0x84: {  	_ =	swait.ge [sflag:s2], $0x2000  }
0x85: {  	[sflag:s2] =	ssyncset.done $0x0  }
0x86: {  	[sflag:s2] =	ssyncadd.s32 $0xFFFFE000  }
0x87: {  	[spmem:s1] =	stream.indirect.scatter.add.f32 [tilespmem:s24], [sflag:$0x8], $0x40, s18, s21, $0xb8;
	[tilespmem:$0x1EA80] =	vst v63  }
0x88: {  	_ =	swait.ge [sflag:s14], $0x2000  }
0x89: {  	[sflag:s14] =	ssyncset.done $0x0  }
0x8a: {  	[sflag:s14] =	ssyncadd.s32 $0xFFFFE000  }
0x8b: {  	_ =	swait.ge [sflag:s19], $0x2000  }
0x8c: {  	[sflag:s19] =	ssyncset.done $0x0  }
0x8d: {  	[sflag:s19] =	ssyncadd.s32 $0xFFFFE000  }
0x8e: {  	_ =	swait.ge [sflag:s29], $0x2000  }
0x8f: {  	[sflag:s29] =	ssyncset.done $0x0  }
0x90: {  	[sflag:s29] =	ssyncadd.s32 $0xFFFFE000  }
0x91: {  	_ =	swait.ge [sflag:s31], $0x2000  }
0x92: {  	[sflag:s31] =	ssyncset.done $0x0  }
0x93: {  	[sflag:s31] =	ssyncadd.s32 $0xFFFFE000  }
0x94: {  	s13 =	simm.s32 $0x80;
	_ =	swait.ge [sflag:s0], $0x2000  }
0x95: {  	s15 =	simm.s32 $0x100;
	s7 =	rddreg [dreg:$0x5];
	[sflag:s0] =	ssyncset.done $0x0  }
.LBB2_6:
0x96: {  	[sflag:s0] =	ssyncadd.s32 $0xFFFFE000;
	s7 =	sadd.s32 s13, s7  }
0x97: {  	[tilespmem:s4], [sflag:$0xB] =	stream.linear.gather [hbm4b:s7+s4], $0x400, $0x38;
	[tilespmem:$0x1EA80] =	vst v63  }
0x98: {  	_ =	swait.ge [sflag:s16], $0x400  }
0x99: {  	s7 =	rddreg [dreg:$0x4];
	[sflag:s16] =	ssyncset.done $0x0  }
0x9a: {  	[sflag:s16] =	ssyncadd.s32 $0xFFFFFC00;
	s7 =	sadd.s32 s13, s7  }
0x9b: {  	[tilespmem:s20], [sflag:$0xB] =	stream.linear.gather [hbm4b:s7+s4], $0x400, $0x38;
	[tilespmem:$0x1EA80] =	vst v63  }
0x9c: {  	_ =	swait.ge [sflag:s16], $0x400  }
0x9d: {  	[sflag:s16] =	ssyncset.done $0x0  }
0x9e: {  	[sflag:s16] =	ssyncadd.s32 $0xFFFFFC00  }
0x9f: {  	[tilespmem:s22], [sflag:$0x1] =	stream.indirect.gather [spmem:s3], $0x40, s4, s21, $0xb8;
	[tilespmem:$0x1EA80] =	vst v63  }
0xa0: {  	s5 =	smov.u32 s15  }
0xa1: {  	[tilespmem:s23], [sflag:$0x2] =	stream.indirect.gather [spmem:s3], $0x40, s21, s21, $0xb8;
	[tilespmem:$0x1EA80] =	vst v63  }
0xa2: {  	s13 =	smov.u32 s5;
	s5 =	rddreg [dreg:$0x6]  }
0xa3: {  	[tilespmem:s24], [sflag:$0x3] =	stream.indirect.gather [spmem:s3], $0x40, s5, s21, $0xb8;
	[tilespmem:$0x1EA80] =	vst v63  }
0xa4: {  	s7 =	rddreg [dreg:$0x7]  }
0xa5: {  	[tilespmem:s25], [sflag:$0x4] =	stream.indirect.gather [spmem:s3], $0x40, s7, s21, $0xb8;
	[tilespmem:$0x1EA80] =	vst v63  }
0xa6: {  	s5 =	rddreg [dreg:$0x8]  }
0xa7: {  	[tilespmem:s26], [sflag:$0x5] =	stream.indirect.gather [spmem:s3], $0x40, s5, s21, $0xb8;
	[tilespmem:$0x1EA80] =	vst v63  }
0xa8: {  	_ =	swait.ge [sflag:s28], $0x2000  }
0xa9: {  	[sflag:s28] =	ssyncset.done $0x0  }
0xaa: {  	[sflag:s28] =	ssyncadd.s32 $0xFFFFE000  }
0xab: {  	[spmem:s1] =	stream.indirect.scatter.add.f32 [tilespmem:s22], [sflag:$0x6], $0x40, s20, s21, $0xb8;
	[tilespmem:$0x1EA80] =	vst v63  }
0xac: {  	_ =	swait.ge [sflag:s29], $0x2000  }
0xad: {  	[sflag:s29] =	ssyncset.done $0x0  }
0xae: {  	s7 =	rddreg [dreg:$0x9];
	[sflag:s29] =	ssyncadd.s32 $0xFFFFE000  }
0xaf: {  	[tilespmem:s22], [sflag:$0x1] =	stream.indirect.gather [spmem:s3], $0x40, s7, s21, $0xb8;
	[tilespmem:$0x1EA80] =	vst v63  }
0xb0: {  	_ =	swait.ge [sflag:s30], $0x2000  }
0xb1: {  	[sflag:s30] =	ssyncset.done $0x0  }
0xb2: {  	s7 =	rddreg [dreg:$0xa];
	[sflag:s30] =	ssyncadd.s32 $0xFFFFE000  }
0xb3: {  	[spmem:s1] =	stream.indirect.scatter.add.f32 [tilespmem:s23], [sflag:$0x7], $0x40, s7, s21, $0xb8;
	[tilespmem:$0x1EA80] =	vst v63  }
0xb4: {  	_ =	swait.ge [sflag:s31], $0x2000  }
0xb5: {  	[sflag:s31] =	ssyncset.done $0x0  }
0xb6: {  	s7 =	rddreg [dreg:$0xb];
	[sflag:s31] =	ssyncadd.s32 $0xFFFFE000  }
0xb7: {  	[tilespmem:s23], [sflag:$0x2] =	stream.indirect.gather [spmem:s3], $0x40, s7, s21, $0xb8;
	[tilespmem:$0x1EA80] =	vst v63  }
0xb8: {  	_ =	swait.ge [sflag:s2], $0x2000  }
0xb9: {  	[sflag:s2] =	ssyncset.done $0x0  }
0xba: {  	s7 =	rddreg [dreg:$0xc];
	[sflag:s2] =	ssyncadd.s32 $0xFFFFE000  }
0xbb: {  	[spmem:s1] =	stream.indirect.scatter.add.f32 [tilespmem:s24], [sflag:$0x8], $0x40, s7, s21, $0xb8;
	[tilespmem:$0x1EA80] =	vst v63  }
0xbc: {  	_ =	swait.ge [sflag:s0], $0x2000  }
0xbd: {  	[sflag:s0] =	ssyncset.done $0x0  }
0xbe: {  	[sflag:s0] =	ssyncadd.s32 $0xFFFFE000  }
0xbf: {  	[tilespmem:s24], [sflag:$0x3] =	stream.indirect.gather [spmem:s3], $0x40, s8, s21, $0xb8;
	[tilespmem:$0x1EA80] =	vst v63  }
0xc0: {  	_ =	swait.ge [sflag:s9], $0x2000  }
0xc1: {  	[sflag:s9] =	ssyncset.done $0x0  }
0xc2: {  	[sflag:s9] =	ssyncadd.s32 $0xFFFFE000  }
0xc3: {  	[spmem:s1] =	stream.indirect.scatter.add.f32 [tilespmem:s25], [sflag:$0x9], $0x40, s17, s21, $0xb8;
	[tilespmem:$0x1EA80] =	vst v63  }
0xc4: {  	_ =	swait.ge [sflag:s10], $0x2000  }
0xc5: {  	[sflag:s10] =	ssyncset.done $0x0  }
0xc6: {  	[sflag:s10] =	ssyncadd.s32 $0xFFFFE000  }
0xc7: {  	[spmem:s1] =	stream.indirect.scatter.add.f32 [tilespmem:s26], [sflag:$0xA], $0x40, s11, s21, $0xb8;
	[tilespmem:$0x1EA80] =	vst v63  }
0xc8: {  	_ =	swait.ge [sflag:s28], $0x2000  }
0xc9: {  	[sflag:s28] =	ssyncset.done $0x0  }
0xca: {  	[sflag:s28] =	ssyncadd.s32 $0xFFFFE000  }
0xcb: {  	[spmem:s1] =	stream.indirect.scatter.add.f32 [tilespmem:s22], [sflag:$0x6], $0x40, s12, s21, $0xb8;
	[tilespmem:$0x1EA80] =	vst v63  }
0xcc: {  	_ =	swait.ge [sflag:s30], $0x2000  }
0xcd: {  	[sflag:s30] =	ssyncset.done $0x0  }
0xce: {  	[sflag:s30] =	ssyncadd.s32 $0xFFFFE000  }
0xcf: {  	[spmem:s1] =	stream.indirect.scatter.add.f32 [tilespmem:s23], [sflag:$0x7], $0x40, s6, s21, $0xb8;
	[tilespmem:$0x1EA80] =	vst v63  }
0xd0: {  	_ =	swait.ge [sflag:s2], $0x2000  }
0xd1: {  	[sflag:s2] =	ssyncset.done $0x0  }
0xd2: {  	[sflag:s2] =	ssyncadd.s32 $0xFFFFE000  }
0xd3: {  	[spmem:s1] =	stream.indirect.scatter.add.f32 [tilespmem:s24], [sflag:$0x8], $0x40, s18, s21, $0xb8;
	[tilespmem:$0x1EA80] =	vst v63  }
0xd4: {  	_ =	swait.ge [sflag:s14], $0x2000  }
0xd5: {  	[sflag:s14] =	ssyncset.done $0x0  }
0xd6: {  	[sflag:s14] =	ssyncadd.s32 $0xFFFFE000  }
0xd7: {  	_ =	swait.ge [sflag:s19], $0x2000  }
0xd8: {  	[sflag:s19] =	ssyncset.done $0x0  }
0xd9: {  	[sflag:s19] =	ssyncadd.s32 $0xFFFFE000  }
0xda: {  	_ =	swait.ge [sflag:s29], $0x2000  }
0xdb: {  	[sflag:s29] =	ssyncset.done $0x0  }
0xdc: {  	p3 =	sne.s32 s15, $0x480;
	[sflag:s29] =	ssyncadd.s32 $0xFFFFE000  }
.Ltmp4:
0xdd: {  	_ =	swait.ge [sflag:s31], $0x2000;
	(pc) =	sbr.rel @p3 .LBB2_6-.Ltmp4, $4  }
0xde: {  	[sflag:s31] =	ssyncset.done $0x0  }
0xdf: {  	[sflag:s31] =	ssyncadd.s32 $0xFFFFE000  }
0xe0: {  	_ =	swait.ge [sflag:s0], $0x2000  }
0xe1: {  	s15 =	sadd.s32 $0x80, s15;
	s7 =	rddreg [dreg:$0x5];
	[sflag:s0] =	ssyncset.done $0x0  }
0xe2: {  	[sflag:s0] =	ssyncadd.s32 $0xFFFFE000;
	s5 =	sadd.s32 s13, s7  }
0xe3: {  	[tilespmem:s4], [sflag:$0xB] =	stream.linear.gather [hbm4b:s5+s4], $0x400, $0x38;
	[tilespmem:$0x1EA80] =	vst v63  }
0xe4: {  	_ =	swait.ge [sflag:s16], $0x400  }
0xe5: {  	s7 =	rddreg [dreg:$0x4];
	[sflag:s16] =	ssyncset.done $0x0  }
0xe6: {  	[sflag:s16] =	ssyncadd.s32 $0xFFFFFC00;
	s5 =	sadd.s32 s13, s7  }
0xe7: {  	[tilespmem:s20], [sflag:$0xB] =	stream.linear.gather [hbm4b:s5+s4], $0x400, $0x38;
	[tilespmem:$0x1EA80] =	vst v63  }
0xe8: {  	_ =	swait.ge [sflag:s16], $0x400  }
0xe9: {  	[sflag:s16] =	ssyncset.done $0x0  }
0xea: {  	[sflag:s16] =	ssyncadd.s32 $0xFFFFFC00  }
0xeb: {  	[tilespmem:s22], [sflag:$0x1] =	stream.indirect.gather [spmem:s3], $0x40, s4, s21, $0xb8;
	[tilespmem:$0x1EA80] =	vst v63  }
0xec: {  	_ = 	snop  }
0xed: {  	[tilespmem:s23], [sflag:$0x2] =	stream.indirect.gather [spmem:s3], $0x40, s21, s21, $0xb8;
	[tilespmem:$0x1EA80] =	vst v63  }
0xee: {  	s13 =	rddreg [dreg:$0x6]  }
0xef: {  	[tilespmem:s24], [sflag:$0x3] =	stream.indirect.gather [spmem:s3], $0x40, s13, s21, $0xb8;
	[tilespmem:$0x1EA80] =	vst v63  }
0xf0: {  	s15 =	rddreg [dreg:$0x7]  }
0xf1: {  	[tilespmem:s25], [sflag:$0x4] =	stream.indirect.gather [spmem:s3], $0x40, s15, s21, $0xb8;
	[tilespmem:$0x1EA80] =	vst v63  }
0xf2: {  	s13 =	rddreg [dreg:$0x8]  }
0xf3: {  	[tilespmem:s26], [sflag:$0x5] =	stream.indirect.gather [spmem:s3], $0x40, s13, s21, $0xb8;
	[tilespmem:$0x1EA80] =	vst v63  }
0xf4: {  	_ =	swait.ge [sflag:s28], $0x2000  }
0xf5: {  	[sflag:s28] =	ssyncset.done $0x0  }
0xf6: {  	[sflag:s28] =	ssyncadd.s32 $0xFFFFE000  }
0xf7: {  	[spmem:s1] =	stream.indirect.scatter.add.f32 [tilespmem:s22], [sflag:$0x6], $0x40, s20, s21, $0xb8;
	[tilespmem:$0x1EA80] =	vst v63  }
0xf8: {  	_ =	swait.ge [sflag:s29], $0x2000  }
0xf9: {  	[sflag:s29] =	ssyncset.done $0x0  }
0xfa: {  	s15 =	rddreg [dreg:$0x9];
	[sflag:s29] =	ssyncadd.s32 $0xFFFFE000  }
0xfb: {  	[tilespmem:s22], [sflag:$0x1] =	stream.indirect.gather [spmem:s3], $0x40, s15, s21, $0xb8;
	[tilespmem:$0x1EA80] =	vst v63  }
0xfc: {  	_ =	swait.ge [sflag:s30], $0x2000  }
0xfd: {  	[sflag:s30] =	ssyncset.done $0x0  }
0xfe: {  	s7 =	rddreg [dreg:$0xa];
	[sflag:s30] =	ssyncadd.s32 $0xFFFFE000  }
0xff: {  	[spmem:s1] =	stream.indirect.scatter.add.f32 [tilespmem:s23], [sflag:$0x7], $0x40, s7, s21, $0xb8;
	[tilespmem:$0x1EA80] =	vst v63  }
0x100: {  	_ =	swait.ge [sflag:s31], $0x2000  }
0x101: {  	[sflag:s31] =	ssyncset.done $0x0  }
0x102: {  	s13 =	rddreg [dreg:$0xb];
	[sflag:s31] =	ssyncadd.s32 $0xFFFFE000  }
0x103: {  	[tilespmem:s23], [sflag:$0x2] =	stream.indirect.gather [spmem:s3], $0x40, s13, s21, $0xb8;
	[tilespmem:$0x1EA80] =	vst v63  }
0x104: {  	_ =	swait.ge [sflag:s2], $0x2000  }
0x105: {  	[sflag:s2] =	ssyncset.done $0x0  }
0x106: {  	s15 =	rddreg [dreg:$0xc];
	[sflag:s2] =	ssyncadd.s32 $0xFFFFE000  }
0x107: {  	[spmem:s1] =	stream.indirect.scatter.add.f32 [tilespmem:s24], [sflag:$0x8], $0x40, s15, s21, $0xb8;
	[tilespmem:$0x1EA80] =	vst v63  }
0x108: {  	_ =	swait.ge [sflag:s0], $0x2000  }
0x109: {  	[sflag:s0] =	ssyncset.done $0x0  }
0x10a: {  	[sflag:s0] =	ssyncadd.s32 $0xFFFFE000  }
0x10b: {  	[tilespmem:s24], [sflag:$0x3] =	stream.indirect.gather [spmem:s3], $0x40, s8, s21, $0xb8;
	[tilespmem:$0x1EA80] =	vst v63  }
0x10c: {  	_ =	swait.ge [sflag:s9], $0x2000  }
0x10d: {  	[sflag:s9] =	ssyncset.done $0x0  }
0x10e: {  	[sflag:s9] =	ssyncadd.s32 $0xFFFFE000  }
0x10f: {  	[spmem:s1] =	stream.indirect.scatter.add.f32 [tilespmem:s25], [sflag:$0x9], $0x40, s17, s21, $0xb8;
	[tilespmem:$0x1EA80] =	vst v63  }
0x110: {  	_ =	swait.ge [sflag:s10], $0x2000  }
0x111: {  	[sflag:s10] =	ssyncset.done $0x0  }
0x112: {  	[sflag:s10] =	ssyncadd.s32 $0xFFFFE000  }
0x113: {  	[spmem:s1] =	stream.indirect.scatter.add.f32 [tilespmem:s26], [sflag:$0xA], $0x40, s11, s21, $0xb8;
	[tilespmem:$0x1EA80] =	vst v63  }
0x114: {  	_ =	swait.ge [sflag:s28], $0x2000  }
0x115: {  	[sflag:s28] =	ssyncset.done $0x0  }
0x116: {  	[sflag:s28] =	ssyncadd.s32 $0xFFFFE000  }
0x117: {  	[spmem:s1] =	stream.indirect.scatter.add.f32 [tilespmem:s22], [sflag:$0x6], $0x40, s12, s21, $0xb8;
	[tilespmem:$0x1EA80] =	vst v63  }
0x118: {  	_ =	swait.ge [sflag:s30], $0x2000  }
0x119: {  	[sflag:s30] =	ssyncset.done $0x0  }
0x11a: {  	[sflag:s30] =	ssyncadd.s32 $0xFFFFE000  }
0x11b: {  	[spmem:s1] =	stream.indirect.scatter.add.f32 [tilespmem:s23], [sflag:$0x7], $0x40, s6, s21, $0xb8;
	[tilespmem:$0x1EA80] =	vst v63  }
0x11c: {  	_ =	swait.ge [sflag:s2], $0x2000  }
0x11d: {  	[sflag:s2] =	ssyncset.done $0x0  }
0x11e: {  	[sflag:s2] =	ssyncadd.s32 $0xFFFFE000  }
0x11f: {  	[spmem:s1] =	stream.indirect.scatter.add.f32 [tilespmem:s24], [sflag:$0x8], $0x40, s18, s21, $0xb8;
	[tilespmem:$0x1EA80] =	vst v63  }
0x120: {  	_ =	swait.ge [sflag:s14], $0x2000  }
0x121: {  	[sflag:s14] =	ssyncset.done $0x0  }
0x122: {  	[sflag:s14] =	ssyncadd.s32 $0xFFFFE000  }
0x123: {  	_ =	swait.ge [sflag:s19], $0x2000  }
0x124: {  	[sflag:s19] =	ssyncset.done $0x0  }
0x125: {  	[sflag:s19] =	ssyncadd.s32 $0xFFFFE000  }
0x126: {  	_ =	swait.ge [sflag:s29], $0x2000  }
0x127: {  	[sflag:s29] =	ssyncset.done $0x0  }
0x128: {  	[sflag:s29] =	ssyncadd.s32 $0xFFFFE000  }
0x129: {  	_ =	swait.ge [sflag:s31], $0x2000  }
0x12a: {  	[sflag:s31] =	ssyncset.done $0x0  }
0x12b: {  	[sflag:s31] =	ssyncadd.s32 $0xFFFFE000  }
0x12c: {  	_ =	swait.ge [sflag:s0], $0x2000  }
0x12d: {  	[sflag:s0] =	ssyncset.done $0x0  }
0x12e: {  	[sflag:s0] =	ssyncadd.s32 $0xFFFFE000  }
0x12f: {  	[bflag:$0x0] =	sbarrier.arrive $0xFFFF  }
0x130: {  	s7 =	rddreg [dreg:$0x12]  }
0x131: {  	s13 =	rddreg [dreg:$0x17]  }
0x132: {  	s15 =	rddreg [dreg:$0x1c]  }
0x133: {  	[hbm:s7], [sflag:s15] =	dma.local [spmem:s13], $0x1380  }
0x134: {  	_ =	swait.ge [sflag:s16], $0x1380  }
0x135: {  	[sflag:s16] =	ssyncset.done $0x0;
	s5 =	rddreg [dreg:$0xe]  }
0x136: {  	s7 =	rddreg [dreg:$0x13];
	[sflag:s16] =	ssyncadd.s32 $0xFFFFEC80;
	s5 =	sshrl.u32 @!p1 s5, $0x3  }
0x137: {  	[hbm:s7], [sflag:s15] =	dma.local @!p1 [spmem:s5], $0x80  }
0x138: {  	s5 =	simm.s32 @!p1 $0xB  }
0x139: {  	_ =	swait.ge @!p1 [sflag:s5], $0x80  }
0x13a: {  	s7 =	rddreg [dreg:$0x1b]  }
0x13b: {  	s15 =	sadd.s32 $0x1, s7;
	s7 =	rddreg [dreg:$0x14]  }
0x13c: {  	p3 =	sne.s32 s15, s7  }
.Ltmp5:
0x13d: {  	_ = 	snop;
	(pc) =	sbr.rel @p3 .LBB2_1-.Ltmp5, $3  }
0x13e: {  	_ =	sdelay $0x1  }
0x13f: {  	[sflag:s5] =	ssyncset.done @!p1 $0x0  }
0x140: {  	[sflag:s5] =	ssyncadd.s32 @!p1 $0xFFFFFF80  }
0x141: {  	_ =	sfence.sel $0x180000  }
0x142: {  	[bflag:$0x0] =	sbarrier.arrive $0xFFFF  }
0x143: {  	_ =	strace $0x9000004A  }
0x144: {  	s0 =	stileid.u32;
	[bflag:$0x2] =	sbarrier.arrive $0xFFFF  }
0x145: {  	p0 =	sne.s32 s0, $0x0;
	s0 =	rddreg [dreg:$0x3]  }
0x146: {  	s0 =	sadd.s32 @!p0 $0x100000, s0  }
0x147: {  	[sflag:s0] =	ssyncadd.tile.s32 @!p0 $0x1;
	_ =	shalt  }
.Lfunc_end2:
_tile_overlayer_lowered:
.L_overlay_start_2:
0x148: {  	(tag) =	ssettag $0x2  }
0x149: {  	s0 =	rddreg [dreg:$0x0];
	s2 =	stileid.u32  }
0x14a: {  	s1 =	rddreg [dreg:$0x1];
	p0 =	sne.s32 s2, $0x0  }
0x14b: {  	s3 =	rddreg [dreg:$0x2];
	[bflag:$0x3] =	sbarrier.arrive $0xFFFF;
	s2 =	simm.s32 @!p0 $0x1C0B  }
0x14c: {  	[timem:s3], [sflag:s2] =	dma.local @!p0 [hbm:s0], s1  }
0x14d: {  	s0 =	simm.s32 @!p0 $0xB  }
0x14e: {  	_ =	swait.ge @!p0 [sflag:s0], s1  }
0x14f: {  	s1 =	ssub.s32 @!p0 $0x0, s1;
	[sflag:s0] =	ssyncset.done @!p0 $0x0  }
0x150: {  	[sflag:s0] =	ssyncadd.s32 @!p0 s1  }
0x151: {  	[bflag:$0x3] =	sbarrier.arrive $0xFFFF  }
0x152: {  	_ =	shalt  }

// kernel: kernel.14.cloned.1.call-start
scs
__scs_entry_jumppad:
0x0: {  	(pc) =	sbr.rel $0x88, $3  }
0x1: {  	(tag) =	ssettag $0x0;
	lr =	simm.s32 $0x1  }
0x2: {  	[smem:$0x3F8F] =	sst lr;
	_ =	strace $0xD0000000  }
0x3: {  	_ = 	snop  }
0x4: {  	_ = 	snop  }
0x5: {  	_ = 	snop  }
0x6: {  	_ = 	snop  }
0x7: {  	_ = 	snop  }
__scs_overlays_trampoline_lowered:
0x8: {  	[smem:$0x3F9E] =	sst s0  }
0x9: {  	[smem:$0x3F9F] =	sst s1  }
0xa: {  	[smem:$0x3FA0] =	sst s2  }
0xb: {  	[smem:$0x3FA1] =	sst s3  }
0xc: {  	[smem:$0x3FA2] =	sst s4  }
0xd: {  	[smem:$0x3FA3] =	sst s5  }
0xe: {  	[smem:$0x3FA4] =	sst s6  }
0xf: {  	[smem:$0x3FA5] =	sst s7  }
0x10: {  	[smem:$0x3FA6] =	sst s8  }
0x11: {  	[smem:$0x3FA7] =	sst s9;
	s0 =	simm.s32 @!p0 $0x0  }
0x12: {  	s1 =	sld [smem:$0x3F8D];
	s0 =	simm.s32 @p0 $0x1  }
0x13: {  	[smem:$0x3FA8] =	sst s0;
	s0 =	simm.s32 @!p1 $0x0  }
0x14: {  	s2 =	sld [smem:$0x3F8C];
	s0 =	simm.s32 @p1 $0x1  }
0x15: {  	[smem:$0x3FA9] =	sst s0;
	s0 =	simm.s32 @!p2 $0x0  }
0x16: {  	s3 =	sld [smem:$0x3FDB];
	s0 =	simm.s32 @p2 $0x1  }
0x17: {  	s4 =	simm.s32 $0x1BF5;
	[smem:$0x3FAB] =	sst s0  }
0x18: {  	s0 =	sld [smem:$0x3F8E];
	_ =	swait.ge [sflag:s4], $0x0  }
0x19: {  	s7 =	sld [smem:$0x3F8F]  }
0x1a: {  	s8 =	sadd.s32 $0xFFFFE003, lr  }
0x1b: {  	s9 =	sadd.s32 $0xFFFFFEF7, lr;
	s5 =	simm.s32 $0xFFFFFFFF;
	p2 =	slt.u32 s8, $0xFFFFF086  }
0x1c: {  	p1 =	slt.u32 s9, $0xF7A;
	s5 =	simm.s32 @!p2 $0x0  }
0x1d: {  	s5 =	simm.s32 @p1 $0x1;
	p0 =	seq.s32 s7, s2  }
0x1e: {  	s7 =	smul.u32 @!p0 $0xF7A, s2;
	p2 =	seq.s32 @!p0 s5, $0x0  }
0x1f: {  	s9 =	smul.u32 $0xF7A, s1;
	s8 =	simm.s32 @!p0 $0x1BF5;
	p2 =	por !p2, p0  }
0x20: {  	[sflag:s8] =	ssyncset.s32 @!p0 $0xFFFFF086;
	s6 =	sadd.s32 @!p0 s3, s7;
	s7 =	simm.s32 @!p0 $0x108  }
0x21: {  	s3 =	sadd.s32 s3, s9;
	s6 =	sadd.s32 @!p0 $0x88, s6;
	s7 =	simm.s32 @p2 $0x1082  }
0x22: {  	[simem:s7], [sflag:s8] =	dma.local @!p0 [hbm:s6], $0xF7A  }
0x23: {  	s9 =	sor.u32 $0xD0000000, s2;
	s6 =	simm.s32 $0x108;
	_ =	swait.ge @!p0 [sflag:s8], $0x0  }
0x24: {  	s3 =	sadd.s32 $0x88, s3;
	s6 =	simm.s32 @!p1 $0x1082;
	[sflag:s4] =	ssyncset.s32 $0xFFFFF086  }
0x25: {  	[simem:s6], [sflag:s4] =	dma.local [hbm:s3], $0xF7A  }
0x26: {  	[smem:$0x3F8F] =	sst s1;
	(tag) =	ssettag s2;
	_ =	strace s9  }
0x27: {  	s1 =	sld [smem:$0x3F9F]  }
0x28: {  	s2 =	sld [smem:$0x3FA0]  }
0x29: {  	s4 =	sld [smem:$0x3FA2]  }
0x2a: {  	p0 =	seq.s32 s5, $0x0;
	s5 =	sld [smem:$0x3FA3]  }
0x2b: {  	s6 =	sld [smem:$0x3FA4]  }
0x2c: {  	s7 =	sld [smem:$0x3FA5]  }
0x2d: {  	s3 =	simm.s32 $0x108;
	s8 =	sld [smem:$0x3FA6]  }
0x2e: {  	s3 =	simm.s32 @!p0 $0x1082;
	s9 =	sld [smem:$0x3FA7]  }
0x2f: {  	lr =	sadd.s32 s0, s3;
	s0 =	sld [smem:$0x3F9E]  }
0x30: {  	s3 =	sld [smem:$0x3FA1]  }
0x31: {  	[smem:$0x3FAA] =	sst s10  }
0x32: {  	s10 =	sld [smem:$0x3FA8];
	_ =	sdelay $0x3  }
0x33: {  	p0 =	seq.s32 s10, $0x1;
	s10 =	sld [smem:$0x3FAA];
	_ =	sdelay $0x3  }
0x34: {  	[smem:$0x3FAA] =	sst s10  }
0x35: {  	s10 =	sld [smem:$0x3FA9];
	_ =	sdelay $0x3  }
0x36: {  	p1 =	seq.s32 s10, $0x1;
	s10 =	sld [smem:$0x3FAA];
	_ =	sdelay $0x3  }
0x37: {  	[smem:$0x3FAA] =	sst s10  }
0x38: {  	s10 =	sld [smem:$0x3FAB]  }
0x39: {  	_ = 	snop;
	(pc) =	sbr.ind lr, $3  }
0x3a: {  	_ = 	snop  }
0x3b: {  	_ = 	snop  }
0x3c: {  	p2 =	seq.s32 s10, $0x1;
	s10 =	sld [smem:$0x3FAA]  }
0x3d: {  	_ =	shalt  }
0x3e: {  	_ =	shalt  }
0x3f: {  	_ =	shalt  }
0x40: {  	_ =	shalt  }
0x41: {  	_ =	shalt  }
0x42: {  	_ =	shalt  }
0x43: {  	_ =	shalt  }
0x44: {  	_ =	shalt  }
0x45: {  	_ =	shalt  }
0x46: {  	_ =	shalt  }
0x47: {  	_ =	shalt  }
0x48: {  	_ =	shalt  }
0x49: {  	_ =	shalt  }
0x4a: {  	_ =	shalt  }
0x4b: {  	_ =	shalt  }
0x4c: {  	_ =	shalt  }
0x4d: {  	_ =	shalt  }
0x4e: {  	_ =	shalt  }
0x4f: {  	_ =	shalt  }
0x50: {  	_ =	shalt  }
0x51: {  	_ =	shalt  }
0x52: {  	_ =	shalt  }
0x53: {  	_ =	shalt  }
0x54: {  	_ =	shalt  }
0x55: {  	_ =	shalt  }
0x56: {  	_ =	shalt  }
0x57: {  	_ =	shalt  }
0x58: {  	_ =	shalt  }
0x59: {  	_ =	shalt  }
0x5a: {  	_ =	shalt  }
0x5b: {  	_ =	shalt  }
0x5c: {  	_ =	shalt  }
0x5d: {  	_ =	shalt  }
0x5e: {  	_ =	shalt  }
0x5f: {  	_ =	shalt  }
0x60: {  	_ =	shalt  }
0x61: {  	_ =	shalt  }
0x62: {  	_ =	shalt  }
0x63: {  	_ =	shalt  }
0x64: {  	_ =	shalt  }
0x65: {  	_ =	shalt  }
0x66: {  	_ =	shalt  }
0x67: {  	_ =	shalt  }
0x68: {  	_ =	shalt  }
0x69: {  	_ =	shalt  }
0x6a: {  	_ =	shalt  }
0x6b: {  	_ =	shalt  }
0x6c: {  	_ =	shalt  }
0x6d: {  	_ =	shalt  }
0x6e: {  	_ =	shalt  }
0x6f: {  	_ =	shalt  }
0x70: {  	_ =	shalt  }
0x71: {  	_ =	shalt  }
0x72: {  	_ =	shalt  }
0x73: {  	_ =	shalt  }
0x74: {  	_ =	shalt  }
0x75: {  	_ =	shalt  }
0x76: {  	_ =	shalt  }
0x77: {  	_ =	shalt  }
0x78: {  	_ =	shalt  }
0x79: {  	_ =	shalt  }
0x7a: {  	_ =	shalt  }
0x7b: {  	_ =	shalt  }
0x7c: {  	_ =	shalt  }
0x7d: {  	_ =	shalt  }
0x7e: {  	_ =	shalt  }
0x7f: {  	_ =	shalt  }
0x80: {  	_ =	shalt  }
0x81: {  	_ =	shalt  }
0x82: {  	_ =	shalt  }
0x83: {  	_ =	shalt  }
0x84: {  	_ =	shalt  }
0x85: {  	_ =	shalt  }
0x86: {  	_ =	shalt  }
0x87: {  	_ =	shalt  }
.Lfunc_end0:
.L_simem_size_0:
called_computation.2_lowered:
.L_overlay_start_0:
0x88: {  	s2 =	sld [smem:$0x3FD9]  }
0x89: {  	s3 =	sld [smem:$0x3FFE];
	_ =	sdelay $0x1  }
0x8a: {  	s1 =	srdreg.scid  }
0x8b: {  	s0 =	sand.u32 $0x1, s1  }
0x8c: {  	s16 =	sshll.u32 s0, $0xA;
	s2 =	sadd.s32 s3, s2  }
0x8d: {  	s2 =	sadd.s32 s2, s16  }
0x8e: {  	[smem:$0x3FB6] =	sst s2  }
0x8f: {  	_ = 	snop  }
0x90: {  	(tm) =	ssettm $0x1  }
0x91: {  	s17 =	sld [smem:$0x3FFB];
	_ =	sdelay $0x3  }
0x92: {  	_ =	strace s17  }
0x93: {  	s2 =	sld [smem:$0x3FFC];
	_ =	sdelay $0x3  }
0x94: {  	_ =	strace s2  }
0x95: {  	s2 =	sld [smem:$0x3FFD];
	_ =	sdelay $0x3  }
0x96: {  	_ =	strace s2  }
0x97: {  	_ =	strace $0x8FFFFFFF  }
0x98: {  	s18 =	sld [smem:$0x3FDB];
	_ =	sdelay $0x1  }
0x99: {  	s19 =	simm.s32 $_scs_section_size  }
0x9a: {  	s4 =	simm.s32 $_size__tile_overlayer_lowered;
	s5 =	simm.s32 $_tile_overlayer_lowered  }
0x9b: {  	s22 =	simm.s32 $0x1BFF;
	s21 =	sshll.u32 s5, $0x1;
	s2 =	sadd.s32 s19, s18  }
0x9c: {  	s6 =	simm.s32 $0x0;
	s20 =	sshll.u32 s4, $0x1;
	s4 =	sadd.s32 s21, s2  }
0x9d: {  	[timem:s6], [sflag:s22] =	dma.local [hbm:s4], s20  }
0x9e: {  	_ =	swait.ge [sflag:s22], s20  }
0x9f: {  	s3 =	ssub.s32 $0x0, s20;
	[sflag:s22] =	ssyncset.done $0x0  }
0xa0: {  	[sflag:s22] =	ssyncadd.s32 s3;
	_ =	sdelay $0x1  }
0xa1: {  	s23 =	simm.s32 $0x1B8B  }
0xa2: {  	_ =	swait.ge [sflag:s23], $0x1  }
0xa3: {  	[sflag:s23] =	ssyncset.done $0x0  }
0xa4: {  	s25 =	simm.s32 $0x1B8E;
	s24 =	sld [smem:$0x3FFE];
	[sflag:s23] =	ssyncadd.s32 $0xFFFFFFFF  }
0xa5: {  	s26 =	simm.s32 $execute0_lowered;
	[smem:$0x3FD2] =	sst s25  }
0xa6: {  	s4 =	sshll.u32 s26, $0x1;
	_ =	strace $0x8000004C;
	[dreg:$0x1] =	wrdreg $0xFFFFFFFF  }
0xa7: {  	s28 =	simm.s32 $_size_execute0_lowered;
	s2 =	sadd.s32 s2, s4;
	[dreg:$0x0] =	wrdreg $0x0  }
0xa8: {  	s4 =	sshll.u32 s28, $0x1;
	[dreg:$0x2] =	wrdreg s2  }
0xa9: {  	[dreg:$0x3] =	wrdreg s4  }
0xaa: {  	[dreg:$0x4] =	wrdreg $0xC0  }
0xab: {  	_ =	task [dreg:s6], $0x5FFFF  }
0xac: {  	[dreg:$0x1] =	wrdreg $0xFFFFFFFF  }
0xad: {  	[dreg:$0x0] =	wrdreg $0x60  }
0xae: {  	[dreg:$0x2] =	wrdreg s24  }
0xaf: {  	[dreg:$0x3] =	wrdreg $0xB0000  }
0xb0: {  	[dreg:$0x4] =	wrdreg $0x14E400  }
0xb1: {  	[dreg:$0x5] =	wrdreg $0x9  }
0xb2: {  	_ =	task.clear_ibuf [dreg:s6], $0x6FFFF;
	_ =	strace $0x9000004C  }
0xb3: {  	s29 =	simm.s32 $0x9;
	_ =	strace $0x8000004E  }
0xb4: {  	_ =	swait.ge [sflag:s29], $0x1  }
0xb5: {  	[sflag:s29] =	ssyncadd.s32 $0xFFFFFFFF  }
0xb6: {  	_ =	strace $0x9000004E  }
0xb7: {  	_ =	sfence  }
0xb8: {  	s30 =	sld [smem:$0x0];
	_ =	sdelay $0x2  }
0xb9: {  	s31 =	sshll.u32 s1, $0xD;
	s1 =	sshrl.u32 s1, $0x2  }
0xba: {  	s3 =	sand.u32 $0x4000, s31;
	s1 =	sadd.s32 s1, s30  }
0xbb: {  	s0 =	sor.u32 s3, s0;
	s1 =	sshll.u32 s1, $0x11  }
0xbc: {  	s0 =	sor.u32 s1, s0  }
0xbd: {  	s0 =	sadd.s32 $0x8F2B, s0  }
0xbe: {  	[sflag:s0] =	ssyncadd.remote.s32 $0x1  }
0xbf: {  	_ =	sfence.sel $0xFFFF  }
0xc0: {  	[dreg:$0x0] =	wrdreg $0xFFFFFFFF;
	(pc) =	sbr.abs _section_cstart, $3  }
0xc1: {  	[dreg:$0x1] =	wrdreg $0xFFFFFFFF  }
0xc2: {  	_ =	task.clear_ibuf [dreg:s6], $0x2FFFF;
	_ =	strace $0x9FFFFFFF  }
0xc3: {  	(tm) =	ssettm $0x7FFFFFFF  }
tec
execute0_lowered:
.L_overlay_start_1:
0x0: {  	(tag) =	ssettag $0x1  }
0x1: {  	s0 =	rddreg [dreg:$0x0]  }
0x2: {  	s1 =	rddreg [dreg:$0x1]  }
0x3: {  	s2 =	rddreg [dreg:$0x2];
	s4 =	simm.s32 $0x0;
	s3 =	srdreg.scid  }
0x4: {  	s11 =	stileid.u32;
	s19 =	simm.s32 $0x100;
	s21 =	simm.s32 $0x180  }
0x5: {  	s22 =	simm.s32 $0x200;
	s23 =	simm.s32 $0x280;
	s28 =	simm.s32 $0x1  }
0x6: {  	s29 =	simm.s32 $0x6;
	s30 =	simm.s32 $0x2;
	s31 =	simm.s32 $0x7  }
0x7: {  	[smem:$0x7FF] =	sst s4;
	s3 =	sand.u32 $0x1, s3;
	s5 =	smul.u32 $0xA00, s11  }
0x8: {  	s10 =	sadd.s32 $0x87A00, s0;
	s12 =	sadd.s32 $0x74000, s0;
	s8 =	smul.u32 $0x9C00, s11  }
0x9: {  	s13 =	sadd.s32 $0x9C000, s1;
	_ =	strace $0x8000004D;
	[dreg:$0xd] =	wrdreg s10  }
0xa: {  	s26 =	sadd.s32 $0x9C000, s2;
	s16 =	sshll.u32 s11, $0x6;
	[dreg:$0xe] =	wrdreg s12  }
0xb: {  	p1 =	sne.s32 s11, $0xF;
	p2 =	seq.s32 s11, $0xF;
	[dreg:$0x16] =	wrdreg s16  }
0xc: {  	s11 =	simm.s32 $0xB80;
	s6 =	ssub.s32 $0x2, s3;
	[dreg:$0x11] =	wrdreg s13  }
0xd: {  	p0 =	seq.s32 s3, $0x1;
	s3 =	smul.u32 $0x9C400, s3;
	[dreg:$0x6] =	wrdreg s19  }
0xe: {  	s18 =	sshrl.u32 s13, $0x3;
	s20 =	sshrl.u32 s26, $0x3;
	[dreg:$0x7] =	wrdreg s21  }
0xf: {  	s21 =	simm.s32 $0x80;
	[dreg:$0x8] =	wrdreg s22;
	s22 =	simm.s32 $0x1000  }
0x10: {  	[dreg:$0x9] =	wrdreg s23;
	s23 =	simm.s32 $0x3000;
	s26 =	simm.s32 $0x900  }
0x11: {  	s19 =	simm.s32 $0x5;
	s13 =	simm.s32 $0xA;
	s7 =	sshrl.u32 s6, $0x1  }
0x12: {  	s5 =	sadd.s32 s5, s0;
	s0 =	sadd.s32 $0x9B400, s0;
	[dreg:$0x19] =	wrdreg s18  }
0x13: {  	s24 =	sshrl.u32 s8, $0x3;
	s9 =	sadd.s32 s8, s1;
	[dreg:$0x1a] =	wrdreg s20  }
0x14: {  	s25 =	sadd.s32 s8, s2;
	s20 =	simm.s32 $0x800;
	[dreg:$0xc] =	wrdreg s26  }
0x15: {  	s26 =	simm.s32 $0x9000;
	s18 =	simm.s32 $0x4;
	s6 =	ssub.s32 s6, s7  }
0x16: {  	s10 =	sadd.s32 s10, s24;
	[dreg:$0x10] =	wrdreg s25;
	s8 =	sadd.s32 s8, s3  }
0x17: {  	s7 =	sadd.s32 s12, s24;
	s3 =	sshrl.u32 s3, $0x3;
	[dreg:$0xf] =	wrdreg s10  }
0x18: {  	s12 =	sadd.s32 $0x3000, s5;
	s14 =	sadd.s32 $0x1BE00, s5;
	[dreg:$0x12] =	wrdreg s7  }
0x19: {  	s17 =	sshrl.u32 s9, $0x3;
	s24 =	simm.s32 $0x880;
	[dreg:$0x4] =	wrdreg s12  }
0x1a: {  	s25 =	simm.s32 $0x300;
	s5 =	simm.s32 $0x380;
	[dreg:$0x5] =	wrdreg s14  }
0x1b: {  	s8 =	sshrl.u32 s8, $0x3;
	s15 =	smax.u32 s6, $0x1;
	[dreg:$0x18] =	wrdreg s17  }
0x1c: {  	s17 =	simm.s32 $0xB;
	[dreg:$0xa] =	wrdreg s24;
	s24 =	simm.s32 $0x5000  }
0x1d: {  	[dreg:$0xb] =	wrdreg s25;
	s25 =	simm.s32 $0x7000;
	s6 =	simm.s32 $0x980  }
0x1e: {  	s10 =	simm.s32 $0xB00;
	s12 =	simm.s32 $0x9;
	s7 =	sadd.s32 s0, s8  }
0x1f: {  	s0 =	sadd.s32 s0, s3;
	[dreg:$0x15] =	wrdreg s15;
	s3 =	simm.s32 $0x8  }
0x20: {  	s8 =	simm.s32 $0xA80;
	[dreg:$0x13] =	wrdreg s7;
	s0 =	sadd.s32 $0x13800, s0  }
0x21: {  	s15 =	simm.s32 $0x0;
	[dreg:$0x14] =	wrdreg s0;
	s0 =	sor.u32 $0x1C0B, s16  }
0x22: {  	s7 =	simm.s32 $0xA00;
	[dreg:$0x17] =	wrdreg s0;
	s0 =	simm.s32 $0x3  }
.LBB2_1:
.Ltmp0:
0x23: {  	(pc) =	sbr.rel @!p0 .LBB2_2-.Ltmp0, $2  }
0x24: {  	_ =	sdelay $0x2  }
0x25: {  	[dreg:$0x1b] =	wrdreg s15  }
0x26: {  	s15 =	rddreg [dreg:$0x12]  }
0x27: {  	s16 =	rddreg [dreg:$0x17]  }
0x28: {  	s9 =	rddreg [dreg:$0x18]  }
0x29: {  	[spmem:s9], [sflag:s16] =	dma.local [hbm:s15], $0x1380  }
0x2a: {  	_ =	swait.ge [sflag:s17], $0x1380  }
0x2b: {  	[sflag:s17] =	ssyncset.done $0x0;
	s14 =	rddreg [dreg:$0x10]  }
0x2c: {  	[sflag:s17] =	ssyncadd.s32 $0xFFFFEC80;
	s14 =	sshrl.u32 s14, $0x3  }
0x2d: {  	[spmem:s14], [sflag:s16] =	dma.local [hbm:s15], $0x1380  }
.Ltmp1:
0x2e: {  	_ = 	snop;
	(pc) =	sbr.rel @p1 .LBB2_5-.Ltmp1, $4  }
.Ltmp2:
0x2f: {  	_ = 	snop;
	(pc) =	sbr.rel @!p1 .LBB2_4-.Ltmp2, $4  }
0x30: {  	_ =	swait.ge [sflag:s17], $0x1380  }
0x31: {  	[sflag:s17] =	ssyncset.done $0x0  }
0x32: {  	s14 =	smov.u32 s16;
	s15 =	rddreg [dreg:$0xe];
	[sflag:s17] =	ssyncadd.s32 $0xFFFFEC80  }
0x33: {  	_ = 	snop  }
.LBB2_2:
0x34: {  	s9 =	rddreg [dreg:$0x16]  }
0x35: {  	s15 =	rddreg [dreg:$0x18]  }
0x36: {  	s14 =	sor.u32 $0x1C0B, s9;
	s9 =	rddreg [dreg:$0xf]  }
0x37: {  	[spmem:s15], [sflag:s14] =	dma.local [hbm:s9], $0x1380  }
0x38: {  	_ =	swait.ge [sflag:s17], $0x1380  }
0x39: {  	[sflag:s17] =	ssyncset.done $0x0;
	s16 =	rddreg [dreg:$0x10]  }
.Ltmp3:
0x3a: {  	[sflag:s17] =	ssyncadd.s32 $0xFFFFEC80;
	s15 =	sshrl.u32 s16, $0x3;
	(pc) =	sbr.rel @!p2 .LBB2_5-.Ltmp3, $4  }
0x3b: {  	[spmem:s15], [sflag:s14] =	dma.local [hbm:s9], $0x1380  }
0x3c: {  	_ =	swait.ge [sflag:s17], $0x1380  }
0x3d: {  	[sflag:s17] =	ssyncset.done $0x0  }
0x3e: {  	s15 =	rddreg [dreg:$0xd];
	[sflag:s17] =	ssyncadd.s32 $0xFFFFEC80  }
.LBB2_4:
0x3f: {  	s15 =	sadd.s32 $0x13800, s15;
	s9 =	rddreg [dreg:$0x19]  }
0x40: {  	[spmem:s9], [sflag:s14] =	dma.local [hbm:s15], $0x80  }
0x41: {  	_ =	swait.ge [sflag:s17], $0x80  }
0x42: {  	[sflag:s17] =	ssyncset.done $0x0  }
0x43: {  	s16 =	rddreg [dreg:$0x1a];
	[sflag:s17] =	ssyncadd.s32 $0xFFFFFF80  }
0x44: {  	[spmem:s16], [sflag:s14] =	dma.local [hbm:s15], $0x80  }
0x45: {  	_ =	swait.ge [sflag:s17], $0x80  }
0x46: {  	[sflag:s17] =	ssyncset.done $0x0  }
0x47: {  	[sflag:s17] =	ssyncadd.s32 $0xFFFFFF80  }
.LBB2_5:
0x48: {  	[bflag:$0x0] =	sbarrier.arrive $0xFFFF  }
0x49: {  	s14 =	rddreg [dreg:$0x5]  }
0x4a: {  	s14 =	sadd.s32 $0x0, s14  }
0x4b: {  	[tilespmem:s4], [sflag:$0xB] =	stream.linear.gather [hbm4b:s14+s4], $0x400, $0x38;
	[tilespmem:$0x1EA80] =	vst v63  }
0x4c: {  	_ =	swait.ge [sflag:s17], $0x400  }
0x4d: {  	s15 =	rddreg [dreg:$0x4];
	[sflag:s17] =	ssyncset.done $0x0  }
0x4e: {  	[sflag:s17] =	ssyncadd.s32 $0xFFFFFC00;
	s14 =	sadd.s32 $0x0, s15  }
0x4f: {  	[tilespmem:s20], [sflag:$0xB] =	stream.linear.gather [hbm4b:s14+s4], $0x400, $0x38;
	[tilespmem:$0x1EA80] =	vst v63  }
0x50: {  	_ =	swait.ge [sflag:s17], $0x400  }
0x51: {  	[sflag:s17] =	ssyncset.done $0x0  }
0x52: {  	[sflag:s17] =	ssyncadd.s32 $0xFFFFFC00  }
0x53: {  	[tilespmem:s22], [sflag:$0x1] =	stream.indirect.gather [spmem:s2], $0x40, s4, s21, $0xb8;
	[tilespmem:$0x1EA80] =	vst v63  }
0x54: {  	_ = 	snop  }
0x55: {  	[tilespmem:s23], [sflag:$0x2] =	stream.indirect.gather [spmem:s2], $0x40, s21, s21, $0xb8;
	[tilespmem:$0x1EA80] =	vst v63  }
0x56: {  	s16 =	rddreg [dreg:$0x6]  }
0x57: {  	[tilespmem:s24], [sflag:$0x3] =	stream.indirect.gather [spmem:s2], $0x40, s16, s21, $0xb8;
	[tilespmem:$0x1EA80] =	vst v63  }
0x58: {  	s15 =	rddreg [dreg:$0x7]  }
0x59: {  	[tilespmem:s25], [sflag:$0x4] =	stream.indirect.gather [spmem:s2], $0x40, s15, s21, $0xb8;
	[tilespmem:$0x1EA80] =	vst v63  }
0x5a: {  	s9 =	rddreg [dreg:$0x8]  }
0x5b: {  	[tilespmem:s26], [sflag:$0x5] =	stream.indirect.gather [spmem:s2], $0x40, s9, s21, $0xb8;
	[tilespmem:$0x1EA80] =	vst v63  }
0x5c: {  	_ =	swait.ge [sflag:s28], $0x2000  }
0x5d: {  	[sflag:s28] =	ssyncset.done $0x0  }
0x5e: {  	[sflag:s28] =	ssyncadd.s32 $0xFFFFE000  }
0x5f: {  	[spmem:s1] =	stream.indirect.scatter.add.f32 [tilespmem:s22], [sflag:$0x6], $0x40, s20, s21, $0xb8;
	[tilespmem:$0x1EA80] =	vst v63  }
0x60: {  	_ =	swait.ge [sflag:s29], $0x2000  }
0x61: {  	[sflag:s29] =	ssyncset.done $0x0  }
0x62: {  	s16 =	rddreg [dreg:$0x9];
	[sflag:s29] =	ssyncadd.s32 $0xFFFFE000  }
0x63: {  	[tilespmem:s22], [sflag:$0x1] =	stream.indirect.gather [spmem:s2], $0x40, s16, s21, $0xb8;
	[tilespmem:$0x1EA80] =	vst v63  }
0x64: {  	_ =	swait.ge [sflag:s30], $0x2000  }
0x65: {  	[sflag:s30] =	ssyncset.done $0x0  }
0x66: {  	s9 =	rddreg [dreg:$0xa];
	[sflag:s30] =	ssyncadd.s32 $0xFFFFE000  }
0x67: {  	[spmem:s1] =	stream.indirect.scatter.add.f32 [tilespmem:s23], [sflag:$0x7], $0x40, s9, s21, $0xb8;
	[tilespmem:$0x1EA80] =	vst v63  }
0x68: {  	_ =	swait.ge [sflag:s31], $0x2000  }
0x69: {  	[sflag:s31] =	ssyncset.done $0x0  }
0x6a: {  	s15 =	rddreg [dreg:$0xb];
	[sflag:s31] =	ssyncadd.s32 $0xFFFFE000  }
0x6b: {  	[tilespmem:s23], [sflag:$0x2] =	stream.indirect.gather [spmem:s2], $0x40, s15, s21, $0xb8;
	[tilespmem:$0x1EA80] =	vst v63  }
0x6c: {  	_ =	swait.ge [sflag:s0], $0x2000  }
0x6d: {  	[sflag:s0] =	ssyncset.done $0x0  }
0x6e: {  	s16 =	rddreg [dreg:$0xc];
	[sflag:s0] =	ssyncadd.s32 $0xFFFFE000  }
0x6f: {  	[spmem:s1] =	stream.indirect.scatter.add.f32 [tilespmem:s24], [sflag:$0x8], $0x40, s16, s21, $0xb8;
	[tilespmem:$0x1EA80] =	vst v63  }
0x70: {  	_ =	swait.ge [sflag:s3], $0x2000  }
0x71: {  	[sflag:s3] =	ssyncset.done $0x0  }
0x72: {  	[sflag:s3] =	ssyncadd.s32 $0xFFFFE000  }
0x73: {  	[tilespmem:s24], [sflag:$0x3] =	stream.indirect.gather [spmem:s2], $0x40, s5, s21, $0xb8;
	[tilespmem:$0x1EA80] =	vst v63  }
0x74: {  	_ =	swait.ge [sflag:s18], $0x2000  }
0x75: {  	[sflag:s18] =	ssyncset.done $0x0  }
0x76: {  	[sflag:s18] =	ssyncadd.s32 $0xFFFFE000  }
0x77: {  	[spmem:s1] =	stream.indirect.scatter.add.f32 [tilespmem:s25], [sflag:$0x9], $0x40, s6, s21, $0xb8;
	[tilespmem:$0x1EA80] =	vst v63  }
0x78: {  	_ =	swait.ge [sflag:s19], $0x2000  }
0x79: {  	[sflag:s19] =	ssyncset.done $0x0  }
0x7a: {  	[sflag:s19] =	ssyncadd.s32 $0xFFFFE000  }
0x7b: {  	[spmem:s1] =	stream.indirect.scatter.add.f32 [tilespmem:s26], [sflag:$0xA], $0x40, s7, s21, $0xb8;
	[tilespmem:$0x1EA80] =	vst v63  }
0x7c: {  	_ =	swait.ge [sflag:s28], $0x2000  }
0x7d: {  	[sflag:s28] =	ssyncset.done $0x0  }
0x7e: {  	[sflag:s28] =	ssyncadd.s32 $0xFFFFE000  }
0x7f: {  	[spmem:s1] =	stream.indirect.scatter.add.f32 [tilespmem:s22], [sflag:$0x6], $0x40, s8, s21, $0xb8;
	[tilespmem:$0x1EA80] =	vst v63  }
0x80: {  	_ =	swait.ge [sflag:s30], $0x2000  }
0x81: {  	[sflag:s30] =	ssyncset.done $0x0  }
0x82: {  	[sflag:s30] =	ssyncadd.s32 $0xFFFFE000  }
0x83: {  	[spmem:s1] =	stream.indirect.scatter.add.f32 [tilespmem:s23], [sflag:$0x7], $0x40, s10, s21, $0xb8;
	[tilespmem:$0x1EA80] =	vst v63  }
0x84: {  	_ =	swait.ge [sflag:s0], $0x2000  }
0x85: {  	[sflag:s0] =	ssyncset.done $0x0  }
0x86: {  	[sflag:s0] =	ssyncadd.s32 $0xFFFFE000  }
0x87: {  	[spmem:s1] =	stream.indirect.scatter.add.f32 [tilespmem:s24], [sflag:$0x8], $0x40, s11, s21, $0xb8;
	[tilespmem:$0x1EA80] =	vst v63  }
0x88: {  	_ =	swait.ge [sflag:s12], $0x2000  }
0x89: {  	[sflag:s12] =	ssyncset.done $0x0  }
0x8a: {  	[sflag:s12] =	ssyncadd.s32 $0xFFFFE000  }
0x8b: {  	_ =	swait.ge [sflag:s13], $0x2000  }
0x8c: {  	[sflag:s13] =	ssyncset.done $0x0  }
0x8d: {  	[sflag:s13] =	ssyncadd.s32 $0xFFFFE000  }
0x8e: {  	_ =	swait.ge [sflag:s29], $0x2000  }
0x8f: {  	[sflag:s29] =	ssyncset.done $0x0  }
0x90: {  	[sflag:s29] =	ssyncadd.s32 $0xFFFFE000  }
0x91: {  	_ =	swait.ge [sflag:s31], $0x2000  }
0x92: {  	[sflag:s31] =	ssyncset.done $0x0  }
0x93: {  	[sflag:s31] =	ssyncadd.s32 $0xFFFFE000  }
0x94: {  	s14 =	simm.s32 $0x100;
	_ =	swait.ge [sflag:s3], $0x2000  }
0x95: {  	s15 =	simm.s32 $0x80;
	s16 =	rddreg [dreg:$0x5];
	[sflag:s3] =	ssyncset.done $0x0  }
.LBB2_6:
0x96: {  	[sflag:s3] =	ssyncadd.s32 $0xFFFFE000;
	s16 =	sadd.s32 s15, s16  }
0x97: {  	[tilespmem:s4], [sflag:$0xB] =	stream.linear.gather [hbm4b:s16+s4], $0x400, $0x38;
	[tilespmem:$0x1EA80] =	vst v63  }
0x98: {  	_ =	swait.ge [sflag:s17], $0x400  }
0x99: {  	s16 =	rddreg [dreg:$0x4];
	[sflag:s17] =	ssyncset.done $0x0  }
0x9a: {  	[sflag:s17] =	ssyncadd.s32 $0xFFFFFC00;
	s16 =	sadd.s32 s15, s16  }
0x9b: {  	[tilespmem:s20], [sflag:$0xB] =	stream.linear.gather [hbm4b:s16+s4], $0x400, $0x38;
	[tilespmem:$0x1EA80] =	vst v63  }
0x9c: {  	_ =	swait.ge [sflag:s17], $0x400  }
0x9d: {  	[sflag:s17] =	ssyncset.done $0x0  }
0x9e: {  	[sflag:s17] =	ssyncadd.s32 $0xFFFFFC00  }
0x9f: {  	[tilespmem:s22], [sflag:$0x1] =	stream.indirect.gather [spmem:s2], $0x40, s4, s21, $0xb8;
	[tilespmem:$0x1EA80] =	vst v63  }
0xa0: {  	s9 =	smov.u32 s14  }
0xa1: {  	[tilespmem:s23], [sflag:$0x2] =	stream.indirect.gather [spmem:s2], $0x40, s21, s21, $0xb8;
	[tilespmem:$0x1EA80] =	vst v63  }
0xa2: {  	s15 =	smov.u32 s9;
	s9 =	rddreg [dreg:$0x6]  }
0xa3: {  	[tilespmem:s24], [sflag:$0x3] =	stream.indirect.gather [spmem:s2], $0x40, s9, s21, $0xb8;
	[tilespmem:$0x1EA80] =	vst v63  }
0xa4: {  	s16 =	rddreg [dreg:$0x7]  }
0xa5: {  	[tilespmem:s25], [sflag:$0x4] =	stream.indirect.gather [spmem:s2], $0x40, s16, s21, $0xb8;
	[tilespmem:$0x1EA80] =	vst v63  }
0xa6: {  	s9 =	rddreg [dreg:$0x8]  }
0xa7: {  	[tilespmem:s26], [sflag:$0x5] =	stream.indirect.gather [spmem:s2], $0x40, s9, s21, $0xb8;
	[tilespmem:$0x1EA80] =	vst v63  }
0xa8: {  	_ =	swait.ge [sflag:s28], $0x2000  }
0xa9: {  	[sflag:s28] =	ssyncset.done $0x0  }
0xaa: {  	[sflag:s28] =	ssyncadd.s32 $0xFFFFE000  }
0xab: {  	[spmem:s1] =	stream.indirect.scatter.add.f32 [tilespmem:s22], [sflag:$0x6], $0x40, s20, s21, $0xb8;
	[tilespmem:$0x1EA80] =	vst v63  }
0xac: {  	_ =	swait.ge [sflag:s29], $0x2000  }
0xad: {  	[sflag:s29] =	ssyncset.done $0x0  }
0xae: {  	s16 =	rddreg [dreg:$0x9];
	[sflag:s29] =	ssyncadd.s32 $0xFFFFE000  }
0xaf: {  	[tilespmem:s22], [sflag:$0x1] =	stream.indirect.gather [spmem:s2], $0x40, s16, s21, $0xb8;
	[tilespmem:$0x1EA80] =	vst v63  }
0xb0: {  	_ =	swait.ge [sflag:s30], $0x2000  }
0xb1: {  	[sflag:s30] =	ssyncset.done $0x0  }
0xb2: {  	s16 =	rddreg [dreg:$0xa];
	[sflag:s30] =	ssyncadd.s32 $0xFFFFE000  }
0xb3: {  	[spmem:s1] =	stream.indirect.scatter.add.f32 [tilespmem:s23], [sflag:$0x7], $0x40, s16, s21, $0xb8;
	[tilespmem:$0x1EA80] =	vst v63  }
0xb4: {  	_ =	swait.ge [sflag:s31], $0x2000  }
0xb5: {  	[sflag:s31] =	ssyncset.done $0x0  }
0xb6: {  	s16 =	rddreg [dreg:$0xb];
	[sflag:s31] =	ssyncadd.s32 $0xFFFFE000  }
0xb7: {  	[tilespmem:s23], [sflag:$0x2] =	stream.indirect.gather [spmem:s2], $0x40, s16, s21, $0xb8;
	[tilespmem:$0x1EA80] =	vst v63  }
0xb8: {  	_ =	swait.ge [sflag:s0], $0x2000  }
0xb9: {  	[sflag:s0] =	ssyncset.done $0x0  }
0xba: {  	s16 =	rddreg [dreg:$0xc];
	[sflag:s0] =	ssyncadd.s32 $0xFFFFE000  }
0xbb: {  	[spmem:s1] =	stream.indirect.scatter.add.f32 [tilespmem:s24], [sflag:$0x8], $0x40, s16, s21, $0xb8;
	[tilespmem:$0x1EA80] =	vst v63  }
0xbc: {  	_ =	swait.ge [sflag:s3], $0x2000  }
0xbd: {  	[sflag:s3] =	ssyncset.done $0x0  }
0xbe: {  	[sflag:s3] =	ssyncadd.s32 $0xFFFFE000  }
0xbf: {  	[tilespmem:s24], [sflag:$0x3] =	stream.indirect.gather [spmem:s2], $0x40, s5, s21, $0xb8;
	[tilespmem:$0x1EA80] =	vst v63  }
0xc0: {  	_ =	swait.ge [sflag:s18], $0x2000  }
0xc1: {  	[sflag:s18] =	ssyncset.done $0x0  }
0xc2: {  	[sflag:s18] =	ssyncadd.s32 $0xFFFFE000  }
0xc3: {  	[spmem:s1] =	stream.indirect.scatter.add.f32 [tilespmem:s25], [sflag:$0x9], $0x40, s6, s21, $0xb8;
	[tilespmem:$0x1EA80] =	vst v63  }
0xc4: {  	_ =	swait.ge [sflag:s19], $0x2000  }
0xc5: {  	[sflag:s19] =	ssyncset.done $0x0  }
0xc6: {  	[sflag:s19] =	ssyncadd.s32 $0xFFFFE000  }
0xc7: {  	[spmem:s1] =	stream.indirect.scatter.add.f32 [tilespmem:s26], [sflag:$0xA], $0x40, s7, s21, $0xb8;
	[tilespmem:$0x1EA80] =	vst v63  }
0xc8: {  	_ =	swait.ge [sflag:s28], $0x2000  }
0xc9: {  	[sflag:s28] =	ssyncset.done $0x0  }
0xca: {  	[sflag:s28] =	ssyncadd.s32 $0xFFFFE000  }
0xcb: {  	[spmem:s1] =	stream.indirect.scatter.add.f32 [tilespmem:s22], [sflag:$0x6], $0x40, s8, s21, $0xb8;
	[tilespmem:$0x1EA80] =	vst v63  }
0xcc: {  	_ =	swait.ge [sflag:s30], $0x2000  }
0xcd: {  	[sflag:s30] =	ssyncset.done $0x0  }
0xce: {  	[sflag:s30] =	ssyncadd.s32 $0xFFFFE000  }
0xcf: {  	[spmem:s1] =	stream.indirect.scatter.add.f32 [tilespmem:s23], [sflag:$0x7], $0x40, s10, s21, $0xb8;
	[tilespmem:$0x1EA80] =	vst v63  }
0xd0: {  	_ =	swait.ge [sflag:s0], $0x2000  }
0xd1: {  	[sflag:s0] =	ssyncset.done $0x0  }
0xd2: {  	[sflag:s0] =	ssyncadd.s32 $0xFFFFE000  }
0xd3: {  	[spmem:s1] =	stream.indirect.scatter.add.f32 [tilespmem:s24], [sflag:$0x8], $0x40, s11, s21, $0xb8;
	[tilespmem:$0x1EA80] =	vst v63  }
0xd4: {  	_ =	swait.ge [sflag:s12], $0x2000  }
0xd5: {  	[sflag:s12] =	ssyncset.done $0x0  }
0xd6: {  	[sflag:s12] =	ssyncadd.s32 $0xFFFFE000  }
0xd7: {  	_ =	swait.ge [sflag:s13], $0x2000  }
0xd8: {  	[sflag:s13] =	ssyncset.done $0x0  }
0xd9: {  	[sflag:s13] =	ssyncadd.s32 $0xFFFFE000  }
0xda: {  	_ =	swait.ge [sflag:s29], $0x2000  }
0xdb: {  	[sflag:s29] =	ssyncset.done $0x0  }
0xdc: {  	p3 =	sne.s32 s14, $0x980;
	[sflag:s29] =	ssyncadd.s32 $0xFFFFE000  }
.Ltmp4:
0xdd: {  	_ =	swait.ge [sflag:s31], $0x2000;
	(pc) =	sbr.rel @p3 .LBB2_6-.Ltmp4, $4  }
0xde: {  	[sflag:s31] =	ssyncset.done $0x0  }
0xdf: {  	[sflag:s31] =	ssyncadd.s32 $0xFFFFE000  }
0xe0: {  	_ =	swait.ge [sflag:s3], $0x2000  }
0xe1: {  	s14 =	sadd.s32 $0x80, s14;
	s16 =	rddreg [dreg:$0x5];
	[sflag:s3] =	ssyncset.done $0x0  }
0xe2: {  	[sflag:s3] =	ssyncadd.s32 $0xFFFFE000;
	s9 =	sadd.s32 s15, s16  }
0xe3: {  	[tilespmem:s4], [sflag:$0xB] =	stream.linear.gather [hbm4b:s9+s4], $0x400, $0x38;
	[tilespmem:$0x1EA80] =	vst v63  }
0xe4: {  	_ =	swait.ge [sflag:s17], $0x400  }
0xe5: {  	s14 =	rddreg [dreg:$0x4];
	[sflag:s17] =	ssyncset.done $0x0  }
0xe6: {  	[sflag:s17] =	ssyncadd.s32 $0xFFFFFC00;
	s9 =	sadd.s32 s15, s14  }
0xe7: {  	[tilespmem:s20], [sflag:$0xB] =	stream.linear.gather [hbm4b:s9+s4], $0x400, $0x38;
	[tilespmem:$0x1EA80] =	vst v63  }
0xe8: {  	_ =	swait.ge [sflag:s17], $0x400  }
0xe9: {  	[sflag:s17] =	ssyncset.done $0x0  }
0xea: {  	[sflag:s17] =	ssyncadd.s32 $0xFFFFFC00  }
0xeb: {  	[tilespmem:s22], [sflag:$0x1] =	stream.indirect.gather [spmem:s2], $0x40, s4, s21, $0xb8;
	[tilespmem:$0x1EA80] =	vst v63  }
0xec: {  	_ = 	snop  }
0xed: {  	[tilespmem:s23], [sflag:$0x2] =	stream.indirect.gather [spmem:s2], $0x40, s21, s21, $0xb8;
	[tilespmem:$0x1EA80] =	vst v63  }
0xee: {  	s16 =	rddreg [dreg:$0x6]  }
0xef: {  	[tilespmem:s24], [sflag:$0x3] =	stream.indirect.gather [spmem:s2], $0x40, s16, s21, $0xb8;
	[tilespmem:$0x1EA80] =	vst v63  }
0xf0: {  	s14 =	rddreg [dreg:$0x7]  }
0xf1: {  	[tilespmem:s25], [sflag:$0x4] =	stream.indirect.gather [spmem:s2], $0x40, s14, s21, $0xb8;
	[tilespmem:$0x1EA80] =	vst v63  }
0xf2: {  	s15 =	rddreg [dreg:$0x8]  }
0xf3: {  	[tilespmem:s26], [sflag:$0x5] =	stream.indirect.gather [spmem:s2], $0x40, s15, s21, $0xb8;
	[tilespmem:$0x1EA80] =	vst v63  }
0xf4: {  	_ =	swait.ge [sflag:s28], $0x2000  }
0xf5: {  	[sflag:s28] =	ssyncset.done $0x0  }
0xf6: {  	[sflag:s28] =	ssyncadd.s32 $0xFFFFE000  }
0xf7: {  	[spmem:s1] =	stream.indirect.scatter.add.f32 [tilespmem:s22], [sflag:$0x6], $0x40, s20, s21, $0xb8;
	[tilespmem:$0x1EA80] =	vst v63  }
0xf8: {  	_ =	swait.ge [sflag:s29], $0x2000  }
0xf9: {  	[sflag:s29] =	ssyncset.done $0x0  }
0xfa: {  	s16 =	rddreg [dreg:$0x9];
	[sflag:s29] =	ssyncadd.s32 $0xFFFFE000  }
0xfb: {  	[tilespmem:s22], [sflag:$0x1] =	stream.indirect.gather [spmem:s2], $0x40, s16, s21, $0xb8;
	[tilespmem:$0x1EA80] =	vst v63  }
0xfc: {  	_ =	swait.ge [sflag:s30], $0x2000  }
0xfd: {  	[sflag:s30] =	ssyncset.done $0x0  }
0xfe: {  	s14 =	rddreg [dreg:$0xa];
	[sflag:s30] =	ssyncadd.s32 $0xFFFFE000  }
0xff: {  	[spmem:s1] =	stream.indirect.scatter.add.f32 [tilespmem:s23], [sflag:$0x7], $0x40, s14, s21, $0xb8;
	[tilespmem:$0x1EA80] =	vst v63  }
0x100: {  	_ =	swait.ge [sflag:s31], $0x2000  }
0x101: {  	[sflag:s31] =	ssyncset.done $0x0  }
0x102: {  	s15 =	rddreg [dreg:$0xb];
	[sflag:s31] =	ssyncadd.s32 $0xFFFFE000  }
0x103: {  	[tilespmem:s23], [sflag:$0x2] =	stream.indirect.gather [spmem:s2], $0x40, s15, s21, $0xb8;
	[tilespmem:$0x1EA80] =	vst v63  }
0x104: {  	_ =	swait.ge [sflag:s0], $0x2000  }
0x105: {  	[sflag:s0] =	ssyncset.done $0x0  }
0x106: {  	s16 =	rddreg [dreg:$0xc];
	[sflag:s0] =	ssyncadd.s32 $0xFFFFE000  }
0x107: {  	[spmem:s1] =	stream.indirect.scatter.add.f32 [tilespmem:s24], [sflag:$0x8], $0x40, s16, s21, $0xb8;
	[tilespmem:$0x1EA80] =	vst v63  }
0x108: {  	_ =	swait.ge [sflag:s3], $0x2000  }
0x109: {  	[sflag:s3] =	ssyncset.done $0x0  }
0x10a: {  	[sflag:s3] =	ssyncadd.s32 $0xFFFFE000  }
0x10b: {  	[tilespmem:s24], [sflag:$0x3] =	stream.indirect.gather [spmem:s2], $0x40, s5, s21, $0xb8;
	[tilespmem:$0x1EA80] =	vst v63  }
0x10c: {  	_ =	swait.ge [sflag:s18], $0x2000  }
0x10d: {  	[sflag:s18] =	ssyncset.done $0x0  }
0x10e: {  	[sflag:s18] =	ssyncadd.s32 $0xFFFFE000  }
0x10f: {  	[spmem:s1] =	stream.indirect.scatter.add.f32 [tilespmem:s25], [sflag:$0x9], $0x40, s6, s21, $0xb8;
	[tilespmem:$0x1EA80] =	vst v63  }
0x110: {  	_ =	swait.ge [sflag:s19], $0x2000  }
0x111: {  	[sflag:s19] =	ssyncset.done $0x0  }
0x112: {  	[sflag:s19] =	ssyncadd.s32 $0xFFFFE000  }
0x113: {  	[spmem:s1] =	stream.indirect.scatter.add.f32 [tilespmem:s26], [sflag:$0xA], $0x40, s7, s21, $0xb8;
	[tilespmem:$0x1EA80] =	vst v63  }
0x114: {  	_ =	swait.ge [sflag:s28], $0x2000  }
0x115: {  	[sflag:s28] =	ssyncset.done $0x0  }
0x116: {  	[sflag:s28] =	ssyncadd.s32 $0xFFFFE000  }
0x117: {  	[spmem:s1] =	stream.indirect.scatter.add.f32 [tilespmem:s22], [sflag:$0x6], $0x40, s8, s21, $0xb8;
	[tilespmem:$0x1EA80] =	vst v63  }
0x118: {  	_ =	swait.ge [sflag:s30], $0x2000  }
0x119: {  	[sflag:s30] =	ssyncset.done $0x0  }
0x11a: {  	[sflag:s30] =	ssyncadd.s32 $0xFFFFE000  }
0x11b: {  	[spmem:s1] =	stream.indirect.scatter.add.f32 [tilespmem:s23], [sflag:$0x7], $0x40, s10, s21, $0xb8;
	[tilespmem:$0x1EA80] =	vst v63  }
0x11c: {  	_ =	swait.ge [sflag:s0], $0x2000  }
0x11d: {  	[sflag:s0] =	ssyncset.done $0x0  }
0x11e: {  	[sflag:s0] =	ssyncadd.s32 $0xFFFFE000  }
0x11f: {  	[spmem:s1] =	stream.indirect.scatter.add.f32 [tilespmem:s24], [sflag:$0x8], $0x40, s11, s21, $0xb8;
	[tilespmem:$0x1EA80] =	vst v63  }
0x120: {  	_ =	swait.ge [sflag:s12], $0x2000  }
0x121: {  	[sflag:s12] =	ssyncset.done $0x0  }
0x122: {  	[sflag:s12] =	ssyncadd.s32 $0xFFFFE000  }
0x123: {  	_ =	swait.ge [sflag:s13], $0x2000  }
0x124: {  	[sflag:s13] =	ssyncset.done $0x0  }
0x125: {  	[sflag:s13] =	ssyncadd.s32 $0xFFFFE000  }
0x126: {  	_ =	swait.ge [sflag:s29], $0x2000  }
0x127: {  	[sflag:s29] =	ssyncset.done $0x0  }
0x128: {  	[sflag:s29] =	ssyncadd.s32 $0xFFFFE000  }
0x129: {  	_ =	swait.ge [sflag:s31], $0x2000  }
0x12a: {  	[sflag:s31] =	ssyncset.done $0x0  }
0x12b: {  	[sflag:s31] =	ssyncadd.s32 $0xFFFFE000  }
0x12c: {  	_ =	swait.ge [sflag:s3], $0x2000  }
0x12d: {  	[sflag:s3] =	ssyncset.done $0x0  }
0x12e: {  	[sflag:s3] =	ssyncadd.s32 $0xFFFFE000  }
0x12f: {  	[bflag:$0x0] =	sbarrier.arrive $0xFFFF  }
0x130: {  	s14 =	rddreg [dreg:$0x16]  }
0x131: {  	s15 =	rddreg [dreg:$0x13]  }
0x132: {  	s16 =	rddreg [dreg:$0x18];
	s9 =	sor.u32 $0x1C0B, s14  }
0x133: {  	[hbm:s15], [sflag:s9] =	dma.local [spmem:s16], $0x1380  }
0x134: {  	_ =	swait.ge [sflag:s17], $0x1380  }
0x135: {  	[sflag:s17] =	ssyncset.done $0x0;
	s14 =	rddreg [dreg:$0x11]  }
0x136: {  	s15 =	rddreg [dreg:$0x14];
	[sflag:s17] =	ssyncadd.s32 $0xFFFFEC80;
	s14 =	sshrl.u32 @!p1 s14, $0x3  }
0x137: {  	[hbm:s15], [sflag:s9] =	dma.local @!p1 [spmem:s14], $0x80  }
0x138: {  	s9 =	simm.s32 @!p1 $0xB  }
0x139: {  	_ =	swait.ge @!p1 [sflag:s9], $0x80  }
0x13a: {  	s14 =	rddreg [dreg:$0x1b]  }
0x13b: {  	s16 =	rddreg [dreg:$0x15];
	s15 =	sadd.s32 $0x1, s14  }
0x13c: {  	p3 =	sne.s32 s15, s16  }
.Ltmp5:
0x13d: {  	_ = 	snop;
	(pc) =	sbr.rel @p3 .LBB2_1-.Ltmp5, $3  }
0x13e: {  	_ =	sdelay $0x1  }
0x13f: {  	[sflag:s9] =	ssyncset.done @!p1 $0x0  }
0x140: {  	[sflag:s9] =	ssyncadd.s32 @!p1 $0xFFFFFF80  }
0x141: {  	_ =	sfence.sel $0x180000  }
0x142: {  	[bflag:$0x0] =	sbarrier.arrive $0xFFFF  }
0x143: {  	_ =	strace $0x9000004D  }
0x144: {  	s0 =	stileid.u32;
	[bflag:$0x2] =	sbarrier.arrive $0xFFFF  }
0x145: {  	p0 =	sne.s32 s0, $0x0;
	s0 =	rddreg [dreg:$0x3]  }
0x146: {  	s0 =	sadd.s32 @!p0 $0x100000, s0  }
0x147: {  	[sflag:s0] =	ssyncadd.tile.s32 @!p0 $0x1;
	_ =	shalt  }
.Lfunc_end2:
_tile_overlayer_lowered:
.L_overlay_start_2:
0x148: {  	(tag) =	ssettag $0x2  }
0x149: {  	s0 =	rddreg [dreg:$0x0];
	s2 =	stileid.u32  }
0x14a: {  	s1 =	rddreg [dreg:$0x1];
	p0 =	sne.s32 s2, $0x0  }
0x14b: {  	s3 =	rddreg [dreg:$0x2];
	[bflag:$0x3] =	sbarrier.arrive $0xFFFF;
	s2 =	simm.s32 @!p0 $0x1C0B  }
0x14c: {  	[timem:s3], [sflag:s2] =	dma.local @!p0 [hbm:s0], s1  }
0x14d: {  	s0 =	simm.s32 @!p0 $0xB  }
0x14e: {  	_ =	swait.ge @!p0 [sflag:s0], s1  }
0x14f: {  	s1 =	ssub.s32 @!p0 $0x0, s1;
	[sflag:s0] =	ssyncset.done @!p0 $0x0  }
0x150: {  	[sflag:s0] =	ssyncadd.s32 @!p0 s1  }
0x151: {  	[bflag:$0x3] =	sbarrier.arrive $0xFFFF  }
0x152: {  	_ =	shalt  }

// kernel: kernel.8.cloned.1.call-start
scs
__scs_entry_jumppad:
0x0: {  	(pc) =	sbr.rel $0x88, $3  }
0x1: {  	(tag) =	ssettag $0x0;
	lr =	simm.s32 $0x1  }
0x2: {  	[smem:$0x3F8F] =	sst lr;
	_ =	strace $0xD0000000  }
0x3: {  	_ = 	snop  }
0x4: {  	_ = 	snop  }
0x5: {  	_ = 	snop  }
0x6: {  	_ = 	snop  }
0x7: {  	_ = 	snop  }
__scs_overlays_trampoline_lowered:
0x8: {  	[smem:$0x3F9E] =	sst s0  }
0x9: {  	[smem:$0x3F9F] =	sst s1  }
0xa: {  	[smem:$0x3FA0] =	sst s2  }
0xb: {  	[smem:$0x3FA1] =	sst s3  }
0xc: {  	[smem:$0x3FA2] =	sst s4  }
0xd: {  	[smem:$0x3FA3] =	sst s5  }
0xe: {  	[smem:$0x3FA4] =	sst s6  }
0xf: {  	[smem:$0x3FA5] =	sst s7  }
0x10: {  	[smem:$0x3FA6] =	sst s8  }
0x11: {  	[smem:$0x3FA7] =	sst s9;
	s0 =	simm.s32 @!p0 $0x0  }
0x12: {  	s1 =	sld [smem:$0x3F8D];
	s0 =	simm.s32 @p0 $0x1  }
0x13: {  	[smem:$0x3FA8] =	sst s0;
	s0 =	simm.s32 @!p1 $0x0  }
0x14: {  	s2 =	sld [smem:$0x3F8C];
	s0 =	simm.s32 @p1 $0x1  }
0x15: {  	[smem:$0x3FA9] =	sst s0;
	s0 =	simm.s32 @!p2 $0x0  }
0x16: {  	s3 =	sld [smem:$0x3FDB];
	s0 =	simm.s32 @p2 $0x1  }
0x17: {  	s4 =	simm.s32 $0x1BF5;
	[smem:$0x3FAB] =	sst s0  }
0x18: {  	s0 =	sld [smem:$0x3F8E];
	_ =	swait.ge [sflag:s4], $0x0  }
0x19: {  	s7 =	sld [smem:$0x3F8F]  }
0x1a: {  	s8 =	sadd.s32 $0xFFFFE003, lr  }
0x1b: {  	s9 =	sadd.s32 $0xFFFFFEF7, lr;
	s5 =	simm.s32 $0xFFFFFFFF;
	p2 =	slt.u32 s8, $0xFFFFF086  }
0x1c: {  	p1 =	slt.u32 s9, $0xF7A;
	s5 =	simm.s32 @!p2 $0x0  }
0x1d: {  	s5 =	simm.s32 @p1 $0x1;
	p0 =	seq.s32 s7, s2  }
0x1e: {  	s7 =	smul.u32 @!p0 $0xF7A, s2;
	p2 =	seq.s32 @!p0 s5, $0x0  }
0x1f: {  	s9 =	smul.u32 $0xF7A, s1;
	s8 =	simm.s32 @!p0 $0x1BF5;
	p2 =	por !p2, p0  }
0x20: {  	[sflag:s8] =	ssyncset.s32 @!p0 $0xFFFFF086;
	s6 =	sadd.s32 @!p0 s3, s7;
	s7 =	simm.s32 @!p0 $0x108  }
0x21: {  	s3 =	sadd.s32 s3, s9;
	s6 =	sadd.s32 @!p0 $0x88, s6;
	s7 =	simm.s32 @p2 $0x1082  }
0x22: {  	[simem:s7], [sflag:s8] =	dma.local @!p0 [hbm:s6], $0xF7A  }
0x23: {  	s9 =	sor.u32 $0xD0000000, s2;
	s6 =	simm.s32 $0x108;
	_ =	swait.ge @!p0 [sflag:s8], $0x0  }
0x24: {  	s3 =	sadd.s32 $0x88, s3;
	s6 =	simm.s32 @!p1 $0x1082;
	[sflag:s4] =	ssyncset.s32 $0xFFFFF086  }
0x25: {  	[simem:s6], [sflag:s4] =	dma.local [hbm:s3], $0xF7A  }
0x26: {  	[smem:$0x3F8F] =	sst s1;
	(tag) =	ssettag s2;
	_ =	strace s9  }
0x27: {  	s1 =	sld [smem:$0x3F9F]  }
0x28: {  	s2 =	sld [smem:$0x3FA0]  }
0x29: {  	s4 =	sld [smem:$0x3FA2]  }
0x2a: {  	p0 =	seq.s32 s5, $0x0;
	s5 =	sld [smem:$0x3FA3]  }
0x2b: {  	s6 =	sld [smem:$0x3FA4]  }
0x2c: {  	s7 =	sld [smem:$0x3FA5]  }
0x2d: {  	s3 =	simm.s32 $0x108;
	s8 =	sld [smem:$0x3FA6]  }
0x2e: {  	s3 =	simm.s32 @!p0 $0x1082;
	s9 =	sld [smem:$0x3FA7]  }
0x2f: {  	lr =	sadd.s32 s0, s3;
	s0 =	sld [smem:$0x3F9E]  }
0x30: {  	s3 =	sld [smem:$0x3FA1]  }
0x31: {  	[smem:$0x3FAA] =	sst s10  }
0x32: {  	s10 =	sld [smem:$0x3FA8];
	_ =	sdelay $0x3  }
0x33: {  	p0 =	seq.s32 s10, $0x1;
	s10 =	sld [smem:$0x3FAA];
	_ =	sdelay $0x3  }
0x34: {  	[smem:$0x3FAA] =	sst s10  }
0x35: {  	s10 =	sld [smem:$0x3FA9];
	_ =	sdelay $0x3  }
0x36: {  	p1 =	seq.s32 s10, $0x1;
	s10 =	sld [smem:$0x3FAA];
	_ =	sdelay $0x3  }
0x37: {  	[smem:$0x3FAA] =	sst s10  }
0x38: {  	s10 =	sld [smem:$0x3FAB]  }
0x39: {  	_ = 	snop;
	(pc) =	sbr.ind lr, $3  }
0x3a: {  	_ = 	snop  }
0x3b: {  	_ = 	snop  }
0x3c: {  	p2 =	seq.s32 s10, $0x1;
	s10 =	sld [smem:$0x3FAA]  }
0x3d: {  	_ =	shalt  }
0x3e: {  	_ =	shalt  }
0x3f: {  	_ =	shalt  }
0x40: {  	_ =	shalt  }
0x41: {  	_ =	shalt  }
0x42: {  	_ =	shalt  }
0x43: {  	_ =	shalt  }
0x44: {  	_ =	shalt  }
0x45: {  	_ =	shalt  }
0x46: {  	_ =	shalt  }
0x47: {  	_ =	shalt  }
0x48: {  	_ =	shalt  }
0x49: {  	_ =	shalt  }
0x4a: {  	_ =	shalt  }
0x4b: {  	_ =	shalt  }
0x4c: {  	_ =	shalt  }
0x4d: {  	_ =	shalt  }
0x4e: {  	_ =	shalt  }
0x4f: {  	_ =	shalt  }
0x50: {  	_ =	shalt  }
0x51: {  	_ =	shalt  }
0x52: {  	_ =	shalt  }
0x53: {  	_ =	shalt  }
0x54: {  	_ =	shalt  }
0x55: {  	_ =	shalt  }
0x56: {  	_ =	shalt  }
0x57: {  	_ =	shalt  }
0x58: {  	_ =	shalt  }
0x59: {  	_ =	shalt  }
0x5a: {  	_ =	shalt  }
0x5b: {  	_ =	shalt  }
0x5c: {  	_ =	shalt  }
0x5d: {  	_ =	shalt  }
0x5e: {  	_ =	shalt  }
0x5f: {  	_ =	shalt  }
0x60: {  	_ =	shalt  }
0x61: {  	_ =	shalt  }
0x62: {  	_ =	shalt  }
0x63: {  	_ =	shalt  }
0x64: {  	_ =	shalt  }
0x65: {  	_ =	shalt  }
0x66: {  	_ =	shalt  }
0x67: {  	_ =	shalt  }
0x68: {  	_ =	shalt  }
0x69: {  	_ =	shalt  }
0x6a: {  	_ =	shalt  }
0x6b: {  	_ =	shalt  }
0x6c: {  	_ =	shalt  }
0x6d: {  	_ =	shalt  }
0x6e: {  	_ =	shalt  }
0x6f: {  	_ =	shalt  }
0x70: {  	_ =	shalt  }
0x71: {  	_ =	shalt  }
0x72: {  	_ =	shalt  }
0x73: {  	_ =	shalt  }
0x74: {  	_ =	shalt  }
0x75: {  	_ =	shalt  }
0x76: {  	_ =	shalt  }
0x77: {  	_ =	shalt  }
0x78: {  	_ =	shalt  }
0x79: {  	_ =	shalt  }
0x7a: {  	_ =	shalt  }
0x7b: {  	_ =	shalt  }
0x7c: {  	_ =	shalt  }
0x7d: {  	_ =	shalt  }
0x7e: {  	_ =	shalt  }
0x7f: {  	_ =	shalt  }
0x80: {  	_ =	shalt  }
0x81: {  	_ =	shalt  }
0x82: {  	_ =	shalt  }
0x83: {  	_ =	shalt  }
0x84: {  	_ =	shalt  }
0x85: {  	_ =	shalt  }
0x86: {  	_ =	shalt  }
0x87: {  	_ =	shalt  }
.Lfunc_end0:
.L_simem_size_0:
called_computation_lowered:
.L_overlay_start_0:
0x88: {  	s2 =	sld [smem:$0x3FD9]  }
0x89: {  	s3 =	sld [smem:$0x3FFE];
	_ =	sdelay $0x1  }
0x8a: {  	s1 =	srdreg.scid  }
0x8b: {  	s0 =	sand.u32 $0x1, s1  }
0x8c: {  	s16 =	sshll.u32 s0, $0xA;
	s2 =	sadd.s32 s3, s2  }
0x8d: {  	s2 =	sadd.s32 s2, s16  }
0x8e: {  	[smem:$0x3FB6] =	sst s2  }
0x8f: {  	_ = 	snop  }
0x90: {  	(tm) =	ssettm $0x1  }
0x91: {  	s17 =	sld [smem:$0x3FFB];
	_ =	sdelay $0x3  }
0x92: {  	_ =	strace s17  }
0x93: {  	s2 =	sld [smem:$0x3FFC];
	_ =	sdelay $0x3  }
0x94: {  	_ =	strace s2  }
0x95: {  	s2 =	sld [smem:$0x3FFD];
	_ =	sdelay $0x3  }
0x96: {  	_ =	strace s2  }
0x97: {  	_ =	strace $0x8FFFFFFF  }
0x98: {  	s18 =	sld [smem:$0x3FDB];
	_ =	sdelay $0x1  }
0x99: {  	s19 =	simm.s32 $_scs_section_size  }
0x9a: {  	s4 =	simm.s32 $_size__tile_overlayer_lowered;
	s5 =	simm.s32 $_tile_overlayer_lowered  }
0x9b: {  	s22 =	simm.s32 $0x1BFF;
	s21 =	sshll.u32 s5, $0x1;
	s2 =	sadd.s32 s19, s18  }
0x9c: {  	s6 =	simm.s32 $0x0;
	s20 =	sshll.u32 s4, $0x1;
	s4 =	sadd.s32 s21, s2  }
0x9d: {  	[timem:s6], [sflag:s22] =	dma.local [hbm:s4], s20  }
0x9e: {  	_ =	swait.ge [sflag:s22], s20  }
0x9f: {  	s3 =	ssub.s32 $0x0, s20;
	[sflag:s22] =	ssyncset.done $0x0  }
0xa0: {  	[sflag:s22] =	ssyncadd.s32 s3;
	_ =	sdelay $0x1  }
0xa1: {  	s23 =	simm.s32 $0x1B8B  }
0xa2: {  	_ =	swait.ge [sflag:s23], $0x1  }
0xa3: {  	[sflag:s23] =	ssyncset.done $0x0  }
0xa4: {  	s25 =	simm.s32 $0x1B8E;
	s24 =	sld [smem:$0x3FFE];
	[sflag:s23] =	ssyncadd.s32 $0xFFFFFFFF  }
0xa5: {  	s26 =	simm.s32 $execute0_lowered;
	[smem:$0x3FD2] =	sst s25  }
0xa6: {  	s4 =	sshll.u32 s26, $0x1;
	_ =	strace $0x80000046;
	[dreg:$0x1] =	wrdreg $0xFFFFFFFF  }
0xa7: {  	s28 =	simm.s32 $_size_execute0_lowered;
	s2 =	sadd.s32 s2, s4;
	[dreg:$0x0] =	wrdreg $0x0  }
0xa8: {  	s4 =	sshll.u32 s28, $0x1;
	[dreg:$0x2] =	wrdreg s2  }
0xa9: {  	[dreg:$0x3] =	wrdreg s4  }
0xaa: {  	[dreg:$0x4] =	wrdreg $0xC0  }
0xab: {  	_ =	task [dreg:s6], $0x5FFFF  }
0xac: {  	[dreg:$0x1] =	wrdreg $0xFFFFFFFF  }
0xad: {  	[dreg:$0x0] =	wrdreg $0x60  }
0xae: {  	[dreg:$0x2] =	wrdreg s24  }
0xaf: {  	[dreg:$0x3] =	wrdreg $0x10000  }
0xb0: {  	[dreg:$0x4] =	wrdreg $0x9  }
0xb1: {  	_ =	task.clear_ibuf [dreg:s6], $0x5FFFF;
	_ =	strace $0x90000046  }
0xb2: {  	s29 =	simm.s32 $0x9;
	_ =	strace $0x80000048  }
0xb3: {  	_ =	swait.ge [sflag:s29], $0x1  }
0xb4: {  	[sflag:s29] =	ssyncadd.s32 $0xFFFFFFFF  }
0xb5: {  	_ =	strace $0x90000048  }
0xb6: {  	_ =	sfence  }
0xb7: {  	s30 =	sld [smem:$0x0];
	_ =	sdelay $0x2  }
0xb8: {  	s31 =	sshll.u32 s1, $0xD;
	s1 =	sshrl.u32 s1, $0x2  }
0xb9: {  	s3 =	sand.u32 $0x4000, s31;
	s1 =	sadd.s32 s1, s30  }
0xba: {  	s0 =	sor.u32 s3, s0;
	s1 =	sshll.u32 s1, $0x11  }
0xbb: {  	s0 =	sor.u32 s1, s0  }
0xbc: {  	s0 =	sadd.s32 $0x8F2B, s0  }
0xbd: {  	[sflag:s0] =	ssyncadd.remote.s32 $0x1  }
0xbe: {  	_ =	sfence.sel $0xFFFF  }
0xbf: {  	[dreg:$0x0] =	wrdreg $0xFFFFFFFF;
	(pc) =	sbr.abs _section_cstart, $3  }
0xc0: {  	[dreg:$0x1] =	wrdreg $0xFFFFFFFF  }
0xc1: {  	_ =	task.clear_ibuf [dreg:s6], $0x2FFFF;
	_ =	strace $0x9FFFFFFF  }
0xc2: {  	(tm) =	ssettm $0x7FFFFFFF  }
0xc3: {  	_ =	shalt  }
tec
execute0_lowered:
.L_overlay_start_1:
0x0: {  	(tag) =	ssettag $0x1  }
0x1: {  	s0 =	rddreg [dreg:$0x0]  }
0x2: {  	s1 =	rddreg [dreg:$0x1];
	s2 =	simm.s32 $0x0;
	s3 =	srdreg.scid  }
0x3: {  	s13 =	stileid.u32;
	s14 =	simm.s32 $0x3;
	s16 =	simm.s32 $0x800  }
0x4: {  	s17 =	simm.s32 $0x80;
	s28 =	simm.s32 $0x580;
	s29 =	simm.s32 $0x600  }
0x5: {  	s30 =	simm.s32 $0x680;
	s31 =	simm.s32 $0x700;
	[smem:$0x7FF] =	sst s2  }
0x6: {  	s3 =	sand.u32 $0x1, s3;
	s5 =	sadd.s32 $0x3000, s0;
	s7 =	smul.u32 $0x2700, s13  }
0x7: {  	s11 =	sadd.s32 $0xD000, s0;
	s8 =	sadd.s32 $0x12000, s0;
	s20 =	smul.u32 $0xA00, s13  }
0x8: {  	s19 =	sshll.u32 s13, $0x6;
	s15 =	sadd.s32 $0x27000, s1;
	s22 =	smul.u32 $0x5000, s13  }
0x9: {  	s0 =	sadd.s32 $0x11E00, s0;
	p0 =	sne.s32 s13, $0xF;
	s10 =	smul.u32 $0x27100, s3  }
0xa: {  	_ =	strace $0x80000047;
	[dreg:$0x3] =	wrdreg s11;
	s12 =	smul.u32 $0x500, s3  }
0xb: {  	s4 =	ssub.s32 $0x2, s3;
	[dreg:$0x5] =	wrdreg s0;
	s3 =	smul.u32 $0x2800, s3  }
0xc: {  	s6 =	sshrl.u32 s4, $0x1;
	s9 =	sadd.s32 s7, s1;
	s18 =	sshrl.u32 s7, $0x3  }
0xd: {  	s24 =	sadd.s32 s20, s5;
	s20 =	simm.s32 $0x200;
	s4 =	ssub.s32 s4, s6  }
0xe: {  	s6 =	sadd.s32 s11, s18;
	s21 =	sadd.s32 s7, s10;
	s10 =	sshrl.u32 s10, $0x3  }
0xf: {  	s25 =	sadd.s32 s12, s24;
	s3 =	sadd.s32 s3, s22;
	s9 =	sshrl.u32 s9, $0x3  }
0x10: {  	s18 =	simm.s32 $0x100;
	s22 =	simm.s32 $0x300;
	s24 =	simm.s32 $0x400  }
0x11: {  	s7 =	simm.s32 $0x0;
	[dreg:$0x4] =	wrdreg s6;
	s6 =	sor.u32 $0x1C03, s19  }
0x12: {  	s0 =	sshrl.u32 s21, $0x3;
	s23 =	sadd.s32 s8, s10;
	s4 =	smax.u32 s4, $0x1  }
0x13: {  	s11 =	sadd.s32 $0x80, s25;
	s26 =	sshrl.u32 s3, $0x3;
	s10 =	sshrl.u32 @!p0 s15, $0x3  }
0x14: {  	s19 =	simm.s32 $0x180;
	s21 =	simm.s32 $0x280;
	s25 =	simm.s32 $0x480  }
0x15: {  	s3 =	simm.s32 $0x1;
	s0 =	sadd.s32 s8, s0;
	[dreg:$0x8] =	wrdreg s4  }
0x16: {  	s12 =	sadd.s32 s26, s5;
	s26 =	simm.s32 $0x500;
	[dreg:$0x9] =	wrdreg s10  }
0x17: {  	s5 =	simm.s32 $0x2;
	[dreg:$0x6] =	wrdreg s0;
	s0 =	sadd.s32 $0x4E00, s23  }
0x18: {  	s23 =	simm.s32 $0x380;
	[dreg:$0x7] =	wrdreg s0;
	s0 =	simm.s32 $0x780  }
.LBB2_1:
0x19: {  	s4 =	rddreg [dreg:$0x4]  }
0x1a: {  	[spmem:s9], [sflag:s6] =	dma.local [hbm:s4], $0x4E0  }
0x1b: {  	_ =	swait.ge [sflag:s14], $0x4E0  }
0x1c: {  	[sflag:s14] =	ssyncset.done $0x0  }
0x1d: {  	s4 =	rddreg [dreg:$0x5];
	[sflag:s14] =	ssyncadd.s32 $0xFFFFFB20  }
0x1e: {  	[spmem:s10], [sflag:s6] =	dma.local @!p0 [hbm:s4], $0x20  }
0x1f: {  	s4 =	simm.s32 @!p0 $0x3  }
0x20: {  	_ =	swait.ge @!p0 [sflag:s4], $0x20  }
0x21: {  	[sflag:s4] =	ssyncset.done @!p0 $0x0  }
0x22: {  	s15 =	smov.u32 s9;
	s9 =	rddreg [dreg:$0x3];
	[sflag:s4] =	ssyncadd.s32 @!p0 $0xFFFFFFE0  }
0x23: {  	[tilespmem:s16], [sflag:$0x3] =	stream.linear.gather [hbm4b:s9+s2], $0x800, $0x38;
	[tilespmem:$0x3790] =	vst v63  }
0x24: {  	_ =	swait.ge [sflag:s14], $0x800  }
0x25: {  	[sflag:s14] =	ssyncset.done $0x0  }
0x26: {  	[sflag:s14] =	ssyncadd.s32 $0xFFFFF800  }
0x27: {  	s10 =	sadd.s32 $0x0, s12;
	[bflag:$0x0] =	sbarrier.arrive $0xFFFF  }
0x28: {  	[tilespmem:s2], [sflag:$0x3] =	stream.linear.gather [hbm4b:s10+s2], $0x400, $0x38;
	[tilespmem:$0x3790] =	vst v63  }
0x29: {  	_ =	swait.ge [sflag:s14], $0x400  }
0x2a: {  	[sflag:s14] =	ssyncset.done $0x0  }
0x2b: {  	[sflag:s14] =	ssyncadd.s32 $0xFFFFFC00  }
0x2c: {  	[spmem:s1] =	stream.indirect.scatter.add.f32 [tilespmem:s16], [sflag:$0x1], $0x10, s2, s17, $0xb8;
	[tilespmem:$0x3790] =	vst v63  }
0x2d: {  	_ = 	snop  }
0x2e: {  	[spmem:s1] =	stream.indirect.scatter.add.f32 [tilespmem:s16], [sflag:$0x1], $0x10, s17, s17, $0xb8;
	[tilespmem:$0x3790] =	vst v63  }
0x2f: {  	_ = 	snop  }
0x30: {  	[spmem:s1] =	stream.indirect.scatter.add.f32 [tilespmem:s16], [sflag:$0x1], $0x10, s18, s17, $0xb8;
	[tilespmem:$0x3790] =	vst v63  }
0x31: {  	_ = 	snop  }
0x32: {  	[spmem:s1] =	stream.indirect.scatter.add.f32 [tilespmem:s16], [sflag:$0x1], $0x10, s19, s17, $0xb8;
	[tilespmem:$0x3790] =	vst v63  }
0x33: {  	_ = 	snop  }
0x34: {  	[spmem:s1] =	stream.indirect.scatter.add.f32 [tilespmem:s16], [sflag:$0x1], $0x10, s20, s17, $0xb8;
	[tilespmem:$0x3790] =	vst v63  }
0x35: {  	_ = 	snop  }
0x36: {  	[spmem:s1] =	stream.indirect.scatter.add.f32 [tilespmem:s16], [sflag:$0x1], $0x10, s21, s17, $0xb8;
	[tilespmem:$0x3790] =	vst v63  }
0x37: {  	_ = 	snop  }
0x38: {  	[spmem:s1] =	stream.indirect.scatter.add.f32 [tilespmem:s16], [sflag:$0x1], $0x10, s22, s17, $0xb8;
	[tilespmem:$0x3790] =	vst v63  }
0x39: {  	_ = 	snop  }
0x3a: {  	[spmem:s1] =	stream.indirect.scatter.add.f32 [tilespmem:s16], [sflag:$0x1], $0x10, s23, s17, $0xb8;
	[tilespmem:$0x3790] =	vst v63  }
0x3b: {  	s13 =	sadd.s32 $0x0, s11  }
0x3c: {  	[tilespmem:s24], [sflag:$0x3] =	stream.linear.gather [hbm4b:s13+s2], $0x400, $0x38;
	[tilespmem:$0x3790] =	vst v63  }
0x3d: {  	_ =	swait.ge [sflag:s14], $0x400  }
0x3e: {  	[sflag:s14] =	ssyncset.done $0x0  }
0x3f: {  	[sflag:s14] =	ssyncadd.s32 $0xFFFFFC00  }
0x40: {  	[spmem:s1] =	stream.indirect.scatter.add.f32 [tilespmem:s16], [sflag:$0x2], $0x10, s24, s17, $0xb8;
	[tilespmem:$0x3790] =	vst v63  }
0x41: {  	_ = 	snop  }
0x42: {  	[spmem:s1] =	stream.indirect.scatter.add.f32 [tilespmem:s16], [sflag:$0x2], $0x10, s25, s17, $0xb8;
	[tilespmem:$0x3790] =	vst v63  }
0x43: {  	_ = 	snop  }
0x44: {  	[spmem:s1] =	stream.indirect.scatter.add.f32 [tilespmem:s16], [sflag:$0x2], $0x10, s26, s17, $0xb8;
	[tilespmem:$0x3790] =	vst v63  }
0x45: {  	_ = 	snop  }
0x46: {  	[spmem:s1] =	stream.indirect.scatter.add.f32 [tilespmem:s16], [sflag:$0x2], $0x10, s28, s17, $0xb8;
	[tilespmem:$0x3790] =	vst v63  }
0x47: {  	_ = 	snop  }
0x48: {  	[spmem:s1] =	stream.indirect.scatter.add.f32 [tilespmem:s16], [sflag:$0x2], $0x10, s29, s17, $0xb8;
	[tilespmem:$0x3790] =	vst v63  }
0x49: {  	_ = 	snop  }
0x4a: {  	[spmem:s1] =	stream.indirect.scatter.add.f32 [tilespmem:s16], [sflag:$0x2], $0x10, s30, s17, $0xb8;
	[tilespmem:$0x3790] =	vst v63  }
0x4b: {  	_ = 	snop  }
0x4c: {  	[spmem:s1] =	stream.indirect.scatter.add.f32 [tilespmem:s16], [sflag:$0x2], $0x10, s31, s17, $0xb8;
	[tilespmem:$0x3790] =	vst v63  }
0x4d: {  	_ = 	snop  }
0x4e: {  	[spmem:s1] =	stream.indirect.scatter.add.f32 [tilespmem:s16], [sflag:$0x2], $0x10, s0, s17, $0xb8;
	[tilespmem:$0x3790] =	vst v63  }
0x4f: {  	_ =	swait.ge [sflag:s3], $0x800  }
0x50: {  	[sflag:s3] =	ssyncset.done $0x0  }
0x51: {  	[sflag:s3] =	ssyncadd.s32 $0xFFFFF800  }
0x52: {  	_ =	swait.ge [sflag:s3], $0x800  }
0x53: {  	[sflag:s3] =	ssyncset.done $0x0  }
0x54: {  	[sflag:s3] =	ssyncadd.s32 $0xFFFFF800  }
0x55: {  	_ =	swait.ge [sflag:s3], $0x800  }
0x56: {  	[sflag:s3] =	ssyncset.done $0x0  }
0x57: {  	[sflag:s3] =	ssyncadd.s32 $0xFFFFF800  }
0x58: {  	_ =	swait.ge [sflag:s3], $0x800  }
0x59: {  	[sflag:s3] =	ssyncset.done $0x0  }
0x5a: {  	[sflag:s3] =	ssyncadd.s32 $0xFFFFF800  }
0x5b: {  	_ =	swait.ge [sflag:s3], $0x800  }
0x5c: {  	[sflag:s3] =	ssyncset.done $0x0  }
0x5d: {  	[sflag:s3] =	ssyncadd.s32 $0xFFFFF800  }
0x5e: {  	_ =	swait.ge [sflag:s3], $0x800  }
0x5f: {  	[sflag:s3] =	ssyncset.done $0x0  }
0x60: {  	[sflag:s3] =	ssyncadd.s32 $0xFFFFF800  }
0x61: {  	_ =	swait.ge [sflag:s3], $0x800  }
0x62: {  	[sflag:s3] =	ssyncset.done $0x0  }
0x63: {  	[sflag:s3] =	ssyncadd.s32 $0xFFFFF800  }
0x64: {  	_ =	swait.ge [sflag:s3], $0x800  }
0x65: {  	[sflag:s3] =	ssyncset.done $0x0  }
0x66: {  	[sflag:s3] =	ssyncadd.s32 $0xFFFFF800  }
0x67: {  	_ =	swait.ge [sflag:s5], $0x800  }
0x68: {  	[sflag:s5] =	ssyncset.done $0x0  }
0x69: {  	[sflag:s5] =	ssyncadd.s32 $0xFFFFF800  }
0x6a: {  	_ =	swait.ge [sflag:s5], $0x800  }
0x6b: {  	[sflag:s5] =	ssyncset.done $0x0  }
0x6c: {  	[sflag:s5] =	ssyncadd.s32 $0xFFFFF800  }
0x6d: {  	_ =	swait.ge [sflag:s5], $0x800  }
0x6e: {  	[sflag:s5] =	ssyncset.done $0x0  }
0x6f: {  	[sflag:s5] =	ssyncadd.s32 $0xFFFFF800  }
0x70: {  	_ =	swait.ge [sflag:s5], $0x800  }
0x71: {  	[sflag:s5] =	ssyncset.done $0x0  }
0x72: {  	[sflag:s5] =	ssyncadd.s32 $0xFFFFF800  }
0x73: {  	_ =	swait.ge [sflag:s5], $0x800  }
0x74: {  	[sflag:s5] =	ssyncset.done $0x0  }
0x75: {  	[sflag:s5] =	ssyncadd.s32 $0xFFFFF800  }
0x76: {  	_ =	swait.ge [sflag:s5], $0x800  }
0x77: {  	[sflag:s5] =	ssyncset.done $0x0  }
0x78: {  	[sflag:s5] =	ssyncadd.s32 $0xFFFFF800  }
0x79: {  	_ =	swait.ge [sflag:s5], $0x800  }
0x7a: {  	[sflag:s5] =	ssyncset.done $0x0  }
0x7b: {  	[sflag:s5] =	ssyncadd.s32 $0xFFFFF800  }
0x7c: {  	_ =	swait.ge [sflag:s5], $0x800  }
0x7d: {  	s8 =	simm.s32 $0x200;
	s4 =	simm.s32 $0x100;
	[sflag:s5] =	ssyncset.done $0x0  }
.LBB2_2:
0x7e: {  	s10 =	sadd.s32 s4, s12  }
0x7f: {  	[sflag:s5] =	ssyncadd.s32 $0xFFFFF800;
	s13 =	smov.u32 s8;
	s9 =	sadd.s32 $0x100, s8  }
0x80: {  	[tilespmem:s2], [sflag:$0x3] =	stream.linear.gather [hbm4b:s10+s2], $0x400, $0x38;
	[tilespmem:$0x3790] =	vst v63  }
0x81: {  	p1 =	sne.s32 s8, $0x400;
	_ =	swait.ge [sflag:s14], $0x400  }
0x82: {  	[sflag:s14] =	ssyncset.done $0x0  }
0x83: {  	[sflag:s14] =	ssyncadd.s32 $0xFFFFFC00  }
0x84: {  	[spmem:s1] =	stream.indirect.scatter.add.f32 [tilespmem:s16], [sflag:$0x1], $0x10, s2, s17, $0xb8;
	[tilespmem:$0x3790] =	vst v63  }
0x85: {  	_ = 	snop  }
0x86: {  	[spmem:s1] =	stream.indirect.scatter.add.f32 [tilespmem:s16], [sflag:$0x1], $0x10, s17, s17, $0xb8;
	[tilespmem:$0x3790] =	vst v63  }
0x87: {  	_ = 	snop  }
0x88: {  	[spmem:s1] =	stream.indirect.scatter.add.f32 [tilespmem:s16], [sflag:$0x1], $0x10, s18, s17, $0xb8;
	[tilespmem:$0x3790] =	vst v63  }
0x89: {  	_ = 	snop  }
0x8a: {  	[spmem:s1] =	stream.indirect.scatter.add.f32 [tilespmem:s16], [sflag:$0x1], $0x10, s19, s17, $0xb8;
	[tilespmem:$0x3790] =	vst v63  }
0x8b: {  	_ = 	snop  }
0x8c: {  	[spmem:s1] =	stream.indirect.scatter.add.f32 [tilespmem:s16], [sflag:$0x1], $0x10, s20, s17, $0xb8;
	[tilespmem:$0x3790] =	vst v63  }
0x8d: {  	_ = 	snop  }
0x8e: {  	[spmem:s1] =	stream.indirect.scatter.add.f32 [tilespmem:s16], [sflag:$0x1], $0x10, s21, s17, $0xb8;
	[tilespmem:$0x3790] =	vst v63  }
0x8f: {  	_ = 	snop  }
0x90: {  	[spmem:s1] =	stream.indirect.scatter.add.f32 [tilespmem:s16], [sflag:$0x1], $0x10, s22, s17, $0xb8;
	[tilespmem:$0x3790] =	vst v63  }
0x91: {  	_ = 	snop  }
0x92: {  	[spmem:s1] =	stream.indirect.scatter.add.f32 [tilespmem:s16], [sflag:$0x1], $0x10, s23, s17, $0xb8;
	[tilespmem:$0x3790] =	vst v63  }
0x93: {  	s8 =	sadd.s32 s4, s11;
	s4 =	smov.u32 s13  }
0x94: {  	[tilespmem:s24], [sflag:$0x3] =	stream.linear.gather [hbm4b:s8+s2], $0x400, $0x38;
	[tilespmem:$0x3790] =	vst v63  }
0x95: {  	_ =	swait.ge [sflag:s14], $0x400  }
0x96: {  	[sflag:s14] =	ssyncset.done $0x0  }
0x97: {  	[sflag:s14] =	ssyncadd.s32 $0xFFFFFC00  }
0x98: {  	[spmem:s1] =	stream.indirect.scatter.add.f32 [tilespmem:s16], [sflag:$0x2], $0x10, s24, s17, $0xb8;
	[tilespmem:$0x3790] =	vst v63  }
0x99: {  	_ = 	snop  }
0x9a: {  	[spmem:s1] =	stream.indirect.scatter.add.f32 [tilespmem:s16], [sflag:$0x2], $0x10, s25, s17, $0xb8;
	[tilespmem:$0x3790] =	vst v63  }
0x9b: {  	_ = 	snop  }
0x9c: {  	[spmem:s1] =	stream.indirect.scatter.add.f32 [tilespmem:s16], [sflag:$0x2], $0x10, s26, s17, $0xb8;
	[tilespmem:$0x3790] =	vst v63  }
0x9d: {  	_ = 	snop  }
0x9e: {  	[spmem:s1] =	stream.indirect.scatter.add.f32 [tilespmem:s16], [sflag:$0x2], $0x10, s28, s17, $0xb8;
	[tilespmem:$0x3790] =	vst v63  }
0x9f: {  	_ = 	snop  }
0xa0: {  	[spmem:s1] =	stream.indirect.scatter.add.f32 [tilespmem:s16], [sflag:$0x2], $0x10, s29, s17, $0xb8;
	[tilespmem:$0x3790] =	vst v63  }
0xa1: {  	_ = 	snop  }
0xa2: {  	[spmem:s1] =	stream.indirect.scatter.add.f32 [tilespmem:s16], [sflag:$0x2], $0x10, s30, s17, $0xb8;
	[tilespmem:$0x3790] =	vst v63  }
0xa3: {  	_ = 	snop  }
0xa4: {  	[spmem:s1] =	stream.indirect.scatter.add.f32 [tilespmem:s16], [sflag:$0x2], $0x10, s31, s17, $0xb8;
	[tilespmem:$0x3790] =	vst v63  }
0xa5: {  	_ = 	snop  }
0xa6: {  	[spmem:s1] =	stream.indirect.scatter.add.f32 [tilespmem:s16], [sflag:$0x2], $0x10, s0, s17, $0xb8;
	[tilespmem:$0x3790] =	vst v63  }
0xa7: {  	_ =	swait.ge [sflag:s3], $0x800  }
0xa8: {  	[sflag:s3] =	ssyncset.done $0x0  }
0xa9: {  	[sflag:s3] =	ssyncadd.s32 $0xFFFFF800  }
0xaa: {  	_ =	swait.ge [sflag:s3], $0x800  }
0xab: {  	[sflag:s3] =	ssyncset.done $0x0  }
0xac: {  	[sflag:s3] =	ssyncadd.s32 $0xFFFFF800  }
0xad: {  	_ =	swait.ge [sflag:s3], $0x800  }
0xae: {  	[sflag:s3] =	ssyncset.done $0x0  }
0xaf: {  	[sflag:s3] =	ssyncadd.s32 $0xFFFFF800  }
0xb0: {  	_ =	swait.ge [sflag:s3], $0x800  }
0xb1: {  	[sflag:s3] =	ssyncset.done $0x0  }
0xb2: {  	[sflag:s3] =	ssyncadd.s32 $0xFFFFF800  }
0xb3: {  	_ =	swait.ge [sflag:s3], $0x800  }
0xb4: {  	[sflag:s3] =	ssyncset.done $0x0  }
0xb5: {  	[sflag:s3] =	ssyncadd.s32 $0xFFFFF800  }
0xb6: {  	_ =	swait.ge [sflag:s3], $0x800  }
0xb7: {  	[sflag:s3] =	ssyncset.done $0x0  }
0xb8: {  	[sflag:s3] =	ssyncadd.s32 $0xFFFFF800  }
0xb9: {  	_ =	swait.ge [sflag:s3], $0x800  }
0xba: {  	[sflag:s3] =	ssyncset.done $0x0  }
0xbb: {  	[sflag:s3] =	ssyncadd.s32 $0xFFFFF800  }
0xbc: {  	_ =	swait.ge [sflag:s3], $0x800  }
0xbd: {  	[sflag:s3] =	ssyncset.done $0x0  }
0xbe: {  	[sflag:s3] =	ssyncadd.s32 $0xFFFFF800  }
0xbf: {  	_ =	swait.ge [sflag:s5], $0x800  }
0xc0: {  	[sflag:s5] =	ssyncset.done $0x0  }
0xc1: {  	[sflag:s5] =	ssyncadd.s32 $0xFFFFF800  }
0xc2: {  	_ =	swait.ge [sflag:s5], $0x800  }
0xc3: {  	[sflag:s5] =	ssyncset.done $0x0  }
0xc4: {  	[sflag:s5] =	ssyncadd.s32 $0xFFFFF800  }
0xc5: {  	_ =	swait.ge [sflag:s5], $0x800  }
0xc6: {  	[sflag:s5] =	ssyncset.done $0x0  }
0xc7: {  	[sflag:s5] =	ssyncadd.s32 $0xFFFFF800  }
0xc8: {  	_ =	swait.ge [sflag:s5], $0x800  }
0xc9: {  	[sflag:s5] =	ssyncset.done $0x0  }
0xca: {  	[sflag:s5] =	ssyncadd.s32 $0xFFFFF800  }
0xcb: {  	_ =	swait.ge [sflag:s5], $0x800  }
0xcc: {  	[sflag:s5] =	ssyncset.done $0x0  }
0xcd: {  	[sflag:s5] =	ssyncadd.s32 $0xFFFFF800  }
0xce: {  	_ =	swait.ge [sflag:s5], $0x800  }
0xcf: {  	[sflag:s5] =	ssyncset.done $0x0  }
0xd0: {  	[sflag:s5] =	ssyncadd.s32 $0xFFFFF800  }
.Ltmp0:
0xd1: {  	_ =	swait.ge [sflag:s5], $0x800;
	(pc) =	sbr.rel @p1 .LBB2_2-.Ltmp0, $4  }
0xd2: {  	[sflag:s5] =	ssyncset.done $0x0  }
0xd3: {  	[sflag:s5] =	ssyncadd.s32 $0xFFFFF800  }
0xd4: {  	_ =	swait.ge [sflag:s5], $0x800  }
0xd5: {  	s8 =	smov.u32 s9;
	[sflag:s5] =	ssyncset.done $0x0  }
0xd6: {  	s8 =	sadd.s32 s4, s12;
	[sflag:s5] =	ssyncadd.s32 $0xFFFFF800  }
0xd7: {  	[tilespmem:s2], [sflag:$0x3] =	stream.linear.gather [hbm4b:s8+s2], $0x400, $0x38;
	[tilespmem:$0x3790] =	vst v63  }
0xd8: {  	_ =	swait.ge [sflag:s14], $0x400  }
0xd9: {  	[sflag:s14] =	ssyncset.done $0x0  }
0xda: {  	[sflag:s14] =	ssyncadd.s32 $0xFFFFFC00  }
0xdb: {  	[spmem:s1] =	stream.indirect.scatter.add.f32 [tilespmem:s16], [sflag:$0x1], $0x10, s2, s17, $0xb8;
	[tilespmem:$0x3790] =	vst v63  }
0xdc: {  	_ = 	snop  }
0xdd: {  	[spmem:s1] =	stream.indirect.scatter.add.f32 [tilespmem:s16], [sflag:$0x1], $0x10, s17, s17, $0xb8;
	[tilespmem:$0x3790] =	vst v63  }
0xde: {  	_ = 	snop  }
0xdf: {  	[spmem:s1] =	stream.indirect.scatter.add.f32 [tilespmem:s16], [sflag:$0x1], $0x10, s18, s17, $0xb8;
	[tilespmem:$0x3790] =	vst v63  }
0xe0: {  	_ = 	snop  }
0xe1: {  	[spmem:s1] =	stream.indirect.scatter.add.f32 [tilespmem:s16], [sflag:$0x1], $0x10, s19, s17, $0xb8;
	[tilespmem:$0x3790] =	vst v63  }
0xe2: {  	_ = 	snop  }
0xe3: {  	[spmem:s1] =	stream.indirect.scatter.add.f32 [tilespmem:s16], [sflag:$0x1], $0x10, s20, s17, $0xb8;
	[tilespmem:$0x3790] =	vst v63  }
0xe4: {  	_ = 	snop  }
0xe5: {  	[spmem:s1] =	stream.indirect.scatter.add.f32 [tilespmem:s16], [sflag:$0x1], $0x10, s21, s17, $0xb8;
	[tilespmem:$0x3790] =	vst v63  }
0xe6: {  	_ = 	snop  }
0xe7: {  	[spmem:s1] =	stream.indirect.scatter.add.f32 [tilespmem:s16], [sflag:$0x1], $0x10, s22, s17, $0xb8;
	[tilespmem:$0x3790] =	vst v63  }
0xe8: {  	_ = 	snop  }
0xe9: {  	[spmem:s1] =	stream.indirect.scatter.add.f32 [tilespmem:s16], [sflag:$0x1], $0x10, s23, s17, $0xb8;
	[tilespmem:$0x3790] =	vst v63  }
0xea: {  	s10 =	sadd.s32 s4, s11  }
0xeb: {  	[tilespmem:s24], [sflag:$0x3] =	stream.linear.gather [hbm4b:s10+s2], $0x400, $0x38;
	[tilespmem:$0x3790] =	vst v63  }
0xec: {  	_ =	swait.ge [sflag:s14], $0x400  }
0xed: {  	[sflag:s14] =	ssyncset.done $0x0  }
0xee: {  	[sflag:s14] =	ssyncadd.s32 $0xFFFFFC00  }
0xef: {  	[spmem:s1] =	stream.indirect.scatter.add.f32 [tilespmem:s16], [sflag:$0x2], $0x10, s24, s17, $0xb8;
	[tilespmem:$0x3790] =	vst v63  }
0xf0: {  	_ = 	snop  }
0xf1: {  	[spmem:s1] =	stream.indirect.scatter.add.f32 [tilespmem:s16], [sflag:$0x2], $0x10, s25, s17, $0xb8;
	[tilespmem:$0x3790] =	vst v63  }
0xf2: {  	_ = 	snop  }
0xf3: {  	[spmem:s1] =	stream.indirect.scatter.add.f32 [tilespmem:s16], [sflag:$0x2], $0x10, s26, s17, $0xb8;
	[tilespmem:$0x3790] =	vst v63  }
0xf4: {  	_ = 	snop  }
0xf5: {  	[spmem:s1] =	stream.indirect.scatter.add.f32 [tilespmem:s16], [sflag:$0x2], $0x10, s28, s17, $0xb8;
	[tilespmem:$0x3790] =	vst v63  }
0xf6: {  	_ = 	snop  }
0xf7: {  	[spmem:s1] =	stream.indirect.scatter.add.f32 [tilespmem:s16], [sflag:$0x2], $0x10, s29, s17, $0xb8;
	[tilespmem:$0x3790] =	vst v63  }
0xf8: {  	_ = 	snop  }
0xf9: {  	[spmem:s1] =	stream.indirect.scatter.add.f32 [tilespmem:s16], [sflag:$0x2], $0x10, s30, s17, $0xb8;
	[tilespmem:$0x3790] =	vst v63  }
0xfa: {  	_ = 	snop  }
0xfb: {  	[spmem:s1] =	stream.indirect.scatter.add.f32 [tilespmem:s16], [sflag:$0x2], $0x10, s31, s17, $0xb8;
	[tilespmem:$0x3790] =	vst v63  }
0xfc: {  	_ = 	snop  }
0xfd: {  	[spmem:s1] =	stream.indirect.scatter.add.f32 [tilespmem:s16], [sflag:$0x2], $0x10, s0, s17, $0xb8;
	[tilespmem:$0x3790] =	vst v63  }
0xfe: {  	_ =	swait.ge [sflag:s3], $0x800  }
0xff: {  	[sflag:s3] =	ssyncset.done $0x0  }
0x100: {  	[sflag:s3] =	ssyncadd.s32 $0xFFFFF800  }
0x101: {  	_ =	swait.ge [sflag:s3], $0x800  }
0x102: {  	[sflag:s3] =	ssyncset.done $0x0  }
0x103: {  	[sflag:s3] =	ssyncadd.s32 $0xFFFFF800  }
0x104: {  	_ =	swait.ge [sflag:s3], $0x800  }
0x105: {  	[sflag:s3] =	ssyncset.done $0x0  }
0x106: {  	[sflag:s3] =	ssyncadd.s32 $0xFFFFF800  }
0x107: {  	_ =	swait.ge [sflag:s3], $0x800  }
0x108: {  	[sflag:s3] =	ssyncset.done $0x0  }
0x109: {  	[sflag:s3] =	ssyncadd.s32 $0xFFFFF800  }
0x10a: {  	_ =	swait.ge [sflag:s3], $0x800  }
0x10b: {  	[sflag:s3] =	ssyncset.done $0x0  }
0x10c: {  	[sflag:s3] =	ssyncadd.s32 $0xFFFFF800  }
0x10d: {  	_ =	swait.ge [sflag:s3], $0x800  }
0x10e: {  	[sflag:s3] =	ssyncset.done $0x0  }
0x10f: {  	[sflag:s3] =	ssyncadd.s32 $0xFFFFF800  }
0x110: {  	_ =	swait.ge [sflag:s3], $0x800  }
0x111: {  	[sflag:s3] =	ssyncset.done $0x0  }
0x112: {  	[sflag:s3] =	ssyncadd.s32 $0xFFFFF800  }
0x113: {  	_ =	swait.ge [sflag:s3], $0x800  }
0x114: {  	[sflag:s3] =	ssyncset.done $0x0  }
0x115: {  	[sflag:s3] =	ssyncadd.s32 $0xFFFFF800  }
0x116: {  	_ =	swait.ge [sflag:s5], $0x800  }
0x117: {  	[sflag:s5] =	ssyncset.done $0x0  }
0x118: {  	[sflag:s5] =	ssyncadd.s32 $0xFFFFF800  }
0x119: {  	_ =	swait.ge [sflag:s5], $0x800  }
0x11a: {  	[sflag:s5] =	ssyncset.done $0x0  }
0x11b: {  	[sflag:s5] =	ssyncadd.s32 $0xFFFFF800  }
0x11c: {  	_ =	swait.ge [sflag:s5], $0x800  }
0x11d: {  	[sflag:s5] =	ssyncset.done $0x0  }
0x11e: {  	[sflag:s5] =	ssyncadd.s32 $0xFFFFF800  }
0x11f: {  	_ =	swait.ge [sflag:s5], $0x800  }
0x120: {  	[sflag:s5] =	ssyncset.done $0x0  }
0x121: {  	[sflag:s5] =	ssyncadd.s32 $0xFFFFF800  }
0x122: {  	_ =	swait.ge [sflag:s5], $0x800  }
0x123: {  	[sflag:s5] =	ssyncset.done $0x0  }
0x124: {  	[sflag:s5] =	ssyncadd.s32 $0xFFFFF800  }
0x125: {  	_ =	swait.ge [sflag:s5], $0x800  }
0x126: {  	[sflag:s5] =	ssyncset.done $0x0  }
0x127: {  	[sflag:s5] =	ssyncadd.s32 $0xFFFFF800  }
0x128: {  	_ =	swait.ge [sflag:s5], $0x800  }
0x129: {  	[sflag:s5] =	ssyncset.done $0x0  }
0x12a: {  	[sflag:s5] =	ssyncadd.s32 $0xFFFFF800  }
0x12b: {  	_ =	swait.ge [sflag:s5], $0x800  }
0x12c: {  	[sflag:s5] =	ssyncset.done $0x0  }
0x12d: {  	[sflag:s5] =	ssyncadd.s32 $0xFFFFF800  }
0x12e: {  	[bflag:$0x0] =	sbarrier.arrive $0xFFFF  }
0x12f: {  	s13 =	rddreg [dreg:$0x6]  }
0x130: {  	[hbm:s13], [sflag:s6] =	dma.local [spmem:s15], $0x4E0  }
0x131: {  	_ =	swait.ge [sflag:s14], $0x4E0  }
0x132: {  	[sflag:s14] =	ssyncset.done $0x0;
	s4 =	rddreg [dreg:$0x7]  }
0x133: {  	s10 =	rddreg [dreg:$0x9];
	[sflag:s14] =	ssyncadd.s32 $0xFFFFFB20  }
0x134: {  	[hbm:s4], [sflag:s6] =	dma.local @!p0 [spmem:s10], $0x20  }
0x135: {  	s4 =	simm.s32 @!p0 $0x3  }
0x136: {  	_ =	swait.ge @!p0 [sflag:s4], $0x20  }
0x137: {  	s9 =	smov.u32 s15;
	s7 =	sadd.s32 $0x1, s7;
	s15 =	rddreg [dreg:$0x8]  }
0x138: {  	p1 =	sne.s32 s7, s15  }
.Ltmp1:
0x139: {  	_ = 	snop;
	(pc) =	sbr.rel @p1 .LBB2_1-.Ltmp1, $3  }
0x13a: {  	_ =	sdelay $0x1  }
0x13b: {  	[sflag:s4] =	ssyncset.done @!p0 $0x0  }
0x13c: {  	[sflag:s4] =	ssyncadd.s32 @!p0 $0xFFFFFFE0  }
0x13d: {  	_ =	sfence.sel $0x180000  }
0x13e: {  	[bflag:$0x0] =	sbarrier.arrive $0xFFFF  }
0x13f: {  	_ =	strace $0x90000047  }
0x140: {  	s0 =	stileid.u32;
	[bflag:$0x2] =	sbarrier.arrive $0xFFFF  }
0x141: {  	p0 =	sne.s32 s0, $0x0;
	s0 =	rddreg [dreg:$0x2]  }
0x142: {  	s0 =	sadd.s32 @!p0 $0x100000, s0  }
0x143: {  	[sflag:s0] =	ssyncadd.tile.s32 @!p0 $0x1;
	_ =	shalt  }
.Lfunc_end2:
_tile_overlayer_lowered:
.L_overlay_start_2:
0x144: {  	(tag) =	ssettag $0x2  }
0x145: {  	s0 =	rddreg [dreg:$0x0];
	s2 =	stileid.u32  }
0x146: {  	s1 =	rddreg [dreg:$0x1];
	p0 =	sne.s32 s2, $0x0  }
0x147: {  	s3 =	rddreg [dreg:$0x2];
	[bflag:$0x3] =	sbarrier.arrive $0xFFFF;
	s2 =	simm.s32 @!p0 $0x1C03  }
0x148: {  	[timem:s3], [sflag:s2] =	dma.local @!p0 [hbm:s0], s1  }
0x149: {  	s0 =	simm.s32 @!p0 $0x3  }
0x14a: {  	_ =	swait.ge @!p0 [sflag:s0], s1  }
0x14b: {  	s1 =	ssub.s32 @!p0 $0x0, s1;
	[sflag:s0] =	ssyncset.done @!p0 $0x0  }
0x14c: {  	[sflag:s0] =	ssyncadd.s32 @!p0 s1  }
0x14d: {  	[bflag:$0x3] =	sbarrier.arrive $0xFFFF  }
0x14e: {  	_ =	shalt  }

</sc_bundles>
